<compile_context>
chip_gen: v7x
topology: tpu7x:2x2x1
jax: 0.10.2.dev20260603
libtpu: 0.0.44.dev20260713+nightly
codegen_flags: <defaults>
</compile_context>

<pallas_src>
import functools

import jax
import jax.numpy as jnp
import numpy as np
from jax import lax
from jax.experimental import pallas as pl
from jax.experimental.pallas import tpu as pltpu
from jax.experimental.pallas import tpu_sc as plsc

N = 128
M = 8192
STATE_DIM = 3
OBS_DIM = 1024
CTRL_DIM = 7
H = 256

_K1 = 2465931498
_K2 = 255383827

_MASK32 = 0xFFFFFFFF
_KS = (_K1, _K2, (_K1 ^ _K2 ^ 0x1BD11BDA) & _MASK32)
_INJ = tuple((_KS[(i + 1) % 3], (_KS[(i + 2) % 3] + i + 1) & _MASK32)
             for i in range(5))


def _threefry2x32(x0, x1):
    rots = ((13, 15, 26, 6), (17, 29, 16, 24))
    for i in range(5):
        for r in rots[i & 1]:
            x0 = x0 + x1
            x1 = (x1 << r) | (x1 >> (32 - r))
            x1 = x1 ^ x0
        a, b = _INJ[i]
        x0 = x0 + jnp.uint32(a)
        x1 = x1 + jnp.uint32(b)
    return x0, x1


def _sampler_body(niwt_ref, out_ref, *, n_rows, c_dim, log2_c, log2_nc, unroll,
                  bm):
    mb = pl.program_id(0)
    m_base = mb * bm

    row = jax.lax.broadcasted_iota(jnp.uint32, (bm, n_rows), 0)
    col = jax.lax.broadcasted_iota(jnp.uint32, (bm, n_rows), 1)

    mlow_mask = (1 << (32 - log2_nc)) - 1
    hi_const = (m_base >> (32 - log2_nc)).astype(jnp.uint32)
    x0_init = jnp.zeros((bm, n_rows), jnp.uint32) + (hi_const + jnp.uint32(_K1))
    lo_base = ((row + (m_base & mlow_mask).astype(jnp.uint32)) << log2_nc) + (
        col << log2_c) + jnp.uint32(_K2)

    pos_inf = jnp.float32(3.0e38)

    def c_body(cb, carry):
        best, bidx = carry
        base = cb * 8
        lt = niwt_ref[pl.ds(pl.multiple_of(base, 8), 8), :]
        for j in range(8):
            c = base + j
            x1 = lo_base + c.astype(jnp.uint32)
            v0, v1 = _threefry2x32(x0_init, x1)
            bits = v0 ^ v1
            fb = (bits >> 9) | jnp.uint32(0x3F800000)
            f = jax.lax.bitcast_convert_type(fb, jnp.float32)
            val = jnp.log(f - 1.0) * jnp.broadcast_to(lt[j:j + 1, :],
                                                       (bm, n_rows))
            upd = val < best
            best = jnp.where(upd, val, best)
            bidx = jnp.where(upd, c, bidx)
        return best, bidx

    best0 = jnp.full((bm, n_rows), pos_inf, jnp.float32)
    bidx0 = jnp.zeros((bm, n_rows), jnp.int32)
    best, bidx = jax.lax.fori_loop(0, c_dim // 8, c_body, (best0, bidx0),
                                   unroll=unroll)
    out_ref[...] = bidx


def _categorical_pallas(niw_t, m_samples, unroll=2, bm=64):
    c_dim, n_rows = niw_t.shape
    log2_c = int(np.log2(c_dim))
    log2_nc = int(np.log2(n_rows * c_dim))
    body = functools.partial(_sampler_body, n_rows=n_rows, c_dim=c_dim,
                             log2_c=log2_c, log2_nc=log2_nc, unroll=unroll,
                             bm=bm)
    return pl.pallas_call(
        body,
        grid=(m_samples // bm,),
        in_specs=[pl.BlockSpec((c_dim, n_rows), lambda mb: (0, 0))],
        out_specs=pl.BlockSpec((bm, n_rows), lambda mb: (mb, 0)),
        out_shape=jax.ShapeDtypeStruct((m_samples, n_rows), jnp.int32),
        compiler_params=pltpu.CompilerParams(
            dimension_semantics=("parallel",)),
    )(niw_t)


def _sc_gather(sp_planes, idx):
    n_dim, c_dim = sp_planes.shape[1], sp_planes.shape[2]
    m_dim = idx.shape[1]
    info = plsc.get_sparse_core_info()
    nw = info.num_cores * info.num_subcores
    rows_per_w = n_dim // nw
    mesh = plsc.VectorSubcoreMesh(core_axis_name="c", subcore_axis_name="s")

    @functools.partial(
        pl.kernel, mesh=mesh,
        out_type=jax.ShapeDtypeStruct((3, n_dim, m_dim), jnp.float32),
        compiler_params=pltpu.CompilerParams(needs_layout_passes=False),
        scratch_types=[
            pltpu.VMEM((c_dim,), jnp.float32),
            pltpu.VMEM((m_dim,), jnp.int32),
            pltpu.VMEM((m_dim,), jnp.float32),
        ],
    )
    def k(sp_hbm, idx_hbm, out_hbm, tbl_v, idx_v, row_v):
        wid = lax.axis_index("s") * info.num_cores + lax.axis_index("c")
        for r in range(rows_per_w):
            n = wid * rows_per_w + r
            pltpu.sync_copy(idx_hbm.at[n], idx_v)
            for d in range(3):
                pltpu.sync_copy(sp_hbm.at[d, n], tbl_v)

                def body(i, _):
                    v = idx_v[pl.ds(i * 16, 16)]
                    row_v[pl.ds(i * 16, 16)] = plsc.load_gather(tbl_v, [v])
                    return 0

                lax.fori_loop(0, m_dim // 16, body, 0)
                pltpu.sync_copy(row_v, out_hbm.at[d, n])

    return k(sp_planes, idx)


def _mlp_body(ctrl_ref, obs_ref, cW1i_ref, cb1i_ref, cW2i_ref, cb2i_ref,
              oW1i_ref, ob1i_ref, oW2i_ref, ob2i_ref,
              cW1f_ref, cb1f_ref, cW2f_ref, cb2f_ref,
              oW1f_ref, ob1f_ref, oW2f_ref, ob2f_ref,
              wW_ref, wb_ref,
              di_ref, ti_ref, df_ref, tf_ref, lb_ref):
    def mlp(x, w1, b1, w2, b2):
        h = jnp.tanh(
            jax.lax.dot_general(x, w1, (((1,), (0,)), ((), ())),
                                preferred_element_type=jnp.float32) + b1)
        return jax.lax.dot_general(h, w2, (((1,), (0,)), ((), ())),
                                   preferred_element_type=jnp.float32) + b2

    ctrl = ctrl_ref[...]
    obs = obs_ref[...]
    di_ref[...] = mlp(ctrl, cW1i_ref[...], cb1i_ref[...], cW2i_ref[...], cb2i_ref[...])
    ti_ref[...] = mlp(obs, oW1i_ref[...], ob1i_ref[...], oW2i_ref[...], ob2i_ref[...])
    df_ref[...] = mlp(ctrl, cW1f_ref[...], cb1f_ref[...], cW2f_ref[...], cb2f_ref[...])
    tf_ref[...] = mlp(obs, oW1f_ref[...], ob1f_ref[...], oW2f_ref[...], ob2f_ref[...])
    z = jax.lax.dot_general(obs, wW_ref[...], (((1,), (0,)), ((), ())),
                            preferred_element_type=jnp.float32) + wb_ref[...]
    zmax = jnp.max(z, axis=1, keepdims=True)
    lse = jnp.log(jnp.sum(jnp.exp(z - zmax), axis=1, keepdims=True)) + zmax
    lb_ref[...] = z - lse


def _mlps_pallas(controls, observations, image_params, force_params, weight_params):
    (cW1i, cb1i, cW2i, cb2i), (oW1i, ob1i, oW2i, ob2i) = image_params
    (cW1f, cb1f, cW2f, cb2f), (oW1f, ob1f, oW2f, ob2f) = force_params
    wW, wb = weight_params
    args = (controls, observations,
            cW1i, cb1i.reshape(1, -1), cW2i, cb2i.reshape(1, -1),
            oW1i, ob1i.reshape(1, -1), oW2i, ob2i.reshape(1, -1),
            cW1f, cb1f.reshape(1, -1), cW2f, cb2f.reshape(1, -1),
            oW1f, ob1f.reshape(1, -1), oW2f, ob2f.reshape(1, -1),
            wW, wb.reshape(1, -1))
    out_shapes = (
        jax.ShapeDtypeStruct((N, STATE_DIM), jnp.float32),
        jax.ShapeDtypeStruct((N, STATE_DIM), jnp.float32),
        jax.ShapeDtypeStruct((N, STATE_DIM), jnp.float32),
        jax.ShapeDtypeStruct((N, STATE_DIM), jnp.float32),
        jax.ShapeDtypeStruct((N, 2), jnp.float32),
    )
    return pl.pallas_call(_mlp_body, out_shape=out_shapes)(*args)


def _prep_body(s_ref, ni_ref, nf_ref, lw_ref, di_ref, ti_ref, df_ref, tf_ref,
               lb_ref, sp_ref, niw_ref, est_ref, *, m_dim):
    lw = lw_ref[...]
    m1 = jnp.max(lw, axis=1, keepdims=True)
    lse = jnp.log(jnp.sum(jnp.exp(lw - m1), axis=1, keepdims=True)) + m1
    lwn = lw - lse

    est_acc = [None, None, None]
    for b, (n_ref, d_ref, t_ref, lbc) in enumerate(
            ((ni_ref, di_ref, ti_ref, 0), (nf_ref, df_ref, tf_ref, 1))):
        off = b * m_dim
        sp_d = []
        err = None
        for d in range(3):
            sd = s_ref[d] + d_ref[:, d:d + 1] + n_ref[d]
            sp_d.append(sd)
            e = (sd - t_ref[:, d:d + 1]) ** 2
            err = e if err is None else err + e
        lwp = lwn - 0.5 * err
        m2 = jnp.max(lwp, axis=1, keepdims=True)
        w = jnp.exp(lwp - m2)
        s2 = jnp.sum(w, axis=1, keepdims=True)
        wn = w / s2
        ebeta = jnp.exp(lb_ref[:, lbc:lbc + 1])
        nbeta = jnp.exp(-lb_ref[:, lbc:lbc + 1])
        niw_ref[:, off:off + m_dim] = -nbeta / wn
        for d in range(3):
            sp_ref[d, :, off:off + m_dim] = sp_d[d]
            part = ebeta * jnp.sum(wn * sp_d[d], axis=1, keepdims=True)
            est_acc[d] = part if b == 0 else est_acc[d] + part
    est_ref[...] = jnp.concatenate(est_acc, axis=1)


def _prep_pallas(s_planes, noise_i, noise_f, log_weights_prev,
                 d_img, t_img, d_frc, t_frc, log_betas):
    body = functools.partial(_prep_body, m_dim=M)
    grid = (N // 8,)
    bs_planes = pl.BlockSpec((3, 8, M), lambda i: (0, i, 0))
    bs_row = pl.BlockSpec((8, M), lambda i: (i, 0))
    bs_vec3 = pl.BlockSpec((8, STATE_DIM), lambda i: (i, 0))
    bs_vec2 = pl.BlockSpec((8, 2), lambda i: (i, 0))
    return pl.pallas_call(
        body,
        grid=grid,
        in_specs=[bs_planes, bs_planes, bs_planes, bs_row,
                  bs_vec3, bs_vec3, bs_vec3, bs_vec3, bs_vec2],
        out_specs=(pl.BlockSpec((3, 8, 2 * M), lambda i: (0, i, 0)),
                   pl.BlockSpec((8, 2 * M), lambda i: (i, 0)),
                   bs_vec3),
        out_shape=(jax.ShapeDtypeStruct((3, N, 2 * M), jnp.float32),
                   jax.ShapeDtypeStruct((N, 2 * M), jnp.float32),
                   jax.ShapeDtypeStruct((N, STATE_DIM), jnp.float32)),
    )(s_planes, noise_i, noise_f, log_weights_prev,
      d_img, t_img, d_frc, t_frc, log_betas)


def kernel(states_prev, log_weights_prev, observations, controls, image_params, force_params, weight_params):
    key = jax.random.key(42)
    k_img, k_frc, k_res = jax.random.split(key, 3)

    noise_i = jnp.moveaxis(
        0.01 * jax.random.normal(k_img, (N, M, STATE_DIM), jnp.float32), 2, 0)
    noise_f = jnp.moveaxis(
        0.01 * jax.random.normal(k_frc, (N, M, STATE_DIM), jnp.float32), 2, 0)
    s_planes = jnp.moveaxis(states_prev, 2, 0)

    d_img, t_img, d_frc, t_frc, log_betas = _mlps_pallas(
        controls, observations, image_params, force_params, weight_params)

    sp_planes, niw, state_estimates = _prep_pallas(
        s_planes, noise_i, noise_f, log_weights_prev,
        d_img, t_img, d_frc, t_frc, log_betas)

    idx_t = _categorical_pallas(niw.T, M)
    idx = idx_t.T
    states = jnp.moveaxis(_sc_gather(sp_planes, idx), 0, 2)
    log_weights = jnp.full((N, M), -np.log(M), dtype=jnp.float32)
    return state_estimates, states, log_weights

# --- scband reference (transcript-rebuilt; emitter-appended) ---
"""Pipeline reference for scband-particle-fusion-model-89086211654384 (READ-ONLY COPY).

The authoritative reference and input builder live on the scoring server;
editing this copy changes nothing except your own understanding.
"""

import jax, jax.numpy as jnp
import numpy as np

N = 128
M = 8192
STATE_DIM = 3
OBS_DIM = 1024
CTRL_DIM = 7
H = 256


def _mlp(x, p):
    W1, b1, W2, b2 = p
    return jnp.tanh(x @ W1 + b1) @ W2 + b2


def _make_mlp(key, din, h, dout):
    k1, k2 = jax.random.split(key)
    W1 = jax.random.normal(k1, (din, h), jnp.float32) * (1.0 / np.sqrt(din))
    b1 = jnp.zeros((h,), jnp.float32)
    W2 = jax.random.normal(k2, (h, dout), jnp.float32) * (1.0 / np.sqrt(h))
    b2 = jnp.zeros((dout,), jnp.float32)
    return (W1, b1, W2, b2)


def setup_inputs(seed: int = 0):
    key = jax.random.key(seed)
    ks = jax.random.split(key, 9)
    states_prev = jax.random.normal(ks[0], (N, M, STATE_DIM), jnp.float32)
    log_weights_prev = 0.1 * jax.random.normal(ks[1], (N, M), jnp.float32)
    observations = jax.random.normal(ks[2], (N, OBS_DIM), jnp.float32)
    controls = jax.random.normal(ks[3], (N, CTRL_DIM), jnp.float32)
    image_params = (_make_mlp(ks[4], CTRL_DIM, H, STATE_DIM), _make_mlp(ks[5], OBS_DIM, H, STATE_DIM))
    force_params = (_make_mlp(ks[6], CTRL_DIM, H, STATE_DIM), _make_mlp(ks[7], OBS_DIM, H, STATE_DIM))
    wW = jax.random.normal(ks[8], (OBS_DIM, 2), jnp.float32) * (1.0 / np.sqrt(OBS_DIM))
    wb = jnp.zeros((2,), jnp.float32)
    weight_params = (wW, wb)
    return {
        'states_prev': states_prev,
        'log_weights_prev': log_weights_prev,
        'observations': observations,
        'controls': controls,
        'image_params': image_params,
        'force_params': force_params,
        'weight_params': weight_params,
    }


def _pf_model(states_prev, log_weights_prev, observations, controls, params, output_particles, noise_key):
    dyn, meas = params
    states = states_prev[:, :output_particles]
    lw = log_weights_prev[:, :output_particles]
    lw = lw - jax.scipy.special.logsumexp(lw, axis=1, keepdims=True)
    delta = _mlp(controls, dyn)
    noise = 0.01 * jax.random.normal(noise_key, states.shape, jnp.float32)
    states_pred = states + delta[:, None, :] + noise
    target = _mlp(observations, meas)
    err = jnp.sum((states_pred - target[:, None, :]) ** 2, axis=-1)
    lwp = lw - 0.5 * err
    lwp = lwp - jax.scipy.special.logsumexp(lwp, axis=1, keepdims=True)
    est = jnp.sum(jnp.exp(lwp)[..., None] * states_pred, axis=1)
    return est, states_pred, lwp


def reference(states_prev, log_weights_prev, observations, controls, image_params, force_params, weight_params):
    key = jax.random.key(42)
    k_img, k_frc, k_res = jax.random.split(key, 3)
    output_particles = M  # resample=True path
    img_est, img_sp, img_lwp = _pf_model(states_prev, log_weights_prev, observations, controls, image_params, output_particles, k_img)
    frc_est, frc_sp, frc_lwp = _pf_model(states_prev, log_weights_prev, observations, controls, force_params, output_particles, k_frc)
    wW, wb = weight_params
    log_betas = jax.nn.log_softmax(observations @ wW + wb, axis=-1)
    image_log_beta = log_betas[:, 0:1]
    force_log_beta = log_betas[:, 1:2]
    state_estimates = jnp.exp(image_log_beta) * img_est + jnp.exp(force_log_beta) * frc_est
    # freeze_image_model / freeze_force_model -> detach predicted particles and weights
    img_sp = jax.lax.stop_gradient(img_sp)
    img_lwp = jax.lax.stop_gradient(img_lwp)
    frc_sp = jax.lax.stop_gradient(frc_sp)
    frc_lwp = jax.lax.stop_gradient(frc_lwp)
    states_pred = jnp.concatenate([img_sp, frc_sp], axis=1)  # [N, 2M, state_dim]
    log_weights_pred = jnp.concatenate([img_lwp + image_log_beta, frc_lwp + force_log_beta], axis=1)  # [N, 2M]
    # Categorical resampling: distribution.sample((M,)).T
    idx = jax.random.categorical(k_res, log_weights_pred, axis=-1, shape=(M, N)).T  # [N, M]
    states = jnp.take_along_axis(states_pred, idx[:, :, None], axis=1)  # [N, M, state_dim]
    log_weights = jnp.full((N, M), -np.log(M), dtype=jnp.float32)
    return state_estimates, states, log_weights

if __name__ == "__main__":
    import jax
    _d = setup_inputs()
    print(jax.jit(kernel)(*tuple(_d.values())))

</pallas_src>

<mosaic_0001>
#map = affine_map<(d0, d1) -> (0, 0, 0)>
#map1 = affine_map<(d0, d1) -> (0, 0)>
module attributes {stable_mosaic.version = 14 : i64} {
  func.func @k(%arg0: i32, %arg1: i32, %arg2: memref<3x128x16384xf32, #tpu.memory_space<hbm>>, %arg3: memref<128x8192xi32, #tpu.memory_space<hbm>>, %arg4: memref<3x128x8192xf32, #tpu.memory_space<hbm>>, %arg5: memref<16384xf32, #tpu.memory_space<vmem>>, %arg6: memref<8192xi32, #tpu.memory_space<vmem>>, %arg7: memref<8192xf32, #tpu.memory_space<vmem>>) attributes {dimension_semantics = [#tpu.dimension_semantics<core_parallel>, #tpu.dimension_semantics<subcore_parallel>], iteration_bounds = array<i64: 2, 16>, scalar_prefetch = 0 : i64, scratch_operands = 3 : i64, tpu.core_type = #tpu.core_type<sc_vector_subcore>, window_params = [{transform_indices = #map}, {transform_indices = #map1}, {transform_indices = #map}]} {
    %mul3A = arith.constant 2 : i32
    %mul3A_0 = arith.muli %arg1, %mul3A : i32
    %add3A = arith.addi %mul3A_0, %arg0 : i32
    %mul3A_1 = arith.constant 4 : i32
    %mul3A_2 = arith.muli %add3A, %mul3A_1 : i32
    %add3A_3 = arith.constant 0 : i32
    %add3A_4 = arith.addi %mul3A_2, %add3A_3 : i32
    "tpu.region"() ({
      %run_scoped3A_123 = tpu.sem_alloc : memref<!tpu.dma_semaphore, #tpu.memory_space<semaphore_mem>>
      %dma_start3A = arith.constant 0 : i32
      %dma_start3A_124 = tpu.memref_slice %arg3[%add3A_4, %dma_start3A] : memref<128x8192xi32, #tpu.memory_space<hbm>> -> memref<1x8192xi32, #tpu.memory_space<hbm>>
      %dma_start3A_125 = tpu.memref_squeeze %dma_start3A_124 : memref<1x8192xi32, #tpu.memory_space<hbm>> -> memref<8192xi32, #tpu.memory_space<hbm>>
      %dma_start3A_126 = arith.constant 0 : i32
      %dma_start3A_127 = tpu.memref_slice %arg3[%add3A_4, %dma_start3A_126] : memref<128x8192xi32, #tpu.memory_space<hbm>> -> memref<1x8192xi32, #tpu.memory_space<hbm>>
      %dma_start3A_128 = tpu.memref_squeeze %dma_start3A_127 : memref<1x8192xi32, #tpu.memory_space<hbm>> -> memref<8192xi32, #tpu.memory_space<hbm>>
      tpu.enqueue_dma source(%dma_start3A_128 : memref<8192xi32, #tpu.memory_space<hbm>>) target(%arg6 : memref<8192xi32, #tpu.memory_space<vmem>>) target_semaphore(%run_scoped3A_123 : memref<!tpu.dma_semaphore, #tpu.memory_space<semaphore_mem>>)
      %dma_wait3A = arith.constant 0 : i32
      %dma_wait3A_129 = tpu.memref_slice %arg3[%add3A_4, %dma_wait3A] : memref<128x8192xi32, #tpu.memory_space<hbm>> -> memref<1x8192xi32, #tpu.memory_space<hbm>>
      %dma_wait3A_130 = tpu.memref_squeeze %dma_wait3A_129 : memref<1x8192xi32, #tpu.memory_space<hbm>> -> memref<8192xi32, #tpu.memory_space<hbm>>
      %dma_wait3A_131 = arith.constant 0 : i32
      %dma_wait3A_132 = tpu.memref_slice %arg3[%add3A_4, %dma_wait3A_131] : memref<128x8192xi32, #tpu.memory_space<hbm>> -> memref<1x8192xi32, #tpu.memory_space<hbm>>
      %dma_wait3A_133 = tpu.memref_squeeze %dma_wait3A_132 : memref<1x8192xi32, #tpu.memory_space<hbm>> -> memref<8192xi32, #tpu.memory_space<hbm>>
      tpu.wait_dma2 semaphore(%run_scoped3A_123 : memref<!tpu.dma_semaphore, #tpu.memory_space<semaphore_mem>>) src(%dma_wait3A_133 : memref<8192xi32, #tpu.memory_space<hbm>>) dst(%arg6 : memref<8192xi32, #tpu.memory_space<vmem>>)
      tpu.yield
    }) : () -> ()
    %run_scoped3A = arith.constant 0 : i32
    "tpu.region"() ({
      %run_scoped3A_123 = tpu.sem_alloc : memref<!tpu.dma_semaphore, #tpu.memory_space<semaphore_mem>>
      %dma_start3A = arith.constant 0 : i32
      %dma_start3A_124 = tpu.memref_slice %arg2[%run_scoped3A, %add3A_4, %dma_start3A] : memref<3x128x16384xf32, #tpu.memory_space<hbm>> -> memref<1x1x16384xf32, #tpu.memory_space<hbm>>
      %dma_start3A_125 = tpu.memref_squeeze %dma_start3A_124 : memref<1x1x16384xf32, #tpu.memory_space<hbm>> -> memref<16384xf32, #tpu.memory_space<hbm>>
      %dma_start3A_126 = arith.constant 0 : i32
      %dma_start3A_127 = tpu.memref_slice %arg2[%run_scoped3A, %add3A_4, %dma_start3A_126] : memref<3x128x16384xf32, #tpu.memory_space<hbm>> -> memref<1x1x16384xf32, #tpu.memory_space<hbm>>
      %dma_start3A_128 = tpu.memref_squeeze %dma_start3A_127 : memref<1x1x16384xf32, #tpu.memory_space<hbm>> -> memref<16384xf32, #tpu.memory_space<hbm>>
      tpu.enqueue_dma source(%dma_start3A_128 : memref<16384xf32, #tpu.memory_space<hbm>>) target(%arg5 : memref<16384xf32, #tpu.memory_space<vmem>>) target_semaphore(%run_scoped3A_123 : memref<!tpu.dma_semaphore, #tpu.memory_space<semaphore_mem>>)
      %dma_wait3A = arith.constant 0 : i32
      %dma_wait3A_129 = tpu.memref_slice %arg2[%run_scoped3A, %add3A_4, %dma_wait3A] : memref<3x128x16384xf32, #tpu.memory_space<hbm>> -> memref<1x1x16384xf32, #tpu.memory_space<hbm>>
      %dma_wait3A_130 = tpu.memref_squeeze %dma_wait3A_129 : memref<1x1x16384xf32, #tpu.memory_space<hbm>> -> memref<16384xf32, #tpu.memory_space<hbm>>
      %dma_wait3A_131 = arith.constant 0 : i32
      %dma_wait3A_132 = tpu.memref_slice %arg2[%run_scoped3A, %add3A_4, %dma_wait3A_131] : memref<3x128x16384xf32, #tpu.memory_space<hbm>> -> memref<1x1x16384xf32, #tpu.memory_space<hbm>>
      %dma_wait3A_133 = tpu.memref_squeeze %dma_wait3A_132 : memref<1x1x16384xf32, #tpu.memory_space<hbm>> -> memref<16384xf32, #tpu.memory_space<hbm>>
      tpu.wait_dma2 semaphore(%run_scoped3A_123 : memref<!tpu.dma_semaphore, #tpu.memory_space<semaphore_mem>>) src(%dma_wait3A_133 : memref<16384xf32, #tpu.memory_space<hbm>>) dst(%arg5 : memref<16384xf32, #tpu.memory_space<vmem>>)
      tpu.yield
    }) : () -> ()
    %scan3A = arith.constant 0 : i32
    %scan3A_5 = arith.constant 0 : i32
    %scan3A_6 = arith.constant 512 : i32
    %scan3A_7 = arith.addi %scan3A_5, %scan3A_6 : i32
    %scan3A_8 = arith.constant 1 : i32
    %scan3A_9 = scf.for %scan3A_123 = %scan3A_5 to %scan3A_7 step %scan3A_8 iter_args(%scan3A_124 = %scan3A) -> (i32)  : i32 {
      %mul3A_125 = arith.constant 16 : i32
      %mul3A_126 = arith.muli %scan3A_123, %mul3A_125 : i32
      %get3A = arith.index_cast %mul3A_126 : i32 to index
      %get3A_127 = tpu.vector_load %arg6[%get3A] {strides = array<i32>} : memref<8192xi32, #tpu.memory_space<vmem>>, vector<16xi32>,
      %gather3A = tpu.vector_load_idx %arg5[%get3A_127] : memref<16384xf32, #tpu.memory_space<vmem>>[vector<16xi32>], vector<16xf32>,
      %mul3A_128 = arith.constant 16 : i32
      %mul3A_129 = arith.muli %scan3A_123, %mul3A_128 : i32
      %swap3A = arith.index_cast %mul3A_129 : i32 to index
      %swap3A_130 = tpu.vector_load %arg7[%swap3A] {strides = array<i32>} : memref<8192xf32, #tpu.memory_space<vmem>>, vector<16xf32>,
      tpu.vector_store %arg7[%swap3A], %gather3A {strides = array<i32>} : memref<8192xf32, #tpu.memory_space<vmem>>, vector<16xf32>,
      %scan3A_131 = arith.constant 0 : i32
      scf.yield %scan3A_131 : i32
    }
    %scan3A_10 = arith.constant 512 : i32
    %run_scoped3A_11 = arith.constant 0 : i32
    "tpu.region"() ({
      %run_scoped3A_123 = tpu.sem_alloc : memref<!tpu.dma_semaphore, #tpu.memory_space<semaphore_mem>>
      %dma_start3A = arith.constant 0 : i32
      %dma_start3A_124 = tpu.memref_slice %arg4[%run_scoped3A_11, %add3A_4, %dma_start3A] : memref<3x128x8192xf32, #tpu.memory_space<hbm>> -> memref<1x1x8192xf32, #tpu.memory_space<hbm>>
      %dma_start3A_125 = tpu.memref_squeeze %dma_start3A_124 : memref<1x1x8192xf32, #tpu.memory_space<hbm>> -> memref<8192xf32, #tpu.memory_space<hbm>>
      %dma_start3A_126 = arith.constant 0 : i32
      %dma_start3A_127 = tpu.memref_slice %arg4[%run_scoped3A_11, %add3A_4, %dma_start3A_126] : memref<3x128x8192xf32, #tpu.memory_space<hbm>> -> memref<1x1x8192xf32, #tpu.memory_space<hbm>>
      %dma_start3A_128 = tpu.memref_squeeze %dma_start3A_127 : memref<1x1x8192xf32, #tpu.memory_space<hbm>> -> memref<8192xf32, #tpu.memory_space<hbm>>
      tpu.enqueue_dma source(%arg7 : memref<8192xf32, #tpu.memory_space<vmem>>) target(%dma_start3A_128 : memref<8192xf32, #tpu.memory_space<hbm>>) target_semaphore(%run_scoped3A_123 : memref<!tpu.dma_semaphore, #tpu.memory_space<semaphore_mem>>)
      %dma_wait3A = arith.constant 0 : i32
      %dma_wait3A_129 = tpu.memref_slice %arg4[%run_scoped3A_11, %add3A_4, %dma_wait3A] : memref<3x128x8192xf32, #tpu.memory_space<hbm>> -> memref<1x1x8192xf32, #tpu.memory_space<hbm>>
      %dma_wait3A_130 = tpu.memref_squeeze %dma_wait3A_129 : memref<1x1x8192xf32, #tpu.memory_space<hbm>> -> memref<8192xf32, #tpu.memory_space<hbm>>
      %dma_wait3A_131 = arith.constant 0 : i32
      %dma_wait3A_132 = tpu.memref_slice %arg4[%run_scoped3A_11, %add3A_4, %dma_wait3A_131] : memref<3x128x8192xf32, #tpu.memory_space<hbm>> -> memref<1x1x8192xf32, #tpu.memory_space<hbm>>
      %dma_wait3A_133 = tpu.memref_squeeze %dma_wait3A_132 : memref<1x1x8192xf32, #tpu.memory_space<hbm>> -> memref<8192xf32, #tpu.memory_space<hbm>>
      tpu.wait_dma2 semaphore(%run_scoped3A_123 : memref<!tpu.dma_semaphore, #tpu.memory_space<semaphore_mem>>) src(%arg7 : memref<8192xf32, #tpu.memory_space<vmem>>) dst(%dma_wait3A_133 : memref<8192xf32, #tpu.memory_space<hbm>>)
      tpu.yield
    }) : () -> ()
    %run_scoped3A_12 = arith.constant 1 : i32
    "tpu.region"() ({
      %run_scoped3A_123 = tpu.sem_alloc : memref<!tpu.dma_semaphore, #tpu.memory_space<semaphore_mem>>
      %dma_start3A = arith.constant 0 : i32
      %dma_start3A_124 = tpu.memref_slice %arg2[%run_scoped3A_12, %add3A_4, %dma_start3A] : memref<3x128x16384xf32, #tpu.memory_space<hbm>> -> memref<1x1x16384xf32, #tpu.memory_space<hbm>>
      %dma_start3A_125 = tpu.memref_squeeze %dma_start3A_124 : memref<1x1x16384xf32, #tpu.memory_space<hbm>> -> memref<16384xf32, #tpu.memory_space<hbm>>
      %dma_start3A_126 = arith.constant 0 : i32
      %dma_start3A_127 = tpu.memref_slice %arg2[%run_scoped3A_12, %add3A_4, %dma_start3A_126] : memref<3x128x16384xf32, #tpu.memory_space<hbm>> -> memref<1x1x16384xf32, #tpu.memory_space<hbm>>
      %dma_start3A_128 = tpu.memref_squeeze %dma_start3A_127 : memref<1x1x16384xf32, #tpu.memory_space<hbm>> -> memref<16384xf32, #tpu.memory_space<hbm>>
      tpu.enqueue_dma source(%dma_start3A_128 : memref<16384xf32, #tpu.memory_space<hbm>>) target(%arg5 : memref<16384xf32, #tpu.memory_space<vmem>>) target_semaphore(%run_scoped3A_123 : memref<!tpu.dma_semaphore, #tpu.memory_space<semaphore_mem>>)
      %dma_wait3A = arith.constant 0 : i32
      %dma_wait3A_129 = tpu.memref_slice %arg2[%run_scoped3A_12, %add3A_4, %dma_wait3A] : memref<3x128x16384xf32, #tpu.memory_space<hbm>> -> memref<1x1x16384xf32, #tpu.memory_space<hbm>>
      %dma_wait3A_130 = tpu.memref_squeeze %dma_wait3A_129 : memref<1x1x16384xf32, #tpu.memory_space<hbm>> -> memref<16384xf32, #tpu.memory_space<hbm>>
      %dma_wait3A_131 = arith.constant 0 : i32
      %dma_wait3A_132 = tpu.memref_slice %arg2[%run_scoped3A_12, %add3A_4, %dma_wait3A_131] : memref<3x128x16384xf32, #tpu.memory_space<hbm>> -> memref<1x1x16384xf32, #tpu.memory_space<hbm>>
      %dma_wait3A_133 = tpu.memref_squeeze %dma_wait3A_132 : memref<1x1x16384xf32, #tpu.memory_space<hbm>> -> memref<16384xf32, #tpu.memory_space<hbm>>
      tpu.wait_dma2 semaphore(%run_scoped3A_123 : memref<!tpu.dma_semaphore, #tpu.memory_space<semaphore_mem>>) src(%dma_wait3A_133 : memref<16384xf32, #tpu.memory_space<hbm>>) dst(%arg5 : memref<16384xf32, #tpu.memory_space<vmem>>)
      tpu.yield
    }) : () -> ()
    %scan3A_13 = arith.constant 0 : i32
    %scan3A_14 = arith.constant 0 : i32
    %scan3A_15 = arith.constant 512 : i32
    %scan3A_16 = arith.addi %scan3A_14, %scan3A_15 : i32
    %scan3A_17 = arith.constant 1 : i32
    %scan3A_18 = scf.for %scan3A_123 = %scan3A_14 to %scan3A_16 step %scan3A_17 iter_args(%scan3A_124 = %scan3A_13) -> (i32)  : i32 {
      %mul3A_125 = arith.constant 16 : i32
      %mul3A_126 = arith.muli %scan3A_123, %mul3A_125 : i32
      %get3A = arith.index_cast %mul3A_126 : i32 to index
      %get3A_127 = tpu.vector_load %arg6[%get3A] {strides = array<i32>} : memref<8192xi32, #tpu.memory_space<vmem>>, vector<16xi32>,
      %gather3A = tpu.vector_load_idx %arg5[%get3A_127] : memref<16384xf32, #tpu.memory_space<vmem>>[vector<16xi32>], vector<16xf32>,
      %mul3A_128 = arith.constant 16 : i32
      %mul3A_129 = arith.muli %scan3A_123, %mul3A_128 : i32
      %swap3A = arith.index_cast %mul3A_129 : i32 to index
      %swap3A_130 = tpu.vector_load %arg7[%swap3A] {strides = array<i32>} : memref<8192xf32, #tpu.memory_space<vmem>>, vector<16xf32>,
      tpu.vector_store %arg7[%swap3A], %gather3A {strides = array<i32>} : memref<8192xf32, #tpu.memory_space<vmem>>, vector<16xf32>,
      %scan3A_131 = arith.constant 0 : i32
      scf.yield %scan3A_131 : i32
    }
    %scan3A_19 = arith.constant 512 : i32
    %run_scoped3A_20 = arith.constant 1 : i32
    "tpu.region"() ({
      %run_scoped3A_123 = tpu.sem_alloc : memref<!tpu.dma_semaphore, #tpu.memory_space<semaphore_mem>>
      %dma_start3A = arith.constant 0 : i32
      %dma_start3A_124 = tpu.memref_slice %arg4[%run_scoped3A_20, %add3A_4, %dma_start3A] : memref<3x128x8192xf32, #tpu.memory_space<hbm>> -> memref<1x1x8192xf32, #tpu.memory_space<hbm>>
      %dma_start3A_125 = tpu.memref_squeeze %dma_start3A_124 : memref<1x1x8192xf32, #tpu.memory_space<hbm>> -> memref<8192xf32, #tpu.memory_space<hbm>>
      %dma_start3A_126 = arith.constant 0 : i32
      %dma_start3A_127 = tpu.memref_slice %arg4[%run_scoped3A_20, %add3A_4, %dma_start3A_126] : memref<3x128x8192xf32, #tpu.memory_space<hbm>> -> memref<1x1x8192xf32, #tpu.memory_space<hbm>>
      %dma_start3A_128 = tpu.memref_squeeze %dma_start3A_127 : memref<1x1x8192xf32, #tpu.memory_space<hbm>> -> memref<8192xf32, #tpu.memory_space<hbm>>
      tpu.enqueue_dma source(%arg7 : memref<8192xf32, #tpu.memory_space<vmem>>) target(%dma_start3A_128 : memref<8192xf32, #tpu.memory_space<hbm>>) target_semaphore(%run_scoped3A_123 : memref<!tpu.dma_semaphore, #tpu.memory_space<semaphore_mem>>)
      %dma_wait3A = arith.constant 0 : i32
      %dma_wait3A_129 = tpu.memref_slice %arg4[%run_scoped3A_20, %add3A_4, %dma_wait3A] : memref<3x128x8192xf32, #tpu.memory_space<hbm>> -> memref<1x1x8192xf32, #tpu.memory_space<hbm>>
      %dma_wait3A_130 = tpu.memref_squeeze %dma_wait3A_129 : memref<1x1x8192xf32, #tpu.memory_space<hbm>> -> memref<8192xf32, #tpu.memory_space<hbm>>
      %dma_wait3A_131 = arith.constant 0 : i32
      %dma_wait3A_132 = tpu.memref_slice %arg4[%run_scoped3A_20, %add3A_4, %dma_wait3A_131] : memref<3x128x8192xf32, #tpu.memory_space<hbm>> -> memref<1x1x8192xf32, #tpu.memory_space<hbm>>
      %dma_wait3A_133 = tpu.memref_squeeze %dma_wait3A_132 : memref<1x1x8192xf32, #tpu.memory_space<hbm>> -> memref<8192xf32, #tpu.memory_space<hbm>>
      tpu.wait_dma2 semaphore(%run_scoped3A_123 : memref<!tpu.dma_semaphore, #tpu.memory_space<semaphore_mem>>) src(%arg7 : memref<8192xf32, #tpu.memory_space<vmem>>) dst(%dma_wait3A_133 : memref<8192xf32, #tpu.memory_space<hbm>>)
      tpu.yield
    }) : () -> ()
    %run_scoped3A_21 = arith.constant 2 : i32
    "tpu.region"() ({
      %run_scoped3A_123 = tpu.sem_alloc : memref<!tpu.dma_semaphore, #tpu.memory_space<semaphore_mem>>
      %dma_start3A = arith.constant 0 : i32
      %dma_start3A_124 = tpu.memref_slice %arg2[%run_scoped3A_21, %add3A_4, %dma_start3A] : memref<3x128x16384xf32, #tpu.memory_space<hbm>> -> memref<1x1x16384xf32, #tpu.memory_space<hbm>>
      %dma_start3A_125 = tpu.memref_squeeze %dma_start3A_124 : memref<1x1x16384xf32, #tpu.memory_space<hbm>> -> memref<16384xf32, #tpu.memory_space<hbm>>
      %dma_start3A_126 = arith.constant 0 : i32
      %dma_start3A_127 = tpu.memref_slice %arg2[%run_scoped3A_21, %add3A_4, %dma_start3A_126] : memref<3x128x16384xf32, #tpu.memory_space<hbm>> -> memref<1x1x16384xf32, #tpu.memory_space<hbm>>
      %dma_start3A_128 = tpu.memref_squeeze %dma_start3A_127 : memref<1x1x16384xf32, #tpu.memory_space<hbm>> -> memref<16384xf32, #tpu.memory_space<hbm>>
      tpu.enqueue_dma source(%dma_start3A_128 : memref<16384xf32, #tpu.memory_space<hbm>>) target(%arg5 : memref<16384xf32, #tpu.memory_space<vmem>>) target_semaphore(%run_scoped3A_123 : memref<!tpu.dma_semaphore, #tpu.memory_space<semaphore_mem>>)
      %dma_wait3A = arith.constant 0 : i32
      %dma_wait3A_129 = tpu.memref_slice %arg2[%run_scoped3A_21, %add3A_4, %dma_wait3A] : memref<3x128x16384xf32, #tpu.memory_space<hbm>> -> memref<1x1x16384xf32, #tpu.memory_space<hbm>>
      %dma_wait3A_130 = tpu.memref_squeeze %dma_wait3A_129 : memref<1x1x16384xf32, #tpu.memory_space<hbm>> -> memref<16384xf32, #tpu.memory_space<hbm>>
      %dma_wait3A_131 = arith.constant 0 : i32
      %dma_wait3A_132 = tpu.memref_slice %arg2[%run_scoped3A_21, %add3A_4, %dma_wait3A_131] : memref<3x128x16384xf32, #tpu.memory_space<hbm>> -> memref<1x1x16384xf32, #tpu.memory_space<hbm>>
      %dma_wait3A_133 = tpu.memref_squeeze %dma_wait3A_132 : memref<1x1x16384xf32, #tpu.memory_space<hbm>> -> memref<16384xf32, #tpu.memory_space<hbm>>
      tpu.wait_dma2 semaphore(%run_scoped3A_123 : memref<!tpu.dma_semaphore, #tpu.memory_space<semaphore_mem>>) src(%dma_wait3A_133 : memref<16384xf32, #tpu.memory_space<hbm>>) dst(%arg5 : memref<16384xf32, #tpu.memory_space<vmem>>)
      tpu.yield
    }) : () -> ()
    %scan3A_22 = arith.constant 0 : i32
    %scan3A_23 = arith.constant 0 : i32
    %scan3A_24 = arith.constant 512 : i32
    %scan3A_25 = arith.addi %scan3A_23, %scan3A_24 : i32
    %scan3A_26 = arith.constant 1 : i32
    %scan3A_27 = scf.for %scan3A_123 = %scan3A_23 to %scan3A_25 step %scan3A_26 iter_args(%scan3A_124 = %scan3A_22) -> (i32)  : i32 {
      %mul3A_125 = arith.constant 16 : i32
      %mul3A_126 = arith.muli %scan3A_123, %mul3A_125 : i32
      %get3A = arith.index_cast %mul3A_126 : i32 to index
      %get3A_127 = tpu.vector_load %arg6[%get3A] {strides = array<i32>} : memref<8192xi32, #tpu.memory_space<vmem>>, vector<16xi32>,
      %gather3A = tpu.vector_load_idx %arg5[%get3A_127] : memref<16384xf32, #tpu.memory_space<vmem>>[vector<16xi32>], vector<16xf32>,
      %mul3A_128 = arith.constant 16 : i32
      %mul3A_129 = arith.muli %scan3A_123, %mul3A_128 : i32
      %swap3A = arith.index_cast %mul3A_129 : i32 to index
      %swap3A_130 = tpu.vector_load %arg7[%swap3A] {strides = array<i32>} : memref<8192xf32, #tpu.memory_space<vmem>>, vector<16xf32>,
      tpu.vector_store %arg7[%swap3A], %gather3A {strides = array<i32>} : memref<8192xf32, #tpu.memory_space<vmem>>, vector<16xf32>,
      %scan3A_131 = arith.constant 0 : i32
      scf.yield %scan3A_131 : i32
    }
    %scan3A_28 = arith.constant 512 : i32
    %run_scoped3A_29 = arith.constant 2 : i32
    "tpu.region"() ({
      %run_scoped3A_123 = tpu.sem_alloc : memref<!tpu.dma_semaphore, #tpu.memory_space<semaphore_mem>>
      %dma_start3A = arith.constant 0 : i32
      %dma_start3A_124 = tpu.memref_slice %arg4[%run_scoped3A_29, %add3A_4, %dma_start3A] : memref<3x128x8192xf32, #tpu.memory_space<hbm>> -> memref<1x1x8192xf32, #tpu.memory_space<hbm>>
      %dma_start3A_125 = tpu.memref_squeeze %dma_start3A_124 : memref<1x1x8192xf32, #tpu.memory_space<hbm>> -> memref<8192xf32, #tpu.memory_space<hbm>>
      %dma_start3A_126 = arith.constant 0 : i32
      %dma_start3A_127 = tpu.memref_slice %arg4[%run_scoped3A_29, %add3A_4, %dma_start3A_126] : memref<3x128x8192xf32, #tpu.memory_space<hbm>> -> memref<1x1x8192xf32, #tpu.memory_space<hbm>>
      %dma_start3A_128 = tpu.memref_squeeze %dma_start3A_127 : memref<1x1x8192xf32, #tpu.memory_space<hbm>> -> memref<8192xf32, #tpu.memory_space<hbm>>
      tpu.enqueue_dma source(%arg7 : memref<8192xf32, #tpu.memory_space<vmem>>) target(%dma_start3A_128 : memref<8192xf32, #tpu.memory_space<hbm>>) target_semaphore(%run_scoped3A_123 : memref<!tpu.dma_semaphore, #tpu.memory_space<semaphore_mem>>)
      %dma_wait3A = arith.constant 0 : i32
      %dma_wait3A_129 = tpu.memref_slice %arg4[%run_scoped3A_29, %add3A_4, %dma_wait3A] : memref<3x128x8192xf32, #tpu.memory_space<hbm>> -> memref<1x1x8192xf32, #tpu.memory_space<hbm>>
      %dma_wait3A_130 = tpu.memref_squeeze %dma_wait3A_129 : memref<1x1x8192xf32, #tpu.memory_space<hbm>> -> memref<8192xf32, #tpu.memory_space<hbm>>
      %dma_wait3A_131 = arith.constant 0 : i32
      %dma_wait3A_132 = tpu.memref_slice %arg4[%run_scoped3A_29, %add3A_4, %dma_wait3A_131] : memref<3x128x8192xf32, #tpu.memory_space<hbm>> -> memref<1x1x8192xf32, #tpu.memory_space<hbm>>
      %dma_wait3A_133 = tpu.memref_squeeze %dma_wait3A_132 : memref<1x1x8192xf32, #tpu.memory_space<hbm>> -> memref<8192xf32, #tpu.memory_space<hbm>>
      tpu.wait_dma2 semaphore(%run_scoped3A_123 : memref<!tpu.dma_semaphore, #tpu.memory_space<semaphore_mem>>) src(%arg7 : memref<8192xf32, #tpu.memory_space<vmem>>) dst(%dma_wait3A_133 : memref<8192xf32, #tpu.memory_space<hbm>>)
      tpu.yield
    }) : () -> ()
    %mul3A_30 = arith.constant 4 : i32
    %mul3A_31 = arith.muli %add3A, %mul3A_30 : i32
    %add3A_32 = arith.constant 1 : i32
    %add3A_33 = arith.addi %mul3A_31, %add3A_32 : i32
    "tpu.region"() ({
      %run_scoped3A_123 = tpu.sem_alloc : memref<!tpu.dma_semaphore, #tpu.memory_space<semaphore_mem>>
      %dma_start3A = arith.constant 0 : i32
      %dma_start3A_124 = tpu.memref_slice %arg3[%add3A_33, %dma_start3A] : memref<128x8192xi32, #tpu.memory_space<hbm>> -> memref<1x8192xi32, #tpu.memory_space<hbm>>
      %dma_start3A_125 = tpu.memref_squeeze %dma_start3A_124 : memref<1x8192xi32, #tpu.memory_space<hbm>> -> memref<8192xi32, #tpu.memory_space<hbm>>
      %dma_start3A_126 = arith.constant 0 : i32
      %dma_start3A_127 = tpu.memref_slice %arg3[%add3A_33, %dma_start3A_126] : memref<128x8192xi32, #tpu.memory_space<hbm>> -> memref<1x8192xi32, #tpu.memory_space<hbm>>
      %dma_start3A_128 = tpu.memref_squeeze %dma_start3A_127 : memref<1x8192xi32, #tpu.memory_space<hbm>> -> memref<8192xi32, #tpu.memory_space<hbm>>
      tpu.enqueue_dma source(%dma_start3A_128 : memref<8192xi32, #tpu.memory_space<hbm>>) target(%arg6 : memref<8192xi32, #tpu.memory_space<vmem>>) target_semaphore(%run_scoped3A_123 : memref<!tpu.dma_semaphore, #tpu.memory_space<semaphore_mem>>)
      %dma_wait3A = arith.constant 0 : i32
      %dma_wait3A_129 = tpu.memref_slice %arg3[%add3A_33, %dma_wait3A] : memref<128x8192xi32, #tpu.memory_space<hbm>> -> memref<1x8192xi32, #tpu.memory_space<hbm>>
      %dma_wait3A_130 = tpu.memref_squeeze %dma_wait3A_129 : memref<1x8192xi32, #tpu.memory_space<hbm>> -> memref<8192xi32, #tpu.memory_space<hbm>>
      %dma_wait3A_131 = arith.constant 0 : i32
      %dma_wait3A_132 = tpu.memref_slice %arg3[%add3A_33, %dma_wait3A_131] : memref<128x8192xi32, #tpu.memory_space<hbm>> -> memref<1x8192xi32, #tpu.memory_space<hbm>>
      %dma_wait3A_133 = tpu.memref_squeeze %dma_wait3A_132 : memref<1x8192xi32, #tpu.memory_space<hbm>> -> memref<8192xi32, #tpu.memory_space<hbm>>
      tpu.wait_dma2 semaphore(%run_scoped3A_123 : memref<!tpu.dma_semaphore, #tpu.memory_space<semaphore_mem>>) src(%dma_wait3A_133 : memref<8192xi32, #tpu.memory_space<hbm>>) dst(%arg6 : memref<8192xi32, #tpu.memory_space<vmem>>)
      tpu.yield
    }) : () -> ()
    %run_scoped3A_34 = arith.constant 0 : i32
    "tpu.region"() ({
      %run_scoped3A_123 = tpu.sem_alloc : memref<!tpu.dma_semaphore, #tpu.memory_space<semaphore_mem>>
      %dma_start3A = arith.constant 0 : i32
      %dma_start3A_124 = tpu.memref_slice %arg2[%run_scoped3A_34, %add3A_33, %dma_start3A] : memref<3x128x16384xf32, #tpu.memory_space<hbm>> -> memref<1x1x16384xf32, #tpu.memory_space<hbm>>
      %dma_start3A_125 = tpu.memref_squeeze %dma_start3A_124 : memref<1x1x16384xf32, #tpu.memory_space<hbm>> -> memref<16384xf32, #tpu.memory_space<hbm>>
      %dma_start3A_126 = arith.constant 0 : i32
      %dma_start3A_127 = tpu.memref_slice %arg2[%run_scoped3A_34, %add3A_33, %dma_start3A_126] : memref<3x128x16384xf32, #tpu.memory_space<hbm>> -> memref<1x1x16384xf32, #tpu.memory_space<hbm>>
      %dma_start3A_128 = tpu.memref_squeeze %dma_start3A_127 : memref<1x1x16384xf32, #tpu.memory_space<hbm>> -> memref<16384xf32, #tpu.memory_space<hbm>>
      tpu.enqueue_dma source(%dma_start3A_128 : memref<16384xf32, #tpu.memory_space<hbm>>) target(%arg5 : memref<16384xf32, #tpu.memory_space<vmem>>) target_semaphore(%run_scoped3A_123 : memref<!tpu.dma_semaphore, #tpu.memory_space<semaphore_mem>>)
      %dma_wait3A = arith.constant 0 : i32
      %dma_wait3A_129 = tpu.memref_slice %arg2[%run_scoped3A_34, %add3A_33, %dma_wait3A] : memref<3x128x16384xf32, #tpu.memory_space<hbm>> -> memref<1x1x16384xf32, #tpu.memory_space<hbm>>
      %dma_wait3A_130 = tpu.memref_squeeze %dma_wait3A_129 : memref<1x1x16384xf32, #tpu.memory_space<hbm>> -> memref<16384xf32, #tpu.memory_space<hbm>>
      %dma_wait3A_131 = arith.constant 0 : i32
      %dma_wait3A_132 = tpu.memref_slice %arg2[%run_scoped3A_34, %add3A_33, %dma_wait3A_131] : memref<3x128x16384xf32, #tpu.memory_space<hbm>> -> memref<1x1x16384xf32, #tpu.memory_space<hbm>>
      %dma_wait3A_133 = tpu.memref_squeeze %dma_wait3A_132 : memref<1x1x16384xf32, #tpu.memory_space<hbm>> -> memref<16384xf32, #tpu.memory_space<hbm>>
      tpu.wait_dma2 semaphore(%run_scoped3A_123 : memref<!tpu.dma_semaphore, #tpu.memory_space<semaphore_mem>>) src(%dma_wait3A_133 : memref<16384xf32, #tpu.memory_space<hbm>>) dst(%arg5 : memref<16384xf32, #tpu.memory_space<vmem>>)
      tpu.yield
    }) : () -> ()
    %scan3A_35 = arith.constant 0 : i32
    %scan3A_36 = arith.constant 0 : i32
    %scan3A_37 = arith.constant 512 : i32
    %scan3A_38 = arith.addi %scan3A_36, %scan3A_37 : i32
    %scan3A_39 = arith.constant 1 : i32
    %scan3A_40 = scf.for %scan3A_123 = %scan3A_36 to %scan3A_38 step %scan3A_39 iter_args(%scan3A_124 = %scan3A_35) -> (i32)  : i32 {
      %mul3A_125 = arith.constant 16 : i32
      %mul3A_126 = arith.muli %scan3A_123, %mul3A_125 : i32
      %get3A = arith.index_cast %mul3A_126 : i32 to index
      %get3A_127 = tpu.vector_load %arg6[%get3A] {strides = array<i32>} : memref<8192xi32, #tpu.memory_space<vmem>>, vector<16xi32>,
      %gather3A = tpu.vector_load_idx %arg5[%get3A_127] : memref<16384xf32, #tpu.memory_space<vmem>>[vector<16xi32>], vector<16xf32>,
      %mul3A_128 = arith.constant 16 : i32
      %mul3A_129 = arith.muli %scan3A_123, %mul3A_128 : i32
      %swap3A = arith.index_cast %mul3A_129 : i32 to index
      %swap3A_130 = tpu.vector_load %arg7[%swap3A] {strides = array<i32>} : memref<8192xf32, #tpu.memory_space<vmem>>, vector<16xf32>,
      tpu.vector_store %arg7[%swap3A], %gather3A {strides = array<i32>} : memref<8192xf32, #tpu.memory_space<vmem>>, vector<16xf32>,
      %scan3A_131 = arith.constant 0 : i32
      scf.yield %scan3A_131 : i32
    }
    %scan3A_41 = arith.constant 512 : i32
    %run_scoped3A_42 = arith.constant 0 : i32
    "tpu.region"() ({
      %run_scoped3A_123 = tpu.sem_alloc : memref<!tpu.dma_semaphore, #tpu.memory_space<semaphore_mem>>
      %dma_start3A = arith.constant 0 : i32
      %dma_start3A_124 = tpu.memref_slice %arg4[%run_scoped3A_42, %add3A_33, %dma_start3A] : memref<3x128x8192xf32, #tpu.memory_space<hbm>> -> memref<1x1x8192xf32, #tpu.memory_space<hbm>>
      %dma_start3A_125 = tpu.memref_squeeze %dma_start3A_124 : memref<1x1x8192xf32, #tpu.memory_space<hbm>> -> memref<8192xf32, #tpu.memory_space<hbm>>
      %dma_start3A_126 = arith.constant 0 : i32
      %dma_start3A_127 = tpu.memref_slice %arg4[%run_scoped3A_42, %add3A_33, %dma_start3A_126] : memref<3x128x8192xf32, #tpu.memory_space<hbm>> -> memref<1x1x8192xf32, #tpu.memory_space<hbm>>
      %dma_start3A_128 = tpu.memref_squeeze %dma_start3A_127 : memref<1x1x8192xf32, #tpu.memory_space<hbm>> -> memref<8192xf32, #tpu.memory_space<hbm>>
      tpu.enqueue_dma source(%arg7 : memref<8192xf32, #tpu.memory_space<vmem>>) target(%dma_start3A_128 : memref<8192xf32, #tpu.memory_space<hbm>>) target_semaphore(%run_scoped3A_123 : memref<!tpu.dma_semaphore, #tpu.memory_space<semaphore_mem>>)
      %dma_wait3A = arith.constant 0 : i32
      %dma_wait3A_129 = tpu.memref_slice %arg4[%run_scoped3A_42, %add3A_33, %dma_wait3A] : memref<3x128x8192xf32, #tpu.memory_space<hbm>> -> memref<1x1x8192xf32, #tpu.memory_space<hbm>>
      %dma_wait3A_130 = tpu.memref_squeeze %dma_wait3A_129 : memref<1x1x8192xf32, #tpu.memory_space<hbm>> -> memref<8192xf32, #tpu.memory_space<hbm>>
      %dma_wait3A_131 = arith.constant 0 : i32
      %dma_wait3A_132 = tpu.memref_slice %arg4[%run_scoped3A_42, %add3A_33, %dma_wait3A_131] : memref<3x128x8192xf32, #tpu.memory_space<hbm>> -> memref<1x1x8192xf32, #tpu.memory_space<hbm>>
      %dma_wait3A_133 = tpu.memref_squeeze %dma_wait3A_132 : memref<1x1x8192xf32, #tpu.memory_space<hbm>> -> memref<8192xf32, #tpu.memory_space<hbm>>
      tpu.wait_dma2 semaphore(%run_scoped3A_123 : memref<!tpu.dma_semaphore, #tpu.memory_space<semaphore_mem>>) src(%arg7 : memref<8192xf32, #tpu.memory_space<vmem>>) dst(%dma_wait3A_133 : memref<8192xf32, #tpu.memory_space<hbm>>)
      tpu.yield
    }) : () -> ()
    %run_scoped3A_43 = arith.constant 1 : i32
    "tpu.region"() ({
      %run_scoped3A_123 = tpu.sem_alloc : memref<!tpu.dma_semaphore, #tpu.memory_space<semaphore_mem>>
      %dma_start3A = arith.constant 0 : i32
      %dma_start3A_124 = tpu.memref_slice %arg2[%run_scoped3A_43, %add3A_33, %dma_start3A] : memref<3x128x16384xf32, #tpu.memory_space<hbm>> -> memref<1x1x16384xf32, #tpu.memory_space<hbm>>
      %dma_start3A_125 = tpu.memref_squeeze %dma_start3A_124 : memref<1x1x16384xf32, #tpu.memory_space<hbm>> -> memref<16384xf32, #tpu.memory_space<hbm>>
      %dma_start3A_126 = arith.constant 0 : i32
      %dma_start3A_127 = tpu.memref_slice %arg2[%run_scoped3A_43, %add3A_33, %dma_start3A_126] : memref<3x128x16384xf32, #tpu.memory_space<hbm>> -> memref<1x1x16384xf32, #tpu.memory_space<hbm>>
      %dma_start3A_128 = tpu.memref_squeeze %dma_start3A_127 : memref<1x1x16384xf32, #tpu.memory_space<hbm>> -> memref<16384xf32, #tpu.memory_space<hbm>>
      tpu.enqueue_dma source(%dma_start3A_128 : memref<16384xf32, #tpu.memory_space<hbm>>) target(%arg5 : memref<16384xf32, #tpu.memory_space<vmem>>) target_semaphore(%run_scoped3A_123 : memref<!tpu.dma_semaphore, #tpu.memory_space<semaphore_mem>>)
      %dma_wait3A = arith.constant 0 : i32
      %dma_wait3A_129 = tpu.memref_slice %arg2[%run_scoped3A_43, %add3A_33, %dma_wait3A] : memref<3x128x16384xf32, #tpu.memory_space<hbm>> -> memref<1x1x16384xf32, #tpu.memory_space<hbm>>
      %dma_wait3A_130 = tpu.memref_squeeze %dma_wait3A_129 : memref<1x1x16384xf32, #tpu.memory_space<hbm>> -> memref<16384xf32, #tpu.memory_space<hbm>>
      %dma_wait3A_131 = arith.constant 0 : i32
      %dma_wait3A_132 = tpu.memref_slice %arg2[%run_scoped3A_43, %add3A_33, %dma_wait3A_131] : memref<3x128x16384xf32, #tpu.memory_space<hbm>> -> memref<1x1x16384xf32, #tpu.memory_space<hbm>>
      %dma_wait3A_133 = tpu.memref_squeeze %dma_wait3A_132 : memref<1x1x16384xf32, #tpu.memory_space<hbm>> -> memref<16384xf32, #tpu.memory_space<hbm>>
      tpu.wait_dma2 semaphore(%run_scoped3A_123 : memref<!tpu.dma_semaphore, #tpu.memory_space<semaphore_mem>>) src(%dma_wait3A_133 : memref<16384xf32, #tpu.memory_space<hbm>>) dst(%arg5 : memref<16384xf32, #tpu.memory_space<vmem>>)
      tpu.yield
    }) : () -> ()
    %scan3A_44 = arith.constant 0 : i32
    %scan3A_45 = arith.constant 0 : i32
    %scan3A_46 = arith.constant 512 : i32
    %scan3A_47 = arith.addi %scan3A_45, %scan3A_46 : i32
    %scan3A_48 = arith.constant 1 : i32
    %scan3A_49 = scf.for %scan3A_123 = %scan3A_45 to %scan3A_47 step %scan3A_48 iter_args(%scan3A_124 = %scan3A_44) -> (i32)  : i32 {
      %mul3A_125 = arith.constant 16 : i32
      %mul3A_126 = arith.muli %scan3A_123, %mul3A_125 : i32
      %get3A = arith.index_cast %mul3A_126 : i32 to index
      %get3A_127 = tpu.vector_load %arg6[%get3A] {strides = array<i32>} : memref<8192xi32, #tpu.memory_space<vmem>>, vector<16xi32>,
      %gather3A = tpu.vector_load_idx %arg5[%get3A_127] : memref<16384xf32, #tpu.memory_space<vmem>>[vector<16xi32>], vector<16xf32>,
      %mul3A_128 = arith.constant 16 : i32
      %mul3A_129 = arith.muli %scan3A_123, %mul3A_128 : i32
      %swap3A = arith.index_cast %mul3A_129 : i32 to index
      %swap3A_130 = tpu.vector_load %arg7[%swap3A] {strides = array<i32>} : memref<8192xf32, #tpu.memory_space<vmem>>, vector<16xf32>,
      tpu.vector_store %arg7[%swap3A], %gather3A {strides = array<i32>} : memref<8192xf32, #tpu.memory_space<vmem>>, vector<16xf32>,
      %scan3A_131 = arith.constant 0 : i32
      scf.yield %scan3A_131 : i32
    }
    %scan3A_50 = arith.constant 512 : i32
    %run_scoped3A_51 = arith.constant 1 : i32
    "tpu.region"() ({
      %run_scoped3A_123 = tpu.sem_alloc : memref<!tpu.dma_semaphore, #tpu.memory_space<semaphore_mem>>
      %dma_start3A = arith.constant 0 : i32
      %dma_start3A_124 = tpu.memref_slice %arg4[%run_scoped3A_51, %add3A_33, %dma_start3A] : memref<3x128x8192xf32, #tpu.memory_space<hbm>> -> memref<1x1x8192xf32, #tpu.memory_space<hbm>>
      %dma_start3A_125 = tpu.memref_squeeze %dma_start3A_124 : memref<1x1x8192xf32, #tpu.memory_space<hbm>> -> memref<8192xf32, #tpu.memory_space<hbm>>
      %dma_start3A_126 = arith.constant 0 : i32
      %dma_start3A_127 = tpu.memref_slice %arg4[%run_scoped3A_51, %add3A_33, %dma_start3A_126] : memref<3x128x8192xf32, #tpu.memory_space<hbm>> -> memref<1x1x8192xf32, #tpu.memory_space<hbm>>
      %dma_start3A_128 = tpu.memref_squeeze %dma_start3A_127 : memref<1x1x8192xf32, #tpu.memory_space<hbm>> -> memref<8192xf32, #tpu.memory_space<hbm>>
      tpu.enqueue_dma source(%arg7 : memref<8192xf32, #tpu.memory_space<vmem>>) target(%dma_start3A_128 : memref<8192xf32, #tpu.memory_space<hbm>>) target_semaphore(%run_scoped3A_123 : memref<!tpu.dma_semaphore, #tpu.memory_space<semaphore_mem>>)
      %dma_wait3A = arith.constant 0 : i32
      %dma_wait3A_129 = tpu.memref_slice %arg4[%run_scoped3A_51, %add3A_33, %dma_wait3A] : memref<3x128x8192xf32, #tpu.memory_space<hbm>> -> memref<1x1x8192xf32, #tpu.memory_space<hbm>>
      %dma_wait3A_130 = tpu.memref_squeeze %dma_wait3A_129 : memref<1x1x8192xf32, #tpu.memory_space<hbm>> -> memref<8192xf32, #tpu.memory_space<hbm>>
      %dma_wait3A_131 = arith.constant 0 : i32
      %dma_wait3A_132 = tpu.memref_slice %arg4[%run_scoped3A_51, %add3A_33, %dma_wait3A_131] : memref<3x128x8192xf32, #tpu.memory_space<hbm>> -> memref<1x1x8192xf32, #tpu.memory_space<hbm>>
      %dma_wait3A_133 = tpu.memref_squeeze %dma_wait3A_132 : memref<1x1x8192xf32, #tpu.memory_space<hbm>> -> memref<8192xf32, #tpu.memory_space<hbm>>
      tpu.wait_dma2 semaphore(%run_scoped3A_123 : memref<!tpu.dma_semaphore, #tpu.memory_space<semaphore_mem>>) src(%arg7 : memref<8192xf32, #tpu.memory_space<vmem>>) dst(%dma_wait3A_133 : memref<8192xf32, #tpu.memory_space<hbm>>)
      tpu.yield
    }) : () -> ()
    %run_scoped3A_52 = arith.constant 2 : i32
    "tpu.region"() ({
      %run_scoped3A_123 = tpu.sem_alloc : memref<!tpu.dma_semaphore, #tpu.memory_space<semaphore_mem>>
      %dma_start3A = arith.constant 0 : i32
      %dma_start3A_124 = tpu.memref_slice %arg2[%run_scoped3A_52, %add3A_33, %dma_start3A] : memref<3x128x16384xf32, #tpu.memory_space<hbm>> -> memref<1x1x16384xf32, #tpu.memory_space<hbm>>
      %dma_start3A_125 = tpu.memref_squeeze %dma_start3A_124 : memref<1x1x16384xf32, #tpu.memory_space<hbm>> -> memref<16384xf32, #tpu.memory_space<hbm>>
      %dma_start3A_126 = arith.constant 0 : i32
      %dma_start3A_127 = tpu.memref_slice %arg2[%run_scoped3A_52, %add3A_33, %dma_start3A_126] : memref<3x128x16384xf32, #tpu.memory_space<hbm>> -> memref<1x1x16384xf32, #tpu.memory_space<hbm>>
      %dma_start3A_128 = tpu.memref_squeeze %dma_start3A_127 : memref<1x1x16384xf32, #tpu.memory_space<hbm>> -> memref<16384xf32, #tpu.memory_space<hbm>>
      tpu.enqueue_dma source(%dma_start3A_128 : memref<16384xf32, #tpu.memory_space<hbm>>) target(%arg5 : memref<16384xf32, #tpu.memory_space<vmem>>) target_semaphore(%run_scoped3A_123 : memref<!tpu.dma_semaphore, #tpu.memory_space<semaphore_mem>>)
      %dma_wait3A = arith.constant 0 : i32
      %dma_wait3A_129 = tpu.memref_slice %arg2[%run_scoped3A_52, %add3A_33, %dma_wait3A] : memref<3x128x16384xf32, #tpu.memory_space<hbm>> -> memref<1x1x16384xf32, #tpu.memory_space<hbm>>
      %dma_wait3A_130 = tpu.memref_squeeze %dma_wait3A_129 : memref<1x1x16384xf32, #tpu.memory_space<hbm>> -> memref<16384xf32, #tpu.memory_space<hbm>>
      %dma_wait3A_131 = arith.constant 0 : i32
      %dma_wait3A_132 = tpu.memref_slice %arg2[%run_scoped3A_52, %add3A_33, %dma_wait3A_131] : memref<3x128x16384xf32, #tpu.memory_space<hbm>> -> memref<1x1x16384xf32, #tpu.memory_space<hbm>>
      %dma_wait3A_133 = tpu.memref_squeeze %dma_wait3A_132 : memref<1x1x16384xf32, #tpu.memory_space<hbm>> -> memref<16384xf32, #tpu.memory_space<hbm>>
      tpu.wait_dma2 semaphore(%run_scoped3A_123 : memref<!tpu.dma_semaphore, #tpu.memory_space<semaphore_mem>>) src(%dma_wait3A_133 : memref<16384xf32, #tpu.memory_space<hbm>>) dst(%arg5 : memref<16384xf32, #tpu.memory_space<vmem>>)
      tpu.yield
    }) : () -> ()
    %scan3A_53 = arith.constant 0 : i32
    %scan3A_54 = arith.constant 0 : i32
    %scan3A_55 = arith.constant 512 : i32
    %scan3A_56 = arith.addi %scan3A_54, %scan3A_55 : i32
    %scan3A_57 = arith.constant 1 : i32
    %scan3A_58 = scf.for %scan3A_123 = %scan3A_54 to %scan3A_56 step %scan3A_57 iter_args(%scan3A_124 = %scan3A_53) -> (i32)  : i32 {
      %mul3A_125 = arith.constant 16 : i32
      %mul3A_126 = arith.muli %scan3A_123, %mul3A_125 : i32
      %get3A = arith.index_cast %mul3A_126 : i32 to index
      %get3A_127 = tpu.vector_load %arg6[%get3A] {strides = array<i32>} : memref<8192xi32, #tpu.memory_space<vmem>>, vector<16xi32>,
      %gather3A = tpu.vector_load_idx %arg5[%get3A_127] : memref<16384xf32, #tpu.memory_space<vmem>>[vector<16xi32>], vector<16xf32>,
      %mul3A_128 = arith.constant 16 : i32
      %mul3A_129 = arith.muli %scan3A_123, %mul3A_128 : i32
      %swap3A = arith.index_cast %mul3A_129 : i32 to index
      %swap3A_130 = tpu.vector_load %arg7[%swap3A] {strides = array<i32>} : memref<8192xf32, #tpu.memory_space<vmem>>, vector<16xf32>,
      tpu.vector_store %arg7[%swap3A], %gather3A {strides = array<i32>} : memref<8192xf32, #tpu.memory_space<vmem>>, vector<16xf32>,
      %scan3A_131 = arith.constant 0 : i32
      scf.yield %scan3A_131 : i32
    }
    %scan3A_59 = arith.constant 512 : i32
    %run_scoped3A_60 = arith.constant 2 : i32
    "tpu.region"() ({
      %run_scoped3A_123 = tpu.sem_alloc : memref<!tpu.dma_semaphore, #tpu.memory_space<semaphore_mem>>
      %dma_start3A = arith.constant 0 : i32
      %dma_start3A_124 = tpu.memref_slice %arg4[%run_scoped3A_60, %add3A_33, %dma_start3A] : memref<3x128x8192xf32, #tpu.memory_space<hbm>> -> memref<1x1x8192xf32, #tpu.memory_space<hbm>>
      %dma_start3A_125 = tpu.memref_squeeze %dma_start3A_124 : memref<1x1x8192xf32, #tpu.memory_space<hbm>> -> memref<8192xf32, #tpu.memory_space<hbm>>
      %dma_start3A_126 = arith.constant 0 : i32
      %dma_start3A_127 = tpu.memref_slice %arg4[%run_scoped3A_60, %add3A_33, %dma_start3A_126] : memref<3x128x8192xf32, #tpu.memory_space<hbm>> -> memref<1x1x8192xf32, #tpu.memory_space<hbm>>
      %dma_start3A_128 = tpu.memref_squeeze %dma_start3A_127 : memref<1x1x8192xf32, #tpu.memory_space<hbm>> -> memref<8192xf32, #tpu.memory_space<hbm>>
      tpu.enqueue_dma source(%arg7 : memref<8192xf32, #tpu.memory_space<vmem>>) target(%dma_start3A_128 : memref<8192xf32, #tpu.memory_space<hbm>>) target_semaphore(%run_scoped3A_123 : memref<!tpu.dma_semaphore, #tpu.memory_space<semaphore_mem>>)
      %dma_wait3A = arith.constant 0 : i32
      %dma_wait3A_129 = tpu.memref_slice %arg4[%run_scoped3A_60, %add3A_33, %dma_wait3A] : memref<3x128x8192xf32, #tpu.memory_space<hbm>> -> memref<1x1x8192xf32, #tpu.memory_space<hbm>>
      %dma_wait3A_130 = tpu.memref_squeeze %dma_wait3A_129 : memref<1x1x8192xf32, #tpu.memory_space<hbm>> -> memref<8192xf32, #tpu.memory_space<hbm>>
      %dma_wait3A_131 = arith.constant 0 : i32
      %dma_wait3A_132 = tpu.memref_slice %arg4[%run_scoped3A_60, %add3A_33, %dma_wait3A_131] : memref<3x128x8192xf32, #tpu.memory_space<hbm>> -> memref<1x1x8192xf32, #tpu.memory_space<hbm>>
      %dma_wait3A_133 = tpu.memref_squeeze %dma_wait3A_132 : memref<1x1x8192xf32, #tpu.memory_space<hbm>> -> memref<8192xf32, #tpu.memory_space<hbm>>
      tpu.wait_dma2 semaphore(%run_scoped3A_123 : memref<!tpu.dma_semaphore, #tpu.memory_space<semaphore_mem>>) src(%arg7 : memref<8192xf32, #tpu.memory_space<vmem>>) dst(%dma_wait3A_133 : memref<8192xf32, #tpu.memory_space<hbm>>)
      tpu.yield
    }) : () -> ()
    %mul3A_61 = arith.constant 4 : i32
    %mul3A_62 = arith.muli %add3A, %mul3A_61 : i32
    %add3A_63 = arith.constant 2 : i32
    %add3A_64 = arith.addi %mul3A_62, %add3A_63 : i32
    "tpu.region"() ({
      %run_scoped3A_123 = tpu.sem_alloc : memref<!tpu.dma_semaphore, #tpu.memory_space<semaphore_mem>>
      %dma_start3A = arith.constant 0 : i32
      %dma_start3A_124 = tpu.memref_slice %arg3[%add3A_64, %dma_start3A] : memref<128x8192xi32, #tpu.memory_space<hbm>> -> memref<1x8192xi32, #tpu.memory_space<hbm>>
      %dma_start3A_125 = tpu.memref_squeeze %dma_start3A_124 : memref<1x8192xi32, #tpu.memory_space<hbm>> -> memref<8192xi32, #tpu.memory_space<hbm>>
      %dma_start3A_126 = arith.constant 0 : i32
      %dma_start3A_127 = tpu.memref_slice %arg3[%add3A_64, %dma_start3A_126] : memref<128x8192xi32, #tpu.memory_space<hbm>> -> memref<1x8192xi32, #tpu.memory_space<hbm>>
      %dma_start3A_128 = tpu.memref_squeeze %dma_start3A_127 : memref<1x8192xi32, #tpu.memory_space<hbm>> -> memref<8192xi32, #tpu.memory_space<hbm>>
      tpu.enqueue_dma source(%dma_start3A_128 : memref<8192xi32, #tpu.memory_space<hbm>>) target(%arg6 : memref<8192xi32, #tpu.memory_space<vmem>>) target_semaphore(%run_scoped3A_123 : memref<!tpu.dma_semaphore, #tpu.memory_space<semaphore_mem>>)
      %dma_wait3A = arith.constant 0 : i32
      %dma_wait3A_129 = tpu.memref_slice %arg3[%add3A_64, %dma_wait3A] : memref<128x8192xi32, #tpu.memory_space<hbm>> -> memref<1x8192xi32, #tpu.memory_space<hbm>>
      %dma_wait3A_130 = tpu.memref_squeeze %dma_wait3A_129 : memref<1x8192xi32, #tpu.memory_space<hbm>> -> memref<8192xi32, #tpu.memory_space<hbm>>
      %dma_wait3A_131 = arith.constant 0 : i32
      %dma_wait3A_132 = tpu.memref_slice %arg3[%add3A_64, %dma_wait3A_131] : memref<128x8192xi32, #tpu.memory_space<hbm>> -> memref<1x8192xi32, #tpu.memory_space<hbm>>
      %dma_wait3A_133 = tpu.memref_squeeze %dma_wait3A_132 : memref<1x8192xi32, #tpu.memory_space<hbm>> -> memref<8192xi32, #tpu.memory_space<hbm>>
      tpu.wait_dma2 semaphore(%run_scoped3A_123 : memref<!tpu.dma_semaphore, #tpu.memory_space<semaphore_mem>>) src(%dma_wait3A_133 : memref<8192xi32, #tpu.memory_space<hbm>>) dst(%arg6 : memref<8192xi32, #tpu.memory_space<vmem>>)
      tpu.yield
    }) : () -> ()
    %run_scoped3A_65 = arith.constant 0 : i32
    "tpu.region"() ({
      %run_scoped3A_123 = tpu.sem_alloc : memref<!tpu.dma_semaphore, #tpu.memory_space<semaphore_mem>>
      %dma_start3A = arith.constant 0 : i32
      %dma_start3A_124 = tpu.memref_slice %arg2[%run_scoped3A_65, %add3A_64, %dma_start3A] : memref<3x128x16384xf32, #tpu.memory_space<hbm>> -> memref<1x1x16384xf32, #tpu.memory_space<hbm>>
      %dma_start3A_125 = tpu.memref_squeeze %dma_start3A_124 : memref<1x1x16384xf32, #tpu.memory_space<hbm>> -> memref<16384xf32, #tpu.memory_space<hbm>>
      %dma_start3A_126 = arith.constant 0 : i32
      %dma_start3A_127 = tpu.memref_slice %arg2[%run_scoped3A_65, %add3A_64, %dma_start3A_126] : memref<3x128x16384xf32, #tpu.memory_space<hbm>> -> memref<1x1x16384xf32, #tpu.memory_space<hbm>>
      %dma_start3A_128 = tpu.memref_squeeze %dma_start3A_127 : memref<1x1x16384xf32, #tpu.memory_space<hbm>> -> memref<16384xf32, #tpu.memory_space<hbm>>
      tpu.enqueue_dma source(%dma_start3A_128 : memref<16384xf32, #tpu.memory_space<hbm>>) target(%arg5 : memref<16384xf32, #tpu.memory_space<vmem>>) target_semaphore(%run_scoped3A_123 : memref<!tpu.dma_semaphore, #tpu.memory_space<semaphore_mem>>)
      %dma_wait3A = arith.constant 0 : i32
      %dma_wait3A_129 = tpu.memref_slice %arg2[%run_scoped3A_65, %add3A_64, %dma_wait3A] : memref<3x128x16384xf32, #tpu.memory_space<hbm>> -> memref<1x1x16384xf32, #tpu.memory_space<hbm>>
      %dma_wait3A_130 = tpu.memref_squeeze %dma_wait3A_129 : memref<1x1x16384xf32, #tpu.memory_space<hbm>> -> memref<16384xf32, #tpu.memory_space<hbm>>
      %dma_wait3A_131 = arith.constant 0 : i32
      %dma_wait3A_132 = tpu.memref_slice %arg2[%run_scoped3A_65, %add3A_64, %dma_wait3A_131] : memref<3x128x16384xf32, #tpu.memory_space<hbm>> -> memref<1x1x16384xf32, #tpu.memory_space<hbm>>
      %dma_wait3A_133 = tpu.memref_squeeze %dma_wait3A_132 : memref<1x1x16384xf32, #tpu.memory_space<hbm>> -> memref<16384xf32, #tpu.memory_space<hbm>>
      tpu.wait_dma2 semaphore(%run_scoped3A_123 : memref<!tpu.dma_semaphore, #tpu.memory_space<semaphore_mem>>) src(%dma_wait3A_133 : memref<16384xf32, #tpu.memory_space<hbm>>) dst(%arg5 : memref<16384xf32, #tpu.memory_space<vmem>>)
      tpu.yield
    }) : () -> ()
    %scan3A_66 = arith.constant 0 : i32
    %scan3A_67 = arith.constant 0 : i32
    %scan3A_68 = arith.constant 512 : i32
    %scan3A_69 = arith.addi %scan3A_67, %scan3A_68 : i32
    %scan3A_70 = arith.constant 1 : i32
    %scan3A_71 = scf.for %scan3A_123 = %scan3A_67 to %scan3A_69 step %scan3A_70 iter_args(%scan3A_124 = %scan3A_66) -> (i32)  : i32 {
      %mul3A_125 = arith.constant 16 : i32
      %mul3A_126 = arith.muli %scan3A_123, %mul3A_125 : i32
      %get3A = arith.index_cast %mul3A_126 : i32 to index
      %get3A_127 = tpu.vector_load %arg6[%get3A] {strides = array<i32>} : memref<8192xi32, #tpu.memory_space<vmem>>, vector<16xi32>,
      %gather3A = tpu.vector_load_idx %arg5[%get3A_127] : memref<16384xf32, #tpu.memory_space<vmem>>[vector<16xi32>], vector<16xf32>,
      %mul3A_128 = arith.constant 16 : i32
      %mul3A_129 = arith.muli %scan3A_123, %mul3A_128 : i32
      %swap3A = arith.index_cast %mul3A_129 : i32 to index
      %swap3A_130 = tpu.vector_load %arg7[%swap3A] {strides = array<i32>} : memref<8192xf32, #tpu.memory_space<vmem>>, vector<16xf32>,
      tpu.vector_store %arg7[%swap3A], %gather3A {strides = array<i32>} : memref<8192xf32, #tpu.memory_space<vmem>>, vector<16xf32>,
      %scan3A_131 = arith.constant 0 : i32
      scf.yield %scan3A_131 : i32
    }
    %scan3A_72 = arith.constant 512 : i32
    %run_scoped3A_73 = arith.constant 0 : i32
    "tpu.region"() ({
      %run_scoped3A_123 = tpu.sem_alloc : memref<!tpu.dma_semaphore, #tpu.memory_space<semaphore_mem>>
      %dma_start3A = arith.constant 0 : i32
      %dma_start3A_124 = tpu.memref_slice %arg4[%run_scoped3A_73, %add3A_64, %dma_start3A] : memref<3x128x8192xf32, #tpu.memory_space<hbm>> -> memref<1x1x8192xf32, #tpu.memory_space<hbm>>
      %dma_start3A_125 = tpu.memref_squeeze %dma_start3A_124 : memref<1x1x8192xf32, #tpu.memory_space<hbm>> -> memref<8192xf32, #tpu.memory_space<hbm>>
      %dma_start3A_126 = arith.constant 0 : i32
      %dma_start3A_127 = tpu.memref_slice %arg4[%run_scoped3A_73, %add3A_64, %dma_start3A_126] : memref<3x128x8192xf32, #tpu.memory_space<hbm>> -> memref<1x1x8192xf32, #tpu.memory_space<hbm>>
      %dma_start3A_128 = tpu.memref_squeeze %dma_start3A_127 : memref<1x1x8192xf32, #tpu.memory_space<hbm>> -> memref<8192xf32, #tpu.memory_space<hbm>>
      tpu.enqueue_dma source(%arg7 : memref<8192xf32, #tpu.memory_space<vmem>>) target(%dma_start3A_128 : memref<8192xf32, #tpu.memory_space<hbm>>) target_semaphore(%run_scoped3A_123 : memref<!tpu.dma_semaphore, #tpu.memory_space<semaphore_mem>>)
      %dma_wait3A = arith.constant 0 : i32
      %dma_wait3A_129 = tpu.memref_slice %arg4[%run_scoped3A_73, %add3A_64, %dma_wait3A] : memref<3x128x8192xf32, #tpu.memory_space<hbm>> -> memref<1x1x8192xf32, #tpu.memory_space<hbm>>
      %dma_wait3A_130 = tpu.memref_squeeze %dma_wait3A_129 : memref<1x1x8192xf32, #tpu.memory_space<hbm>> -> memref<8192xf32, #tpu.memory_space<hbm>>
      %dma_wait3A_131 = arith.constant 0 : i32
      %dma_wait3A_132 = tpu.memref_slice %arg4[%run_scoped3A_73, %add3A_64, %dma_wait3A_131] : memref<3x128x8192xf32, #tpu.memory_space<hbm>> -> memref<1x1x8192xf32, #tpu.memory_space<hbm>>
      %dma_wait3A_133 = tpu.memref_squeeze %dma_wait3A_132 : memref<1x1x8192xf32, #tpu.memory_space<hbm>> -> memref<8192xf32, #tpu.memory_space<hbm>>
      tpu.wait_dma2 semaphore(%run_scoped3A_123 : memref<!tpu.dma_semaphore, #tpu.memory_space<semaphore_mem>>) src(%arg7 : memref<8192xf32, #tpu.memory_space<vmem>>) dst(%dma_wait3A_133 : memref<8192xf32, #tpu.memory_space<hbm>>)
      tpu.yield
    }) : () -> ()
    %run_scoped3A_74 = arith.constant 1 : i32
    "tpu.region"() ({
      %run_scoped3A_123 = tpu.sem_alloc : memref<!tpu.dma_semaphore, #tpu.memory_space<semaphore_mem>>
      %dma_start3A = arith.constant 0 : i32
      %dma_start3A_124 = tpu.memref_slice %arg2[%run_scoped3A_74, %add3A_64, %dma_start3A] : memref<3x128x16384xf32, #tpu.memory_space<hbm>> -> memref<1x1x16384xf32, #tpu.memory_space<hbm>>
      %dma_start3A_125 = tpu.memref_squeeze %dma_start3A_124 : memref<1x1x16384xf32, #tpu.memory_space<hbm>> -> memref<16384xf32, #tpu.memory_space<hbm>>
      %dma_start3A_126 = arith.constant 0 : i32
      %dma_start3A_127 = tpu.memref_slice %arg2[%run_scoped3A_74, %add3A_64, %dma_start3A_126] : memref<3x128x16384xf32, #tpu.memory_space<hbm>> -> memref<1x1x16384xf32, #tpu.memory_space<hbm>>
      %dma_start3A_128 = tpu.memref_squeeze %dma_start3A_127 : memref<1x1x16384xf32, #tpu.memory_space<hbm>> -> memref<16384xf32, #tpu.memory_space<hbm>>
      tpu.enqueue_dma source(%dma_start3A_128 : memref<16384xf32, #tpu.memory_space<hbm>>) target(%arg5 : memref<16384xf32, #tpu.memory_space<vmem>>) target_semaphore(%run_scoped3A_123 : memref<!tpu.dma_semaphore, #tpu.memory_space<semaphore_mem>>)
      %dma_wait3A = arith.constant 0 : i32
      %dma_wait3A_129 = tpu.memref_slice %arg2[%run_scoped3A_74, %add3A_64, %dma_wait3A] : memref<3x128x16384xf32, #tpu.memory_space<hbm>> -> memref<1x1x16384xf32, #tpu.memory_space<hbm>>
      %dma_wait3A_130 = tpu.memref_squeeze %dma_wait3A_129 : memref<1x1x16384xf32, #tpu.memory_space<hbm>> -> memref<16384xf32, #tpu.memory_space<hbm>>
      %dma_wait3A_131 = arith.constant 0 : i32
      %dma_wait3A_132 = tpu.memref_slice %arg2[%run_scoped3A_74, %add3A_64, %dma_wait3A_131] : memref<3x128x16384xf32, #tpu.memory_space<hbm>> -> memref<1x1x16384xf32, #tpu.memory_space<hbm>>
      %dma_wait3A_133 = tpu.memref_squeeze %dma_wait3A_132 : memref<1x1x16384xf32, #tpu.memory_space<hbm>> -> memref<16384xf32, #tpu.memory_space<hbm>>
      tpu.wait_dma2 semaphore(%run_scoped3A_123 : memref<!tpu.dma_semaphore, #tpu.memory_space<semaphore_mem>>) src(%dma_wait3A_133 : memref<16384xf32, #tpu.memory_space<hbm>>) dst(%arg5 : memref<16384xf32, #tpu.memory_space<vmem>>)
      tpu.yield
    }) : () -> ()
    %scan3A_75 = arith.constant 0 : i32
    %scan3A_76 = arith.constant 0 : i32
    %scan3A_77 = arith.constant 512 : i32
    %scan3A_78 = arith.addi %scan3A_76, %scan3A_77 : i32
    %scan3A_79 = arith.constant 1 : i32
    %scan3A_80 = scf.for %scan3A_123 = %scan3A_76 to %scan3A_78 step %scan3A_79 iter_args(%scan3A_124 = %scan3A_75) -> (i32)  : i32 {
      %mul3A_125 = arith.constant 16 : i32
      %mul3A_126 = arith.muli %scan3A_123, %mul3A_125 : i32
      %get3A = arith.index_cast %mul3A_126 : i32 to index
      %get3A_127 = tpu.vector_load %arg6[%get3A] {strides = array<i32>} : memref<8192xi32, #tpu.memory_space<vmem>>, vector<16xi32>,
      %gather3A = tpu.vector_load_idx %arg5[%get3A_127] : memref<16384xf32, #tpu.memory_space<vmem>>[vector<16xi32>], vector<16xf32>,
      %mul3A_128 = arith.constant 16 : i32
      %mul3A_129 = arith.muli %scan3A_123, %mul3A_128 : i32
      %swap3A = arith.index_cast %mul3A_129 : i32 to index
      %swap3A_130 = tpu.vector_load %arg7[%swap3A] {strides = array<i32>} : memref<8192xf32, #tpu.memory_space<vmem>>, vector<16xf32>,
      tpu.vector_store %arg7[%swap3A], %gather3A {strides = array<i32>} : memref<8192xf32, #tpu.memory_space<vmem>>, vector<16xf32>,
      %scan3A_131 = arith.constant 0 : i32
      scf.yield %scan3A_131 : i32
    }
    %scan3A_81 = arith.constant 512 : i32
    %run_scoped3A_82 = arith.constant 1 : i32
    "tpu.region"() ({
      %run_scoped3A_123 = tpu.sem_alloc : memref<!tpu.dma_semaphore, #tpu.memory_space<semaphore_mem>>
      %dma_start3A = arith.constant 0 : i32
      %dma_start3A_124 = tpu.memref_slice %arg4[%run_scoped3A_82, %add3A_64, %dma_start3A] : memref<3x128x8192xf32, #tpu.memory_space<hbm>> -> memref<1x1x8192xf32, #tpu.memory_space<hbm>>
      %dma_start3A_125 = tpu.memref_squeeze %dma_start3A_124 : memref<1x1x8192xf32, #tpu.memory_space<hbm>> -> memref<8192xf32, #tpu.memory_space<hbm>>
      %dma_start3A_126 = arith.constant 0 : i32
      %dma_start3A_127 = tpu.memref_slice %arg4[%run_scoped3A_82, %add3A_64, %dma_start3A_126] : memref<3x128x8192xf32, #tpu.memory_space<hbm>> -> memref<1x1x8192xf32, #tpu.memory_space<hbm>>
      %dma_start3A_128 = tpu.memref_squeeze %dma_start3A_127 : memref<1x1x8192xf32, #tpu.memory_space<hbm>> -> memref<8192xf32, #tpu.memory_space<hbm>>
      tpu.enqueue_dma source(%arg7 : memref<8192xf32, #tpu.memory_space<vmem>>) target(%dma_start3A_128 : memref<8192xf32, #tpu.memory_space<hbm>>) target_semaphore(%run_scoped3A_123 : memref<!tpu.dma_semaphore, #tpu.memory_space<semaphore_mem>>)
      %dma_wait3A = arith.constant 0 : i32
      %dma_wait3A_129 = tpu.memref_slice %arg4[%run_scoped3A_82, %add3A_64, %dma_wait3A] : memref<3x128x8192xf32, #tpu.memory_space<hbm>> -> memref<1x1x8192xf32, #tpu.memory_space<hbm>>
      %dma_wait3A_130 = tpu.memref_squeeze %dma_wait3A_129 : memref<1x1x8192xf32, #tpu.memory_space<hbm>> -> memref<8192xf32, #tpu.memory_space<hbm>>
      %dma_wait3A_131 = arith.constant 0 : i32
      %dma_wait3A_132 = tpu.memref_slice %arg4[%run_scoped3A_82, %add3A_64, %dma_wait3A_131] : memref<3x128x8192xf32, #tpu.memory_space<hbm>> -> memref<1x1x8192xf32, #tpu.memory_space<hbm>>
      %dma_wait3A_133 = tpu.memref_squeeze %dma_wait3A_132 : memref<1x1x8192xf32, #tpu.memory_space<hbm>> -> memref<8192xf32, #tpu.memory_space<hbm>>
      tpu.wait_dma2 semaphore(%run_scoped3A_123 : memref<!tpu.dma_semaphore, #tpu.memory_space<semaphore_mem>>) src(%arg7 : memref<8192xf32, #tpu.memory_space<vmem>>) dst(%dma_wait3A_133 : memref<8192xf32, #tpu.memory_space<hbm>>)
      tpu.yield
    }) : () -> ()
    %run_scoped3A_83 = arith.constant 2 : i32
    "tpu.region"() ({
      %run_scoped3A_123 = tpu.sem_alloc : memref<!tpu.dma_semaphore, #tpu.memory_space<semaphore_mem>>
      %dma_start3A = arith.constant 0 : i32
      %dma_start3A_124 = tpu.memref_slice %arg2[%run_scoped3A_83, %add3A_64, %dma_start3A] : memref<3x128x16384xf32, #tpu.memory_space<hbm>> -> memref<1x1x16384xf32, #tpu.memory_space<hbm>>
      %dma_start3A_125 = tpu.memref_squeeze %dma_start3A_124 : memref<1x1x16384xf32, #tpu.memory_space<hbm>> -> memref<16384xf32, #tpu.memory_space<hbm>>
      %dma_start3A_126 = arith.constant 0 : i32
      %dma_start3A_127 = tpu.memref_slice %arg2[%run_scoped3A_83, %add3A_64, %dma_start3A_126] : memref<3x128x16384xf32, #tpu.memory_space<hbm>> -> memref<1x1x16384xf32, #tpu.memory_space<hbm>>
      %dma_start3A_128 = tpu.memref_squeeze %dma_start3A_127 : memref<1x1x16384xf32, #tpu.memory_space<hbm>> -> memref<16384xf32, #tpu.memory_space<hbm>>
      tpu.enqueue_dma source(%dma_start3A_128 : memref<16384xf32, #tpu.memory_space<hbm>>) target(%arg5 : memref<16384xf32, #tpu.memory_space<vmem>>) target_semaphore(%run_scoped3A_123 : memref<!tpu.dma_semaphore, #tpu.memory_space<semaphore_mem>>)
      %dma_wait3A = arith.constant 0 : i32
      %dma_wait3A_129 = tpu.memref_slice %arg2[%run_scoped3A_83, %add3A_64, %dma_wait3A] : memref<3x128x16384xf32, #tpu.memory_space<hbm>> -> memref<1x1x16384xf32, #tpu.memory_space<hbm>>
      %dma_wait3A_130 = tpu.memref_squeeze %dma_wait3A_129 : memref<1x1x16384xf32, #tpu.memory_space<hbm>> -> memref<16384xf32, #tpu.memory_space<hbm>>
      %dma_wait3A_131 = arith.constant 0 : i32
      %dma_wait3A_132 = tpu.memref_slice %arg2[%run_scoped3A_83, %add3A_64, %dma_wait3A_131] : memref<3x128x16384xf32, #tpu.memory_space<hbm>> -> memref<1x1x16384xf32, #tpu.memory_space<hbm>>
      %dma_wait3A_133 = tpu.memref_squeeze %dma_wait3A_132 : memref<1x1x16384xf32, #tpu.memory_space<hbm>> -> memref<16384xf32, #tpu.memory_space<hbm>>
      tpu.wait_dma2 semaphore(%run_scoped3A_123 : memref<!tpu.dma_semaphore, #tpu.memory_space<semaphore_mem>>) src(%dma_wait3A_133 : memref<16384xf32, #tpu.memory_space<hbm>>) dst(%arg5 : memref<16384xf32, #tpu.memory_space<vmem>>)
      tpu.yield
    }) : () -> ()
    %scan3A_84 = arith.constant 0 : i32
    %scan3A_85 = arith.constant 0 : i32
    %scan3A_86 = arith.constant 512 : i32
    %scan3A_87 = arith.addi %scan3A_85, %scan3A_86 : i32
    %scan3A_88 = arith.constant 1 : i32
    %scan3A_89 = scf.for %scan3A_123 = %scan3A_85 to %scan3A_87 step %scan3A_88 iter_args(%scan3A_124 = %scan3A_84) -> (i32)  : i32 {
      %mul3A_125 = arith.constant 16 : i32
      %mul3A_126 = arith.muli %scan3A_123, %mul3A_125 : i32
      %get3A = arith.index_cast %mul3A_126 : i32 to index
      %get3A_127 = tpu.vector_load %arg6[%get3A] {strides = array<i32>} : memref<8192xi32, #tpu.memory_space<vmem>>, vector<16xi32>,
      %gather3A = tpu.vector_load_idx %arg5[%get3A_127] : memref<16384xf32, #tpu.memory_space<vmem>>[vector<16xi32>], vector<16xf32>,
      %mul3A_128 = arith.constant 16 : i32
      %mul3A_129 = arith.muli %scan3A_123, %mul3A_128 : i32
      %swap3A = arith.index_cast %mul3A_129 : i32 to index
      %swap3A_130 = tpu.vector_load %arg7[%swap3A] {strides = array<i32>} : memref<8192xf32, #tpu.memory_space<vmem>>, vector<16xf32>,
      tpu.vector_store %arg7[%swap3A], %gather3A {strides = array<i32>} : memref<8192xf32, #tpu.memory_space<vmem>>, vector<16xf32>,
      %scan3A_131 = arith.constant 0 : i32
      scf.yield %scan3A_131 : i32
    }
    %scan3A_90 = arith.constant 512 : i32
    %run_scoped3A_91 = arith.constant 2 : i32
    "tpu.region"() ({
      %run_scoped3A_123 = tpu.sem_alloc : memref<!tpu.dma_semaphore, #tpu.memory_space<semaphore_mem>>
      %dma_start3A = arith.constant 0 : i32
      %dma_start3A_124 = tpu.memref_slice %arg4[%run_scoped3A_91, %add3A_64, %dma_start3A] : memref<3x128x8192xf32, #tpu.memory_space<hbm>> -> memref<1x1x8192xf32, #tpu.memory_space<hbm>>
      %dma_start3A_125 = tpu.memref_squeeze %dma_start3A_124 : memref<1x1x8192xf32, #tpu.memory_space<hbm>> -> memref<8192xf32, #tpu.memory_space<hbm>>
      %dma_start3A_126 = arith.constant 0 : i32
      %dma_start3A_127 = tpu.memref_slice %arg4[%run_scoped3A_91, %add3A_64, %dma_start3A_126] : memref<3x128x8192xf32, #tpu.memory_space<hbm>> -> memref<1x1x8192xf32, #tpu.memory_space<hbm>>
      %dma_start3A_128 = tpu.memref_squeeze %dma_start3A_127 : memref<1x1x8192xf32, #tpu.memory_space<hbm>> -> memref<8192xf32, #tpu.memory_space<hbm>>
      tpu.enqueue_dma source(%arg7 : memref<8192xf32, #tpu.memory_space<vmem>>) target(%dma_start3A_128 : memref<8192xf32, #tpu.memory_space<hbm>>) target_semaphore(%run_scoped3A_123 : memref<!tpu.dma_semaphore, #tpu.memory_space<semaphore_mem>>)
      %dma_wait3A = arith.constant 0 : i32
      %dma_wait3A_129 = tpu.memref_slice %arg4[%run_scoped3A_91, %add3A_64, %dma_wait3A] : memref<3x128x8192xf32, #tpu.memory_space<hbm>> -> memref<1x1x8192xf32, #tpu.memory_space<hbm>>
      %dma_wait3A_130 = tpu.memref_squeeze %dma_wait3A_129 : memref<1x1x8192xf32, #tpu.memory_space<hbm>> -> memref<8192xf32, #tpu.memory_space<hbm>>
      %dma_wait3A_131 = arith.constant 0 : i32
      %dma_wait3A_132 = tpu.memref_slice %arg4[%run_scoped3A_91, %add3A_64, %dma_wait3A_131] : memref<3x128x8192xf32, #tpu.memory_space<hbm>> -> memref<1x1x8192xf32, #tpu.memory_space<hbm>>
      %dma_wait3A_133 = tpu.memref_squeeze %dma_wait3A_132 : memref<1x1x8192xf32, #tpu.memory_space<hbm>> -> memref<8192xf32, #tpu.memory_space<hbm>>
      tpu.wait_dma2 semaphore(%run_scoped3A_123 : memref<!tpu.dma_semaphore, #tpu.memory_space<semaphore_mem>>) src(%arg7 : memref<8192xf32, #tpu.memory_space<vmem>>) dst(%dma_wait3A_133 : memref<8192xf32, #tpu.memory_space<hbm>>)
      tpu.yield
    }) : () -> ()
    %mul3A_92 = arith.constant 4 : i32
    %mul3A_93 = arith.muli %add3A, %mul3A_92 : i32
    %add3A_94 = arith.constant 3 : i32
    %add3A_95 = arith.addi %mul3A_93, %add3A_94 : i32
    "tpu.region"() ({
      %run_scoped3A_123 = tpu.sem_alloc : memref<!tpu.dma_semaphore, #tpu.memory_space<semaphore_mem>>
      %dma_start3A = arith.constant 0 : i32
      %dma_start3A_124 = tpu.memref_slice %arg3[%add3A_95, %dma_start3A] : memref<128x8192xi32, #tpu.memory_space<hbm>> -> memref<1x8192xi32, #tpu.memory_space<hbm>>
      %dma_start3A_125 = tpu.memref_squeeze %dma_start3A_124 : memref<1x8192xi32, #tpu.memory_space<hbm>> -> memref<8192xi32, #tpu.memory_space<hbm>>
      %dma_start3A_126 = arith.constant 0 : i32
      %dma_start3A_127 = tpu.memref_slice %arg3[%add3A_95, %dma_start3A_126] : memref<128x8192xi32, #tpu.memory_space<hbm>> -> memref<1x8192xi32, #tpu.memory_space<hbm>>
      %dma_start3A_128 = tpu.memref_squeeze %dma_start3A_127 : memref<1x8192xi32, #tpu.memory_space<hbm>> -> memref<8192xi32, #tpu.memory_space<hbm>>
      tpu.enqueue_dma source(%dma_start3A_128 : memref<8192xi32, #tpu.memory_space<hbm>>) target(%arg6 : memref<8192xi32, #tpu.memory_space<vmem>>) target_semaphore(%run_scoped3A_123 : memref<!tpu.dma_semaphore, #tpu.memory_space<semaphore_mem>>)
      %dma_wait3A = arith.constant 0 : i32
      %dma_wait3A_129 = tpu.memref_slice %arg3[%add3A_95, %dma_wait3A] : memref<128x8192xi32, #tpu.memory_space<hbm>> -> memref<1x8192xi32, #tpu.memory_space<hbm>>
      %dma_wait3A_130 = tpu.memref_squeeze %dma_wait3A_129 : memref<1x8192xi32, #tpu.memory_space<hbm>> -> memref<8192xi32, #tpu.memory_space<hbm>>
      %dma_wait3A_131 = arith.constant 0 : i32
      %dma_wait3A_132 = tpu.memref_slice %arg3[%add3A_95, %dma_wait3A_131] : memref<128x8192xi32, #tpu.memory_space<hbm>> -> memref<1x8192xi32, #tpu.memory_space<hbm>>
      %dma_wait3A_133 = tpu.memref_squeeze %dma_wait3A_132 : memref<1x8192xi32, #tpu.memory_space<hbm>> -> memref<8192xi32, #tpu.memory_space<hbm>>
      tpu.wait_dma2 semaphore(%run_scoped3A_123 : memref<!tpu.dma_semaphore, #tpu.memory_space<semaphore_mem>>) src(%dma_wait3A_133 : memref<8192xi32, #tpu.memory_space<hbm>>) dst(%arg6 : memref<8192xi32, #tpu.memory_space<vmem>>)
      tpu.yield
    }) : () -> ()
    %run_scoped3A_96 = arith.constant 0 : i32
    "tpu.region"() ({
      %run_scoped3A_123 = tpu.sem_alloc : memref<!tpu.dma_semaphore, #tpu.memory_space<semaphore_mem>>
      %dma_start3A = arith.constant 0 : i32
      %dma_start3A_124 = tpu.memref_slice %arg2[%run_scoped3A_96, %add3A_95, %dma_start3A] : memref<3x128x16384xf32, #tpu.memory_space<hbm>> -> memref<1x1x16384xf32, #tpu.memory_space<hbm>>
      %dma_start3A_125 = tpu.memref_squeeze %dma_start3A_124 : memref<1x1x16384xf32, #tpu.memory_space<hbm>> -> memref<16384xf32, #tpu.memory_space<hbm>>
      %dma_start3A_126 = arith.constant 0 : i32
      %dma_start3A_127 = tpu.memref_slice %arg2[%run_scoped3A_96, %add3A_95, %dma_start3A_126] : memref<3x128x16384xf32, #tpu.memory_space<hbm>> -> memref<1x1x16384xf32, #tpu.memory_space<hbm>>
      %dma_start3A_128 = tpu.memref_squeeze %dma_start3A_127 : memref<1x1x16384xf32, #tpu.memory_space<hbm>> -> memref<16384xf32, #tpu.memory_space<hbm>>
      tpu.enqueue_dma source(%dma_start3A_128 : memref<16384xf32, #tpu.memory_space<hbm>>) target(%arg5 : memref<16384xf32, #tpu.memory_space<vmem>>) target_semaphore(%run_scoped3A_123 : memref<!tpu.dma_semaphore, #tpu.memory_space<semaphore_mem>>)
      %dma_wait3A = arith.constant 0 : i32
      %dma_wait3A_129 = tpu.memref_slice %arg2[%run_scoped3A_96, %add3A_95, %dma_wait3A] : memref<3x128x16384xf32, #tpu.memory_space<hbm>> -> memref<1x1x16384xf32, #tpu.memory_space<hbm>>
      %dma_wait3A_130 = tpu.memref_squeeze %dma_wait3A_129 : memref<1x1x16384xf32, #tpu.memory_space<hbm>> -> memref<16384xf32, #tpu.memory_space<hbm>>
      %dma_wait3A_131 = arith.constant 0 : i32
      %dma_wait3A_132 = tpu.memref_slice %arg2[%run_scoped3A_96, %add3A_95, %dma_wait3A_131] : memref<3x128x16384xf32, #tpu.memory_space<hbm>> -> memref<1x1x16384xf32, #tpu.memory_space<hbm>>
      %dma_wait3A_133 = tpu.memref_squeeze %dma_wait3A_132 : memref<1x1x16384xf32, #tpu.memory_space<hbm>> -> memref<16384xf32, #tpu.memory_space<hbm>>
      tpu.wait_dma2 semaphore(%run_scoped3A_123 : memref<!tpu.dma_semaphore, #tpu.memory_space<semaphore_mem>>) src(%dma_wait3A_133 : memref<16384xf32, #tpu.memory_space<hbm>>) dst(%arg5 : memref<16384xf32, #tpu.memory_space<vmem>>)
      tpu.yield
    }) : () -> ()
    %scan3A_97 = arith.constant 0 : i32
    %scan3A_98 = arith.constant 0 : i32
    %scan3A_99 = arith.constant 512 : i32
    %scan3A_100 = arith.addi %scan3A_98, %scan3A_99 : i32
    %scan3A_101 = arith.constant 1 : i32
    %scan3A_102 = scf.for %scan3A_123 = %scan3A_98 to %scan3A_100 step %scan3A_101 iter_args(%scan3A_124 = %scan3A_97) -> (i32)  : i32 {
      %mul3A_125 = arith.constant 16 : i32
      %mul3A_126 = arith.muli %scan3A_123, %mul3A_125 : i32
      %get3A = arith.index_cast %mul3A_126 : i32 to index
      %get3A_127 = tpu.vector_load %arg6[%get3A] {strides = array<i32>} : memref<8192xi32, #tpu.memory_space<vmem>>, vector<16xi32>,
      %gather3A = tpu.vector_load_idx %arg5[%get3A_127] : memref<16384xf32, #tpu.memory_space<vmem>>[vector<16xi32>], vector<16xf32>,
      %mul3A_128 = arith.constant 16 : i32
      %mul3A_129 = arith.muli %scan3A_123, %mul3A_128 : i32
      %swap3A = arith.index_cast %mul3A_129 : i32 to index
      %swap3A_130 = tpu.vector_load %arg7[%swap3A] {strides = array<i32>} : memref<8192xf32, #tpu.memory_space<vmem>>, vector<16xf32>,
      tpu.vector_store %arg7[%swap3A], %gather3A {strides = array<i32>} : memref<8192xf32, #tpu.memory_space<vmem>>, vector<16xf32>,
      %scan3A_131 = arith.constant 0 : i32
      scf.yield %scan3A_131 : i32
    }
    %scan3A_103 = arith.constant 512 : i32
    %run_scoped3A_104 = arith.constant 0 : i32
    "tpu.region"() ({
      %run_scoped3A_123 = tpu.sem_alloc : memref<!tpu.dma_semaphore, #tpu.memory_space<semaphore_mem>>
      %dma_start3A = arith.constant 0 : i32
      %dma_start3A_124 = tpu.memref_slice %arg4[%run_scoped3A_104, %add3A_95, %dma_start3A] : memref<3x128x8192xf32, #tpu.memory_space<hbm>> -> memref<1x1x8192xf32, #tpu.memory_space<hbm>>
      %dma_start3A_125 = tpu.memref_squeeze %dma_start3A_124 : memref<1x1x8192xf32, #tpu.memory_space<hbm>> -> memref<8192xf32, #tpu.memory_space<hbm>>
      %dma_start3A_126 = arith.constant 0 : i32
      %dma_start3A_127 = tpu.memref_slice %arg4[%run_scoped3A_104, %add3A_95, %dma_start3A_126] : memref<3x128x8192xf32, #tpu.memory_space<hbm>> -> memref<1x1x8192xf32, #tpu.memory_space<hbm>>
      %dma_start3A_128 = tpu.memref_squeeze %dma_start3A_127 : memref<1x1x8192xf32, #tpu.memory_space<hbm>> -> memref<8192xf32, #tpu.memory_space<hbm>>
      tpu.enqueue_dma source(%arg7 : memref<8192xf32, #tpu.memory_space<vmem>>) target(%dma_start3A_128 : memref<8192xf32, #tpu.memory_space<hbm>>) target_semaphore(%run_scoped3A_123 : memref<!tpu.dma_semaphore, #tpu.memory_space<semaphore_mem>>)
      %dma_wait3A = arith.constant 0 : i32
      %dma_wait3A_129 = tpu.memref_slice %arg4[%run_scoped3A_104, %add3A_95, %dma_wait3A] : memref<3x128x8192xf32, #tpu.memory_space<hbm>> -> memref<1x1x8192xf32, #tpu.memory_space<hbm>>
      %dma_wait3A_130 = tpu.memref_squeeze %dma_wait3A_129 : memref<1x1x8192xf32, #tpu.memory_space<hbm>> -> memref<8192xf32, #tpu.memory_space<hbm>>
      %dma_wait3A_131 = arith.constant 0 : i32
      %dma_wait3A_132 = tpu.memref_slice %arg4[%run_scoped3A_104, %add3A_95, %dma_wait3A_131] : memref<3x128x8192xf32, #tpu.memory_space<hbm>> -> memref<1x1x8192xf32, #tpu.memory_space<hbm>>
      %dma_wait3A_133 = tpu.memref_squeeze %dma_wait3A_132 : memref<1x1x8192xf32, #tpu.memory_space<hbm>> -> memref<8192xf32, #tpu.memory_space<hbm>>
      tpu.wait_dma2 semaphore(%run_scoped3A_123 : memref<!tpu.dma_semaphore, #tpu.memory_space<semaphore_mem>>) src(%arg7 : memref<8192xf32, #tpu.memory_space<vmem>>) dst(%dma_wait3A_133 : memref<8192xf32, #tpu.memory_space<hbm>>)
      tpu.yield
    }) : () -> ()
    %run_scoped3A_105 = arith.constant 1 : i32
    "tpu.region"() ({
      %run_scoped3A_123 = tpu.sem_alloc : memref<!tpu.dma_semaphore, #tpu.memory_space<semaphore_mem>>
      %dma_start3A = arith.constant 0 : i32
      %dma_start3A_124 = tpu.memref_slice %arg2[%run_scoped3A_105, %add3A_95, %dma_start3A] : memref<3x128x16384xf32, #tpu.memory_space<hbm>> -> memref<1x1x16384xf32, #tpu.memory_space<hbm>>
      %dma_start3A_125 = tpu.memref_squeeze %dma_start3A_124 : memref<1x1x16384xf32, #tpu.memory_space<hbm>> -> memref<16384xf32, #tpu.memory_space<hbm>>
      %dma_start3A_126 = arith.constant 0 : i32
      %dma_start3A_127 = tpu.memref_slice %arg2[%run_scoped3A_105, %add3A_95, %dma_start3A_126] : memref<3x128x16384xf32, #tpu.memory_space<hbm>> -> memref<1x1x16384xf32, #tpu.memory_space<hbm>>
      %dma_start3A_128 = tpu.memref_squeeze %dma_start3A_127 : memref<1x1x16384xf32, #tpu.memory_space<hbm>> -> memref<16384xf32, #tpu.memory_space<hbm>>
      tpu.enqueue_dma source(%dma_start3A_128 : memref<16384xf32, #tpu.memory_space<hbm>>) target(%arg5 : memref<16384xf32, #tpu.memory_space<vmem>>) target_semaphore(%run_scoped3A_123 : memref<!tpu.dma_semaphore, #tpu.memory_space<semaphore_mem>>)
      %dma_wait3A = arith.constant 0 : i32
      %dma_wait3A_129 = tpu.memref_slice %arg2[%run_scoped3A_105, %add3A_95, %dma_wait3A] : memref<3x128x16384xf32, #tpu.memory_space<hbm>> -> memref<1x1x16384xf32, #tpu.memory_space<hbm>>
      %dma_wait3A_130 = tpu.memref_squeeze %dma_wait3A_129 : memref<1x1x16384xf32, #tpu.memory_space<hbm>> -> memref<16384xf32, #tpu.memory_space<hbm>>
      %dma_wait3A_131 = arith.constant 0 : i32
      %dma_wait3A_132 = tpu.memref_slice %arg2[%run_scoped3A_105, %add3A_95, %dma_wait3A_131] : memref<3x128x16384xf32, #tpu.memory_space<hbm>> -> memref<1x1x16384xf32, #tpu.memory_space<hbm>>
      %dma_wait3A_133 = tpu.memref_squeeze %dma_wait3A_132 : memref<1x1x16384xf32, #tpu.memory_space<hbm>> -> memref<16384xf32, #tpu.memory_space<hbm>>
      tpu.wait_dma2 semaphore(%run_scoped3A_123 : memref<!tpu.dma_semaphore, #tpu.memory_space<semaphore_mem>>) src(%dma_wait3A_133 : memref<16384xf32, #tpu.memory_space<hbm>>) dst(%arg5 : memref<16384xf32, #tpu.memory_space<vmem>>)
      tpu.yield
    }) : () -> ()
    %scan3A_106 = arith.constant 0 : i32
    %scan3A_107 = arith.constant 0 : i32
    %scan3A_108 = arith.constant 512 : i32
    %scan3A_109 = arith.addi %scan3A_107, %scan3A_108 : i32
    %scan3A_110 = arith.constant 1 : i32
    %scan3A_111 = scf.for %scan3A_123 = %scan3A_107 to %scan3A_109 step %scan3A_110 iter_args(%scan3A_124 = %scan3A_106) -> (i32)  : i32 {
      %mul3A_125 = arith.constant 16 : i32
      %mul3A_126 = arith.muli %scan3A_123, %mul3A_125 : i32
      %get3A = arith.index_cast %mul3A_126 : i32 to index
      %get3A_127 = tpu.vector_load %arg6[%get3A] {strides = array<i32>} : memref<8192xi32, #tpu.memory_space<vmem>>, vector<16xi32>,
      %gather3A = tpu.vector_load_idx %arg5[%get3A_127] : memref<16384xf32, #tpu.memory_space<vmem>>[vector<16xi32>], vector<16xf32>,
      %mul3A_128 = arith.constant 16 : i32
      %mul3A_129 = arith.muli %scan3A_123, %mul3A_128 : i32
      %swap3A = arith.index_cast %mul3A_129 : i32 to index
      %swap3A_130 = tpu.vector_load %arg7[%swap3A] {strides = array<i32>} : memref<8192xf32, #tpu.memory_space<vmem>>, vector<16xf32>,
      tpu.vector_store %arg7[%swap3A], %gather3A {strides = array<i32>} : memref<8192xf32, #tpu.memory_space<vmem>>, vector<16xf32>,
      %scan3A_131 = arith.constant 0 : i32
      scf.yield %scan3A_131 : i32
    }
    %scan3A_112 = arith.constant 512 : i32
    %run_scoped3A_113 = arith.constant 1 : i32
    "tpu.region"() ({
      %run_scoped3A_123 = tpu.sem_alloc : memref<!tpu.dma_semaphore, #tpu.memory_space<semaphore_mem>>
      %dma_start3A = arith.constant 0 : i32
      %dma_start3A_124 = tpu.memref_slice %arg4[%run_scoped3A_113, %add3A_95, %dma_start3A] : memref<3x128x8192xf32, #tpu.memory_space<hbm>> -> memref<1x1x8192xf32, #tpu.memory_space<hbm>>
      %dma_start3A_125 = tpu.memref_squeeze %dma_start3A_124 : memref<1x1x8192xf32, #tpu.memory_space<hbm>> -> memref<8192xf32, #tpu.memory_space<hbm>>
      %dma_start3A_126 = arith.constant 0 : i32
      %dma_start3A_127 = tpu.memref_slice %arg4[%run_scoped3A_113, %add3A_95, %dma_start3A_126] : memref<3x128x8192xf32, #tpu.memory_space<hbm>> -> memref<1x1x8192xf32, #tpu.memory_space<hbm>>
      %dma_start3A_128 = tpu.memref_squeeze %dma_start3A_127 : memref<1x1x8192xf32, #tpu.memory_space<hbm>> -> memref<8192xf32, #tpu.memory_space<hbm>>
      tpu.enqueue_dma source(%arg7 : memref<8192xf32, #tpu.memory_space<vmem>>) target(%dma_start3A_128 : memref<8192xf32, #tpu.memory_space<hbm>>) target_semaphore(%run_scoped3A_123 : memref<!tpu.dma_semaphore, #tpu.memory_space<semaphore_mem>>)
      %dma_wait3A = arith.constant 0 : i32
      %dma_wait3A_129 = tpu.memref_slice %arg4[%run_scoped3A_113, %add3A_95, %dma_wait3A] : memref<3x128x8192xf32, #tpu.memory_space<hbm>> -> memref<1x1x8192xf32, #tpu.memory_space<hbm>>
      %dma_wait3A_130 = tpu.memref_squeeze %dma_wait3A_129 : memref<1x1x8192xf32, #tpu.memory_space<hbm>> -> memref<8192xf32, #tpu.memory_space<hbm>>
      %dma_wait3A_131 = arith.constant 0 : i32
      %dma_wait3A_132 = tpu.memref_slice %arg4[%run_scoped3A_113, %add3A_95, %dma_wait3A_131] : memref<3x128x8192xf32, #tpu.memory_space<hbm>> -> memref<1x1x8192xf32, #tpu.memory_space<hbm>>
      %dma_wait3A_133 = tpu.memref_squeeze %dma_wait3A_132 : memref<1x1x8192xf32, #tpu.memory_space<hbm>> -> memref<8192xf32, #tpu.memory_space<hbm>>
      tpu.wait_dma2 semaphore(%run_scoped3A_123 : memref<!tpu.dma_semaphore, #tpu.memory_space<semaphore_mem>>) src(%arg7 : memref<8192xf32, #tpu.memory_space<vmem>>) dst(%dma_wait3A_133 : memref<8192xf32, #tpu.memory_space<hbm>>)
      tpu.yield
    }) : () -> ()
    %run_scoped3A_114 = arith.constant 2 : i32
    "tpu.region"() ({
      %run_scoped3A_123 = tpu.sem_alloc : memref<!tpu.dma_semaphore, #tpu.memory_space<semaphore_mem>>
      %dma_start3A = arith.constant 0 : i32
      %dma_start3A_124 = tpu.memref_slice %arg2[%run_scoped3A_114, %add3A_95, %dma_start3A] : memref<3x128x16384xf32, #tpu.memory_space<hbm>> -> memref<1x1x16384xf32, #tpu.memory_space<hbm>>
      %dma_start3A_125 = tpu.memref_squeeze %dma_start3A_124 : memref<1x1x16384xf32, #tpu.memory_space<hbm>> -> memref<16384xf32, #tpu.memory_space<hbm>>
      %dma_start3A_126 = arith.constant 0 : i32
      %dma_start3A_127 = tpu.memref_slice %arg2[%run_scoped3A_114, %add3A_95, %dma_start3A_126] : memref<3x128x16384xf32, #tpu.memory_space<hbm>> -> memref<1x1x16384xf32, #tpu.memory_space<hbm>>
      %dma_start3A_128 = tpu.memref_squeeze %dma_start3A_127 : memref<1x1x16384xf32, #tpu.memory_space<hbm>> -> memref<16384xf32, #tpu.memory_space<hbm>>
      tpu.enqueue_dma source(%dma_start3A_128 : memref<16384xf32, #tpu.memory_space<hbm>>) target(%arg5 : memref<16384xf32, #tpu.memory_space<vmem>>) target_semaphore(%run_scoped3A_123 : memref<!tpu.dma_semaphore, #tpu.memory_space<semaphore_mem>>)
      %dma_wait3A = arith.constant 0 : i32
      %dma_wait3A_129 = tpu.memref_slice %arg2[%run_scoped3A_114, %add3A_95, %dma_wait3A] : memref<3x128x16384xf32, #tpu.memory_space<hbm>> -> memref<1x1x16384xf32, #tpu.memory_space<hbm>>
      %dma_wait3A_130 = tpu.memref_squeeze %dma_wait3A_129 : memref<1x1x16384xf32, #tpu.memory_space<hbm>> -> memref<16384xf32, #tpu.memory_space<hbm>>
      %dma_wait3A_131 = arith.constant 0 : i32
      %dma_wait3A_132 = tpu.memref_slice %arg2[%run_scoped3A_114, %add3A_95, %dma_wait3A_131] : memref<3x128x16384xf32, #tpu.memory_space<hbm>> -> memref<1x1x16384xf32, #tpu.memory_space<hbm>>
      %dma_wait3A_133 = tpu.memref_squeeze %dma_wait3A_132 : memref<1x1x16384xf32, #tpu.memory_space<hbm>> -> memref<16384xf32, #tpu.memory_space<hbm>>
      tpu.wait_dma2 semaphore(%run_scoped3A_123 : memref<!tpu.dma_semaphore, #tpu.memory_space<semaphore_mem>>) src(%dma_wait3A_133 : memref<16384xf32, #tpu.memory_space<hbm>>) dst(%arg5 : memref<16384xf32, #tpu.memory_space<vmem>>)
      tpu.yield
    }) : () -> ()
    %scan3A_115 = arith.constant 0 : i32
    %scan3A_116 = arith.constant 0 : i32
    %scan3A_117 = arith.constant 512 : i32
    %scan3A_118 = arith.addi %scan3A_116, %scan3A_117 : i32
    %scan3A_119 = arith.constant 1 : i32
    %scan3A_120 = scf.for %scan3A_123 = %scan3A_116 to %scan3A_118 step %scan3A_119 iter_args(%scan3A_124 = %scan3A_115) -> (i32)  : i32 {
      %mul3A_125 = arith.constant 16 : i32
      %mul3A_126 = arith.muli %scan3A_123, %mul3A_125 : i32
      %get3A = arith.index_cast %mul3A_126 : i32 to index
      %get3A_127 = tpu.vector_load %arg6[%get3A] {strides = array<i32>} : memref<8192xi32, #tpu.memory_space<vmem>>, vector<16xi32>,
      %gather3A = tpu.vector_load_idx %arg5[%get3A_127] : memref<16384xf32, #tpu.memory_space<vmem>>[vector<16xi32>], vector<16xf32>,
      %mul3A_128 = arith.constant 16 : i32
      %mul3A_129 = arith.muli %scan3A_123, %mul3A_128 : i32
      %swap3A = arith.index_cast %mul3A_129 : i32 to index
      %swap3A_130 = tpu.vector_load %arg7[%swap3A] {strides = array<i32>} : memref<8192xf32, #tpu.memory_space<vmem>>, vector<16xf32>,
      tpu.vector_store %arg7[%swap3A], %gather3A {strides = array<i32>} : memref<8192xf32, #tpu.memory_space<vmem>>, vector<16xf32>,
      %scan3A_131 = arith.constant 0 : i32
      scf.yield %scan3A_131 : i32
    }
    %scan3A_121 = arith.constant 512 : i32
    %run_scoped3A_122 = arith.constant 2 : i32
    "tpu.region"() ({
      %run_scoped3A_123 = tpu.sem_alloc : memref<!tpu.dma_semaphore, #tpu.memory_space<semaphore_mem>>
      %dma_start3A = arith.constant 0 : i32
      %dma_start3A_124 = tpu.memref_slice %arg4[%run_scoped3A_122, %add3A_95, %dma_start3A] : memref<3x128x8192xf32, #tpu.memory_space<hbm>> -> memref<1x1x8192xf32, #tpu.memory_space<hbm>>
      %dma_start3A_125 = tpu.memref_squeeze %dma_start3A_124 : memref<1x1x8192xf32, #tpu.memory_space<hbm>> -> memref<8192xf32, #tpu.memory_space<hbm>>
      %dma_start3A_126 = arith.constant 0 : i32
      %dma_start3A_127 = tpu.memref_slice %arg4[%run_scoped3A_122, %add3A_95, %dma_start3A_126] : memref<3x128x8192xf32, #tpu.memory_space<hbm>> -> memref<1x1x8192xf32, #tpu.memory_space<hbm>>
      %dma_start3A_128 = tpu.memref_squeeze %dma_start3A_127 : memref<1x1x8192xf32, #tpu.memory_space<hbm>> -> memref<8192xf32, #tpu.memory_space<hbm>>
      tpu.enqueue_dma source(%arg7 : memref<8192xf32, #tpu.memory_space<vmem>>) target(%dma_start3A_128 : memref<8192xf32, #tpu.memory_space<hbm>>) target_semaphore(%run_scoped3A_123 : memref<!tpu.dma_semaphore, #tpu.memory_space<semaphore_mem>>)
      %dma_wait3A = arith.constant 0 : i32
      %dma_wait3A_129 = tpu.memref_slice %arg4[%run_scoped3A_122, %add3A_95, %dma_wait3A] : memref<3x128x8192xf32, #tpu.memory_space<hbm>> -> memref<1x1x8192xf32, #tpu.memory_space<hbm>>
      %dma_wait3A_130 = tpu.memref_squeeze %dma_wait3A_129 : memref<1x1x8192xf32, #tpu.memory_space<hbm>> -> memref<8192xf32, #tpu.memory_space<hbm>>
      %dma_wait3A_131 = arith.constant 0 : i32
      %dma_wait3A_132 = tpu.memref_slice %arg4[%run_scoped3A_122, %add3A_95, %dma_wait3A_131] : memref<3x128x8192xf32, #tpu.memory_space<hbm>> -> memref<1x1x8192xf32, #tpu.memory_space<hbm>>
      %dma_wait3A_133 = tpu.memref_squeeze %dma_wait3A_132 : memref<1x1x8192xf32, #tpu.memory_space<hbm>> -> memref<8192xf32, #tpu.memory_space<hbm>>
      tpu.wait_dma2 semaphore(%run_scoped3A_123 : memref<!tpu.dma_semaphore, #tpu.memory_space<semaphore_mem>>) src(%arg7 : memref<8192xf32, #tpu.memory_space<vmem>>) dst(%dma_wait3A_133 : memref<8192xf32, #tpu.memory_space<hbm>>)
      tpu.yield
    }) : () -> ()
    return
  }
}

module attributes {stable_mosaic.version = 14 : i64} {
  func.func @_prep_body(%arg0: i32, %arg1: memref<3x8x8192xf32, #tpu.memory_space<vmem>>, %arg2: memref<3x8x8192xf32, #tpu.memory_space<vmem>>, %arg3: memref<3x8x8192xf32, #tpu.memory_space<vmem>>, %arg4: memref<8x8192xf32, #tpu.memory_space<vmem>>, %arg5: memref<8x3xf32, #tpu.memory_space<vmem>>, %arg6: memref<8x3xf32, #tpu.memory_space<vmem>>, %arg7: memref<8x3xf32, #tpu.memory_space<vmem>>, %arg8: memref<8x3xf32, #tpu.memory_space<vmem>>, %arg9: memref<8x2xf32, #tpu.memory_space<vmem>>, %arg10: memref<3x8x16384xf32, #tpu.memory_space<vmem>>, %arg11: memref<8x16384xf32, #tpu.memory_space<vmem>>, %arg12: memref<8x3xf32, #tpu.memory_space<vmem>>) attributes {dimension_semantics = [#tpu.dimension_semantics<arbitrary>], iteration_bounds = array<i64: 16>, scalar_prefetch = 0 : i64, scratch_operands = 0 : i64, tpu.core_type = #tpu.core_type<tc>, window_params = [{transform_indices = @transform_0, window_bounds = array<i64: 3, 8, 8192>}, {transform_indices = @transform_1, window_bounds = array<i64: 3, 8, 8192>}, {transform_indices = @transform_2, window_bounds = array<i64: 3, 8, 8192>}, {transform_indices = @transform_3, window_bounds = array<i64: 8, 8192>}, {transform_indices = @transform_4, window_bounds = array<i64: 8, 3>}, {transform_indices = @transform_5, window_bounds = array<i64: 8, 3>}, {transform_indices = @transform_6, window_bounds = array<i64: 8, 3>}, {transform_indices = @transform_7, window_bounds = array<i64: 8, 3>}, {transform_indices = @transform_8, window_bounds = array<i64: 8, 2>}, {transform_indices = @transform_9, window_bounds = array<i64: 3, 8, 16384>}, {transform_indices = @transform_10, window_bounds = array<i64: 8, 16384>}, {transform_indices = @transform_11, window_bounds = array<i64: 8, 3>}]} {
    %get3A = arith.constant 0 : index
    %get3A_0 = arith.constant 0 : index
    %get3A_1 = vector.load %arg4[%get3A, %get3A_0] : memref<8x8192xf32, #tpu.memory_space<vmem>>, vector<8x8192xf32>
    %reduce_max3A = arith.constant dense<0xFF800000> : vector<8xf32>
    %reduce_max3A_2 = vector.multi_reduction <maximumf>, %get3A_1, %reduce_max3A [1] : vector<8x8192xf32> to vector<8xf32>
    %broadcast_in_dim3A = vector.shape_cast %reduce_max3A_2 : vector<8xf32> to vector<8x1xf32>
    %sub3A = vector.broadcast %broadcast_in_dim3A : vector<8x1xf32> to vector<8x8192xf32>
    %sub3A_3 = arith.subf %get3A_1, %sub3A : vector<8x8192xf32>
    %exp3A = math.exp %sub3A_3 : vector<8x8192xf32>
    %reduce_sum3A = arith.constant dense<0.000000e+00> : vector<8xf32>
    %reduce_sum3A_4 = vector.multi_reduction <add>, %exp3A, %reduce_sum3A [1] : vector<8x8192xf32> to vector<8xf32>
    %broadcast_in_dim3A_5 = vector.shape_cast %reduce_sum3A_4 : vector<8xf32> to vector<8x1xf32>
    %log3A = math.log %broadcast_in_dim3A_5 : vector<8x1xf32>
    %add3A = arith.addf %log3A, %broadcast_in_dim3A : vector<8x1xf32>
    %sub3A_6 = vector.broadcast %add3A : vector<8x1xf32> to vector<8x8192xf32>
    %sub3A_7 = arith.subf %get3A_1, %sub3A_6 : vector<8x8192xf32>
    %get3A_8 = arith.constant 0 : index
    %get3A_9 = arith.constant 0 : index
    %get3A_10 = arith.constant 0 : index
    %get3A_11 = vector.load %arg1[%get3A_8, %get3A_9, %get3A_10] : memref<3x8x8192xf32, #tpu.memory_space<vmem>>, vector<1x8x8192xf32>
    %get3A_12 = vector.shape_cast %get3A_11 : vector<1x8x8192xf32> to vector<8x8192xf32>
    %get3A_13 = arith.constant 0 : index
    %get3A_14 = arith.constant 0 : index
    %get3A_15 = vector.load %arg5[%get3A_13, %get3A_14] : memref<8x3xf32, #tpu.memory_space<vmem>>, vector<8x1xf32>
    %add3A_16 = vector.broadcast %get3A_15 : vector<8x1xf32> to vector<8x8192xf32>
    %add3A_17 = arith.addf %get3A_12, %add3A_16 : vector<8x8192xf32>
    %get3A_18 = arith.constant 0 : index
    %get3A_19 = arith.constant 0 : index
    %get3A_20 = arith.constant 0 : index
    %get3A_21 = vector.load %arg2[%get3A_18, %get3A_19, %get3A_20] : memref<3x8x8192xf32, #tpu.memory_space<vmem>>, vector<1x8x8192xf32>
    %get3A_22 = vector.shape_cast %get3A_21 : vector<1x8x8192xf32> to vector<8x8192xf32>
    %add3A_23 = arith.addf %add3A_17, %get3A_22 : vector<8x8192xf32>
    %get3A_24 = arith.constant 0 : index
    %get3A_25 = arith.constant 0 : index
    %get3A_26 = vector.load %arg6[%get3A_24, %get3A_25] : memref<8x3xf32, #tpu.memory_space<vmem>>, vector<8x1xf32>
    %sub3A_27 = vector.broadcast %get3A_26 : vector<8x1xf32> to vector<8x8192xf32>
    %sub3A_28 = arith.subf %add3A_23, %sub3A_27 : vector<8x8192xf32>
    %integer_pow3A = arith.mulf %sub3A_28, %sub3A_28 : vector<8x8192xf32>
    %get3A_29 = arith.constant 1 : index
    %get3A_30 = arith.constant 0 : index
    %get3A_31 = arith.constant 0 : index
    %get3A_32 = vector.load %arg1[%get3A_29, %get3A_30, %get3A_31] : memref<3x8x8192xf32, #tpu.memory_space<vmem>>, vector<1x8x8192xf32>
    %get3A_33 = vector.shape_cast %get3A_32 : vector<1x8x8192xf32> to vector<8x8192xf32>
    %get3A_34 = arith.constant 0 : index
    %get3A_35 = arith.constant 1 : index
    %get3A_36 = vector.load %arg5[%get3A_34, %get3A_35] : memref<8x3xf32, #tpu.memory_space<vmem>>, vector<8x1xf32>
    %add3A_37 = vector.broadcast %get3A_36 : vector<8x1xf32> to vector<8x8192xf32>
    %add3A_38 = arith.addf %get3A_33, %add3A_37 : vector<8x8192xf32>
    %get3A_39 = arith.constant 1 : index
    %get3A_40 = arith.constant 0 : index
    %get3A_41 = arith.constant 0 : index
    %get3A_42 = vector.load %arg2[%get3A_39, %get3A_40, %get3A_41] : memref<3x8x8192xf32, #tpu.memory_space<vmem>>, vector<1x8x8192xf32>
    %get3A_43 = vector.shape_cast %get3A_42 : vector<1x8x8192xf32> to vector<8x8192xf32>
    %add3A_44 = arith.addf %add3A_38, %get3A_43 : vector<8x8192xf32>
    %get3A_45 = arith.constant 0 : index
    %get3A_46 = arith.constant 1 : index
    %get3A_47 = vector.load %arg6[%get3A_45, %get3A_46] : memref<8x3xf32, #tpu.memory_space<vmem>>, vector<8x1xf32>
    %sub3A_48 = vector.broadcast %get3A_47 : vector<8x1xf32> to vector<8x8192xf32>
    %sub3A_49 = arith.subf %add3A_44, %sub3A_48 : vector<8x8192xf32>
    %integer_pow3A_50 = arith.mulf %sub3A_49, %sub3A_49 : vector<8x8192xf32>
    %add3A_51 = arith.addf %integer_pow3A, %integer_pow3A_50 : vector<8x8192xf32>
    %get3A_52 = arith.constant 2 : index
    %get3A_53 = arith.constant 0 : index
    %get3A_54 = arith.constant 0 : index
    %get3A_55 = vector.load %arg1[%get3A_52, %get3A_53, %get3A_54] : memref<3x8x8192xf32, #tpu.memory_space<vmem>>, vector<1x8x8192xf32>
    %get3A_56 = vector.shape_cast %get3A_55 : vector<1x8x8192xf32> to vector<8x8192xf32>
    %get3A_57 = arith.constant 0 : index
    %get3A_58 = arith.constant 2 : index
    %get3A_59 = vector.load %arg5[%get3A_57, %get3A_58] : memref<8x3xf32, #tpu.memory_space<vmem>>, vector<8x1xf32>
    %add3A_60 = vector.broadcast %get3A_59 : vector<8x1xf32> to vector<8x8192xf32>
    %add3A_61 = arith.addf %get3A_56, %add3A_60 : vector<8x8192xf32>
    %get3A_62 = arith.constant 2 : index
    %get3A_63 = arith.constant 0 : index
    %get3A_64 = arith.constant 0 : index
    %get3A_65 = vector.load %arg2[%get3A_62, %get3A_63, %get3A_64] : memref<3x8x8192xf32, #tpu.memory_space<vmem>>, vector<1x8x8192xf32>
    %get3A_66 = vector.shape_cast %get3A_65 : vector<1x8x8192xf32> to vector<8x8192xf32>
    %add3A_67 = arith.addf %add3A_61, %get3A_66 : vector<8x8192xf32>
    %get3A_68 = arith.constant 0 : index
    %get3A_69 = arith.constant 2 : index
    %get3A_70 = vector.load %arg6[%get3A_68, %get3A_69] : memref<8x3xf32, #tpu.memory_space<vmem>>, vector<8x1xf32>
    %sub3A_71 = vector.broadcast %get3A_70 : vector<8x1xf32> to vector<8x8192xf32>
    %sub3A_72 = arith.subf %add3A_67, %sub3A_71 : vector<8x8192xf32>
    %integer_pow3A_73 = arith.mulf %sub3A_72, %sub3A_72 : vector<8x8192xf32>
    %add3A_74 = arith.addf %add3A_51, %integer_pow3A_73 : vector<8x8192xf32>
    %mul3A = arith.constant 5.000000e-01 : f32
    %mul3A_75 = vector.broadcast %mul3A : f32 to vector<8x8192xf32>
    %mul3A_76 = arith.mulf %mul3A_75, %add3A_74 : vector<8x8192xf32>
    %sub3A_77 = arith.subf %sub3A_7, %mul3A_76 : vector<8x8192xf32>
    %reduce_max3A_78 = arith.constant dense<0xFF800000> : vector<8xf32>
    %reduce_max3A_79 = vector.multi_reduction <maximumf>, %sub3A_77, %reduce_max3A_78 [1] : vector<8x8192xf32> to vector<8xf32>
    %broadcast_in_dim3A_80 = vector.shape_cast %reduce_max3A_79 : vector<8xf32> to vector<8x1xf32>
    %sub3A_81 = vector.broadcast %broadcast_in_dim3A_80 : vector<8x1xf32> to vector<8x8192xf32>
    %sub3A_82 = arith.subf %sub3A_77, %sub3A_81 : vector<8x8192xf32>
    %exp3A_83 = math.exp %sub3A_82 : vector<8x8192xf32>
    %reduce_sum3A_84 = arith.constant dense<0.000000e+00> : vector<8xf32>
    %reduce_sum3A_85 = vector.multi_reduction <add>, %exp3A_83, %reduce_sum3A_84 [1] : vector<8x8192xf32> to vector<8xf32>
    %broadcast_in_dim3A_86 = vector.shape_cast %reduce_sum3A_85 : vector<8xf32> to vector<8x1xf32>
    %div3A = vector.broadcast %broadcast_in_dim3A_86 : vector<8x1xf32> to vector<8x8192xf32>
    %div3A_87 = arith.divf %exp3A_83, %div3A : vector<8x8192xf32>
    %get3A_88 = arith.constant 0 : index
    %get3A_89 = arith.constant 0 : index
    %get3A_90 = vector.load %arg9[%get3A_88, %get3A_89] : memref<8x2xf32, #tpu.memory_space<vmem>>, vector<8x1xf32>
    %exp3A_91 = math.exp %get3A_90 : vector<8x1xf32>
    %get3A_92 = arith.constant 0 : index
    %get3A_93 = arith.constant 0 : index
    %get3A_94 = vector.load %arg9[%get3A_92, %get3A_93] : memref<8x2xf32, #tpu.memory_space<vmem>>, vector<8x1xf32>
    %neg3A = arith.constant 0.000000e+00 : f32
    %neg3A_95 = vector.broadcast %neg3A : f32 to vector<8x1xf32>
    %neg3A_96 = arith.subf %neg3A_95, %get3A_94 : vector<8x1xf32>
    %exp3A_97 = math.exp %neg3A_96 : vector<8x1xf32>
    %neg3A_98 = arith.constant 0.000000e+00 : f32
    %neg3A_99 = vector.broadcast %neg3A_98 : f32 to vector<8x1xf32>
    %neg3A_100 = arith.subf %neg3A_99, %exp3A_97 : vector<8x1xf32>
    %div3A_101 = vector.broadcast %neg3A_100 : vector<8x1xf32> to vector<8x8192xf32>
    %div3A_102 = arith.divf %div3A_101, %div3A_87 : vector<8x8192xf32>
    %swap3A = arith.constant 0 : index
    %swap3A_103 = arith.constant 0 : index
    %swap3A_104 = vector.load %arg11[%swap3A, %swap3A_103] : memref<8x16384xf32, #tpu.memory_space<vmem>>, vector<8x8192xf32>
    tpu.vector_store %arg11[%swap3A, %swap3A_103], %div3A_102 {strides = array<i32>} : memref<8x16384xf32, #tpu.memory_space<vmem>>, vector<8x8192xf32>,
    %swap3A_105 = arith.constant 0 : index
    %swap3A_106 = arith.constant 0 : index
    %swap3A_107 = arith.constant 0 : index
    %swap3A_108 = vector.load %arg10[%swap3A_105, %swap3A_106, %swap3A_107] : memref<3x8x16384xf32, #tpu.memory_space<vmem>>, vector<1x8x8192xf32>
    %swap3A_109 = vector.shape_cast %swap3A_108 : vector<1x8x8192xf32> to vector<8x8192xf32>
    %swap3A_110 = vector.shape_cast %add3A_23 : vector<8x8192xf32> to vector<1x8x8192xf32>
    tpu.vector_store %arg10[%swap3A_105, %swap3A_106, %swap3A_107], %swap3A_110 {strides = array<i32>} : memref<3x8x16384xf32, #tpu.memory_space<vmem>>, vector<1x8x8192xf32>,
    %mul3A_111 = arith.mulf %div3A_87, %add3A_23 : vector<8x8192xf32>
    %reduce_sum3A_112 = arith.constant dense<0.000000e+00> : vector<8xf32>
    %reduce_sum3A_113 = vector.multi_reduction <add>, %mul3A_111, %reduce_sum3A_112 [1] : vector<8x8192xf32> to vector<8xf32>
    %broadcast_in_dim3A_114 = vector.shape_cast %reduce_sum3A_113 : vector<8xf32> to vector<8x1xf32>
    %mul3A_115 = arith.mulf %exp3A_91, %broadcast_in_dim3A_114 : vector<8x1xf32>
    %swap3A_116 = arith.constant 1 : index
    %swap3A_117 = arith.constant 0 : index
    %swap3A_118 = arith.constant 0 : index
    %swap3A_119 = vector.load %arg10[%swap3A_116, %swap3A_117, %swap3A_118] : memref<3x8x16384xf32, #tpu.memory_space<vmem>>, vector<1x8x8192xf32>
    %swap3A_120 = vector.shape_cast %swap3A_119 : vector<1x8x8192xf32> to vector<8x8192xf32>
    %swap3A_121 = vector.shape_cast %add3A_44 : vector<8x8192xf32> to vector<1x8x8192xf32>
    tpu.vector_store %arg10[%swap3A_116, %swap3A_117, %swap3A_118], %swap3A_121 {strides = array<i32>} : memref<3x8x16384xf32, #tpu.memory_space<vmem>>, vector<1x8x8192xf32>,
    %mul3A_122 = arith.mulf %div3A_87, %add3A_44 : vector<8x8192xf32>
    %reduce_sum3A_123 = arith.constant dense<0.000000e+00> : vector<8xf32>
    %reduce_sum3A_124 = vector.multi_reduction <add>, %mul3A_122, %reduce_sum3A_123 [1] : vector<8x8192xf32> to vector<8xf32>
    %broadcast_in_dim3A_125 = vector.shape_cast %reduce_sum3A_124 : vector<8xf32> to vector<8x1xf32>
    %mul3A_126 = arith.mulf %exp3A_91, %broadcast_in_dim3A_125 : vector<8x1xf32>
    %swap3A_127 = arith.constant 2 : index
    %swap3A_128 = arith.constant 0 : index
    %swap3A_129 = arith.constant 0 : index
    %swap3A_130 = vector.load %arg10[%swap3A_127, %swap3A_128, %swap3A_129] : memref<3x8x16384xf32, #tpu.memory_space<vmem>>, vector<1x8x8192xf32>
    %swap3A_131 = vector.shape_cast %swap3A_130 : vector<1x8x8192xf32> to vector<8x8192xf32>
    %swap3A_132 = vector.shape_cast %add3A_67 : vector<8x8192xf32> to vector<1x8x8192xf32>
    tpu.vector_store %arg10[%swap3A_127, %swap3A_128, %swap3A_129], %swap3A_132 {strides = array<i32>} : memref<3x8x16384xf32, #tpu.memory_space<vmem>>, vector<1x8x8192xf32>,
    %mul3A_133 = arith.mulf %div3A_87, %add3A_67 : vector<8x8192xf32>
    %reduce_sum3A_134 = arith.constant dense<0.000000e+00> : vector<8xf32>
    %reduce_sum3A_135 = vector.multi_reduction <add>, %mul3A_133, %reduce_sum3A_134 [1] : vector<8x8192xf32> to vector<8xf32>
    %broadcast_in_dim3A_136 = vector.shape_cast %reduce_sum3A_135 : vector<8xf32> to vector<8x1xf32>
    %mul3A_137 = arith.mulf %exp3A_91, %broadcast_in_dim3A_136 : vector<8x1xf32>
    %get3A_138 = arith.constant 0 : index
    %get3A_139 = arith.constant 0 : index
    %get3A_140 = arith.constant 0 : index
    %get3A_141 = vector.load %arg1[%get3A_138, %get3A_139, %get3A_140] : memref<3x8x8192xf32, #tpu.memory_space<vmem>>, vector<1x8x8192xf32>
    %get3A_142 = vector.shape_cast %get3A_141 : vector<1x8x8192xf32> to vector<8x8192xf32>
    %get3A_143 = arith.constant 0 : index
    %get3A_144 = arith.constant 0 : index
    %get3A_145 = vector.load %arg7[%get3A_143, %get3A_144] : memref<8x3xf32, #tpu.memory_space<vmem>>, vector<8x1xf32>
    %add3A_146 = vector.broadcast %get3A_145 : vector<8x1xf32> to vector<8x8192xf32>
    %add3A_147 = arith.addf %get3A_142, %add3A_146 : vector<8x8192xf32>
    %get3A_148 = arith.constant 0 : index
    %get3A_149 = arith.constant 0 : index
    %get3A_150 = arith.constant 0 : index
    %get3A_151 = vector.load %arg3[%get3A_148, %get3A_149, %get3A_150] : memref<3x8x8192xf32, #tpu.memory_space<vmem>>, vector<1x8x8192xf32>
    %get3A_152 = vector.shape_cast %get3A_151 : vector<1x8x8192xf32> to vector<8x8192xf32>
    %add3A_153 = arith.addf %add3A_147, %get3A_152 : vector<8x8192xf32>
    %get3A_154 = arith.constant 0 : index
    %get3A_155 = arith.constant 0 : index
    %get3A_156 = vector.load %arg8[%get3A_154, %get3A_155] : memref<8x3xf32, #tpu.memory_space<vmem>>, vector<8x1xf32>
    %sub3A_157 = vector.broadcast %get3A_156 : vector<8x1xf32> to vector<8x8192xf32>
    %sub3A_158 = arith.subf %add3A_153, %sub3A_157 : vector<8x8192xf32>
    %integer_pow3A_159 = arith.mulf %sub3A_158, %sub3A_158 : vector<8x8192xf32>
    %get3A_160 = arith.constant 1 : index
    %get3A_161 = arith.constant 0 : index
    %get3A_162 = arith.constant 0 : index
    %get3A_163 = vector.load %arg1[%get3A_160, %get3A_161, %get3A_162] : memref<3x8x8192xf32, #tpu.memory_space<vmem>>, vector<1x8x8192xf32>
    %get3A_164 = vector.shape_cast %get3A_163 : vector<1x8x8192xf32> to vector<8x8192xf32>
    %get3A_165 = arith.constant 0 : index
    %get3A_166 = arith.constant 1 : index
    %get3A_167 = vector.load %arg7[%get3A_165, %get3A_166] : memref<8x3xf32, #tpu.memory_space<vmem>>, vector<8x1xf32>
    %add3A_168 = vector.broadcast %get3A_167 : vector<8x1xf32> to vector<8x8192xf32>
    %add3A_169 = arith.addf %get3A_164, %add3A_168 : vector<8x8192xf32>
    %get3A_170 = arith.constant 1 : index
    %get3A_171 = arith.constant 0 : index
    %get3A_172 = arith.constant 0 : index
    %get3A_173 = vector.load %arg3[%get3A_170, %get3A_171, %get3A_172] : memref<3x8x8192xf32, #tpu.memory_space<vmem>>, vector<1x8x8192xf32>
    %get3A_174 = vector.shape_cast %get3A_173 : vector<1x8x8192xf32> to vector<8x8192xf32>
    %add3A_175 = arith.addf %add3A_169, %get3A_174 : vector<8x8192xf32>
    %get3A_176 = arith.constant 0 : index
    %get3A_177 = arith.constant 1 : index
    %get3A_178 = vector.load %arg8[%get3A_176, %get3A_177] : memref<8x3xf32, #tpu.memory_space<vmem>>, vector<8x1xf32>
    %sub3A_179 = vector.broadcast %get3A_178 : vector<8x1xf32> to vector<8x8192xf32>
    %sub3A_180 = arith.subf %add3A_175, %sub3A_179 : vector<8x8192xf32>
    %integer_pow3A_181 = arith.mulf %sub3A_180, %sub3A_180 : vector<8x8192xf32>
    %add3A_182 = arith.addf %integer_pow3A_159, %integer_pow3A_181 : vector<8x8192xf32>
    %get3A_183 = arith.constant 2 : index
    %get3A_184 = arith.constant 0 : index
    %get3A_185 = arith.constant 0 : index
    %get3A_186 = vector.load %arg1[%get3A_183, %get3A_184, %get3A_185] : memref<3x8x8192xf32, #tpu.memory_space<vmem>>, vector<1x8x8192xf32>
    %get3A_187 = vector.shape_cast %get3A_186 : vector<1x8x8192xf32> to vector<8x8192xf32>
    %get3A_188 = arith.constant 0 : index
    %get3A_189 = arith.constant 2 : index
    %get3A_190 = vector.load %arg7[%get3A_188, %get3A_189] : memref<8x3xf32, #tpu.memory_space<vmem>>, vector<8x1xf32>
    %add3A_191 = vector.broadcast %get3A_190 : vector<8x1xf32> to vector<8x8192xf32>
    %add3A_192 = arith.addf %get3A_187, %add3A_191 : vector<8x8192xf32>
    %get3A_193 = arith.constant 2 : index
    %get3A_194 = arith.constant 0 : index
    %get3A_195 = arith.constant 0 : index
    %get3A_196 = vector.load %arg3[%get3A_193, %get3A_194, %get3A_195] : memref<3x8x8192xf32, #tpu.memory_space<vmem>>, vector<1x8x8192xf32>
    %get3A_197 = vector.shape_cast %get3A_196 : vector<1x8x8192xf32> to vector<8x8192xf32>
    %add3A_198 = arith.addf %add3A_192, %get3A_197 : vector<8x8192xf32>
    %get3A_199 = arith.constant 0 : index
    %get3A_200 = arith.constant 2 : index
    %get3A_201 = vector.load %arg8[%get3A_199, %get3A_200] : memref<8x3xf32, #tpu.memory_space<vmem>>, vector<8x1xf32>
    %sub3A_202 = vector.broadcast %get3A_201 : vector<8x1xf32> to vector<8x8192xf32>
    %sub3A_203 = arith.subf %add3A_198, %sub3A_202 : vector<8x8192xf32>
    %integer_pow3A_204 = arith.mulf %sub3A_203, %sub3A_203 : vector<8x8192xf32>
    %add3A_205 = arith.addf %add3A_182, %integer_pow3A_204 : vector<8x8192xf32>
    %mul3A_206 = arith.constant 5.000000e-01 : f32
    %mul3A_207 = vector.broadcast %mul3A_206 : f32 to vector<8x8192xf32>
    %mul3A_208 = arith.mulf %mul3A_207, %add3A_205 : vector<8x8192xf32>
    %sub3A_209 = arith.subf %sub3A_7, %mul3A_208 : vector<8x8192xf32>
    %reduce_max3A_210 = arith.constant dense<0xFF800000> : vector<8xf32>
    %reduce_max3A_211 = vector.multi_reduction <maximumf>, %sub3A_209, %reduce_max3A_210 [1] : vector<8x8192xf32> to vector<8xf32>
    %broadcast_in_dim3A_212 = vector.shape_cast %reduce_max3A_211 : vector<8xf32> to vector<8x1xf32>
    %sub3A_213 = vector.broadcast %broadcast_in_dim3A_212 : vector<8x1xf32> to vector<8x8192xf32>
    %sub3A_214 = arith.subf %sub3A_209, %sub3A_213 : vector<8x8192xf32>
    %exp3A_215 = math.exp %sub3A_214 : vector<8x8192xf32>
    %reduce_sum3A_216 = arith.constant dense<0.000000e+00> : vector<8xf32>
    %reduce_sum3A_217 = vector.multi_reduction <add>, %exp3A_215, %reduce_sum3A_216 [1] : vector<8x8192xf32> to vector<8xf32>
    %broadcast_in_dim3A_218 = vector.shape_cast %reduce_sum3A_217 : vector<8xf32> to vector<8x1xf32>
    %div3A_219 = vector.broadcast %broadcast_in_dim3A_218 : vector<8x1xf32> to vector<8x8192xf32>
    %div3A_220 = arith.divf %exp3A_215, %div3A_219 : vector<8x8192xf32>
    %get3A_221 = arith.constant 0 : index
    %get3A_222 = arith.constant 1 : index
    %get3A_223 = vector.load %arg9[%get3A_221, %get3A_222] : memref<8x2xf32, #tpu.memory_space<vmem>>, vector<8x1xf32>
    %exp3A_224 = math.exp %get3A_223 : vector<8x1xf32>
    %get3A_225 = arith.constant 0 : index
    %get3A_226 = arith.constant 1 : index
    %get3A_227 = vector.load %arg9[%get3A_225, %get3A_226] : memref<8x2xf32, #tpu.memory_space<vmem>>, vector<8x1xf32>
    %neg3A_228 = arith.constant 0.000000e+00 : f32
    %neg3A_229 = vector.broadcast %neg3A_228 : f32 to vector<8x1xf32>
    %neg3A_230 = arith.subf %neg3A_229, %get3A_227 : vector<8x1xf32>
    %exp3A_231 = math.exp %neg3A_230 : vector<8x1xf32>
    %neg3A_232 = arith.constant 0.000000e+00 : f32
    %neg3A_233 = vector.broadcast %neg3A_232 : f32 to vector<8x1xf32>
    %neg3A_234 = arith.subf %neg3A_233, %exp3A_231 : vector<8x1xf32>
    %div3A_235 = vector.broadcast %neg3A_234 : vector<8x1xf32> to vector<8x8192xf32>
    %div3A_236 = arith.divf %div3A_235, %div3A_220 : vector<8x8192xf32>
    %swap3A_237 = arith.constant 0 : index
    %swap3A_238 = arith.constant 8192 : index
    %swap3A_239 = vector.load %arg11[%swap3A_237, %swap3A_238] : memref<8x16384xf32, #tpu.memory_space<vmem>>, vector<8x8192xf32>
    tpu.vector_store %arg11[%swap3A_237, %swap3A_238], %div3A_236 {strides = array<i32>} : memref<8x16384xf32, #tpu.memory_space<vmem>>, vector<8x8192xf32>,
    %swap3A_240 = arith.constant 0 : index
    %swap3A_241 = arith.constant 0 : index
    %swap3A_242 = arith.constant 8192 : index
    %swap3A_243 = vector.load %arg10[%swap3A_240, %swap3A_241, %swap3A_242] : memref<3x8x16384xf32, #tpu.memory_space<vmem>>, vector<1x8x8192xf32>
    %swap3A_244 = vector.shape_cast %swap3A_243 : vector<1x8x8192xf32> to vector<8x8192xf32>
    %swap3A_245 = vector.shape_cast %add3A_153 : vector<8x8192xf32> to vector<1x8x8192xf32>
    tpu.vector_store %arg10[%swap3A_240, %swap3A_241, %swap3A_242], %swap3A_245 {strides = array<i32>} : memref<3x8x16384xf32, #tpu.memory_space<vmem>>, vector<1x8x8192xf32>,
    %mul3A_246 = arith.mulf %div3A_220, %add3A_153 : vector<8x8192xf32>
    %reduce_sum3A_247 = arith.constant dense<0.000000e+00> : vector<8xf32>
    %reduce_sum3A_248 = vector.multi_reduction <add>, %mul3A_246, %reduce_sum3A_247 [1] : vector<8x8192xf32> to vector<8xf32>
    %broadcast_in_dim3A_249 = vector.shape_cast %reduce_sum3A_248 : vector<8xf32> to vector<8x1xf32>
    %mul3A_250 = arith.mulf %exp3A_224, %broadcast_in_dim3A_249 : vector<8x1xf32>
    %add3A_251 = arith.addf %mul3A_115, %mul3A_250 : vector<8x1xf32>
    %swap3A_252 = arith.constant 1 : index
    %swap3A_253 = arith.constant 0 : index
    %swap3A_254 = arith.constant 8192 : index
    %swap3A_255 = vector.load %arg10[%swap3A_252, %swap3A_253, %swap3A_254] : memref<3x8x16384xf32, #tpu.memory_space<vmem>>, vector<1x8x8192xf32>
    %swap3A_256 = vector.shape_cast %swap3A_255 : vector<1x8x8192xf32> to vector<8x8192xf32>
    %swap3A_257 = vector.shape_cast %add3A_175 : vector<8x8192xf32> to vector<1x8x8192xf32>
    tpu.vector_store %arg10[%swap3A_252, %swap3A_253, %swap3A_254], %swap3A_257 {strides = array<i32>} : memref<3x8x16384xf32, #tpu.memory_space<vmem>>, vector<1x8x8192xf32>,
    %mul3A_258 = arith.mulf %div3A_220, %add3A_175 : vector<8x8192xf32>
    %reduce_sum3A_259 = arith.constant dense<0.000000e+00> : vector<8xf32>
    %reduce_sum3A_260 = vector.multi_reduction <add>, %mul3A_258, %reduce_sum3A_259 [1] : vector<8x8192xf32> to vector<8xf32>
    %broadcast_in_dim3A_261 = vector.shape_cast %reduce_sum3A_260 : vector<8xf32> to vector<8x1xf32>
    %mul3A_262 = arith.mulf %exp3A_224, %broadcast_in_dim3A_261 : vector<8x1xf32>
    %add3A_263 = arith.addf %mul3A_126, %mul3A_262 : vector<8x1xf32>
    %swap3A_264 = arith.constant 2 : index
    %swap3A_265 = arith.constant 0 : index
    %swap3A_266 = arith.constant 8192 : index
    %swap3A_267 = vector.load %arg10[%swap3A_264, %swap3A_265, %swap3A_266] : memref<3x8x16384xf32, #tpu.memory_space<vmem>>, vector<1x8x8192xf32>
    %swap3A_268 = vector.shape_cast %swap3A_267 : vector<1x8x8192xf32> to vector<8x8192xf32>
    %swap3A_269 = vector.shape_cast %add3A_198 : vector<8x8192xf32> to vector<1x8x8192xf32>
    tpu.vector_store %arg10[%swap3A_264, %swap3A_265, %swap3A_266], %swap3A_269 {strides = array<i32>} : memref<3x8x16384xf32, #tpu.memory_space<vmem>>, vector<1x8x8192xf32>,
    %mul3A_270 = arith.mulf %div3A_220, %add3A_198 : vector<8x8192xf32>
    %reduce_sum3A_271 = arith.constant dense<0.000000e+00> : vector<8xf32>
    %reduce_sum3A_272 = vector.multi_reduction <add>, %mul3A_270, %reduce_sum3A_271 [1] : vector<8x8192xf32> to vector<8xf32>
    %broadcast_in_dim3A_273 = vector.shape_cast %reduce_sum3A_272 : vector<8xf32> to vector<8x1xf32>
    %mul3A_274 = arith.mulf %exp3A_224, %broadcast_in_dim3A_273 : vector<8x1xf32>
    %add3A_275 = arith.addf %mul3A_137, %mul3A_274 : vector<8x1xf32>
    %concatenate3A = tpu.concatenate %add3A_251, %add3A_263, %add3A_275 in 1 : vector<8x1xf32>, vector<8x1xf32>, vector<8x1xf32> -> vector<8x3xf32>
    %swap3A_276 = arith.constant 0 : index
    %swap3A_277 = arith.constant 0 : index
    %swap3A_278 = vector.load %arg12[%swap3A_276, %swap3A_277] : memref<8x3xf32, #tpu.memory_space<vmem>>, vector<8x3xf32>
    tpu.vector_store %arg12[%swap3A_276, %swap3A_277], %concatenate3A {strides = array<i32>} : memref<8x3xf32, #tpu.memory_space<vmem>>, vector<8x3xf32>,
    return
  }
  func.func @transform_0(%arg0: i32) -> (i32, i32, i32) {
    %c0_i32 = arith.constant 0 : i32
    %c0_i32_0 = arith.constant 0 : i32
    %c0_i32_1 = arith.constant 0 : i32
    return %c0_i32, %arg0, %c0_i32_0 : i32, i32, i32
  }
  func.func @transform_1(%arg0: i32) -> (i32, i32, i32) {
    %c0_i32 = arith.constant 0 : i32
    %c0_i32_0 = arith.constant 0 : i32
    %c0_i32_1 = arith.constant 0 : i32
    return %c0_i32, %arg0, %c0_i32_0 : i32, i32, i32
  }
  func.func @transform_2(%arg0: i32) -> (i32, i32, i32) {
    %c0_i32 = arith.constant 0 : i32
    %c0_i32_0 = arith.constant 0 : i32
    %c0_i32_1 = arith.constant 0 : i32
    return %c0_i32, %arg0, %c0_i32_0 : i32, i32, i32
  }
  func.func @transform_3(%arg0: i32) -> (i32, i32) {
    %c0_i32 = arith.constant 0 : i32
    %c0_i32_0 = arith.constant 0 : i32
    return %arg0, %c0_i32 : i32, i32
  }
  func.func @transform_4(%arg0: i32) -> (i32, i32) {
    %c0_i32 = arith.constant 0 : i32
    %c0_i32_0 = arith.constant 0 : i32
    return %arg0, %c0_i32 : i32, i32
  }
  func.func @transform_5(%arg0: i32) -> (i32, i32) {
    %c0_i32 = arith.constant 0 : i32
    %c0_i32_0 = arith.constant 0 : i32
    return %arg0, %c0_i32 : i32, i32
  }
  func.func @transform_6(%arg0: i32) -> (i32, i32) {
    %c0_i32 = arith.constant 0 : i32
    %c0_i32_0 = arith.constant 0 : i32
    return %arg0, %c0_i32 : i32, i32
  }
  func.func @transform_7(%arg0: i32) -> (i32, i32) {
    %c0_i32 = arith.constant 0 : i32
    %c0_i32_0 = arith.constant 0 : i32
    return %arg0, %c0_i32 : i32, i32
  }
  func.func @transform_8(%arg0: i32) -> (i32, i32) {
    %c0_i32 = arith.constant 0 : i32
    %c0_i32_0 = arith.constant 0 : i32
    return %arg0, %c0_i32 : i32, i32
  }
  func.func @transform_9(%arg0: i32) -> (i32, i32, i32) {
    %c0_i32 = arith.constant 0 : i32
    %c0_i32_0 = arith.constant 0 : i32
    %c0_i32_1 = arith.constant 0 : i32
    return %c0_i32, %arg0, %c0_i32_0 : i32, i32, i32
  }
  func.func @transform_10(%arg0: i32) -> (i32, i32) {
    %c0_i32 = arith.constant 0 : i32
    %c0_i32_0 = arith.constant 0 : i32
    return %arg0, %c0_i32 : i32, i32
  }
  func.func @transform_11(%arg0: i32) -> (i32, i32) {
    %c0_i32 = arith.constant 0 : i32
    %c0_i32_0 = arith.constant 0 : i32
    return %arg0, %c0_i32 : i32, i32
  }
}

module attributes {stable_mosaic.version = 14 : i64} {
  func.func @_mlp_body(%arg0: memref<128x7xf32, #tpu.memory_space<vmem>>, %arg1: memref<128x1024xf32, #tpu.memory_space<vmem>>, %arg2: memref<7x256xf32, #tpu.memory_space<vmem>>, %arg3: memref<1x256xf32, #tpu.memory_space<vmem>>, %arg4: memref<256x3xf32, #tpu.memory_space<vmem>>, %arg5: memref<1x3xf32, #tpu.memory_space<vmem>>, %arg6: memref<1024x256xf32, #tpu.memory_space<vmem>>, %arg7: memref<1x256xf32, #tpu.memory_space<vmem>>, %arg8: memref<256x3xf32, #tpu.memory_space<vmem>>, %arg9: memref<1x3xf32, #tpu.memory_space<vmem>>, %arg10: memref<7x256xf32, #tpu.memory_space<vmem>>, %arg11: memref<1x256xf32, #tpu.memory_space<vmem>>, %arg12: memref<256x3xf32, #tpu.memory_space<vmem>>, %arg13: memref<1x3xf32, #tpu.memory_space<vmem>>, %arg14: memref<1024x256xf32, #tpu.memory_space<vmem>>, %arg15: memref<1x256xf32, #tpu.memory_space<vmem>>, %arg16: memref<256x3xf32, #tpu.memory_space<vmem>>, %arg17: memref<1x3xf32, #tpu.memory_space<vmem>>, %arg18: memref<1024x2xf32, #tpu.memory_space<vmem>>, %arg19: memref<1x2xf32, #tpu.memory_space<vmem>>, %arg20: memref<128x3xf32, #tpu.memory_space<vmem>>, %arg21: memref<128x3xf32, #tpu.memory_space<vmem>>, %arg22: memref<128x3xf32, #tpu.memory_space<vmem>>, %arg23: memref<128x3xf32, #tpu.memory_space<vmem>>, %arg24: memref<128x2xf32, #tpu.memory_space<vmem>>) attributes {dimension_semantics = [], scalar_prefetch = 0 : i64, scratch_operands = 0 : i64, tpu.core_type = #tpu.core_type<tc>} {
    %get3A = arith.constant 0 : index
    %get3A_0 = arith.constant 0 : index
    %get3A_1 = vector.load %arg0[%get3A, %get3A_0] : memref<128x7xf32, #tpu.memory_space<vmem>>, vector<128x7xf32>
    %get3A_2 = arith.constant 0 : index
    %get3A_3 = arith.constant 0 : index
    %get3A_4 = vector.load %arg1[%get3A_2, %get3A_3] : memref<128x1024xf32, #tpu.memory_space<vmem>>, vector<128x1024xf32>
    %get3A_5 = arith.constant 0 : index
    %get3A_6 = arith.constant 0 : index
    %get3A_7 = vector.load %arg2[%get3A_5, %get3A_6] : memref<7x256xf32, #tpu.memory_space<vmem>>, vector<7x256xf32>
    %get3A_8 = arith.constant 0 : index
    %get3A_9 = arith.constant 0 : index
    %get3A_10 = vector.load %arg3[%get3A_8, %get3A_9] : memref<1x256xf32, #tpu.memory_space<vmem>>, vector<1x256xf32>
    %get3A_11 = arith.constant 0 : index
    %get3A_12 = arith.constant 0 : index
    %get3A_13 = vector.load %arg4[%get3A_11, %get3A_12] : memref<256x3xf32, #tpu.memory_space<vmem>>, vector<256x3xf32>
    %get3A_14 = arith.constant 0 : index
    %get3A_15 = arith.constant 0 : index
    %get3A_16 = vector.load %arg5[%get3A_14, %get3A_15] : memref<1x3xf32, #tpu.memory_space<vmem>>, vector<1x3xf32>
    %dot_general3A = arith.constant dense<0.000000e+00> : vector<128x256xf32>
    %dot_general3A_17 = tpu.matmul %get3A_1, %get3A_7, %dot_general3A {dimension_numbers = #tpu.dot_dimension_numbers<[1], [0], [0], [1], [0, 0, 1, 1], [], []>, transpose_lhs_hint = false} : vector<128x7xf32>, vector<7x256xf32>, vector<128x256xf32> -> vector<128x256xf32>
    %add3A = vector.broadcast %get3A_10 : vector<1x256xf32> to vector<128x256xf32>
    %add3A_18 = arith.addf %dot_general3A_17, %add3A : vector<128x256xf32>
    %tanh3A = math.tanh %add3A_18 : vector<128x256xf32>
    %dot_general3A_19 = arith.constant dense<0.000000e+00> : vector<128x3xf32>
    %dot_general3A_20 = tpu.matmul %tanh3A, %get3A_13, %dot_general3A_19 {dimension_numbers = #tpu.dot_dimension_numbers<[1], [0], [0], [1], [0, 0, 1, 1], [], []>, transpose_lhs_hint = false} : vector<128x256xf32>, vector<256x3xf32>, vector<128x3xf32> -> vector<128x3xf32>
    %add3A_21 = vector.broadcast %get3A_16 : vector<1x3xf32> to vector<128x3xf32>
    %add3A_22 = arith.addf %dot_general3A_20, %add3A_21 : vector<128x3xf32>
    %swap3A = arith.constant 0 : index
    %swap3A_23 = arith.constant 0 : index
    %swap3A_24 = vector.load %arg20[%swap3A, %swap3A_23] : memref<128x3xf32, #tpu.memory_space<vmem>>, vector<128x3xf32>
    tpu.vector_store %arg20[%swap3A, %swap3A_23], %add3A_22 {strides = array<i32>} : memref<128x3xf32, #tpu.memory_space<vmem>>, vector<128x3xf32>,
    %get3A_25 = arith.constant 0 : index
    %get3A_26 = arith.constant 0 : index
    %get3A_27 = vector.load %arg6[%get3A_25, %get3A_26] : memref<1024x256xf32, #tpu.memory_space<vmem>>, vector<1024x256xf32>
    %get3A_28 = arith.constant 0 : index
    %get3A_29 = arith.constant 0 : index
    %get3A_30 = vector.load %arg7[%get3A_28, %get3A_29] : memref<1x256xf32, #tpu.memory_space<vmem>>, vector<1x256xf32>
    %get3A_31 = arith.constant 0 : index
    %get3A_32 = arith.constant 0 : index
    %get3A_33 = vector.load %arg8[%get3A_31, %get3A_32] : memref<256x3xf32, #tpu.memory_space<vmem>>, vector<256x3xf32>
    %get3A_34 = arith.constant 0 : index
    %get3A_35 = arith.constant 0 : index
    %get3A_36 = vector.load %arg9[%get3A_34, %get3A_35] : memref<1x3xf32, #tpu.memory_space<vmem>>, vector<1x3xf32>
    %dot_general3A_37 = arith.constant dense<0.000000e+00> : vector<128x256xf32>
    %dot_general3A_38 = tpu.matmul %get3A_4, %get3A_27, %dot_general3A_37 {dimension_numbers = #tpu.dot_dimension_numbers<[1], [0], [0], [1], [0, 0, 1, 1], [], []>, transpose_lhs_hint = false} : vector<128x1024xf32>, vector<1024x256xf32>, vector<128x256xf32> -> vector<128x256xf32>
    %add3A_39 = vector.broadcast %get3A_30 : vector<1x256xf32> to vector<128x256xf32>
    %add3A_40 = arith.addf %dot_general3A_38, %add3A_39 : vector<128x256xf32>
    %tanh3A_41 = math.tanh %add3A_40 : vector<128x256xf32>
    %dot_general3A_42 = arith.constant dense<0.000000e+00> : vector<128x3xf32>
    %dot_general3A_43 = tpu.matmul %tanh3A_41, %get3A_33, %dot_general3A_42 {dimension_numbers = #tpu.dot_dimension_numbers<[1], [0], [0], [1], [0, 0, 1, 1], [], []>, transpose_lhs_hint = false} : vector<128x256xf32>, vector<256x3xf32>, vector<128x3xf32> -> vector<128x3xf32>
    %add3A_44 = vector.broadcast %get3A_36 : vector<1x3xf32> to vector<128x3xf32>
    %add3A_45 = arith.addf %dot_general3A_43, %add3A_44 : vector<128x3xf32>
    %swap3A_46 = arith.constant 0 : index
    %swap3A_47 = arith.constant 0 : index
    %swap3A_48 = vector.load %arg21[%swap3A_46, %swap3A_47] : memref<128x3xf32, #tpu.memory_space<vmem>>, vector<128x3xf32>
    tpu.vector_store %arg21[%swap3A_46, %swap3A_47], %add3A_45 {strides = array<i32>} : memref<128x3xf32, #tpu.memory_space<vmem>>, vector<128x3xf32>,
    %get3A_49 = arith.constant 0 : index
    %get3A_50 = arith.constant 0 : index
    %get3A_51 = vector.load %arg10[%get3A_49, %get3A_50] : memref<7x256xf32, #tpu.memory_space<vmem>>, vector<7x256xf32>
    %get3A_52 = arith.constant 0 : index
    %get3A_53 = arith.constant 0 : index
    %get3A_54 = vector.load %arg11[%get3A_52, %get3A_53] : memref<1x256xf32, #tpu.memory_space<vmem>>, vector<1x256xf32>
    %get3A_55 = arith.constant 0 : index
    %get3A_56 = arith.constant 0 : index
    %get3A_57 = vector.load %arg12[%get3A_55, %get3A_56] : memref<256x3xf32, #tpu.memory_space<vmem>>, vector<256x3xf32>
    %get3A_58 = arith.constant 0 : index
    %get3A_59 = arith.constant 0 : index
    %get3A_60 = vector.load %arg13[%get3A_58, %get3A_59] : memref<1x3xf32, #tpu.memory_space<vmem>>, vector<1x3xf32>
    %dot_general3A_61 = arith.constant dense<0.000000e+00> : vector<128x256xf32>
    %dot_general3A_62 = tpu.matmul %get3A_1, %get3A_51, %dot_general3A_61 {dimension_numbers = #tpu.dot_dimension_numbers<[1], [0], [0], [1], [0, 0, 1, 1], [], []>, transpose_lhs_hint = false} : vector<128x7xf32>, vector<7x256xf32>, vector<128x256xf32> -> vector<128x256xf32>
    %add3A_63 = vector.broadcast %get3A_54 : vector<1x256xf32> to vector<128x256xf32>
    %add3A_64 = arith.addf %dot_general3A_62, %add3A_63 : vector<128x256xf32>
    %tanh3A_65 = math.tanh %add3A_64 : vector<128x256xf32>
    %dot_general3A_66 = arith.constant dense<0.000000e+00> : vector<128x3xf32>
    %dot_general3A_67 = tpu.matmul %tanh3A_65, %get3A_57, %dot_general3A_66 {dimension_numbers = #tpu.dot_dimension_numbers<[1], [0], [0], [1], [0, 0, 1, 1], [], []>, transpose_lhs_hint = false} : vector<128x256xf32>, vector<256x3xf32>, vector<128x3xf32> -> vector<128x3xf32>
    %add3A_68 = vector.broadcast %get3A_60 : vector<1x3xf32> to vector<128x3xf32>
    %add3A_69 = arith.addf %dot_general3A_67, %add3A_68 : vector<128x3xf32>
    %swap3A_70 = arith.constant 0 : index
    %swap3A_71 = arith.constant 0 : index
    %swap3A_72 = vector.load %arg22[%swap3A_70, %swap3A_71] : memref<128x3xf32, #tpu.memory_space<vmem>>, vector<128x3xf32>
    tpu.vector_store %arg22[%swap3A_70, %swap3A_71], %add3A_69 {strides = array<i32>} : memref<128x3xf32, #tpu.memory_space<vmem>>, vector<128x3xf32>,
    %get3A_73 = arith.constant 0 : index
    %get3A_74 = arith.constant 0 : index
    %get3A_75 = vector.load %arg14[%get3A_73, %get3A_74] : memref<1024x256xf32, #tpu.memory_space<vmem>>, vector<1024x256xf32>
    %get3A_76 = arith.constant 0 : index
    %get3A_77 = arith.constant 0 : index
    %get3A_78 = vector.load %arg15[%get3A_76, %get3A_77] : memref<1x256xf32, #tpu.memory_space<vmem>>, vector<1x256xf32>
    %get3A_79 = arith.constant 0 : index
    %get3A_80 = arith.constant 0 : index
    %get3A_81 = vector.load %arg16[%get3A_79, %get3A_80] : memref<256x3xf32, #tpu.memory_space<vmem>>, vector<256x3xf32>
    %get3A_82 = arith.constant 0 : index
    %get3A_83 = arith.constant 0 : index
    %get3A_84 = vector.load %arg17[%get3A_82, %get3A_83] : memref<1x3xf32, #tpu.memory_space<vmem>>, vector<1x3xf32>
    %dot_general3A_85 = arith.constant dense<0.000000e+00> : vector<128x256xf32>
    %dot_general3A_86 = tpu.matmul %get3A_4, %get3A_75, %dot_general3A_85 {dimension_numbers = #tpu.dot_dimension_numbers<[1], [0], [0], [1], [0, 0, 1, 1], [], []>, transpose_lhs_hint = false} : vector<128x1024xf32>, vector<1024x256xf32>, vector<128x256xf32> -> vector<128x256xf32>
    %add3A_87 = vector.broadcast %get3A_78 : vector<1x256xf32> to vector<128x256xf32>
    %add3A_88 = arith.addf %dot_general3A_86, %add3A_87 : vector<128x256xf32>
    %tanh3A_89 = math.tanh %add3A_88 : vector<128x256xf32>
    %dot_general3A_90 = arith.constant dense<0.000000e+00> : vector<128x3xf32>
    %dot_general3A_91 = tpu.matmul %tanh3A_89, %get3A_81, %dot_general3A_90 {dimension_numbers = #tpu.dot_dimension_numbers<[1], [0], [0], [1], [0, 0, 1, 1], [], []>, transpose_lhs_hint = false} : vector<128x256xf32>, vector<256x3xf32>, vector<128x3xf32> -> vector<128x3xf32>
    %add3A_92 = vector.broadcast %get3A_84 : vector<1x3xf32> to vector<128x3xf32>
    %add3A_93 = arith.addf %dot_general3A_91, %add3A_92 : vector<128x3xf32>
    %swap3A_94 = arith.constant 0 : index
    %swap3A_95 = arith.constant 0 : index
    %swap3A_96 = vector.load %arg23[%swap3A_94, %swap3A_95] : memref<128x3xf32, #tpu.memory_space<vmem>>, vector<128x3xf32>
    tpu.vector_store %arg23[%swap3A_94, %swap3A_95], %add3A_93 {strides = array<i32>} : memref<128x3xf32, #tpu.memory_space<vmem>>, vector<128x3xf32>,
    %get3A_97 = arith.constant 0 : index
    %get3A_98 = arith.constant 0 : index
    %get3A_99 = vector.load %arg18[%get3A_97, %get3A_98] : memref<1024x2xf32, #tpu.memory_space<vmem>>, vector<1024x2xf32>
    %dot_general3A_100 = arith.constant dense<0.000000e+00> : vector<128x2xf32>
    %dot_general3A_101 = tpu.matmul %get3A_4, %get3A_99, %dot_general3A_100 {dimension_numbers = #tpu.dot_dimension_numbers<[1], [0], [0], [1], [0, 0, 1, 1], [], []>, transpose_lhs_hint = false} : vector<128x1024xf32>, vector<1024x2xf32>, vector<128x2xf32> -> vector<128x2xf32>
    %get3A_102 = arith.constant 0 : index
    %get3A_103 = arith.constant 0 : index
    %get3A_104 = vector.load %arg19[%get3A_102, %get3A_103] : memref<1x2xf32, #tpu.memory_space<vmem>>, vector<1x2xf32>
    %add3A_105 = vector.broadcast %get3A_104 : vector<1x2xf32> to vector<128x2xf32>
    %add3A_106 = arith.addf %dot_general3A_101, %add3A_105 : vector<128x2xf32>
    %reduce_max3A = arith.constant dense<0xFF800000> : vector<128xf32>
    %reduce_max3A_107 = vector.multi_reduction <maximumf>, %add3A_106, %reduce_max3A [1] : vector<128x2xf32> to vector<128xf32>
    %broadcast_in_dim3A = vector.shape_cast %reduce_max3A_107 : vector<128xf32> to vector<128x1xf32>
    %sub3A = vector.broadcast %broadcast_in_dim3A : vector<128x1xf32> to vector<128x2xf32>
    %sub3A_108 = arith.subf %add3A_106, %sub3A : vector<128x2xf32>
    %exp3A = math.exp %sub3A_108 : vector<128x2xf32>
    %reduce_sum3A = arith.constant dense<0.000000e+00> : vector<128xf32>
    %reduce_sum3A_109 = vector.multi_reduction <add>, %exp3A, %reduce_sum3A [1] : vector<128x2xf32> to vector<128xf32>
    %broadcast_in_dim3A_110 = vector.shape_cast %reduce_sum3A_109 : vector<128xf32> to vector<128x1xf32>
    %log3A = math.log %broadcast_in_dim3A_110 : vector<128x1xf32>
    %add3A_111 = arith.addf %log3A, %broadcast_in_dim3A : vector<128x1xf32>
    %sub3A_112 = vector.broadcast %add3A_111 : vector<128x1xf32> to vector<128x2xf32>
    %sub3A_113 = arith.subf %add3A_106, %sub3A_112 : vector<128x2xf32>
    %swap3A_114 = arith.constant 0 : index
    %swap3A_115 = arith.constant 0 : index
    %swap3A_116 = vector.load %arg24[%swap3A_114, %swap3A_115] : memref<128x2xf32, #tpu.memory_space<vmem>>, vector<128x2xf32>
    tpu.vector_store %arg24[%swap3A_114, %swap3A_115], %sub3A_113 {strides = array<i32>} : memref<128x2xf32, #tpu.memory_space<vmem>>, vector<128x2xf32>,
    return
  }
}

module attributes {stable_mosaic.version = 14 : i64} {
  func.func @_sampler_body(%arg0: i32, %arg1: memref<16384x128xf32, #tpu.memory_space<vmem>>, %arg2: memref<64x128xi32, #tpu.memory_space<vmem>>) attributes {dimension_semantics = [#tpu.dimension_semantics<parallel>], iteration_bounds = array<i64: 128>, scalar_prefetch = 0 : i64, scratch_operands = 0 : i64, tpu.core_type = #tpu.core_type<tc>, window_params = [{pipeline_mode = #tpu.pipeline_mode<synchronous>, transform_indices = @transform_0, window_bounds = array<i64: 16384, 128>}, {transform_indices = @transform_1, window_bounds = array<i64: 64, 128>}]} {
    %mul3A = arith.constant 64 : i32
    %mul3A_0 = arith.muli %arg0, %mul3A : i32
    %iota3A = tpu.iota {dimensions = array<i32: 0>} : vector<64x128xi32>
    %iota3A_1 = tpu.iota {dimensions = array<i32: 1>} : vector<64x128xi32>
    %shift_right_arithmetic3A = arith.constant 11 : i32
    %shift_right_arithmetic3A_2 = arith.shrsi %mul3A_0, %shift_right_arithmetic3A : i32
    %broadcast_in_dim3A = arith.constant 0 : i32
    %broadcast_in_dim3A_3 = vector.broadcast %broadcast_in_dim3A : i32 to vector<64x128xi32>
    %add3A = arith.constant -1829035798 : i32
    %add3A_4 = arith.addi %shift_right_arithmetic3A_2, %add3A : i32
    %add3A_5 = vector.broadcast %add3A_4 : i32 to vector<64x128xi32>
    %add3A_6 = arith.addi %broadcast_in_dim3A_3, %add3A_5 : vector<64x128xi32>
    %and3A = arith.constant 2047 : i32
    %and3A_7 = arith.andi %mul3A_0, %and3A : i32
    %add3A_8 = vector.broadcast %and3A_7 : i32 to vector<64x128xi32>
    %add3A_9 = arith.addi %iota3A, %add3A_8 : vector<64x128xi32>
    %shift_left3A = arith.constant 21 : i32
    %shift_left3A_10 = vector.broadcast %shift_left3A : i32 to vector<64x128xi32>
    %shift_left3A_11 = arith.shli %add3A_9, %shift_left3A_10 : vector<64x128xi32>
    %shift_left3A_12 = arith.constant 14 : i32
    %shift_left3A_13 = vector.broadcast %shift_left3A_12 : i32 to vector<64x128xi32>
    %shift_left3A_14 = arith.shli %iota3A_1, %shift_left3A_13 : vector<64x128xi32>
    %add3A_15 = arith.addi %shift_left3A_11, %shift_left3A_14 : vector<64x128xi32>
    %add3A_16 = arith.constant 255383827 : i32
    %add3A_17 = vector.broadcast %add3A_16 : i32 to vector<64x128xi32>
    %add3A_18 = arith.addi %add3A_15, %add3A_17 : vector<64x128xi32>
    %broadcast_in_dim3A_19 = arith.constant 3.000000e+38 : f32
    %broadcast_in_dim3A_20 = vector.broadcast %broadcast_in_dim3A_19 : f32 to vector<64x128xf32>
    %broadcast_in_dim3A_21 = arith.constant 0 : i32
    %broadcast_in_dim3A_22 = vector.broadcast %broadcast_in_dim3A_21 : i32 to vector<64x128xi32>
    %scan3A = arith.constant 0 : i32
    %scan3A_23 = arith.constant 2048 : i32
    %scan3A_24 = arith.addi %scan3A, %scan3A_23 : i32
    %scan3A_25 = arith.constant 2 : i32
    %scan3A_26:2 = scf.for %scan3A_30 = %scan3A to %scan3A_24 step %scan3A_25 iter_args(%scan3A_31 = %broadcast_in_dim3A_20, %scan3A_32 = %broadcast_in_dim3A_22) -> (vector<64x128xf32>, vector<64x128xi32>)  : i32 {
      %mul3A_33 = arith.constant 8 : i32
      %mul3A_34 = arith.muli %scan3A_30, %mul3A_33 : i32
      %multiple_of3A = tpu.assume_multiple %mul3A_34, 8 : i32
      %get3A = arith.index_cast %multiple_of3A : i32 to index
      %get3A_35 = arith.constant 0 : index
      %get3A_36 = vector.load %arg1[%get3A, %get3A_35] : memref<16384x128xf32, #tpu.memory_space<vmem>>, vector<8x128xf32>
      %add3A_37 = arith.constant 0 : i32
      %add3A_38 = arith.addi %mul3A_34, %add3A_37 : i32
      %add3A_39 = vector.broadcast %add3A_38 : i32 to vector<64x128xi32>
      %add3A_40 = arith.addi %add3A_18, %add3A_39 : vector<64x128xi32>
      %add3A_41 = arith.addi %add3A_6, %add3A_40 : vector<64x128xi32>
      %shift_left3A_42 = arith.constant 13 : i32
      %shift_left3A_43 = vector.broadcast %shift_left3A_42 : i32 to vector<64x128xi32>
      %shift_left3A_44 = arith.shli %add3A_40, %shift_left3A_43 : vector<64x128xi32>
      %shift_right_logical3A = arith.constant 19 : i32
      %shift_right_logical3A_45 = vector.broadcast %shift_right_logical3A : i32 to vector<64x128xi32>
      %shift_right_logical3A_46 = arith.shrui %add3A_40, %shift_right_logical3A_45 : vector<64x128xi32>
      %or3A = arith.ori %shift_left3A_44, %shift_right_logical3A_46 : vector<64x128xi32>
      %xor3A = arith.xori %or3A, %add3A_41 : vector<64x128xi32>
      %add3A_47 = arith.addi %add3A_41, %xor3A : vector<64x128xi32>
      %shift_left3A_48 = arith.constant 15 : i32
      %shift_left3A_49 = vector.broadcast %shift_left3A_48 : i32 to vector<64x128xi32>
      %shift_left3A_50 = arith.shli %xor3A, %shift_left3A_49 : vector<64x128xi32>
      %shift_right_logical3A_51 = arith.constant 17 : i32
      %shift_right_logical3A_52 = vector.broadcast %shift_right_logical3A_51 : i32 to vector<64x128xi32>
      %shift_right_logical3A_53 = arith.shrui %xor3A, %shift_right_logical3A_52 : vector<64x128xi32>
      %or3A_54 = arith.ori %shift_left3A_50, %shift_right_logical3A_53 : vector<64x128xi32>
      %xor3A_55 = arith.xori %or3A_54, %add3A_47 : vector<64x128xi32>
      %add3A_56 = arith.addi %add3A_47, %xor3A_55 : vector<64x128xi32>
      %shift_left3A_57 = arith.constant 26 : i32
      %shift_left3A_58 = vector.broadcast %shift_left3A_57 : i32 to vector<64x128xi32>
      %shift_left3A_59 = arith.shli %xor3A_55, %shift_left3A_58 : vector<64x128xi32>
      %shift_right_logical3A_60 = arith.constant 6 : i32
      %shift_right_logical3A_61 = vector.broadcast %shift_right_logical3A_60 : i32 to vector<64x128xi32>
      %shift_right_logical3A_62 = arith.shrui %xor3A_55, %shift_right_logical3A_61 : vector<64x128xi32>
      %or3A_63 = arith.ori %shift_left3A_59, %shift_right_logical3A_62 : vector<64x128xi32>
      %xor3A_64 = arith.xori %or3A_63, %add3A_56 : vector<64x128xi32>
      %add3A_65 = arith.addi %add3A_56, %xor3A_64 : vector<64x128xi32>
      %shift_left3A_66 = arith.constant 6 : i32
      %shift_left3A_67 = vector.broadcast %shift_left3A_66 : i32 to vector<64x128xi32>
      %shift_left3A_68 = arith.shli %xor3A_64, %shift_left3A_67 : vector<64x128xi32>
      %shift_right_logical3A_69 = arith.constant 26 : i32
      %shift_right_logical3A_70 = vector.broadcast %shift_right_logical3A_69 : i32 to vector<64x128xi32>
      %shift_right_logical3A_71 = arith.shrui %xor3A_64, %shift_right_logical3A_70 : vector<64x128xi32>
      %or3A_72 = arith.ori %shift_left3A_68, %shift_right_logical3A_71 : vector<64x128xi32>
      %xor3A_73 = arith.xori %or3A_72, %add3A_65 : vector<64x128xi32>
      %add3A_74 = arith.constant 255383827 : i32
      %add3A_75 = vector.broadcast %add3A_74 : i32 to vector<64x128xi32>
      %add3A_76 = arith.addi %add3A_65, %add3A_75 : vector<64x128xi32>
      %add3A_77 = arith.constant -2045582812 : i32
      %add3A_78 = vector.broadcast %add3A_77 : i32 to vector<64x128xi32>
      %add3A_79 = arith.addi %xor3A_73, %add3A_78 : vector<64x128xi32>
      %add3A_80 = arith.addi %add3A_76, %add3A_79 : vector<64x128xi32>
      %shift_left3A_81 = arith.constant 17 : i32
      %shift_left3A_82 = vector.broadcast %shift_left3A_81 : i32 to vector<64x128xi32>
      %shift_left3A_83 = arith.shli %add3A_79, %shift_left3A_82 : vector<64x128xi32>
      %shift_right_logical3A_84 = arith.constant 15 : i32
      %shift_right_logical3A_85 = vector.broadcast %shift_right_logical3A_84 : i32 to vector<64x128xi32>
      %shift_right_logical3A_86 = arith.shrui %add3A_79, %shift_right_logical3A_85 : vector<64x128xi32>
      %or3A_87 = arith.ori %shift_left3A_83, %shift_right_logical3A_86 : vector<64x128xi32>
      %xor3A_88 = arith.xori %or3A_87, %add3A_80 : vector<64x128xi32>
      %add3A_89 = arith.addi %add3A_80, %xor3A_88 : vector<64x128xi32>
      %shift_left3A_90 = arith.constant 29 : i32
      %shift_left3A_91 = vector.broadcast %shift_left3A_90 : i32 to vector<64x128xi32>
      %shift_left3A_92 = arith.shli %xor3A_88, %shift_left3A_91 : vector<64x128xi32>
      %shift_right_logical3A_93 = arith.constant 3 : i32
      %shift_right_logical3A_94 = vector.broadcast %shift_right_logical3A_93 : i32 to vector<64x128xi32>
      %shift_right_logical3A_95 = arith.shrui %xor3A_88, %shift_right_logical3A_94 : vector<64x128xi32>
      %or3A_96 = arith.ori %shift_left3A_92, %shift_right_logical3A_95 : vector<64x128xi32>
      %xor3A_97 = arith.xori %or3A_96, %add3A_89 : vector<64x128xi32>
      %add3A_98 = arith.addi %add3A_89, %xor3A_97 : vector<64x128xi32>
      %shift_left3A_99 = arith.constant 16 : i32
      %shift_left3A_100 = vector.broadcast %shift_left3A_99 : i32 to vector<64x128xi32>
      %shift_left3A_101 = arith.shli %xor3A_97, %shift_left3A_100 : vector<64x128xi32>
      %shift_right_logical3A_102 = arith.constant 16 : i32
      %shift_right_logical3A_103 = vector.broadcast %shift_right_logical3A_102 : i32 to vector<64x128xi32>
      %shift_right_logical3A_104 = arith.shrui %xor3A_97, %shift_right_logical3A_103 : vector<64x128xi32>
      %or3A_105 = arith.ori %shift_left3A_101, %shift_right_logical3A_104 : vector<64x128xi32>
      %xor3A_106 = arith.xori %or3A_105, %add3A_98 : vector<64x128xi32>
      %add3A_107 = arith.addi %add3A_98, %xor3A_106 : vector<64x128xi32>
      %shift_left3A_108 = arith.constant 24 : i32
      %shift_left3A_109 = vector.broadcast %shift_left3A_108 : i32 to vector<64x128xi32>
      %shift_left3A_110 = arith.shli %xor3A_106, %shift_left3A_109 : vector<64x128xi32>
      %shift_right_logical3A_111 = arith.constant 8 : i32
      %shift_right_logical3A_112 = vector.broadcast %shift_right_logical3A_111 : i32 to vector<64x128xi32>
      %shift_right_logical3A_113 = arith.shrui %xor3A_106, %shift_right_logical3A_112 : vector<64x128xi32>
      %or3A_114 = arith.ori %shift_left3A_110, %shift_right_logical3A_113 : vector<64x128xi32>
      %xor3A_115 = arith.xori %or3A_114, %add3A_107 : vector<64x128xi32>
      %add3A_116 = arith.constant -2045582813 : i32
      %add3A_117 = vector.broadcast %add3A_116 : i32 to vector<64x128xi32>
      %add3A_118 = arith.addi %add3A_107, %add3A_117 : vector<64x128xi32>
      %add3A_119 = arith.constant -1829035796 : i32
      %add3A_120 = vector.broadcast %add3A_119 : i32 to vector<64x128xi32>
      %add3A_121 = arith.addi %xor3A_115, %add3A_120 : vector<64x128xi32>
      %add3A_122 = arith.addi %add3A_118, %add3A_121 : vector<64x128xi32>
      %shift_left3A_123 = arith.constant 13 : i32
      %shift_left3A_124 = vector.broadcast %shift_left3A_123 : i32 to vector<64x128xi32>
      %shift_left3A_125 = arith.shli %add3A_121, %shift_left3A_124 : vector<64x128xi32>
      %shift_right_logical3A_126 = arith.constant 19 : i32
      %shift_right_logical3A_127 = vector.broadcast %shift_right_logical3A_126 : i32 to vector<64x128xi32>
      %shift_right_logical3A_128 = arith.shrui %add3A_121, %shift_right_logical3A_127 : vector<64x128xi32>
      %or3A_129 = arith.ori %shift_left3A_125, %shift_right_logical3A_128 : vector<64x128xi32>
      %xor3A_130 = arith.xori %or3A_129, %add3A_122 : vector<64x128xi32>
      %add3A_131 = arith.addi %add3A_122, %xor3A_130 : vector<64x128xi32>
      %shift_left3A_132 = arith.constant 15 : i32
      %shift_left3A_133 = vector.broadcast %shift_left3A_132 : i32 to vector<64x128xi32>
      %shift_left3A_134 = arith.shli %xor3A_130, %shift_left3A_133 : vector<64x128xi32>
      %shift_right_logical3A_135 = arith.constant 17 : i32
      %shift_right_logical3A_136 = vector.broadcast %shift_right_logical3A_135 : i32 to vector<64x128xi32>
      %shift_right_logical3A_137 = arith.shrui %xor3A_130, %shift_right_logical3A_136 : vector<64x128xi32>
      %or3A_138 = arith.ori %shift_left3A_134, %shift_right_logical3A_137 : vector<64x128xi32>
      %xor3A_139 = arith.xori %or3A_138, %add3A_131 : vector<64x128xi32>
      %add3A_140 = arith.addi %add3A_131, %xor3A_139 : vector<64x128xi32>
      %shift_left3A_141 = arith.constant 26 : i32
      %shift_left3A_142 = vector.broadcast %shift_left3A_141 : i32 to vector<64x128xi32>
      %shift_left3A_143 = arith.shli %xor3A_139, %shift_left3A_142 : vector<64x128xi32>
      %shift_right_logical3A_144 = arith.constant 6 : i32
      %shift_right_logical3A_145 = vector.broadcast %shift_right_logical3A_144 : i32 to vector<64x128xi32>
      %shift_right_logical3A_146 = arith.shrui %xor3A_139, %shift_right_logical3A_145 : vector<64x128xi32>
      %or3A_147 = arith.ori %shift_left3A_143, %shift_right_logical3A_146 : vector<64x128xi32>
      %xor3A_148 = arith.xori %or3A_147, %add3A_140 : vector<64x128xi32>
      %add3A_149 = arith.addi %add3A_140, %xor3A_148 : vector<64x128xi32>
      %shift_left3A_150 = arith.constant 6 : i32
      %shift_left3A_151 = vector.broadcast %shift_left3A_150 : i32 to vector<64x128xi32>
      %shift_left3A_152 = arith.shli %xor3A_148, %shift_left3A_151 : vector<64x128xi32>
      %shift_right_logical3A_153 = arith.constant 26 : i32
      %shift_right_logical3A_154 = vector.broadcast %shift_right_logical3A_153 : i32 to vector<64x128xi32>
      %shift_right_logical3A_155 = arith.shrui %xor3A_148, %shift_right_logical3A_154 : vector<64x128xi32>
      %or3A_156 = arith.ori %shift_left3A_152, %shift_right_logical3A_155 : vector<64x128xi32>
      %xor3A_157 = arith.xori %or3A_156, %add3A_149 : vector<64x128xi32>
      %add3A_158 = arith.constant -1829035798 : i32
      %add3A_159 = vector.broadcast %add3A_158 : i32 to vector<64x128xi32>
      %add3A_160 = arith.addi %add3A_149, %add3A_159 : vector<64x128xi32>
      %add3A_161 = arith.constant 255383830 : i32
      %add3A_162 = vector.broadcast %add3A_161 : i32 to vector<64x128xi32>
      %add3A_163 = arith.addi %xor3A_157, %add3A_162 : vector<64x128xi32>
      %add3A_164 = arith.addi %add3A_160, %add3A_163 : vector<64x128xi32>
      %shift_left3A_165 = arith.constant 17 : i32
      %shift_left3A_166 = vector.broadcast %shift_left3A_165 : i32 to vector<64x128xi32>
      %shift_left3A_167 = arith.shli %add3A_163, %shift_left3A_166 : vector<64x128xi32>
      %shift_right_logical3A_168 = arith.constant 15 : i32
      %shift_right_logical3A_169 = vector.broadcast %shift_right_logical3A_168 : i32 to vector<64x128xi32>
      %shift_right_logical3A_170 = arith.shrui %add3A_163, %shift_right_logical3A_169 : vector<64x128xi32>
      %or3A_171 = arith.ori %shift_left3A_167, %shift_right_logical3A_170 : vector<64x128xi32>
      %xor3A_172 = arith.xori %or3A_171, %add3A_164 : vector<64x128xi32>
      %add3A_173 = arith.addi %add3A_164, %xor3A_172 : vector<64x128xi32>
      %shift_left3A_174 = arith.constant 29 : i32
      %shift_left3A_175 = vector.broadcast %shift_left3A_174 : i32 to vector<64x128xi32>
      %shift_left3A_176 = arith.shli %xor3A_172, %shift_left3A_175 : vector<64x128xi32>
      %shift_right_logical3A_177 = arith.constant 3 : i32
      %shift_right_logical3A_178 = vector.broadcast %shift_right_logical3A_177 : i32 to vector<64x128xi32>
      %shift_right_logical3A_179 = arith.shrui %xor3A_172, %shift_right_logical3A_178 : vector<64x128xi32>
      %or3A_180 = arith.ori %shift_left3A_176, %shift_right_logical3A_179 : vector<64x128xi32>
      %xor3A_181 = arith.xori %or3A_180, %add3A_173 : vector<64x128xi32>
      %add3A_182 = arith.addi %add3A_173, %xor3A_181 : vector<64x128xi32>
      %shift_left3A_183 = arith.constant 16 : i32
      %shift_left3A_184 = vector.broadcast %shift_left3A_183 : i32 to vector<64x128xi32>
      %shift_left3A_185 = arith.shli %xor3A_181, %shift_left3A_184 : vector<64x128xi32>
      %shift_right_logical3A_186 = arith.constant 16 : i32
      %shift_right_logical3A_187 = vector.broadcast %shift_right_logical3A_186 : i32 to vector<64x128xi32>
      %shift_right_logical3A_188 = arith.shrui %xor3A_181, %shift_right_logical3A_187 : vector<64x128xi32>
      %or3A_189 = arith.ori %shift_left3A_185, %shift_right_logical3A_188 : vector<64x128xi32>
      %xor3A_190 = arith.xori %or3A_189, %add3A_182 : vector<64x128xi32>
      %add3A_191 = arith.addi %add3A_182, %xor3A_190 : vector<64x128xi32>
      %shift_left3A_192 = arith.constant 24 : i32
      %shift_left3A_193 = vector.broadcast %shift_left3A_192 : i32 to vector<64x128xi32>
      %shift_left3A_194 = arith.shli %xor3A_190, %shift_left3A_193 : vector<64x128xi32>
      %shift_right_logical3A_195 = arith.constant 8 : i32
      %shift_right_logical3A_196 = vector.broadcast %shift_right_logical3A_195 : i32 to vector<64x128xi32>
      %shift_right_logical3A_197 = arith.shrui %xor3A_190, %shift_right_logical3A_196 : vector<64x128xi32>
      %or3A_198 = arith.ori %shift_left3A_194, %shift_right_logical3A_197 : vector<64x128xi32>
      %xor3A_199 = arith.xori %or3A_198, %add3A_191 : vector<64x128xi32>
      %add3A_200 = arith.constant 255383827 : i32
      %add3A_201 = vector.broadcast %add3A_200 : i32 to vector<64x128xi32>
      %add3A_202 = arith.addi %add3A_191, %add3A_201 : vector<64x128xi32>
      %add3A_203 = arith.constant -2045582809 : i32
      %add3A_204 = vector.broadcast %add3A_203 : i32 to vector<64x128xi32>
      %add3A_205 = arith.addi %xor3A_199, %add3A_204 : vector<64x128xi32>
      %add3A_206 = arith.addi %add3A_202, %add3A_205 : vector<64x128xi32>
      %shift_left3A_207 = arith.constant 13 : i32
      %shift_left3A_208 = vector.broadcast %shift_left3A_207 : i32 to vector<64x128xi32>
      %shift_left3A_209 = arith.shli %add3A_205, %shift_left3A_208 : vector<64x128xi32>
      %shift_right_logical3A_210 = arith.constant 19 : i32
      %shift_right_logical3A_211 = vector.broadcast %shift_right_logical3A_210 : i32 to vector<64x128xi32>
      %shift_right_logical3A_212 = arith.shrui %add3A_205, %shift_right_logical3A_211 : vector<64x128xi32>
      %or3A_213 = arith.ori %shift_left3A_209, %shift_right_logical3A_212 : vector<64x128xi32>
      %xor3A_214 = arith.xori %or3A_213, %add3A_206 : vector<64x128xi32>
      %add3A_215 = arith.addi %add3A_206, %xor3A_214 : vector<64x128xi32>
      %shift_left3A_216 = arith.constant 15 : i32
      %shift_left3A_217 = vector.broadcast %shift_left3A_216 : i32 to vector<64x128xi32>
      %shift_left3A_218 = arith.shli %xor3A_214, %shift_left3A_217 : vector<64x128xi32>
      %shift_right_logical3A_219 = arith.constant 17 : i32
      %shift_right_logical3A_220 = vector.broadcast %shift_right_logical3A_219 : i32 to vector<64x128xi32>
      %shift_right_logical3A_221 = arith.shrui %xor3A_214, %shift_right_logical3A_220 : vector<64x128xi32>
      %or3A_222 = arith.ori %shift_left3A_218, %shift_right_logical3A_221 : vector<64x128xi32>
      %xor3A_223 = arith.xori %or3A_222, %add3A_215 : vector<64x128xi32>
      %add3A_224 = arith.addi %add3A_215, %xor3A_223 : vector<64x128xi32>
      %shift_left3A_225 = arith.constant 26 : i32
      %shift_left3A_226 = vector.broadcast %shift_left3A_225 : i32 to vector<64x128xi32>
      %shift_left3A_227 = arith.shli %xor3A_223, %shift_left3A_226 : vector<64x128xi32>
      %shift_right_logical3A_228 = arith.constant 6 : i32
      %shift_right_logical3A_229 = vector.broadcast %shift_right_logical3A_228 : i32 to vector<64x128xi32>
      %shift_right_logical3A_230 = arith.shrui %xor3A_223, %shift_right_logical3A_229 : vector<64x128xi32>
      %or3A_231 = arith.ori %shift_left3A_227, %shift_right_logical3A_230 : vector<64x128xi32>
      %xor3A_232 = arith.xori %or3A_231, %add3A_224 : vector<64x128xi32>
      %add3A_233 = arith.addi %add3A_224, %xor3A_232 : vector<64x128xi32>
      %shift_left3A_234 = arith.constant 6 : i32
      %shift_left3A_235 = vector.broadcast %shift_left3A_234 : i32 to vector<64x128xi32>
      %shift_left3A_236 = arith.shli %xor3A_232, %shift_left3A_235 : vector<64x128xi32>
      %shift_right_logical3A_237 = arith.constant 26 : i32
      %shift_right_logical3A_238 = vector.broadcast %shift_right_logical3A_237 : i32 to vector<64x128xi32>
      %shift_right_logical3A_239 = arith.shrui %xor3A_232, %shift_right_logical3A_238 : vector<64x128xi32>
      %or3A_240 = arith.ori %shift_left3A_236, %shift_right_logical3A_239 : vector<64x128xi32>
      %xor3A_241 = arith.xori %or3A_240, %add3A_233 : vector<64x128xi32>
      %add3A_242 = arith.constant -2045582813 : i32
      %add3A_243 = vector.broadcast %add3A_242 : i32 to vector<64x128xi32>
      %add3A_244 = arith.addi %add3A_233, %add3A_243 : vector<64x128xi32>
      %add3A_245 = arith.constant -1829035793 : i32
      %add3A_246 = vector.broadcast %add3A_245 : i32 to vector<64x128xi32>
      %add3A_247 = arith.addi %xor3A_241, %add3A_246 : vector<64x128xi32>
      %xor3A_248 = arith.xori %add3A_244, %add3A_247 : vector<64x128xi32>
      %shift_right_logical3A_249 = arith.constant 9 : i32
      %shift_right_logical3A_250 = vector.broadcast %shift_right_logical3A_249 : i32 to vector<64x128xi32>
      %shift_right_logical3A_251 = arith.shrui %xor3A_248, %shift_right_logical3A_250 : vector<64x128xi32>
      %or3A_252 = arith.constant 1065353216 : i32
      %or3A_253 = vector.broadcast %or3A_252 : i32 to vector<64x128xi32>
      %or3A_254 = arith.ori %shift_right_logical3A_251, %or3A_253 : vector<64x128xi32>
      %bitcast_convert_type3A = tpu.bitcast %or3A_254 : vector<64x128xi32> -> vector<64x128xf32>
      %sub3A = arith.constant 1.000000e+00 : f32
      %sub3A_255 = vector.broadcast %sub3A : f32 to vector<64x128xf32>
      %sub3A_256 = arith.subf %bitcast_convert_type3A, %sub3A_255 : vector<64x128xf32>
      %log3A = math.log %sub3A_256 : vector<64x128xf32>
      %slice3A = vector.extract_strided_slice %get3A_36 {offsets = [0, 0], sizes = [1, 128], strides = [1, 1]} : vector<8x128xf32> to vector<1x128xf32>
      %broadcast_in_dim3A_257 = vector.shape_cast %slice3A : vector<1x128xf32> to vector<1x128xf32>
      %broadcast_in_dim3A_258 = vector.broadcast %broadcast_in_dim3A_257 : vector<1x128xf32> to vector<64x128xf32>
      %mul3A_259 = arith.mulf %log3A, %broadcast_in_dim3A_258 : vector<64x128xf32>
      %lt3A = arith.cmpf olt, %mul3A_259, %scan3A_31 : vector<64x128xf32>
      %select_n3A = arith.select %lt3A, %mul3A_259, %scan3A_31 : vector<64x128xi1>, vector<64x128xf32>
      %broadcast_in_dim3A_260 = vector.broadcast %add3A_38 : i32 to vector<64x128xi32>
      %select_n3A_261 = arith.select %lt3A, %broadcast_in_dim3A_260, %scan3A_32 : vector<64x128xi1>, vector<64x128xi32>
      %add3A_262 = arith.constant 1 : i32
      %add3A_263 = arith.addi %mul3A_34, %add3A_262 : i32
      %add3A_264 = vector.broadcast %add3A_263 : i32 to vector<64x128xi32>
      %add3A_265 = arith.addi %add3A_18, %add3A_264 : vector<64x128xi32>
      %add3A_266 = arith.addi %add3A_6, %add3A_265 : vector<64x128xi32>
      %shift_left3A_267 = arith.constant 13 : i32
      %shift_left3A_268 = vector.broadcast %shift_left3A_267 : i32 to vector<64x128xi32>
      %shift_left3A_269 = arith.shli %add3A_265, %shift_left3A_268 : vector<64x128xi32>
      %shift_right_logical3A_270 = arith.constant 19 : i32
      %shift_right_logical3A_271 = vector.broadcast %shift_right_logical3A_270 : i32 to vector<64x128xi32>
      %shift_right_logical3A_272 = arith.shrui %add3A_265, %shift_right_logical3A_271 : vector<64x128xi32>
      %or3A_273 = arith.ori %shift_left3A_269, %shift_right_logical3A_272 : vector<64x128xi32>
      %xor3A_274 = arith.xori %or3A_273, %add3A_266 : vector<64x128xi32>
      %add3A_275 = arith.addi %add3A_266, %xor3A_274 : vector<64x128xi32>
      %shift_left3A_276 = arith.constant 15 : i32
      %shift_left3A_277 = vector.broadcast %shift_left3A_276 : i32 to vector<64x128xi32>
      %shift_left3A_278 = arith.shli %xor3A_274, %shift_left3A_277 : vector<64x128xi32>
      %shift_right_logical3A_279 = arith.constant 17 : i32
      %shift_right_logical3A_280 = vector.broadcast %shift_right_logical3A_279 : i32 to vector<64x128xi32>
      %shift_right_logical3A_281 = arith.shrui %xor3A_274, %shift_right_logical3A_280 : vector<64x128xi32>
      %or3A_282 = arith.ori %shift_left3A_278, %shift_right_logical3A_281 : vector<64x128xi32>
      %xor3A_283 = arith.xori %or3A_282, %add3A_275 : vector<64x128xi32>
      %add3A_284 = arith.addi %add3A_275, %xor3A_283 : vector<64x128xi32>
      %shift_left3A_285 = arith.constant 26 : i32
      %shift_left3A_286 = vector.broadcast %shift_left3A_285 : i32 to vector<64x128xi32>
      %shift_left3A_287 = arith.shli %xor3A_283, %shift_left3A_286 : vector<64x128xi32>
      %shift_right_logical3A_288 = arith.constant 6 : i32
      %shift_right_logical3A_289 = vector.broadcast %shift_right_logical3A_288 : i32 to vector<64x128xi32>
      %shift_right_logical3A_290 = arith.shrui %xor3A_283, %shift_right_logical3A_289 : vector<64x128xi32>
      %or3A_291 = arith.ori %shift_left3A_287, %shift_right_logical3A_290 : vector<64x128xi32>
      %xor3A_292 = arith.xori %or3A_291, %add3A_284 : vector<64x128xi32>
      %add3A_293 = arith.addi %add3A_284, %xor3A_292 : vector<64x128xi32>
      %shift_left3A_294 = arith.constant 6 : i32
      %shift_left3A_295 = vector.broadcast %shift_left3A_294 : i32 to vector<64x128xi32>
      %shift_left3A_296 = arith.shli %xor3A_292, %shift_left3A_295 : vector<64x128xi32>
      %shift_right_logical3A_297 = arith.constant 26 : i32
      %shift_right_logical3A_298 = vector.broadcast %shift_right_logical3A_297 : i32 to vector<64x128xi32>
      %shift_right_logical3A_299 = arith.shrui %xor3A_292, %shift_right_logical3A_298 : vector<64x128xi32>
      %or3A_300 = arith.ori %shift_left3A_296, %shift_right_logical3A_299 : vector<64x128xi32>
      %xor3A_301 = arith.xori %or3A_300, %add3A_293 : vector<64x128xi32>
      %add3A_302 = arith.constant 255383827 : i32
      %add3A_303 = vector.broadcast %add3A_302 : i32 to vector<64x128xi32>
      %add3A_304 = arith.addi %add3A_293, %add3A_303 : vector<64x128xi32>
      %add3A_305 = arith.constant -2045582812 : i32
      %add3A_306 = vector.broadcast %add3A_305 : i32 to vector<64x128xi32>
      %add3A_307 = arith.addi %xor3A_301, %add3A_306 : vector<64x128xi32>
      %add3A_308 = arith.addi %add3A_304, %add3A_307 : vector<64x128xi32>
      %shift_left3A_309 = arith.constant 17 : i32
      %shift_left3A_310 = vector.broadcast %shift_left3A_309 : i32 to vector<64x128xi32>
      %shift_left3A_311 = arith.shli %add3A_307, %shift_left3A_310 : vector<64x128xi32>
      %shift_right_logical3A_312 = arith.constant 15 : i32
      %shift_right_logical3A_313 = vector.broadcast %shift_right_logical3A_312 : i32 to vector<64x128xi32>
      %shift_right_logical3A_314 = arith.shrui %add3A_307, %shift_right_logical3A_313 : vector<64x128xi32>
      %or3A_315 = arith.ori %shift_left3A_311, %shift_right_logical3A_314 : vector<64x128xi32>
      %xor3A_316 = arith.xori %or3A_315, %add3A_308 : vector<64x128xi32>
      %add3A_317 = arith.addi %add3A_308, %xor3A_316 : vector<64x128xi32>
      %shift_left3A_318 = arith.constant 29 : i32
      %shift_left3A_319 = vector.broadcast %shift_left3A_318 : i32 to vector<64x128xi32>
      %shift_left3A_320 = arith.shli %xor3A_316, %shift_left3A_319 : vector<64x128xi32>
      %shift_right_logical3A_321 = arith.constant 3 : i32
      %shift_right_logical3A_322 = vector.broadcast %shift_right_logical3A_321 : i32 to vector<64x128xi32>
      %shift_right_logical3A_323 = arith.shrui %xor3A_316, %shift_right_logical3A_322 : vector<64x128xi32>
      %or3A_324 = arith.ori %shift_left3A_320, %shift_right_logical3A_323 : vector<64x128xi32>
      %xor3A_325 = arith.xori %or3A_324, %add3A_317 : vector<64x128xi32>
      %add3A_326 = arith.addi %add3A_317, %xor3A_325 : vector<64x128xi32>
      %shift_left3A_327 = arith.constant 16 : i32
      %shift_left3A_328 = vector.broadcast %shift_left3A_327 : i32 to vector<64x128xi32>
      %shift_left3A_329 = arith.shli %xor3A_325, %shift_left3A_328 : vector<64x128xi32>
      %shift_right_logical3A_330 = arith.constant 16 : i32
      %shift_right_logical3A_331 = vector.broadcast %shift_right_logical3A_330 : i32 to vector<64x128xi32>
      %shift_right_logical3A_332 = arith.shrui %xor3A_325, %shift_right_logical3A_331 : vector<64x128xi32>
      %or3A_333 = arith.ori %shift_left3A_329, %shift_right_logical3A_332 : vector<64x128xi32>
      %xor3A_334 = arith.xori %or3A_333, %add3A_326 : vector<64x128xi32>
      %add3A_335 = arith.addi %add3A_326, %xor3A_334 : vector<64x128xi32>
      %shift_left3A_336 = arith.constant 24 : i32
      %shift_left3A_337 = vector.broadcast %shift_left3A_336 : i32 to vector<64x128xi32>
      %shift_left3A_338 = arith.shli %xor3A_334, %shift_left3A_337 : vector<64x128xi32>
      %shift_right_logical3A_339 = arith.constant 8 : i32
      %shift_right_logical3A_340 = vector.broadcast %shift_right_logical3A_339 : i32 to vector<64x128xi32>
      %shift_right_logical3A_341 = arith.shrui %xor3A_334, %shift_right_logical3A_340 : vector<64x128xi32>
      %or3A_342 = arith.ori %shift_left3A_338, %shift_right_logical3A_341 : vector<64x128xi32>
      %xor3A_343 = arith.xori %or3A_342, %add3A_335 : vector<64x128xi32>
      %add3A_344 = arith.constant -2045582813 : i32
      %add3A_345 = vector.broadcast %add3A_344 : i32 to vector<64x128xi32>
      %add3A_346 = arith.addi %add3A_335, %add3A_345 : vector<64x128xi32>
      %add3A_347 = arith.constant -1829035796 : i32
      %add3A_348 = vector.broadcast %add3A_347 : i32 to vector<64x128xi32>
      %add3A_349 = arith.addi %xor3A_343, %add3A_348 : vector<64x128xi32>
      %add3A_350 = arith.addi %add3A_346, %add3A_349 : vector<64x128xi32>
      %shift_left3A_351 = arith.constant 13 : i32
      %shift_left3A_352 = vector.broadcast %shift_left3A_351 : i32 to vector<64x128xi32>
      %shift_left3A_353 = arith.shli %add3A_349, %shift_left3A_352 : vector<64x128xi32>
      %shift_right_logical3A_354 = arith.constant 19 : i32
      %shift_right_logical3A_355 = vector.broadcast %shift_right_logical3A_354 : i32 to vector<64x128xi32>
      %shift_right_logical3A_356 = arith.shrui %add3A_349, %shift_right_logical3A_355 : vector<64x128xi32>
      %or3A_357 = arith.ori %shift_left3A_353, %shift_right_logical3A_356 : vector<64x128xi32>
      %xor3A_358 = arith.xori %or3A_357, %add3A_350 : vector<64x128xi32>
      %add3A_359 = arith.addi %add3A_350, %xor3A_358 : vector<64x128xi32>
      %shift_left3A_360 = arith.constant 15 : i32
      %shift_left3A_361 = vector.broadcast %shift_left3A_360 : i32 to vector<64x128xi32>
      %shift_left3A_362 = arith.shli %xor3A_358, %shift_left3A_361 : vector<64x128xi32>
      %shift_right_logical3A_363 = arith.constant 17 : i32
      %shift_right_logical3A_364 = vector.broadcast %shift_right_logical3A_363 : i32 to vector<64x128xi32>
      %shift_right_logical3A_365 = arith.shrui %xor3A_358, %shift_right_logical3A_364 : vector<64x128xi32>
      %or3A_366 = arith.ori %shift_left3A_362, %shift_right_logical3A_365 : vector<64x128xi32>
      %xor3A_367 = arith.xori %or3A_366, %add3A_359 : vector<64x128xi32>
      %add3A_368 = arith.addi %add3A_359, %xor3A_367 : vector<64x128xi32>
      %shift_left3A_369 = arith.constant 26 : i32
      %shift_left3A_370 = vector.broadcast %shift_left3A_369 : i32 to vector<64x128xi32>
      %shift_left3A_371 = arith.shli %xor3A_367, %shift_left3A_370 : vector<64x128xi32>
      %shift_right_logical3A_372 = arith.constant 6 : i32
      %shift_right_logical3A_373 = vector.broadcast %shift_right_logical3A_372 : i32 to vector<64x128xi32>
      %shift_right_logical3A_374 = arith.shrui %xor3A_367, %shift_right_logical3A_373 : vector<64x128xi32>
      %or3A_375 = arith.ori %shift_left3A_371, %shift_right_logical3A_374 : vector<64x128xi32>
      %xor3A_376 = arith.xori %or3A_375, %add3A_368 : vector<64x128xi32>
      %add3A_377 = arith.addi %add3A_368, %xor3A_376 : vector<64x128xi32>
      %shift_left3A_378 = arith.constant 6 : i32
      %shift_left3A_379 = vector.broadcast %shift_left3A_378 : i32 to vector<64x128xi32>
      %shift_left3A_380 = arith.shli %xor3A_376, %shift_left3A_379 : vector<64x128xi32>
      %shift_right_logical3A_381 = arith.constant 26 : i32
      %shift_right_logical3A_382 = vector.broadcast %shift_right_logical3A_381 : i32 to vector<64x128xi32>
      %shift_right_logical3A_383 = arith.shrui %xor3A_376, %shift_right_logical3A_382 : vector<64x128xi32>
      %or3A_384 = arith.ori %shift_left3A_380, %shift_right_logical3A_383 : vector<64x128xi32>
      %xor3A_385 = arith.xori %or3A_384, %add3A_377 : vector<64x128xi32>
      %add3A_386 = arith.constant -1829035798 : i32
      %add3A_387 = vector.broadcast %add3A_386 : i32 to vector<64x128xi32>
      %add3A_388 = arith.addi %add3A_377, %add3A_387 : vector<64x128xi32>
      %add3A_389 = arith.constant 255383830 : i32
      %add3A_390 = vector.broadcast %add3A_389 : i32 to vector<64x128xi32>
      %add3A_391 = arith.addi %xor3A_385, %add3A_390 : vector<64x128xi32>
      %add3A_392 = arith.addi %add3A_388, %add3A_391 : vector<64x128xi32>
      %shift_left3A_393 = arith.constant 17 : i32
      %shift_left3A_394 = vector.broadcast %shift_left3A_393 : i32 to vector<64x128xi32>
      %shift_left3A_395 = arith.shli %add3A_391, %shift_left3A_394 : vector<64x128xi32>
      %shift_right_logical3A_396 = arith.constant 15 : i32
      %shift_right_logical3A_397 = vector.broadcast %shift_right_logical3A_396 : i32 to vector<64x128xi32>
      %shift_right_logical3A_398 = arith.shrui %add3A_391, %shift_right_logical3A_397 : vector<64x128xi32>
      %or3A_399 = arith.ori %shift_left3A_395, %shift_right_logical3A_398 : vector<64x128xi32>
      %xor3A_400 = arith.xori %or3A_399, %add3A_392 : vector<64x128xi32>
      %add3A_401 = arith.addi %add3A_392, %xor3A_400 : vector<64x128xi32>
      %shift_left3A_402 = arith.constant 29 : i32
      %shift_left3A_403 = vector.broadcast %shift_left3A_402 : i32 to vector<64x128xi32>
      %shift_left3A_404 = arith.shli %xor3A_400, %shift_left3A_403 : vector<64x128xi32>
      %shift_right_logical3A_405 = arith.constant 3 : i32
      %shift_right_logical3A_406 = vector.broadcast %shift_right_logical3A_405 : i32 to vector<64x128xi32>
      %shift_right_logical3A_407 = arith.shrui %xor3A_400, %shift_right_logical3A_406 : vector<64x128xi32>
      %or3A_408 = arith.ori %shift_left3A_404, %shift_right_logical3A_407 : vector<64x128xi32>
      %xor3A_409 = arith.xori %or3A_408, %add3A_401 : vector<64x128xi32>
      %add3A_410 = arith.addi %add3A_401, %xor3A_409 : vector<64x128xi32>
      %shift_left3A_411 = arith.constant 16 : i32
      %shift_left3A_412 = vector.broadcast %shift_left3A_411 : i32 to vector<64x128xi32>
      %shift_left3A_413 = arith.shli %xor3A_409, %shift_left3A_412 : vector<64x128xi32>
      %shift_right_logical3A_414 = arith.constant 16 : i32
      %shift_right_logical3A_415 = vector.broadcast %shift_right_logical3A_414 : i32 to vector<64x128xi32>
      %shift_right_logical3A_416 = arith.shrui %xor3A_409, %shift_right_logical3A_415 : vector<64x128xi32>
      %or3A_417 = arith.ori %shift_left3A_413, %shift_right_logical3A_416 : vector<64x128xi32>
      %xor3A_418 = arith.xori %or3A_417, %add3A_410 : vector<64x128xi32>
      %add3A_419 = arith.addi %add3A_410, %xor3A_418 : vector<64x128xi32>
      %shift_left3A_420 = arith.constant 24 : i32
      %shift_left3A_421 = vector.broadcast %shift_left3A_420 : i32 to vector<64x128xi32>
      %shift_left3A_422 = arith.shli %xor3A_418, %shift_left3A_421 : vector<64x128xi32>
      %shift_right_logical3A_423 = arith.constant 8 : i32
      %shift_right_logical3A_424 = vector.broadcast %shift_right_logical3A_423 : i32 to vector<64x128xi32>
      %shift_right_logical3A_425 = arith.shrui %xor3A_418, %shift_right_logical3A_424 : vector<64x128xi32>
      %or3A_426 = arith.ori %shift_left3A_422, %shift_right_logical3A_425 : vector<64x128xi32>
      %xor3A_427 = arith.xori %or3A_426, %add3A_419 : vector<64x128xi32>
      %add3A_428 = arith.constant 255383827 : i32
      %add3A_429 = vector.broadcast %add3A_428 : i32 to vector<64x128xi32>
      %add3A_430 = arith.addi %add3A_419, %add3A_429 : vector<64x128xi32>
      %add3A_431 = arith.constant -2045582809 : i32
      %add3A_432 = vector.broadcast %add3A_431 : i32 to vector<64x128xi32>
      %add3A_433 = arith.addi %xor3A_427, %add3A_432 : vector<64x128xi32>
      %add3A_434 = arith.addi %add3A_430, %add3A_433 : vector<64x128xi32>
      %shift_left3A_435 = arith.constant 13 : i32
      %shift_left3A_436 = vector.broadcast %shift_left3A_435 : i32 to vector<64x128xi32>
      %shift_left3A_437 = arith.shli %add3A_433, %shift_left3A_436 : vector<64x128xi32>
      %shift_right_logical3A_438 = arith.constant 19 : i32
      %shift_right_logical3A_439 = vector.broadcast %shift_right_logical3A_438 : i32 to vector<64x128xi32>
      %shift_right_logical3A_440 = arith.shrui %add3A_433, %shift_right_logical3A_439 : vector<64x128xi32>
      %or3A_441 = arith.ori %shift_left3A_437, %shift_right_logical3A_440 : vector<64x128xi32>
      %xor3A_442 = arith.xori %or3A_441, %add3A_434 : vector<64x128xi32>
      %add3A_443 = arith.addi %add3A_434, %xor3A_442 : vector<64x128xi32>
      %shift_left3A_444 = arith.constant 15 : i32
      %shift_left3A_445 = vector.broadcast %shift_left3A_444 : i32 to vector<64x128xi32>
      %shift_left3A_446 = arith.shli %xor3A_442, %shift_left3A_445 : vector<64x128xi32>
      %shift_right_logical3A_447 = arith.constant 17 : i32
      %shift_right_logical3A_448 = vector.broadcast %shift_right_logical3A_447 : i32 to vector<64x128xi32>
      %shift_right_logical3A_449 = arith.shrui %xor3A_442, %shift_right_logical3A_448 : vector<64x128xi32>
      %or3A_450 = arith.ori %shift_left3A_446, %shift_right_logical3A_449 : vector<64x128xi32>
      %xor3A_451 = arith.xori %or3A_450, %add3A_443 : vector<64x128xi32>
      %add3A_452 = arith.addi %add3A_443, %xor3A_451 : vector<64x128xi32>
      %shift_left3A_453 = arith.constant 26 : i32
      %shift_left3A_454 = vector.broadcast %shift_left3A_453 : i32 to vector<64x128xi32>
      %shift_left3A_455 = arith.shli %xor3A_451, %shift_left3A_454 : vector<64x128xi32>
      %shift_right_logical3A_456 = arith.constant 6 : i32
      %shift_right_logical3A_457 = vector.broadcast %shift_right_logical3A_456 : i32 to vector<64x128xi32>
      %shift_right_logical3A_458 = arith.shrui %xor3A_451, %shift_right_logical3A_457 : vector<64x128xi32>
      %or3A_459 = arith.ori %shift_left3A_455, %shift_right_logical3A_458 : vector<64x128xi32>
      %xor3A_460 = arith.xori %or3A_459, %add3A_452 : vector<64x128xi32>
      %add3A_461 = arith.addi %add3A_452, %xor3A_460 : vector<64x128xi32>
      %shift_left3A_462 = arith.constant 6 : i32
      %shift_left3A_463 = vector.broadcast %shift_left3A_462 : i32 to vector<64x128xi32>
      %shift_left3A_464 = arith.shli %xor3A_460, %shift_left3A_463 : vector<64x128xi32>
      %shift_right_logical3A_465 = arith.constant 26 : i32
      %shift_right_logical3A_466 = vector.broadcast %shift_right_logical3A_465 : i32 to vector<64x128xi32>
      %shift_right_logical3A_467 = arith.shrui %xor3A_460, %shift_right_logical3A_466 : vector<64x128xi32>
      %or3A_468 = arith.ori %shift_left3A_464, %shift_right_logical3A_467 : vector<64x128xi32>
      %xor3A_469 = arith.xori %or3A_468, %add3A_461 : vector<64x128xi32>
      %add3A_470 = arith.constant -2045582813 : i32
      %add3A_471 = vector.broadcast %add3A_470 : i32 to vector<64x128xi32>
      %add3A_472 = arith.addi %add3A_461, %add3A_471 : vector<64x128xi32>
      %add3A_473 = arith.constant -1829035793 : i32
      %add3A_474 = vector.broadcast %add3A_473 : i32 to vector<64x128xi32>
      %add3A_475 = arith.addi %xor3A_469, %add3A_474 : vector<64x128xi32>
      %xor3A_476 = arith.xori %add3A_472, %add3A_475 : vector<64x128xi32>
      %shift_right_logical3A_477 = arith.constant 9 : i32
      %shift_right_logical3A_478 = vector.broadcast %shift_right_logical3A_477 : i32 to vector<64x128xi32>
      %shift_right_logical3A_479 = arith.shrui %xor3A_476, %shift_right_logical3A_478 : vector<64x128xi32>
      %or3A_480 = arith.constant 1065353216 : i32
      %or3A_481 = vector.broadcast %or3A_480 : i32 to vector<64x128xi32>
      %or3A_482 = arith.ori %shift_right_logical3A_479, %or3A_481 : vector<64x128xi32>
      %bitcast_convert_type3A_483 = tpu.bitcast %or3A_482 : vector<64x128xi32> -> vector<64x128xf32>
      %sub3A_484 = arith.constant 1.000000e+00 : f32
      %sub3A_485 = vector.broadcast %sub3A_484 : f32 to vector<64x128xf32>
      %sub3A_486 = arith.subf %bitcast_convert_type3A_483, %sub3A_485 : vector<64x128xf32>
      %log3A_487 = math.log %sub3A_486 : vector<64x128xf32>
      %slice3A_488 = vector.extract_strided_slice %get3A_36 {offsets = [1, 0], sizes = [1, 128], strides = [1, 1]} : vector<8x128xf32> to vector<1x128xf32>
      %broadcast_in_dim3A_489 = vector.shape_cast %slice3A_488 : vector<1x128xf32> to vector<1x128xf32>
      %broadcast_in_dim3A_490 = vector.broadcast %broadcast_in_dim3A_489 : vector<1x128xf32> to vector<64x128xf32>
      %mul3A_491 = arith.mulf %log3A_487, %broadcast_in_dim3A_490 : vector<64x128xf32>
      %lt3A_492 = arith.cmpf olt, %mul3A_491, %select_n3A : vector<64x128xf32>
      %select_n3A_493 = arith.select %lt3A_492, %mul3A_491, %select_n3A : vector<64x128xi1>, vector<64x128xf32>
      %broadcast_in_dim3A_494 = vector.broadcast %add3A_263 : i32 to vector<64x128xi32>
      %select_n3A_495 = arith.select %lt3A_492, %broadcast_in_dim3A_494, %select_n3A_261 : vector<64x128xi1>, vector<64x128xi32>
      %add3A_496 = arith.constant 2 : i32
      %add3A_497 = arith.addi %mul3A_34, %add3A_496 : i32
      %add3A_498 = vector.broadcast %add3A_497 : i32 to vector<64x128xi32>
      %add3A_499 = arith.addi %add3A_18, %add3A_498 : vector<64x128xi32>
      %add3A_500 = arith.addi %add3A_6, %add3A_499 : vector<64x128xi32>
      %shift_left3A_501 = arith.constant 13 : i32
      %shift_left3A_502 = vector.broadcast %shift_left3A_501 : i32 to vector<64x128xi32>
      %shift_left3A_503 = arith.shli %add3A_499, %shift_left3A_502 : vector<64x128xi32>
      %shift_right_logical3A_504 = arith.constant 19 : i32
      %shift_right_logical3A_505 = vector.broadcast %shift_right_logical3A_504 : i32 to vector<64x128xi32>
      %shift_right_logical3A_506 = arith.shrui %add3A_499, %shift_right_logical3A_505 : vector<64x128xi32>
      %or3A_507 = arith.ori %shift_left3A_503, %shift_right_logical3A_506 : vector<64x128xi32>
      %xor3A_508 = arith.xori %or3A_507, %add3A_500 : vector<64x128xi32>
      %add3A_509 = arith.addi %add3A_500, %xor3A_508 : vector<64x128xi32>
      %shift_left3A_510 = arith.constant 15 : i32
      %shift_left3A_511 = vector.broadcast %shift_left3A_510 : i32 to vector<64x128xi32>
      %shift_left3A_512 = arith.shli %xor3A_508, %shift_left3A_511 : vector<64x128xi32>
      %shift_right_logical3A_513 = arith.constant 17 : i32
      %shift_right_logical3A_514 = vector.broadcast %shift_right_logical3A_513 : i32 to vector<64x128xi32>
      %shift_right_logical3A_515 = arith.shrui %xor3A_508, %shift_right_logical3A_514 : vector<64x128xi32>
      %or3A_516 = arith.ori %shift_left3A_512, %shift_right_logical3A_515 : vector<64x128xi32>
      %xor3A_517 = arith.xori %or3A_516, %add3A_509 : vector<64x128xi32>
      %add3A_518 = arith.addi %add3A_509, %xor3A_517 : vector<64x128xi32>
      %shift_left3A_519 = arith.constant 26 : i32
      %shift_left3A_520 = vector.broadcast %shift_left3A_519 : i32 to vector<64x128xi32>
      %shift_left3A_521 = arith.shli %xor3A_517, %shift_left3A_520 : vector<64x128xi32>
      %shift_right_logical3A_522 = arith.constant 6 : i32
      %shift_right_logical3A_523 = vector.broadcast %shift_right_logical3A_522 : i32 to vector<64x128xi32>
      %shift_right_logical3A_524 = arith.shrui %xor3A_517, %shift_right_logical3A_523 : vector<64x128xi32>
      %or3A_525 = arith.ori %shift_left3A_521, %shift_right_logical3A_524 : vector<64x128xi32>
      %xor3A_526 = arith.xori %or3A_525, %add3A_518 : vector<64x128xi32>
      %add3A_527 = arith.addi %add3A_518, %xor3A_526 : vector<64x128xi32>
      %shift_left3A_528 = arith.constant 6 : i32
      %shift_left3A_529 = vector.broadcast %shift_left3A_528 : i32 to vector<64x128xi32>
      %shift_left3A_530 = arith.shli %xor3A_526, %shift_left3A_529 : vector<64x128xi32>
      %shift_right_logical3A_531 = arith.constant 26 : i32
      %shift_right_logical3A_532 = vector.broadcast %shift_right_logical3A_531 : i32 to vector<64x128xi32>
      %shift_right_logical3A_533 = arith.shrui %xor3A_526, %shift_right_logical3A_532 : vector<64x128xi32>
      %or3A_534 = arith.ori %shift_left3A_530, %shift_right_logical3A_533 : vector<64x128xi32>
      %xor3A_535 = arith.xori %or3A_534, %add3A_527 : vector<64x128xi32>
      %add3A_536 = arith.constant 255383827 : i32
      %add3A_537 = vector.broadcast %add3A_536 : i32 to vector<64x128xi32>
      %add3A_538 = arith.addi %add3A_527, %add3A_537 : vector<64x128xi32>
      %add3A_539 = arith.constant -2045582812 : i32
      %add3A_540 = vector.broadcast %add3A_539 : i32 to vector<64x128xi32>
      %add3A_541 = arith.addi %xor3A_535, %add3A_540 : vector<64x128xi32>
      %add3A_542 = arith.addi %add3A_538, %add3A_541 : vector<64x128xi32>
      %shift_left3A_543 = arith.constant 17 : i32
      %shift_left3A_544 = vector.broadcast %shift_left3A_543 : i32 to vector<64x128xi32>
      %shift_left3A_545 = arith.shli %add3A_541, %shift_left3A_544 : vector<64x128xi32>
      %shift_right_logical3A_546 = arith.constant 15 : i32
      %shift_right_logical3A_547 = vector.broadcast %shift_right_logical3A_546 : i32 to vector<64x128xi32>
      %shift_right_logical3A_548 = arith.shrui %add3A_541, %shift_right_logical3A_547 : vector<64x128xi32>
      %or3A_549 = arith.ori %shift_left3A_545, %shift_right_logical3A_548 : vector<64x128xi32>
      %xor3A_550 = arith.xori %or3A_549, %add3A_542 : vector<64x128xi32>
      %add3A_551 = arith.addi %add3A_542, %xor3A_550 : vector<64x128xi32>
      %shift_left3A_552 = arith.constant 29 : i32
      %shift_left3A_553 = vector.broadcast %shift_left3A_552 : i32 to vector<64x128xi32>
      %shift_left3A_554 = arith.shli %xor3A_550, %shift_left3A_553 : vector<64x128xi32>
      %shift_right_logical3A_555 = arith.constant 3 : i32
      %shift_right_logical3A_556 = vector.broadcast %shift_right_logical3A_555 : i32 to vector<64x128xi32>
      %shift_right_logical3A_557 = arith.shrui %xor3A_550, %shift_right_logical3A_556 : vector<64x128xi32>
      %or3A_558 = arith.ori %shift_left3A_554, %shift_right_logical3A_557 : vector<64x128xi32>
      %xor3A_559 = arith.xori %or3A_558, %add3A_551 : vector<64x128xi32>
      %add3A_560 = arith.addi %add3A_551, %xor3A_559 : vector<64x128xi32>
      %shift_left3A_561 = arith.constant 16 : i32
      %shift_left3A_562 = vector.broadcast %shift_left3A_561 : i32 to vector<64x128xi32>
      %shift_left3A_563 = arith.shli %xor3A_559, %shift_left3A_562 : vector<64x128xi32>
      %shift_right_logical3A_564 = arith.constant 16 : i32
      %shift_right_logical3A_565 = vector.broadcast %shift_right_logical3A_564 : i32 to vector<64x128xi32>
      %shift_right_logical3A_566 = arith.shrui %xor3A_559, %shift_right_logical3A_565 : vector<64x128xi32>
      %or3A_567 = arith.ori %shift_left3A_563, %shift_right_logical3A_566 : vector<64x128xi32>
      %xor3A_568 = arith.xori %or3A_567, %add3A_560 : vector<64x128xi32>
      %add3A_569 = arith.addi %add3A_560, %xor3A_568 : vector<64x128xi32>
      %shift_left3A_570 = arith.constant 24 : i32
      %shift_left3A_571 = vector.broadcast %shift_left3A_570 : i32 to vector<64x128xi32>
      %shift_left3A_572 = arith.shli %xor3A_568, %shift_left3A_571 : vector<64x128xi32>
      %shift_right_logical3A_573 = arith.constant 8 : i32
      %shift_right_logical3A_574 = vector.broadcast %shift_right_logical3A_573 : i32 to vector<64x128xi32>
      %shift_right_logical3A_575 = arith.shrui %xor3A_568, %shift_right_logical3A_574 : vector<64x128xi32>
      %or3A_576 = arith.ori %shift_left3A_572, %shift_right_logical3A_575 : vector<64x128xi32>
      %xor3A_577 = arith.xori %or3A_576, %add3A_569 : vector<64x128xi32>
      %add3A_578 = arith.constant -2045582813 : i32
      %add3A_579 = vector.broadcast %add3A_578 : i32 to vector<64x128xi32>
      %add3A_580 = arith.addi %add3A_569, %add3A_579 : vector<64x128xi32>
      %add3A_581 = arith.constant -1829035796 : i32
      %add3A_582 = vector.broadcast %add3A_581 : i32 to vector<64x128xi32>
      %add3A_583 = arith.addi %xor3A_577, %add3A_582 : vector<64x128xi32>
      %add3A_584 = arith.addi %add3A_580, %add3A_583 : vector<64x128xi32>
      %shift_left3A_585 = arith.constant 13 : i32
      %shift_left3A_586 = vector.broadcast %shift_left3A_585 : i32 to vector<64x128xi32>
      %shift_left3A_587 = arith.shli %add3A_583, %shift_left3A_586 : vector<64x128xi32>
      %shift_right_logical3A_588 = arith.constant 19 : i32
      %shift_right_logical3A_589 = vector.broadcast %shift_right_logical3A_588 : i32 to vector<64x128xi32>
      %shift_right_logical3A_590 = arith.shrui %add3A_583, %shift_right_logical3A_589 : vector<64x128xi32>
      %or3A_591 = arith.ori %shift_left3A_587, %shift_right_logical3A_590 : vector<64x128xi32>
      %xor3A_592 = arith.xori %or3A_591, %add3A_584 : vector<64x128xi32>
      %add3A_593 = arith.addi %add3A_584, %xor3A_592 : vector<64x128xi32>
      %shift_left3A_594 = arith.constant 15 : i32
      %shift_left3A_595 = vector.broadcast %shift_left3A_594 : i32 to vector<64x128xi32>
      %shift_left3A_596 = arith.shli %xor3A_592, %shift_left3A_595 : vector<64x128xi32>
      %shift_right_logical3A_597 = arith.constant 17 : i32
      %shift_right_logical3A_598 = vector.broadcast %shift_right_logical3A_597 : i32 to vector<64x128xi32>
      %shift_right_logical3A_599 = arith.shrui %xor3A_592, %shift_right_logical3A_598 : vector<64x128xi32>
      %or3A_600 = arith.ori %shift_left3A_596, %shift_right_logical3A_599 : vector<64x128xi32>
      %xor3A_601 = arith.xori %or3A_600, %add3A_593 : vector<64x128xi32>
      %add3A_602 = arith.addi %add3A_593, %xor3A_601 : vector<64x128xi32>
      %shift_left3A_603 = arith.constant 26 : i32
      %shift_left3A_604 = vector.broadcast %shift_left3A_603 : i32 to vector<64x128xi32>
      %shift_left3A_605 = arith.shli %xor3A_601, %shift_left3A_604 : vector<64x128xi32>
      %shift_right_logical3A_606 = arith.constant 6 : i32
      %shift_right_logical3A_607 = vector.broadcast %shift_right_logical3A_606 : i32 to vector<64x128xi32>
      %shift_right_logical3A_608 = arith.shrui %xor3A_601, %shift_right_logical3A_607 : vector<64x128xi32>
      %or3A_609 = arith.ori %shift_left3A_605, %shift_right_logical3A_608 : vector<64x128xi32>
      %xor3A_610 = arith.xori %or3A_609, %add3A_602 : vector<64x128xi32>
      %add3A_611 = arith.addi %add3A_602, %xor3A_610 : vector<64x128xi32>
      %shift_left3A_612 = arith.constant 6 : i32
      %shift_left3A_613 = vector.broadcast %shift_left3A_612 : i32 to vector<64x128xi32>
      %shift_left3A_614 = arith.shli %xor3A_610, %shift_left3A_613 : vector<64x128xi32>
      %shift_right_logical3A_615 = arith.constant 26 : i32
      %shift_right_logical3A_616 = vector.broadcast %shift_right_logical3A_615 : i32 to vector<64x128xi32>
      %shift_right_logical3A_617 = arith.shrui %xor3A_610, %shift_right_logical3A_616 : vector<64x128xi32>
      %or3A_618 = arith.ori %shift_left3A_614, %shift_right_logical3A_617 : vector<64x128xi32>
      %xor3A_619 = arith.xori %or3A_618, %add3A_611 : vector<64x128xi32>
      %add3A_620 = arith.constant -1829035798 : i32
      %add3A_621 = vector.broadcast %add3A_620 : i32 to vector<64x128xi32>
      %add3A_622 = arith.addi %add3A_611, %add3A_621 : vector<64x128xi32>
      %add3A_623 = arith.constant 255383830 : i32
      %add3A_624 = vector.broadcast %add3A_623 : i32 to vector<64x128xi32>
      %add3A_625 = arith.addi %xor3A_619, %add3A_624 : vector<64x128xi32>
      %add3A_626 = arith.addi %add3A_622, %add3A_625 : vector<64x128xi32>
      %shift_left3A_627 = arith.constant 17 : i32
      %shift_left3A_628 = vector.broadcast %shift_left3A_627 : i32 to vector<64x128xi32>
      %shift_left3A_629 = arith.shli %add3A_625, %shift_left3A_628 : vector<64x128xi32>
      %shift_right_logical3A_630 = arith.constant 15 : i32
      %shift_right_logical3A_631 = vector.broadcast %shift_right_logical3A_630 : i32 to vector<64x128xi32>
      %shift_right_logical3A_632 = arith.shrui %add3A_625, %shift_right_logical3A_631 : vector<64x128xi32>
      %or3A_633 = arith.ori %shift_left3A_629, %shift_right_logical3A_632 : vector<64x128xi32>
      %xor3A_634 = arith.xori %or3A_633, %add3A_626 : vector<64x128xi32>
      %add3A_635 = arith.addi %add3A_626, %xor3A_634 : vector<64x128xi32>
      %shift_left3A_636 = arith.constant 29 : i32
      %shift_left3A_637 = vector.broadcast %shift_left3A_636 : i32 to vector<64x128xi32>
      %shift_left3A_638 = arith.shli %xor3A_634, %shift_left3A_637 : vector<64x128xi32>
      %shift_right_logical3A_639 = arith.constant 3 : i32
      %shift_right_logical3A_640 = vector.broadcast %shift_right_logical3A_639 : i32 to vector<64x128xi32>
      %shift_right_logical3A_641 = arith.shrui %xor3A_634, %shift_right_logical3A_640 : vector<64x128xi32>
      %or3A_642 = arith.ori %shift_left3A_638, %shift_right_logical3A_641 : vector<64x128xi32>
      %xor3A_643 = arith.xori %or3A_642, %add3A_635 : vector<64x128xi32>
      %add3A_644 = arith.addi %add3A_635, %xor3A_643 : vector<64x128xi32>
      %shift_left3A_645 = arith.constant 16 : i32
      %shift_left3A_646 = vector.broadcast %shift_left3A_645 : i32 to vector<64x128xi32>
      %shift_left3A_647 = arith.shli %xor3A_643, %shift_left3A_646 : vector<64x128xi32>
      %shift_right_logical3A_648 = arith.constant 16 : i32
      %shift_right_logical3A_649 = vector.broadcast %shift_right_logical3A_648 : i32 to vector<64x128xi32>
      %shift_right_logical3A_650 = arith.shrui %xor3A_643, %shift_right_logical3A_649 : vector<64x128xi32>
      %or3A_651 = arith.ori %shift_left3A_647, %shift_right_logical3A_650 : vector<64x128xi32>
      %xor3A_652 = arith.xori %or3A_651, %add3A_644 : vector<64x128xi32>
      %add3A_653 = arith.addi %add3A_644, %xor3A_652 : vector<64x128xi32>
      %shift_left3A_654 = arith.constant 24 : i32
      %shift_left3A_655 = vector.broadcast %shift_left3A_654 : i32 to vector<64x128xi32>
      %shift_left3A_656 = arith.shli %xor3A_652, %shift_left3A_655 : vector<64x128xi32>
      %shift_right_logical3A_657 = arith.constant 8 : i32
      %shift_right_logical3A_658 = vector.broadcast %shift_right_logical3A_657 : i32 to vector<64x128xi32>
      %shift_right_logical3A_659 = arith.shrui %xor3A_652, %shift_right_logical3A_658 : vector<64x128xi32>
      %or3A_660 = arith.ori %shift_left3A_656, %shift_right_logical3A_659 : vector<64x128xi32>
      %xor3A_661 = arith.xori %or3A_660, %add3A_653 : vector<64x128xi32>
      %add3A_662 = arith.constant 255383827 : i32
      %add3A_663 = vector.broadcast %add3A_662 : i32 to vector<64x128xi32>
      %add3A_664 = arith.addi %add3A_653, %add3A_663 : vector<64x128xi32>
      %add3A_665 = arith.constant -2045582809 : i32
      %add3A_666 = vector.broadcast %add3A_665 : i32 to vector<64x128xi32>
      %add3A_667 = arith.addi %xor3A_661, %add3A_666 : vector<64x128xi32>
      %add3A_668 = arith.addi %add3A_664, %add3A_667 : vector<64x128xi32>
      %shift_left3A_669 = arith.constant 13 : i32
      %shift_left3A_670 = vector.broadcast %shift_left3A_669 : i32 to vector<64x128xi32>
      %shift_left3A_671 = arith.shli %add3A_667, %shift_left3A_670 : vector<64x128xi32>
      %shift_right_logical3A_672 = arith.constant 19 : i32
      %shift_right_logical3A_673 = vector.broadcast %shift_right_logical3A_672 : i32 to vector<64x128xi32>
      %shift_right_logical3A_674 = arith.shrui %add3A_667, %shift_right_logical3A_673 : vector<64x128xi32>
      %or3A_675 = arith.ori %shift_left3A_671, %shift_right_logical3A_674 : vector<64x128xi32>
      %xor3A_676 = arith.xori %or3A_675, %add3A_668 : vector<64x128xi32>
      %add3A_677 = arith.addi %add3A_668, %xor3A_676 : vector<64x128xi32>
      %shift_left3A_678 = arith.constant 15 : i32
      %shift_left3A_679 = vector.broadcast %shift_left3A_678 : i32 to vector<64x128xi32>
      %shift_left3A_680 = arith.shli %xor3A_676, %shift_left3A_679 : vector<64x128xi32>
      %shift_right_logical3A_681 = arith.constant 17 : i32
      %shift_right_logical3A_682 = vector.broadcast %shift_right_logical3A_681 : i32 to vector<64x128xi32>
      %shift_right_logical3A_683 = arith.shrui %xor3A_676, %shift_right_logical3A_682 : vector<64x128xi32>
      %or3A_684 = arith.ori %shift_left3A_680, %shift_right_logical3A_683 : vector<64x128xi32>
      %xor3A_685 = arith.xori %or3A_684, %add3A_677 : vector<64x128xi32>
      %add3A_686 = arith.addi %add3A_677, %xor3A_685 : vector<64x128xi32>
      %shift_left3A_687 = arith.constant 26 : i32
      %shift_left3A_688 = vector.broadcast %shift_left3A_687 : i32 to vector<64x128xi32>
      %shift_left3A_689 = arith.shli %xor3A_685, %shift_left3A_688 : vector<64x128xi32>
      %shift_right_logical3A_690 = arith.constant 6 : i32
      %shift_right_logical3A_691 = vector.broadcast %shift_right_logical3A_690 : i32 to vector<64x128xi32>
      %shift_right_logical3A_692 = arith.shrui %xor3A_685, %shift_right_logical3A_691 : vector<64x128xi32>
      %or3A_693 = arith.ori %shift_left3A_689, %shift_right_logical3A_692 : vector<64x128xi32>
      %xor3A_694 = arith.xori %or3A_693, %add3A_686 : vector<64x128xi32>
      %add3A_695 = arith.addi %add3A_686, %xor3A_694 : vector<64x128xi32>
      %shift_left3A_696 = arith.constant 6 : i32
      %shift_left3A_697 = vector.broadcast %shift_left3A_696 : i32 to vector<64x128xi32>
      %shift_left3A_698 = arith.shli %xor3A_694, %shift_left3A_697 : vector<64x128xi32>
      %shift_right_logical3A_699 = arith.constant 26 : i32
      %shift_right_logical3A_700 = vector.broadcast %shift_right_logical3A_699 : i32 to vector<64x128xi32>
      %shift_right_logical3A_701 = arith.shrui %xor3A_694, %shift_right_logical3A_700 : vector<64x128xi32>
      %or3A_702 = arith.ori %shift_left3A_698, %shift_right_logical3A_701 : vector<64x128xi32>
      %xor3A_703 = arith.xori %or3A_702, %add3A_695 : vector<64x128xi32>
      %add3A_704 = arith.constant -2045582813 : i32
      %add3A_705 = vector.broadcast %add3A_704 : i32 to vector<64x128xi32>
      %add3A_706 = arith.addi %add3A_695, %add3A_705 : vector<64x128xi32>
      %add3A_707 = arith.constant -1829035793 : i32
      %add3A_708 = vector.broadcast %add3A_707 : i32 to vector<64x128xi32>
      %add3A_709 = arith.addi %xor3A_703, %add3A_708 : vector<64x128xi32>
      %xor3A_710 = arith.xori %add3A_706, %add3A_709 : vector<64x128xi32>
      %shift_right_logical3A_711 = arith.constant 9 : i32
      %shift_right_logical3A_712 = vector.broadcast %shift_right_logical3A_711 : i32 to vector<64x128xi32>
      %shift_right_logical3A_713 = arith.shrui %xor3A_710, %shift_right_logical3A_712 : vector<64x128xi32>
      %or3A_714 = arith.constant 1065353216 : i32
      %or3A_715 = vector.broadcast %or3A_714 : i32 to vector<64x128xi32>
      %or3A_716 = arith.ori %shift_right_logical3A_713, %or3A_715 : vector<64x128xi32>
      %bitcast_convert_type3A_717 = tpu.bitcast %or3A_716 : vector<64x128xi32> -> vector<64x128xf32>
      %sub3A_718 = arith.constant 1.000000e+00 : f32
      %sub3A_719 = vector.broadcast %sub3A_718 : f32 to vector<64x128xf32>
      %sub3A_720 = arith.subf %bitcast_convert_type3A_717, %sub3A_719 : vector<64x128xf32>
      %log3A_721 = math.log %sub3A_720 : vector<64x128xf32>
      %slice3A_722 = vector.extract_strided_slice %get3A_36 {offsets = [2, 0], sizes = [1, 128], strides = [1, 1]} : vector<8x128xf32> to vector<1x128xf32>
      %broadcast_in_dim3A_723 = vector.shape_cast %slice3A_722 : vector<1x128xf32> to vector<1x128xf32>
      %broadcast_in_dim3A_724 = vector.broadcast %broadcast_in_dim3A_723 : vector<1x128xf32> to vector<64x128xf32>
      %mul3A_725 = arith.mulf %log3A_721, %broadcast_in_dim3A_724 : vector<64x128xf32>
      %lt3A_726 = arith.cmpf olt, %mul3A_725, %select_n3A_493 : vector<64x128xf32>
      %select_n3A_727 = arith.select %lt3A_726, %mul3A_725, %select_n3A_493 : vector<64x128xi1>, vector<64x128xf32>
      %broadcast_in_dim3A_728 = vector.broadcast %add3A_497 : i32 to vector<64x128xi32>
      %select_n3A_729 = arith.select %lt3A_726, %broadcast_in_dim3A_728, %select_n3A_495 : vector<64x128xi1>, vector<64x128xi32>
      %add3A_730 = arith.constant 3 : i32
      %add3A_731 = arith.addi %mul3A_34, %add3A_730 : i32
      %add3A_732 = vector.broadcast %add3A_731 : i32 to vector<64x128xi32>
      %add3A_733 = arith.addi %add3A_18, %add3A_732 : vector<64x128xi32>
      %add3A_734 = arith.addi %add3A_6, %add3A_733 : vector<64x128xi32>
      %shift_left3A_735 = arith.constant 13 : i32
      %shift_left3A_736 = vector.broadcast %shift_left3A_735 : i32 to vector<64x128xi32>
      %shift_left3A_737 = arith.shli %add3A_733, %shift_left3A_736 : vector<64x128xi32>
      %shift_right_logical3A_738 = arith.constant 19 : i32
      %shift_right_logical3A_739 = vector.broadcast %shift_right_logical3A_738 : i32 to vector<64x128xi32>
      %shift_right_logical3A_740 = arith.shrui %add3A_733, %shift_right_logical3A_739 : vector<64x128xi32>
      %or3A_741 = arith.ori %shift_left3A_737, %shift_right_logical3A_740 : vector<64x128xi32>
      %xor3A_742 = arith.xori %or3A_741, %add3A_734 : vector<64x128xi32>
      %add3A_743 = arith.addi %add3A_734, %xor3A_742 : vector<64x128xi32>
      %shift_left3A_744 = arith.constant 15 : i32
      %shift_left3A_745 = vector.broadcast %shift_left3A_744 : i32 to vector<64x128xi32>
      %shift_left3A_746 = arith.shli %xor3A_742, %shift_left3A_745 : vector<64x128xi32>
      %shift_right_logical3A_747 = arith.constant 17 : i32
      %shift_right_logical3A_748 = vector.broadcast %shift_right_logical3A_747 : i32 to vector<64x128xi32>
      %shift_right_logical3A_749 = arith.shrui %xor3A_742, %shift_right_logical3A_748 : vector<64x128xi32>
      %or3A_750 = arith.ori %shift_left3A_746, %shift_right_logical3A_749 : vector<64x128xi32>
      %xor3A_751 = arith.xori %or3A_750, %add3A_743 : vector<64x128xi32>
      %add3A_752 = arith.addi %add3A_743, %xor3A_751 : vector<64x128xi32>
      %shift_left3A_753 = arith.constant 26 : i32
      %shift_left3A_754 = vector.broadcast %shift_left3A_753 : i32 to vector<64x128xi32>
      %shift_left3A_755 = arith.shli %xor3A_751, %shift_left3A_754 : vector<64x128xi32>
      %shift_right_logical3A_756 = arith.constant 6 : i32
      %shift_right_logical3A_757 = vector.broadcast %shift_right_logical3A_756 : i32 to vector<64x128xi32>
      %shift_right_logical3A_758 = arith.shrui %xor3A_751, %shift_right_logical3A_757 : vector<64x128xi32>
      %or3A_759 = arith.ori %shift_left3A_755, %shift_right_logical3A_758 : vector<64x128xi32>
      %xor3A_760 = arith.xori %or3A_759, %add3A_752 : vector<64x128xi32>
      %add3A_761 = arith.addi %add3A_752, %xor3A_760 : vector<64x128xi32>
      %shift_left3A_762 = arith.constant 6 : i32
      %shift_left3A_763 = vector.broadcast %shift_left3A_762 : i32 to vector<64x128xi32>
      %shift_left3A_764 = arith.shli %xor3A_760, %shift_left3A_763 : vector<64x128xi32>
      %shift_right_logical3A_765 = arith.constant 26 : i32
      %shift_right_logical3A_766 = vector.broadcast %shift_right_logical3A_765 : i32 to vector<64x128xi32>
      %shift_right_logical3A_767 = arith.shrui %xor3A_760, %shift_right_logical3A_766 : vector<64x128xi32>
      %or3A_768 = arith.ori %shift_left3A_764, %shift_right_logical3A_767 : vector<64x128xi32>
      %xor3A_769 = arith.xori %or3A_768, %add3A_761 : vector<64x128xi32>
      %add3A_770 = arith.constant 255383827 : i32
      %add3A_771 = vector.broadcast %add3A_770 : i32 to vector<64x128xi32>
      %add3A_772 = arith.addi %add3A_761, %add3A_771 : vector<64x128xi32>
      %add3A_773 = arith.constant -2045582812 : i32
      %add3A_774 = vector.broadcast %add3A_773 : i32 to vector<64x128xi32>
      %add3A_775 = arith.addi %xor3A_769, %add3A_774 : vector<64x128xi32>
      %add3A_776 = arith.addi %add3A_772, %add3A_775 : vector<64x128xi32>
      %shift_left3A_777 = arith.constant 17 : i32
      %shift_left3A_778 = vector.broadcast %shift_left3A_777 : i32 to vector<64x128xi32>
      %shift_left3A_779 = arith.shli %add3A_775, %shift_left3A_778 : vector<64x128xi32>
      %shift_right_logical3A_780 = arith.constant 15 : i32
      %shift_right_logical3A_781 = vector.broadcast %shift_right_logical3A_780 : i32 to vector<64x128xi32>
      %shift_right_logical3A_782 = arith.shrui %add3A_775, %shift_right_logical3A_781 : vector<64x128xi32>
      %or3A_783 = arith.ori %shift_left3A_779, %shift_right_logical3A_782 : vector<64x128xi32>
      %xor3A_784 = arith.xori %or3A_783, %add3A_776 : vector<64x128xi32>
      %add3A_785 = arith.addi %add3A_776, %xor3A_784 : vector<64x128xi32>
      %shift_left3A_786 = arith.constant 29 : i32
      %shift_left3A_787 = vector.broadcast %shift_left3A_786 : i32 to vector<64x128xi32>
      %shift_left3A_788 = arith.shli %xor3A_784, %shift_left3A_787 : vector<64x128xi32>
      %shift_right_logical3A_789 = arith.constant 3 : i32
      %shift_right_logical3A_790 = vector.broadcast %shift_right_logical3A_789 : i32 to vector<64x128xi32>
      %shift_right_logical3A_791 = arith.shrui %xor3A_784, %shift_right_logical3A_790 : vector<64x128xi32>
      %or3A_792 = arith.ori %shift_left3A_788, %shift_right_logical3A_791 : vector<64x128xi32>
      %xor3A_793 = arith.xori %or3A_792, %add3A_785 : vector<64x128xi32>
      %add3A_794 = arith.addi %add3A_785, %xor3A_793 : vector<64x128xi32>
      %shift_left3A_795 = arith.constant 16 : i32
      %shift_left3A_796 = vector.broadcast %shift_left3A_795 : i32 to vector<64x128xi32>
      %shift_left3A_797 = arith.shli %xor3A_793, %shift_left3A_796 : vector<64x128xi32>
      %shift_right_logical3A_798 = arith.constant 16 : i32
      %shift_right_logical3A_799 = vector.broadcast %shift_right_logical3A_798 : i32 to vector<64x128xi32>
      %shift_right_logical3A_800 = arith.shrui %xor3A_793, %shift_right_logical3A_799 : vector<64x128xi32>
      %or3A_801 = arith.ori %shift_left3A_797, %shift_right_logical3A_800 : vector<64x128xi32>
      %xor3A_802 = arith.xori %or3A_801, %add3A_794 : vector<64x128xi32>
      %add3A_803 = arith.addi %add3A_794, %xor3A_802 : vector<64x128xi32>
      %shift_left3A_804 = arith.constant 24 : i32
      %shift_left3A_805 = vector.broadcast %shift_left3A_804 : i32 to vector<64x128xi32>
      %shift_left3A_806 = arith.shli %xor3A_802, %shift_left3A_805 : vector<64x128xi32>
      %shift_right_logical3A_807 = arith.constant 8 : i32
      %shift_right_logical3A_808 = vector.broadcast %shift_right_logical3A_807 : i32 to vector<64x128xi32>
      %shift_right_logical3A_809 = arith.shrui %xor3A_802, %shift_right_logical3A_808 : vector<64x128xi32>
      %or3A_810 = arith.ori %shift_left3A_806, %shift_right_logical3A_809 : vector<64x128xi32>
      %xor3A_811 = arith.xori %or3A_810, %add3A_803 : vector<64x128xi32>
      %add3A_812 = arith.constant -2045582813 : i32
      %add3A_813 = vector.broadcast %add3A_812 : i32 to vector<64x128xi32>
      %add3A_814 = arith.addi %add3A_803, %add3A_813 : vector<64x128xi32>
      %add3A_815 = arith.constant -1829035796 : i32
      %add3A_816 = vector.broadcast %add3A_815 : i32 to vector<64x128xi32>
      %add3A_817 = arith.addi %xor3A_811, %add3A_816 : vector<64x128xi32>
      %add3A_818 = arith.addi %add3A_814, %add3A_817 : vector<64x128xi32>
      %shift_left3A_819 = arith.constant 13 : i32
      %shift_left3A_820 = vector.broadcast %shift_left3A_819 : i32 to vector<64x128xi32>
      %shift_left3A_821 = arith.shli %add3A_817, %shift_left3A_820 : vector<64x128xi32>
      %shift_right_logical3A_822 = arith.constant 19 : i32
      %shift_right_logical3A_823 = vector.broadcast %shift_right_logical3A_822 : i32 to vector<64x128xi32>
      %shift_right_logical3A_824 = arith.shrui %add3A_817, %shift_right_logical3A_823 : vector<64x128xi32>
      %or3A_825 = arith.ori %shift_left3A_821, %shift_right_logical3A_824 : vector<64x128xi32>
      %xor3A_826 = arith.xori %or3A_825, %add3A_818 : vector<64x128xi32>
      %add3A_827 = arith.addi %add3A_818, %xor3A_826 : vector<64x128xi32>
      %shift_left3A_828 = arith.constant 15 : i32
      %shift_left3A_829 = vector.broadcast %shift_left3A_828 : i32 to vector<64x128xi32>
      %shift_left3A_830 = arith.shli %xor3A_826, %shift_left3A_829 : vector<64x128xi32>
      %shift_right_logical3A_831 = arith.constant 17 : i32
      %shift_right_logical3A_832 = vector.broadcast %shift_right_logical3A_831 : i32 to vector<64x128xi32>
      %shift_right_logical3A_833 = arith.shrui %xor3A_826, %shift_right_logical3A_832 : vector<64x128xi32>
      %or3A_834 = arith.ori %shift_left3A_830, %shift_right_logical3A_833 : vector<64x128xi32>
      %xor3A_835 = arith.xori %or3A_834, %add3A_827 : vector<64x128xi32>
      %add3A_836 = arith.addi %add3A_827, %xor3A_835 : vector<64x128xi32>
      %shift_left3A_837 = arith.constant 26 : i32
      %shift_left3A_838 = vector.broadcast %shift_left3A_837 : i32 to vector<64x128xi32>
      %shift_left3A_839 = arith.shli %xor3A_835, %shift_left3A_838 : vector<64x128xi32>
      %shift_right_logical3A_840 = arith.constant 6 : i32
      %shift_right_logical3A_841 = vector.broadcast %shift_right_logical3A_840 : i32 to vector<64x128xi32>
      %shift_right_logical3A_842 = arith.shrui %xor3A_835, %shift_right_logical3A_841 : vector<64x128xi32>
      %or3A_843 = arith.ori %shift_left3A_839, %shift_right_logical3A_842 : vector<64x128xi32>
      %xor3A_844 = arith.xori %or3A_843, %add3A_836 : vector<64x128xi32>
      %add3A_845 = arith.addi %add3A_836, %xor3A_844 : vector<64x128xi32>
      %shift_left3A_846 = arith.constant 6 : i32
      %shift_left3A_847 = vector.broadcast %shift_left3A_846 : i32 to vector<64x128xi32>
      %shift_left3A_848 = arith.shli %xor3A_844, %shift_left3A_847 : vector<64x128xi32>
      %shift_right_logical3A_849 = arith.constant 26 : i32
      %shift_right_logical3A_850 = vector.broadcast %shift_right_logical3A_849 : i32 to vector<64x128xi32>
      %shift_right_logical3A_851 = arith.shrui %xor3A_844, %shift_right_logical3A_850 : vector<64x128xi32>
      %or3A_852 = arith.ori %shift_left3A_848, %shift_right_logical3A_851 : vector<64x128xi32>
      %xor3A_853 = arith.xori %or3A_852, %add3A_845 : vector<64x128xi32>
      %add3A_854 = arith.constant -1829035798 : i32
      %add3A_855 = vector.broadcast %add3A_854 : i32 to vector<64x128xi32>
      %add3A_856 = arith.addi %add3A_845, %add3A_855 : vector<64x128xi32>
      %add3A_857 = arith.constant 255383830 : i32
      %add3A_858 = vector.broadcast %add3A_857 : i32 to vector<64x128xi32>
      %add3A_859 = arith.addi %xor3A_853, %add3A_858 : vector<64x128xi32>
      %add3A_860 = arith.addi %add3A_856, %add3A_859 : vector<64x128xi32>
      %shift_left3A_861 = arith.constant 17 : i32
      %shift_left3A_862 = vector.broadcast %shift_left3A_861 : i32 to vector<64x128xi32>
      %shift_left3A_863 = arith.shli %add3A_859, %shift_left3A_862 : vector<64x128xi32>
      %shift_right_logical3A_864 = arith.constant 15 : i32
      %shift_right_logical3A_865 = vector.broadcast %shift_right_logical3A_864 : i32 to vector<64x128xi32>
      %shift_right_logical3A_866 = arith.shrui %add3A_859, %shift_right_logical3A_865 : vector<64x128xi32>
      %or3A_867 = arith.ori %shift_left3A_863, %shift_right_logical3A_866 : vector<64x128xi32>
      %xor3A_868 = arith.xori %or3A_867, %add3A_860 : vector<64x128xi32>
      %add3A_869 = arith.addi %add3A_860, %xor3A_868 : vector<64x128xi32>
      %shift_left3A_870 = arith.constant 29 : i32
      %shift_left3A_871 = vector.broadcast %shift_left3A_870 : i32 to vector<64x128xi32>
      %shift_left3A_872 = arith.shli %xor3A_868, %shift_left3A_871 : vector<64x128xi32>
      %shift_right_logical3A_873 = arith.constant 3 : i32
      %shift_right_logical3A_874 = vector.broadcast %shift_right_logical3A_873 : i32 to vector<64x128xi32>
      %shift_right_logical3A_875 = arith.shrui %xor3A_868, %shift_right_logical3A_874 : vector<64x128xi32>
      %or3A_876 = arith.ori %shift_left3A_872, %shift_right_logical3A_875 : vector<64x128xi32>
      %xor3A_877 = arith.xori %or3A_876, %add3A_869 : vector<64x128xi32>
      %add3A_878 = arith.addi %add3A_869, %xor3A_877 : vector<64x128xi32>
      %shift_left3A_879 = arith.constant 16 : i32
      %shift_left3A_880 = vector.broadcast %shift_left3A_879 : i32 to vector<64x128xi32>
      %shift_left3A_881 = arith.shli %xor3A_877, %shift_left3A_880 : vector<64x128xi32>
      %shift_right_logical3A_882 = arith.constant 16 : i32
      %shift_right_logical3A_883 = vector.broadcast %shift_right_logical3A_882 : i32 to vector<64x128xi32>
      %shift_right_logical3A_884 = arith.shrui %xor3A_877, %shift_right_logical3A_883 : vector<64x128xi32>
      %or3A_885 = arith.ori %shift_left3A_881, %shift_right_logical3A_884 : vector<64x128xi32>
      %xor3A_886 = arith.xori %or3A_885, %add3A_878 : vector<64x128xi32>
      %add3A_887 = arith.addi %add3A_878, %xor3A_886 : vector<64x128xi32>
      %shift_left3A_888 = arith.constant 24 : i32
      %shift_left3A_889 = vector.broadcast %shift_left3A_888 : i32 to vector<64x128xi32>
      %shift_left3A_890 = arith.shli %xor3A_886, %shift_left3A_889 : vector<64x128xi32>
      %shift_right_logical3A_891 = arith.constant 8 : i32
      %shift_right_logical3A_892 = vector.broadcast %shift_right_logical3A_891 : i32 to vector<64x128xi32>
      %shift_right_logical3A_893 = arith.shrui %xor3A_886, %shift_right_logical3A_892 : vector<64x128xi32>
      %or3A_894 = arith.ori %shift_left3A_890, %shift_right_logical3A_893 : vector<64x128xi32>
      %xor3A_895 = arith.xori %or3A_894, %add3A_887 : vector<64x128xi32>
      %add3A_896 = arith.constant 255383827 : i32
      %add3A_897 = vector.broadcast %add3A_896 : i32 to vector<64x128xi32>
      %add3A_898 = arith.addi %add3A_887, %add3A_897 : vector<64x128xi32>
      %add3A_899 = arith.constant -2045582809 : i32
      %add3A_900 = vector.broadcast %add3A_899 : i32 to vector<64x128xi32>
      %add3A_901 = arith.addi %xor3A_895, %add3A_900 : vector<64x128xi32>
      %add3A_902 = arith.addi %add3A_898, %add3A_901 : vector<64x128xi32>
      %shift_left3A_903 = arith.constant 13 : i32
      %shift_left3A_904 = vector.broadcast %shift_left3A_903 : i32 to vector<64x128xi32>
      %shift_left3A_905 = arith.shli %add3A_901, %shift_left3A_904 : vector<64x128xi32>
      %shift_right_logical3A_906 = arith.constant 19 : i32
      %shift_right_logical3A_907 = vector.broadcast %shift_right_logical3A_906 : i32 to vector<64x128xi32>
      %shift_right_logical3A_908 = arith.shrui %add3A_901, %shift_right_logical3A_907 : vector<64x128xi32>
      %or3A_909 = arith.ori %shift_left3A_905, %shift_right_logical3A_908 : vector<64x128xi32>
      %xor3A_910 = arith.xori %or3A_909, %add3A_902 : vector<64x128xi32>
      %add3A_911 = arith.addi %add3A_902, %xor3A_910 : vector<64x128xi32>
      %shift_left3A_912 = arith.constant 15 : i32
      %shift_left3A_913 = vector.broadcast %shift_left3A_912 : i32 to vector<64x128xi32>
      %shift_left3A_914 = arith.shli %xor3A_910, %shift_left3A_913 : vector<64x128xi32>
      %shift_right_logical3A_915 = arith.constant 17 : i32
      %shift_right_logical3A_916 = vector.broadcast %shift_right_logical3A_915 : i32 to vector<64x128xi32>
      %shift_right_logical3A_917 = arith.shrui %xor3A_910, %shift_right_logical3A_916 : vector<64x128xi32>
      %or3A_918 = arith.ori %shift_left3A_914, %shift_right_logical3A_917 : vector<64x128xi32>
      %xor3A_919 = arith.xori %or3A_918, %add3A_911 : vector<64x128xi32>
      %add3A_920 = arith.addi %add3A_911, %xor3A_919 : vector<64x128xi32>
      %shift_left3A_921 = arith.constant 26 : i32
      %shift_left3A_922 = vector.broadcast %shift_left3A_921 : i32 to vector<64x128xi32>
      %shift_left3A_923 = arith.shli %xor3A_919, %shift_left3A_922 : vector<64x128xi32>
      %shift_right_logical3A_924 = arith.constant 6 : i32
      %shift_right_logical3A_925 = vector.broadcast %shift_right_logical3A_924 : i32 to vector<64x128xi32>
      %shift_right_logical3A_926 = arith.shrui %xor3A_919, %shift_right_logical3A_925 : vector<64x128xi32>
      %or3A_927 = arith.ori %shift_left3A_923, %shift_right_logical3A_926 : vector<64x128xi32>
      %xor3A_928 = arith.xori %or3A_927, %add3A_920 : vector<64x128xi32>
      %add3A_929 = arith.addi %add3A_920, %xor3A_928 : vector<64x128xi32>
      %shift_left3A_930 = arith.constant 6 : i32
      %shift_left3A_931 = vector.broadcast %shift_left3A_930 : i32 to vector<64x128xi32>
      %shift_left3A_932 = arith.shli %xor3A_928, %shift_left3A_931 : vector<64x128xi32>
      %shift_right_logical3A_933 = arith.constant 26 : i32
      %shift_right_logical3A_934 = vector.broadcast %shift_right_logical3A_933 : i32 to vector<64x128xi32>
      %shift_right_logical3A_935 = arith.shrui %xor3A_928, %shift_right_logical3A_934 : vector<64x128xi32>
      %or3A_936 = arith.ori %shift_left3A_932, %shift_right_logical3A_935 : vector<64x128xi32>
      %xor3A_937 = arith.xori %or3A_936, %add3A_929 : vector<64x128xi32>
      %add3A_938 = arith.constant -2045582813 : i32
      %add3A_939 = vector.broadcast %add3A_938 : i32 to vector<64x128xi32>
      %add3A_940 = arith.addi %add3A_929, %add3A_939 : vector<64x128xi32>
      %add3A_941 = arith.constant -1829035793 : i32
      %add3A_942 = vector.broadcast %add3A_941 : i32 to vector<64x128xi32>
      %add3A_943 = arith.addi %xor3A_937, %add3A_942 : vector<64x128xi32>
      %xor3A_944 = arith.xori %add3A_940, %add3A_943 : vector<64x128xi32>
      %shift_right_logical3A_945 = arith.constant 9 : i32
      %shift_right_logical3A_946 = vector.broadcast %shift_right_logical3A_945 : i32 to vector<64x128xi32>
      %shift_right_logical3A_947 = arith.shrui %xor3A_944, %shift_right_logical3A_946 : vector<64x128xi32>
      %or3A_948 = arith.constant 1065353216 : i32
      %or3A_949 = vector.broadcast %or3A_948 : i32 to vector<64x128xi32>
      %or3A_950 = arith.ori %shift_right_logical3A_947, %or3A_949 : vector<64x128xi32>
      %bitcast_convert_type3A_951 = tpu.bitcast %or3A_950 : vector<64x128xi32> -> vector<64x128xf32>
      %sub3A_952 = arith.constant 1.000000e+00 : f32
      %sub3A_953 = vector.broadcast %sub3A_952 : f32 to vector<64x128xf32>
      %sub3A_954 = arith.subf %bitcast_convert_type3A_951, %sub3A_953 : vector<64x128xf32>
      %log3A_955 = math.log %sub3A_954 : vector<64x128xf32>
      %slice3A_956 = vector.extract_strided_slice %get3A_36 {offsets = [3, 0], sizes = [1, 128], strides = [1, 1]} : vector<8x128xf32> to vector<1x128xf32>
      %broadcast_in_dim3A_957 = vector.shape_cast %slice3A_956 : vector<1x128xf32> to vector<1x128xf32>
      %broadcast_in_dim3A_958 = vector.broadcast %broadcast_in_dim3A_957 : vector<1x128xf32> to vector<64x128xf32>
      %mul3A_959 = arith.mulf %log3A_955, %broadcast_in_dim3A_958 : vector<64x128xf32>
      %lt3A_960 = arith.cmpf olt, %mul3A_959, %select_n3A_727 : vector<64x128xf32>
      %select_n3A_961 = arith.select %lt3A_960, %mul3A_959, %select_n3A_727 : vector<64x128xi1>, vector<64x128xf32>
      %broadcast_in_dim3A_962 = vector.broadcast %add3A_731 : i32 to vector<64x128xi32>
      %select_n3A_963 = arith.select %lt3A_960, %broadcast_in_dim3A_962, %select_n3A_729 : vector<64x128xi1>, vector<64x128xi32>
      %add3A_964 = arith.constant 4 : i32
      %add3A_965 = arith.addi %mul3A_34, %add3A_964 : i32
      %add3A_966 = vector.broadcast %add3A_965 : i32 to vector<64x128xi32>
      %add3A_967 = arith.addi %add3A_18, %add3A_966 : vector<64x128xi32>
      %add3A_968 = arith.addi %add3A_6, %add3A_967 : vector<64x128xi32>
      %shift_left3A_969 = arith.constant 13 : i32
      %shift_left3A_970 = vector.broadcast %shift_left3A_969 : i32 to vector<64x128xi32>
      %shift_left3A_971 = arith.shli %add3A_967, %shift_left3A_970 : vector<64x128xi32>
      %shift_right_logical3A_972 = arith.constant 19 : i32
      %shift_right_logical3A_973 = vector.broadcast %shift_right_logical3A_972 : i32 to vector<64x128xi32>
      %shift_right_logical3A_974 = arith.shrui %add3A_967, %shift_right_logical3A_973 : vector<64x128xi32>
      %or3A_975 = arith.ori %shift_left3A_971, %shift_right_logical3A_974 : vector<64x128xi32>
      %xor3A_976 = arith.xori %or3A_975, %add3A_968 : vector<64x128xi32>
      %add3A_977 = arith.addi %add3A_968, %xor3A_976 : vector<64x128xi32>
      %shift_left3A_978 = arith.constant 15 : i32
      %shift_left3A_979 = vector.broadcast %shift_left3A_978 : i32 to vector<64x128xi32>
      %shift_left3A_980 = arith.shli %xor3A_976, %shift_left3A_979 : vector<64x128xi32>
      %shift_right_logical3A_981 = arith.constant 17 : i32
      %shift_right_logical3A_982 = vector.broadcast %shift_right_logical3A_981 : i32 to vector<64x128xi32>
      %shift_right_logical3A_983 = arith.shrui %xor3A_976, %shift_right_logical3A_982 : vector<64x128xi32>
      %or3A_984 = arith.ori %shift_left3A_980, %shift_right_logical3A_983 : vector<64x128xi32>
      %xor3A_985 = arith.xori %or3A_984, %add3A_977 : vector<64x128xi32>
      %add3A_986 = arith.addi %add3A_977, %xor3A_985 : vector<64x128xi32>
      %shift_left3A_987 = arith.constant 26 : i32
      %shift_left3A_988 = vector.broadcast %shift_left3A_987 : i32 to vector<64x128xi32>
      %shift_left3A_989 = arith.shli %xor3A_985, %shift_left3A_988 : vector<64x128xi32>
      %shift_right_logical3A_990 = arith.constant 6 : i32
      %shift_right_logical3A_991 = vector.broadcast %shift_right_logical3A_990 : i32 to vector<64x128xi32>
      %shift_right_logical3A_992 = arith.shrui %xor3A_985, %shift_right_logical3A_991 : vector<64x128xi32>
      %or3A_993 = arith.ori %shift_left3A_989, %shift_right_logical3A_992 : vector<64x128xi32>
      %xor3A_994 = arith.xori %or3A_993, %add3A_986 : vector<64x128xi32>
      %add3A_995 = arith.addi %add3A_986, %xor3A_994 : vector<64x128xi32>
      %shift_left3A_996 = arith.constant 6 : i32
      %shift_left3A_997 = vector.broadcast %shift_left3A_996 : i32 to vector<64x128xi32>
      %shift_left3A_998 = arith.shli %xor3A_994, %shift_left3A_997 : vector<64x128xi32>
      %shift_right_logical3A_999 = arith.constant 26 : i32
      %shift_right_logical3A_1000 = vector.broadcast %shift_right_logical3A_999 : i32 to vector<64x128xi32>
      %shift_right_logical3A_1001 = arith.shrui %xor3A_994, %shift_right_logical3A_1000 : vector<64x128xi32>
      %or3A_1002 = arith.ori %shift_left3A_998, %shift_right_logical3A_1001 : vector<64x128xi32>
      %xor3A_1003 = arith.xori %or3A_1002, %add3A_995 : vector<64x128xi32>
      %add3A_1004 = arith.constant 255383827 : i32
      %add3A_1005 = vector.broadcast %add3A_1004 : i32 to vector<64x128xi32>
      %add3A_1006 = arith.addi %add3A_995, %add3A_1005 : vector<64x128xi32>
      %add3A_1007 = arith.constant -2045582812 : i32
      %add3A_1008 = vector.broadcast %add3A_1007 : i32 to vector<64x128xi32>
      %add3A_1009 = arith.addi %xor3A_1003, %add3A_1008 : vector<64x128xi32>
      %add3A_1010 = arith.addi %add3A_1006, %add3A_1009 : vector<64x128xi32>
      %shift_left3A_1011 = arith.constant 17 : i32
      %shift_left3A_1012 = vector.broadcast %shift_left3A_1011 : i32 to vector<64x128xi32>
      %shift_left3A_1013 = arith.shli %add3A_1009, %shift_left3A_1012 : vector<64x128xi32>
      %shift_right_logical3A_1014 = arith.constant 15 : i32
      %shift_right_logical3A_1015 = vector.broadcast %shift_right_logical3A_1014 : i32 to vector<64x128xi32>
      %shift_right_logical3A_1016 = arith.shrui %add3A_1009, %shift_right_logical3A_1015 : vector<64x128xi32>
      %or3A_1017 = arith.ori %shift_left3A_1013, %shift_right_logical3A_1016 : vector<64x128xi32>
      %xor3A_1018 = arith.xori %or3A_1017, %add3A_1010 : vector<64x128xi32>
      %add3A_1019 = arith.addi %add3A_1010, %xor3A_1018 : vector<64x128xi32>
      %shift_left3A_1020 = arith.constant 29 : i32
      %shift_left3A_1021 = vector.broadcast %shift_left3A_1020 : i32 to vector<64x128xi32>
      %shift_left3A_1022 = arith.shli %xor3A_1018, %shift_left3A_1021 : vector<64x128xi32>
      %shift_right_logical3A_1023 = arith.constant 3 : i32
      %shift_right_logical3A_1024 = vector.broadcast %shift_right_logical3A_1023 : i32 to vector<64x128xi32>
      %shift_right_logical3A_1025 = arith.shrui %xor3A_1018, %shift_right_logical3A_1024 : vector<64x128xi32>
      %or3A_1026 = arith.ori %shift_left3A_1022, %shift_right_logical3A_1025 : vector<64x128xi32>
      %xor3A_1027 = arith.xori %or3A_1026, %add3A_1019 : vector<64x128xi32>
      %add3A_1028 = arith.addi %add3A_1019, %xor3A_1027 : vector<64x128xi32>
      %shift_left3A_1029 = arith.constant 16 : i32
      %shift_left3A_1030 = vector.broadcast %shift_left3A_1029 : i32 to vector<64x128xi32>
      %shift_left3A_1031 = arith.shli %xor3A_1027, %shift_left3A_1030 : vector<64x128xi32>
      %shift_right_logical3A_1032 = arith.constant 16 : i32
      %shift_right_logical3A_1033 = vector.broadcast %shift_right_logical3A_1032 : i32 to vector<64x128xi32>
      %shift_right_logical3A_1034 = arith.shrui %xor3A_1027, %shift_right_logical3A_1033 : vector<64x128xi32>
      %or3A_1035 = arith.ori %shift_left3A_1031, %shift_right_logical3A_1034 : vector<64x128xi32>
      %xor3A_1036 = arith.xori %or3A_1035, %add3A_1028 : vector<64x128xi32>
      %add3A_1037 = arith.addi %add3A_1028, %xor3A_1036 : vector<64x128xi32>
      %shift_left3A_1038 = arith.constant 24 : i32
      %shift_left3A_1039 = vector.broadcast %shift_left3A_1038 : i32 to vector<64x128xi32>
      %shift_left3A_1040 = arith.shli %xor3A_1036, %shift_left3A_1039 : vector<64x128xi32>
      %shift_right_logical3A_1041 = arith.constant 8 : i32
      %shift_right_logical3A_1042 = vector.broadcast %shift_right_logical3A_1041 : i32 to vector<64x128xi32>
      %shift_right_logical3A_1043 = arith.shrui %xor3A_1036, %shift_right_logical3A_1042 : vector<64x128xi32>
      %or3A_1044 = arith.ori %shift_left3A_1040, %shift_right_logical3A_1043 : vector<64x128xi32>
      %xor3A_1045 = arith.xori %or3A_1044, %add3A_1037 : vector<64x128xi32>
      %add3A_1046 = arith.constant -2045582813 : i32
      %add3A_1047 = vector.broadcast %add3A_1046 : i32 to vector<64x128xi32>
      %add3A_1048 = arith.addi %add3A_1037, %add3A_1047 : vector<64x128xi32>
      %add3A_1049 = arith.constant -1829035796 : i32
      %add3A_1050 = vector.broadcast %add3A_1049 : i32 to vector<64x128xi32>
      %add3A_1051 = arith.addi %xor3A_1045, %add3A_1050 : vector<64x128xi32>
      %add3A_1052 = arith.addi %add3A_1048, %add3A_1051 : vector<64x128xi32>
      %shift_left3A_1053 = arith.constant 13 : i32
      %shift_left3A_1054 = vector.broadcast %shift_left3A_1053 : i32 to vector<64x128xi32>
      %shift_left3A_1055 = arith.shli %add3A_1051, %shift_left3A_1054 : vector<64x128xi32>
      %shift_right_logical3A_1056 = arith.constant 19 : i32
      %shift_right_logical3A_1057 = vector.broadcast %shift_right_logical3A_1056 : i32 to vector<64x128xi32>
      %shift_right_logical3A_1058 = arith.shrui %add3A_1051, %shift_right_logical3A_1057 : vector<64x128xi32>
      %or3A_1059 = arith.ori %shift_left3A_1055, %shift_right_logical3A_1058 : vector<64x128xi32>
      %xor3A_1060 = arith.xori %or3A_1059, %add3A_1052 : vector<64x128xi32>
      %add3A_1061 = arith.addi %add3A_1052, %xor3A_1060 : vector<64x128xi32>
      %shift_left3A_1062 = arith.constant 15 : i32
      %shift_left3A_1063 = vector.broadcast %shift_left3A_1062 : i32 to vector<64x128xi32>
      %shift_left3A_1064 = arith.shli %xor3A_1060, %shift_left3A_1063 : vector<64x128xi32>
      %shift_right_logical3A_1065 = arith.constant 17 : i32
      %shift_right_logical3A_1066 = vector.broadcast %shift_right_logical3A_1065 : i32 to vector<64x128xi32>
      %shift_right_logical3A_1067 = arith.shrui %xor3A_1060, %shift_right_logical3A_1066 : vector<64x128xi32>
      %or3A_1068 = arith.ori %shift_left3A_1064, %shift_right_logical3A_1067 : vector<64x128xi32>
      %xor3A_1069 = arith.xori %or3A_1068, %add3A_1061 : vector<64x128xi32>
      %add3A_1070 = arith.addi %add3A_1061, %xor3A_1069 : vector<64x128xi32>
      %shift_left3A_1071 = arith.constant 26 : i32
      %shift_left3A_1072 = vector.broadcast %shift_left3A_1071 : i32 to vector<64x128xi32>
      %shift_left3A_1073 = arith.shli %xor3A_1069, %shift_left3A_1072 : vector<64x128xi32>
      %shift_right_logical3A_1074 = arith.constant 6 : i32
      %shift_right_logical3A_1075 = vector.broadcast %shift_right_logical3A_1074 : i32 to vector<64x128xi32>
      %shift_right_logical3A_1076 = arith.shrui %xor3A_1069, %shift_right_logical3A_1075 : vector<64x128xi32>
      %or3A_1077 = arith.ori %shift_left3A_1073, %shift_right_logical3A_1076 : vector<64x128xi32>
      %xor3A_1078 = arith.xori %or3A_1077, %add3A_1070 : vector<64x128xi32>
      %add3A_1079 = arith.addi %add3A_1070, %xor3A_1078 : vector<64x128xi32>
      %shift_left3A_1080 = arith.constant 6 : i32
      %shift_left3A_1081 = vector.broadcast %shift_left3A_1080 : i32 to vector<64x128xi32>
      %shift_left3A_1082 = arith.shli %xor3A_1078, %shift_left3A_1081 : vector<64x128xi32>
      %shift_right_logical3A_1083 = arith.constant 26 : i32
      %shift_right_logical3A_1084 = vector.broadcast %shift_right_logical3A_1083 : i32 to vector<64x128xi32>
      %shift_right_logical3A_1085 = arith.shrui %xor3A_1078, %shift_right_logical3A_1084 : vector<64x128xi32>
      %or3A_1086 = arith.ori %shift_left3A_1082, %shift_right_logical3A_1085 : vector<64x128xi32>
      %xor3A_1087 = arith.xori %or3A_1086, %add3A_1079 : vector<64x128xi32>
      %add3A_1088 = arith.constant -1829035798 : i32
      %add3A_1089 = vector.broadcast %add3A_1088 : i32 to vector<64x128xi32>
      %add3A_1090 = arith.addi %add3A_1079, %add3A_1089 : vector<64x128xi32>
      %add3A_1091 = arith.constant 255383830 : i32
      %add3A_1092 = vector.broadcast %add3A_1091 : i32 to vector<64x128xi32>
      %add3A_1093 = arith.addi %xor3A_1087, %add3A_1092 : vector<64x128xi32>
      %add3A_1094 = arith.addi %add3A_1090, %add3A_1093 : vector<64x128xi32>
      %shift_left3A_1095 = arith.constant 17 : i32
      %shift_left3A_1096 = vector.broadcast %shift_left3A_1095 : i32 to vector<64x128xi32>
      %shift_left3A_1097 = arith.shli %add3A_1093, %shift_left3A_1096 : vector<64x128xi32>
      %shift_right_logical3A_1098 = arith.constant 15 : i32
      %shift_right_logical3A_1099 = vector.broadcast %shift_right_logical3A_1098 : i32 to vector<64x128xi32>
      %shift_right_logical3A_1100 = arith.shrui %add3A_1093, %shift_right_logical3A_1099 : vector<64x128xi32>
      %or3A_1101 = arith.ori %shift_left3A_1097, %shift_right_logical3A_1100 : vector<64x128xi32>
      %xor3A_1102 = arith.xori %or3A_1101, %add3A_1094 : vector<64x128xi32>
      %add3A_1103 = arith.addi %add3A_1094, %xor3A_1102 : vector<64x128xi32>
      %shift_left3A_1104 = arith.constant 29 : i32
      %shift_left3A_1105 = vector.broadcast %shift_left3A_1104 : i32 to vector<64x128xi32>
      %shift_left3A_1106 = arith.shli %xor3A_1102, %shift_left3A_1105 : vector<64x128xi32>
      %shift_right_logical3A_1107 = arith.constant 3 : i32
      %shift_right_logical3A_1108 = vector.broadcast %shift_right_logical3A_1107 : i32 to vector<64x128xi32>
      %shift_right_logical3A_1109 = arith.shrui %xor3A_1102, %shift_right_logical3A_1108 : vector<64x128xi32>
      %or3A_1110 = arith.ori %shift_left3A_1106, %shift_right_logical3A_1109 : vector<64x128xi32>
      %xor3A_1111 = arith.xori %or3A_1110, %add3A_1103 : vector<64x128xi32>
      %add3A_1112 = arith.addi %add3A_1103, %xor3A_1111 : vector<64x128xi32>
      %shift_left3A_1113 = arith.constant 16 : i32
      %shift_left3A_1114 = vector.broadcast %shift_left3A_1113 : i32 to vector<64x128xi32>
      %shift_left3A_1115 = arith.shli %xor3A_1111, %shift_left3A_1114 : vector<64x128xi32>
      %shift_right_logical3A_1116 = arith.constant 16 : i32
      %shift_right_logical3A_1117 = vector.broadcast %shift_right_logical3A_1116 : i32 to vector<64x128xi32>
      %shift_right_logical3A_1118 = arith.shrui %xor3A_1111, %shift_right_logical3A_1117 : vector<64x128xi32>
      %or3A_1119 = arith.ori %shift_left3A_1115, %shift_right_logical3A_1118 : vector<64x128xi32>
      %xor3A_1120 = arith.xori %or3A_1119, %add3A_1112 : vector<64x128xi32>
      %add3A_1121 = arith.addi %add3A_1112, %xor3A_1120 : vector<64x128xi32>
      %shift_left3A_1122 = arith.constant 24 : i32
      %shift_left3A_1123 = vector.broadcast %shift_left3A_1122 : i32 to vector<64x128xi32>
      %shift_left3A_1124 = arith.shli %xor3A_1120, %shift_left3A_1123 : vector<64x128xi32>
      %shift_right_logical3A_1125 = arith.constant 8 : i32
      %shift_right_logical3A_1126 = vector.broadcast %shift_right_logical3A_1125 : i32 to vector<64x128xi32>
      %shift_right_logical3A_1127 = arith.shrui %xor3A_1120, %shift_right_logical3A_1126 : vector<64x128xi32>
      %or3A_1128 = arith.ori %shift_left3A_1124, %shift_right_logical3A_1127 : vector<64x128xi32>
      %xor3A_1129 = arith.xori %or3A_1128, %add3A_1121 : vector<64x128xi32>
      %add3A_1130 = arith.constant 255383827 : i32
      %add3A_1131 = vector.broadcast %add3A_1130 : i32 to vector<64x128xi32>
      %add3A_1132 = arith.addi %add3A_1121, %add3A_1131 : vector<64x128xi32>
      %add3A_1133 = arith.constant -2045582809 : i32
      %add3A_1134 = vector.broadcast %add3A_1133 : i32 to vector<64x128xi32>
      %add3A_1135 = arith.addi %xor3A_1129, %add3A_1134 : vector<64x128xi32>
      %add3A_1136 = arith.addi %add3A_1132, %add3A_1135 : vector<64x128xi32>
      %shift_left3A_1137 = arith.constant 13 : i32
      %shift_left3A_1138 = vector.broadcast %shift_left3A_1137 : i32 to vector<64x128xi32>
      %shift_left3A_1139 = arith.shli %add3A_1135, %shift_left3A_1138 : vector<64x128xi32>
      %shift_right_logical3A_1140 = arith.constant 19 : i32
      %shift_right_logical3A_1141 = vector.broadcast %shift_right_logical3A_1140 : i32 to vector<64x128xi32>
      %shift_right_logical3A_1142 = arith.shrui %add3A_1135, %shift_right_logical3A_1141 : vector<64x128xi32>
      %or3A_1143 = arith.ori %shift_left3A_1139, %shift_right_logical3A_1142 : vector<64x128xi32>
      %xor3A_1144 = arith.xori %or3A_1143, %add3A_1136 : vector<64x128xi32>
      %add3A_1145 = arith.addi %add3A_1136, %xor3A_1144 : vector<64x128xi32>
      %shift_left3A_1146 = arith.constant 15 : i32
      %shift_left3A_1147 = vector.broadcast %shift_left3A_1146 : i32 to vector<64x128xi32>
      %shift_left3A_1148 = arith.shli %xor3A_1144, %shift_left3A_1147 : vector<64x128xi32>
      %shift_right_logical3A_1149 = arith.constant 17 : i32
      %shift_right_logical3A_1150 = vector.broadcast %shift_right_logical3A_1149 : i32 to vector<64x128xi32>
      %shift_right_logical3A_1151 = arith.shrui %xor3A_1144, %shift_right_logical3A_1150 : vector<64x128xi32>
      %or3A_1152 = arith.ori %shift_left3A_1148, %shift_right_logical3A_1151 : vector<64x128xi32>
      %xor3A_1153 = arith.xori %or3A_1152, %add3A_1145 : vector<64x128xi32>
      %add3A_1154 = arith.addi %add3A_1145, %xor3A_1153 : vector<64x128xi32>
      %shift_left3A_1155 = arith.constant 26 : i32
      %shift_left3A_1156 = vector.broadcast %shift_left3A_1155 : i32 to vector<64x128xi32>
      %shift_left3A_1157 = arith.shli %xor3A_1153, %shift_left3A_1156 : vector<64x128xi32>
      %shift_right_logical3A_1158 = arith.constant 6 : i32
      %shift_right_logical3A_1159 = vector.broadcast %shift_right_logical3A_1158 : i32 to vector<64x128xi32>
      %shift_right_logical3A_1160 = arith.shrui %xor3A_1153, %shift_right_logical3A_1159 : vector<64x128xi32>
      %or3A_1161 = arith.ori %shift_left3A_1157, %shift_right_logical3A_1160 : vector<64x128xi32>
      %xor3A_1162 = arith.xori %or3A_1161, %add3A_1154 : vector<64x128xi32>
      %add3A_1163 = arith.addi %add3A_1154, %xor3A_1162 : vector<64x128xi32>
      %shift_left3A_1164 = arith.constant 6 : i32
      %shift_left3A_1165 = vector.broadcast %shift_left3A_1164 : i32 to vector<64x128xi32>
      %shift_left3A_1166 = arith.shli %xor3A_1162, %shift_left3A_1165 : vector<64x128xi32>
      %shift_right_logical3A_1167 = arith.constant 26 : i32
      %shift_right_logical3A_1168 = vector.broadcast %shift_right_logical3A_1167 : i32 to vector<64x128xi32>
      %shift_right_logical3A_1169 = arith.shrui %xor3A_1162, %shift_right_logical3A_1168 : vector<64x128xi32>
      %or3A_1170 = arith.ori %shift_left3A_1166, %shift_right_logical3A_1169 : vector<64x128xi32>
      %xor3A_1171 = arith.xori %or3A_1170, %add3A_1163 : vector<64x128xi32>
      %add3A_1172 = arith.constant -2045582813 : i32
      %add3A_1173 = vector.broadcast %add3A_1172 : i32 to vector<64x128xi32>
      %add3A_1174 = arith.addi %add3A_1163, %add3A_1173 : vector<64x128xi32>
      %add3A_1175 = arith.constant -1829035793 : i32
      %add3A_1176 = vector.broadcast %add3A_1175 : i32 to vector<64x128xi32>
      %add3A_1177 = arith.addi %xor3A_1171, %add3A_1176 : vector<64x128xi32>
      %xor3A_1178 = arith.xori %add3A_1174, %add3A_1177 : vector<64x128xi32>
      %shift_right_logical3A_1179 = arith.constant 9 : i32
      %shift_right_logical3A_1180 = vector.broadcast %shift_right_logical3A_1179 : i32 to vector<64x128xi32>
      %shift_right_logical3A_1181 = arith.shrui %xor3A_1178, %shift_right_logical3A_1180 : vector<64x128xi32>
      %or3A_1182 = arith.constant 1065353216 : i32
      %or3A_1183 = vector.broadcast %or3A_1182 : i32 to vector<64x128xi32>
      %or3A_1184 = arith.ori %shift_right_logical3A_1181, %or3A_1183 : vector<64x128xi32>
      %bitcast_convert_type3A_1185 = tpu.bitcast %or3A_1184 : vector<64x128xi32> -> vector<64x128xf32>
      %sub3A_1186 = arith.constant 1.000000e+00 : f32
      %sub3A_1187 = vector.broadcast %sub3A_1186 : f32 to vector<64x128xf32>
      %sub3A_1188 = arith.subf %bitcast_convert_type3A_1185, %sub3A_1187 : vector<64x128xf32>
      %log3A_1189 = math.log %sub3A_1188 : vector<64x128xf32>
      %slice3A_1190 = vector.extract_strided_slice %get3A_36 {offsets = [4, 0], sizes = [1, 128], strides = [1, 1]} : vector<8x128xf32> to vector<1x128xf32>
      %broadcast_in_dim3A_1191 = vector.shape_cast %slice3A_1190 : vector<1x128xf32> to vector<1x128xf32>
      %broadcast_in_dim3A_1192 = vector.broadcast %broadcast_in_dim3A_1191 : vector<1x128xf32> to vector<64x128xf32>
      %mul3A_1193 = arith.mulf %log3A_1189, %broadcast_in_dim3A_1192 : vector<64x128xf32>
      %lt3A_1194 = arith.cmpf olt, %mul3A_1193, %select_n3A_961 : vector<64x128xf32>
      %select_n3A_1195 = arith.select %lt3A_1194, %mul3A_1193, %select_n3A_961 : vector<64x128xi1>, vector<64x128xf32>
      %broadcast_in_dim3A_1196 = vector.broadcast %add3A_965 : i32 to vector<64x128xi32>
      %select_n3A_1197 = arith.select %lt3A_1194, %broadcast_in_dim3A_1196, %select_n3A_963 : vector<64x128xi1>, vector<64x128xi32>
      %add3A_1198 = arith.constant 5 : i32
      %add3A_1199 = arith.addi %mul3A_34, %add3A_1198 : i32
      %add3A_1200 = vector.broadcast %add3A_1199 : i32 to vector<64x128xi32>
      %add3A_1201 = arith.addi %add3A_18, %add3A_1200 : vector<64x128xi32>
      %add3A_1202 = arith.addi %add3A_6, %add3A_1201 : vector<64x128xi32>
      %shift_left3A_1203 = arith.constant 13 : i32
      %shift_left3A_1204 = vector.broadcast %shift_left3A_1203 : i32 to vector<64x128xi32>
      %shift_left3A_1205 = arith.shli %add3A_1201, %shift_left3A_1204 : vector<64x128xi32>
      %shift_right_logical3A_1206 = arith.constant 19 : i32
      %shift_right_logical3A_1207 = vector.broadcast %shift_right_logical3A_1206 : i32 to vector<64x128xi32>
      %shift_right_logical3A_1208 = arith.shrui %add3A_1201, %shift_right_logical3A_1207 : vector<64x128xi32>
      %or3A_1209 = arith.ori %shift_left3A_1205, %shift_right_logical3A_1208 : vector<64x128xi32>
      %xor3A_1210 = arith.xori %or3A_1209, %add3A_1202 : vector<64x128xi32>
      %add3A_1211 = arith.addi %add3A_1202, %xor3A_1210 : vector<64x128xi32>
      %shift_left3A_1212 = arith.constant 15 : i32
      %shift_left3A_1213 = vector.broadcast %shift_left3A_1212 : i32 to vector<64x128xi32>
      %shift_left3A_1214 = arith.shli %xor3A_1210, %shift_left3A_1213 : vector<64x128xi32>
      %shift_right_logical3A_1215 = arith.constant 17 : i32
      %shift_right_logical3A_1216 = vector.broadcast %shift_right_logical3A_1215 : i32 to vector<64x128xi32>
      %shift_right_logical3A_1217 = arith.shrui %xor3A_1210, %shift_right_logical3A_1216 : vector<64x128xi32>
      %or3A_1218 = arith.ori %shift_left3A_1214, %shift_right_logical3A_1217 : vector<64x128xi32>
      %xor3A_1219 = arith.xori %or3A_1218, %add3A_1211 : vector<64x128xi32>
      %add3A_1220 = arith.addi %add3A_1211, %xor3A_1219 : vector<64x128xi32>
      %shift_left3A_1221 = arith.constant 26 : i32
      %shift_left3A_1222 = vector.broadcast %shift_left3A_1221 : i32 to vector<64x128xi32>
      %shift_left3A_1223 = arith.shli %xor3A_1219, %shift_left3A_1222 : vector<64x128xi32>
      %shift_right_logical3A_1224 = arith.constant 6 : i32
      %shift_right_logical3A_1225 = vector.broadcast %shift_right_logical3A_1224 : i32 to vector<64x128xi32>
      %shift_right_logical3A_1226 = arith.shrui %xor3A_1219, %shift_right_logical3A_1225 : vector<64x128xi32>
      %or3A_1227 = arith.ori %shift_left3A_1223, %shift_right_logical3A_1226 : vector<64x128xi32>
      %xor3A_1228 = arith.xori %or3A_1227, %add3A_1220 : vector<64x128xi32>
      %add3A_1229 = arith.addi %add3A_1220, %xor3A_1228 : vector<64x128xi32>
      %shift_left3A_1230 = arith.constant 6 : i32
      %shift_left3A_1231 = vector.broadcast %shift_left3A_1230 : i32 to vector<64x128xi32>
      %shift_left3A_1232 = arith.shli %xor3A_1228, %shift_left3A_1231 : vector<64x128xi32>
      %shift_right_logical3A_1233 = arith.constant 26 : i32
      %shift_right_logical3A_1234 = vector.broadcast %shift_right_logical3A_1233 : i32 to vector<64x128xi32>
      %shift_right_logical3A_1235 = arith.shrui %xor3A_1228, %shift_right_logical3A_1234 : vector<64x128xi32>
      %or3A_1236 = arith.ori %shift_left3A_1232, %shift_right_logical3A_1235 : vector<64x128xi32>
      %xor3A_1237 = arith.xori %or3A_1236, %add3A_1229 : vector<64x128xi32>
      %add3A_1238 = arith.constant 255383827 : i32
      %add3A_1239 = vector.broadcast %add3A_1238 : i32 to vector<64x128xi32>
      %add3A_1240 = arith.addi %add3A_1229, %add3A_1239 : vector<64x128xi32>
      %add3A_1241 = arith.constant -2045582812 : i32
      %add3A_1242 = vector.broadcast %add3A_1241 : i32 to vector<64x128xi32>
      %add3A_1243 = arith.addi %xor3A_1237, %add3A_1242 : vector<64x128xi32>
      %add3A_1244 = arith.addi %add3A_1240, %add3A_1243 : vector<64x128xi32>
      %shift_left3A_1245 = arith.constant 17 : i32
      %shift_left3A_1246 = vector.broadcast %shift_left3A_1245 : i32 to vector<64x128xi32>
      %shift_left3A_1247 = arith.shli %add3A_1243, %shift_left3A_1246 : vector<64x128xi32>
      %shift_right_logical3A_1248 = arith.constant 15 : i32
      %shift_right_logical3A_1249 = vector.broadcast %shift_right_logical3A_1248 : i32 to vector<64x128xi32>
      %shift_right_logical3A_1250 = arith.shrui %add3A_1243, %shift_right_logical3A_1249 : vector<64x128xi32>
      %or3A_1251 = arith.ori %shift_left3A_1247, %shift_right_logical3A_1250 : vector<64x128xi32>
      %xor3A_1252 = arith.xori %or3A_1251, %add3A_1244 : vector<64x128xi32>
      %add3A_1253 = arith.addi %add3A_1244, %xor3A_1252 : vector<64x128xi32>
      %shift_left3A_1254 = arith.constant 29 : i32
      %shift_left3A_1255 = vector.broadcast %shift_left3A_1254 : i32 to vector<64x128xi32>
      %shift_left3A_1256 = arith.shli %xor3A_1252, %shift_left3A_1255 : vector<64x128xi32>
      %shift_right_logical3A_1257 = arith.constant 3 : i32
      %shift_right_logical3A_1258 = vector.broadcast %shift_right_logical3A_1257 : i32 to vector<64x128xi32>
      %shift_right_logical3A_1259 = arith.shrui %xor3A_1252, %shift_right_logical3A_1258 : vector<64x128xi32>
      %or3A_1260 = arith.ori %shift_left3A_1256, %shift_right_logical3A_1259 : vector<64x128xi32>
      %xor3A_1261 = arith.xori %or3A_1260, %add3A_1253 : vector<64x128xi32>
      %add3A_1262 = arith.addi %add3A_1253, %xor3A_1261 : vector<64x128xi32>
      %shift_left3A_1263 = arith.constant 16 : i32
      %shift_left3A_1264 = vector.broadcast %shift_left3A_1263 : i32 to vector<64x128xi32>
      %shift_left3A_1265 = arith.shli %xor3A_1261, %shift_left3A_1264 : vector<64x128xi32>
      %shift_right_logical3A_1266 = arith.constant 16 : i32
      %shift_right_logical3A_1267 = vector.broadcast %shift_right_logical3A_1266 : i32 to vector<64x128xi32>
      %shift_right_logical3A_1268 = arith.shrui %xor3A_1261, %shift_right_logical3A_1267 : vector<64x128xi32>
      %or3A_1269 = arith.ori %shift_left3A_1265, %shift_right_logical3A_1268 : vector<64x128xi32>
      %xor3A_1270 = arith.xori %or3A_1269, %add3A_1262 : vector<64x128xi32>
      %add3A_1271 = arith.addi %add3A_1262, %xor3A_1270 : vector<64x128xi32>
      %shift_left3A_1272 = arith.constant 24 : i32
      %shift_left3A_1273 = vector.broadcast %shift_left3A_1272 : i32 to vector<64x128xi32>
      %shift_left3A_1274 = arith.shli %xor3A_1270, %shift_left3A_1273 : vector<64x128xi32>
      %shift_right_logical3A_1275 = arith.constant 8 : i32
      %shift_right_logical3A_1276 = vector.broadcast %shift_right_logical3A_1275 : i32 to vector<64x128xi32>
      %shift_right_logical3A_1277 = arith.shrui %xor3A_1270, %shift_right_logical3A_1276 : vector<64x128xi32>
      %or3A_1278 = arith.ori %shift_left3A_1274, %shift_right_logical3A_1277 : vector<64x128xi32>
      %xor3A_1279 = arith.xori %or3A_1278, %add3A_1271 : vector<64x128xi32>
      %add3A_1280 = arith.constant -2045582813 : i32
      %add3A_1281 = vector.broadcast %add3A_1280 : i32 to vector<64x128xi32>
      %add3A_1282 = arith.addi %add3A_1271, %add3A_1281 : vector<64x128xi32>
      %add3A_1283 = arith.constant -1829035796 : i32
      %add3A_1284 = vector.broadcast %add3A_1283 : i32 to vector<64x128xi32>
      %add3A_1285 = arith.addi %xor3A_1279, %add3A_1284 : vector<64x128xi32>
      %add3A_1286 = arith.addi %add3A_1282, %add3A_1285 : vector<64x128xi32>
      %shift_left3A_1287 = arith.constant 13 : i32
      %shift_left3A_1288 = vector.broadcast %shift_left3A_1287 : i32 to vector<64x128xi32>
      %shift_left3A_1289 = arith.shli %add3A_1285, %shift_left3A_1288 : vector<64x128xi32>
      %shift_right_logical3A_1290 = arith.constant 19 : i32
      %shift_right_logical3A_1291 = vector.broadcast %shift_right_logical3A_1290 : i32 to vector<64x128xi32>
      %shift_right_logical3A_1292 = arith.shrui %add3A_1285, %shift_right_logical3A_1291 : vector<64x128xi32>
      %or3A_1293 = arith.ori %shift_left3A_1289, %shift_right_logical3A_1292 : vector<64x128xi32>
      %xor3A_1294 = arith.xori %or3A_1293, %add3A_1286 : vector<64x128xi32>
      %add3A_1295 = arith.addi %add3A_1286, %xor3A_1294 : vector<64x128xi32>
      %shift_left3A_1296 = arith.constant 15 : i32
      %shift_left3A_1297 = vector.broadcast %shift_left3A_1296 : i32 to vector<64x128xi32>
      %shift_left3A_1298 = arith.shli %xor3A_1294, %shift_left3A_1297 : vector<64x128xi32>
      %shift_right_logical3A_1299 = arith.constant 17 : i32
      %shift_right_logical3A_1300 = vector.broadcast %shift_right_logical3A_1299 : i32 to vector<64x128xi32>
      %shift_right_logical3A_1301 = arith.shrui %xor3A_1294, %shift_right_logical3A_1300 : vector<64x128xi32>
      %or3A_1302 = arith.ori %shift_left3A_1298, %shift_right_logical3A_1301 : vector<64x128xi32>
      %xor3A_1303 = arith.xori %or3A_1302, %add3A_1295 : vector<64x128xi32>
      %add3A_1304 = arith.addi %add3A_1295, %xor3A_1303 : vector<64x128xi32>
      %shift_left3A_1305 = arith.constant 26 : i32
      %shift_left3A_1306 = vector.broadcast %shift_left3A_1305 : i32 to vector<64x128xi32>
      %shift_left3A_1307 = arith.shli %xor3A_1303, %shift_left3A_1306 : vector<64x128xi32>
      %shift_right_logical3A_1308 = arith.constant 6 : i32
      %shift_right_logical3A_1309 = vector.broadcast %shift_right_logical3A_1308 : i32 to vector<64x128xi32>
      %shift_right_logical3A_1310 = arith.shrui %xor3A_1303, %shift_right_logical3A_1309 : vector<64x128xi32>
      %or3A_1311 = arith.ori %shift_left3A_1307, %shift_right_logical3A_1310 : vector<64x128xi32>
      %xor3A_1312 = arith.xori %or3A_1311, %add3A_1304 : vector<64x128xi32>
      %add3A_1313 = arith.addi %add3A_1304, %xor3A_1312 : vector<64x128xi32>
      %shift_left3A_1314 = arith.constant 6 : i32
      %shift_left3A_1315 = vector.broadcast %shift_left3A_1314 : i32 to vector<64x128xi32>
      %shift_left3A_1316 = arith.shli %xor3A_1312, %shift_left3A_1315 : vector<64x128xi32>
      %shift_right_logical3A_1317 = arith.constant 26 : i32
      %shift_right_logical3A_1318 = vector.broadcast %shift_right_logical3A_1317 : i32 to vector<64x128xi32>
      %shift_right_logical3A_1319 = arith.shrui %xor3A_1312, %shift_right_logical3A_1318 : vector<64x128xi32>
      %or3A_1320 = arith.ori %shift_left3A_1316, %shift_right_logical3A_1319 : vector<64x128xi32>
      %xor3A_1321 = arith.xori %or3A_1320, %add3A_1313 : vector<64x128xi32>
      %add3A_1322 = arith.constant -1829035798 : i32
      %add3A_1323 = vector.broadcast %add3A_1322 : i32 to vector<64x128xi32>
      %add3A_1324 = arith.addi %add3A_1313, %add3A_1323 : vector<64x128xi32>
      %add3A_1325 = arith.constant 255383830 : i32
      %add3A_1326 = vector.broadcast %add3A_1325 : i32 to vector<64x128xi32>
      %add3A_1327 = arith.addi %xor3A_1321, %add3A_1326 : vector<64x128xi32>
      %add3A_1328 = arith.addi %add3A_1324, %add3A_1327 : vector<64x128xi32>
      %shift_left3A_1329 = arith.constant 17 : i32
      %shift_left3A_1330 = vector.broadcast %shift_left3A_1329 : i32 to vector<64x128xi32>
      %shift_left3A_1331 = arith.shli %add3A_1327, %shift_left3A_1330 : vector<64x128xi32>
      %shift_right_logical3A_1332 = arith.constant 15 : i32
      %shift_right_logical3A_1333 = vector.broadcast %shift_right_logical3A_1332 : i32 to vector<64x128xi32>
      %shift_right_logical3A_1334 = arith.shrui %add3A_1327, %shift_right_logical3A_1333 : vector<64x128xi32>
      %or3A_1335 = arith.ori %shift_left3A_1331, %shift_right_logical3A_1334 : vector<64x128xi32>
      %xor3A_1336 = arith.xori %or3A_1335, %add3A_1328 : vector<64x128xi32>
      %add3A_1337 = arith.addi %add3A_1328, %xor3A_1336 : vector<64x128xi32>
      %shift_left3A_1338 = arith.constant 29 : i32
      %shift_left3A_1339 = vector.broadcast %shift_left3A_1338 : i32 to vector<64x128xi32>
      %shift_left3A_1340 = arith.shli %xor3A_1336, %shift_left3A_1339 : vector<64x128xi32>
      %shift_right_logical3A_1341 = arith.constant 3 : i32
      %shift_right_logical3A_1342 = vector.broadcast %shift_right_logical3A_1341 : i32 to vector<64x128xi32>
      %shift_right_logical3A_1343 = arith.shrui %xor3A_1336, %shift_right_logical3A_1342 : vector<64x128xi32>
      %or3A_1344 = arith.ori %shift_left3A_1340, %shift_right_logical3A_1343 : vector<64x128xi32>
      %xor3A_1345 = arith.xori %or3A_1344, %add3A_1337 : vector<64x128xi32>
      %add3A_1346 = arith.addi %add3A_1337, %xor3A_1345 : vector<64x128xi32>
      %shift_left3A_1347 = arith.constant 16 : i32
      %shift_left3A_1348 = vector.broadcast %shift_left3A_1347 : i32 to vector<64x128xi32>
      %shift_left3A_1349 = arith.shli %xor3A_1345, %shift_left3A_1348 : vector<64x128xi32>
      %shift_right_logical3A_1350 = arith.constant 16 : i32
      %shift_right_logical3A_1351 = vector.broadcast %shift_right_logical3A_1350 : i32 to vector<64x128xi32>
      %shift_right_logical3A_1352 = arith.shrui %xor3A_1345, %shift_right_logical3A_1351 : vector<64x128xi32>
      %or3A_1353 = arith.ori %shift_left3A_1349, %shift_right_logical3A_1352 : vector<64x128xi32>
      %xor3A_1354 = arith.xori %or3A_1353, %add3A_1346 : vector<64x128xi32>
      %add3A_1355 = arith.addi %add3A_1346, %xor3A_1354 : vector<64x128xi32>
      %shift_left3A_1356 = arith.constant 24 : i32
      %shift_left3A_1357 = vector.broadcast %shift_left3A_1356 : i32 to vector<64x128xi32>
      %shift_left3A_1358 = arith.shli %xor3A_1354, %shift_left3A_1357 : vector<64x128xi32>
      %shift_right_logical3A_1359 = arith.constant 8 : i32
      %shift_right_logical3A_1360 = vector.broadcast %shift_right_logical3A_1359 : i32 to vector<64x128xi32>
      %shift_right_logical3A_1361 = arith.shrui %xor3A_1354, %shift_right_logical3A_1360 : vector<64x128xi32>
      %or3A_1362 = arith.ori %shift_left3A_1358, %shift_right_logical3A_1361 : vector<64x128xi32>
      %xor3A_1363 = arith.xori %or3A_1362, %add3A_1355 : vector<64x128xi32>
      %add3A_1364 = arith.constant 255383827 : i32
      %add3A_1365 = vector.broadcast %add3A_1364 : i32 to vector<64x128xi32>
      %add3A_1366 = arith.addi %add3A_1355, %add3A_1365 : vector<64x128xi32>
      %add3A_1367 = arith.constant -2045582809 : i32
      %add3A_1368 = vector.broadcast %add3A_1367 : i32 to vector<64x128xi32>
      %add3A_1369 = arith.addi %xor3A_1363, %add3A_1368 : vector<64x128xi32>
      %add3A_1370 = arith.addi %add3A_1366, %add3A_1369 : vector<64x128xi32>
      %shift_left3A_1371 = arith.constant 13 : i32
      %shift_left3A_1372 = vector.broadcast %shift_left3A_1371 : i32 to vector<64x128xi32>
      %shift_left3A_1373 = arith.shli %add3A_1369, %shift_left3A_1372 : vector<64x128xi32>
      %shift_right_logical3A_1374 = arith.constant 19 : i32
      %shift_right_logical3A_1375 = vector.broadcast %shift_right_logical3A_1374 : i32 to vector<64x128xi32>
      %shift_right_logical3A_1376 = arith.shrui %add3A_1369, %shift_right_logical3A_1375 : vector<64x128xi32>
      %or3A_1377 = arith.ori %shift_left3A_1373, %shift_right_logical3A_1376 : vector<64x128xi32>
      %xor3A_1378 = arith.xori %or3A_1377, %add3A_1370 : vector<64x128xi32>
      %add3A_1379 = arith.addi %add3A_1370, %xor3A_1378 : vector<64x128xi32>
      %shift_left3A_1380 = arith.constant 15 : i32
      %shift_left3A_1381 = vector.broadcast %shift_left3A_1380 : i32 to vector<64x128xi32>
      %shift_left3A_1382 = arith.shli %xor3A_1378, %shift_left3A_1381 : vector<64x128xi32>
      %shift_right_logical3A_1383 = arith.constant 17 : i32
      %shift_right_logical3A_1384 = vector.broadcast %shift_right_logical3A_1383 : i32 to vector<64x128xi32>
      %shift_right_logical3A_1385 = arith.shrui %xor3A_1378, %shift_right_logical3A_1384 : vector<64x128xi32>
      %or3A_1386 = arith.ori %shift_left3A_1382, %shift_right_logical3A_1385 : vector<64x128xi32>
      %xor3A_1387 = arith.xori %or3A_1386, %add3A_1379 : vector<64x128xi32>
      %add3A_1388 = arith.addi %add3A_1379, %xor3A_1387 : vector<64x128xi32>
      %shift_left3A_1389 = arith.constant 26 : i32
      %shift_left3A_1390 = vector.broadcast %shift_left3A_1389 : i32 to vector<64x128xi32>
      %shift_left3A_1391 = arith.shli %xor3A_1387, %shift_left3A_1390 : vector<64x128xi32>
      %shift_right_logical3A_1392 = arith.constant 6 : i32
      %shift_right_logical3A_1393 = vector.broadcast %shift_right_logical3A_1392 : i32 to vector<64x128xi32>
      %shift_right_logical3A_1394 = arith.shrui %xor3A_1387, %shift_right_logical3A_1393 : vector<64x128xi32>
      %or3A_1395 = arith.ori %shift_left3A_1391, %shift_right_logical3A_1394 : vector<64x128xi32>
      %xor3A_1396 = arith.xori %or3A_1395, %add3A_1388 : vector<64x128xi32>
      %add3A_1397 = arith.addi %add3A_1388, %xor3A_1396 : vector<64x128xi32>
      %shift_left3A_1398 = arith.constant 6 : i32
      %shift_left3A_1399 = vector.broadcast %shift_left3A_1398 : i32 to vector<64x128xi32>
      %shift_left3A_1400 = arith.shli %xor3A_1396, %shift_left3A_1399 : vector<64x128xi32>
      %shift_right_logical3A_1401 = arith.constant 26 : i32
      %shift_right_logical3A_1402 = vector.broadcast %shift_right_logical3A_1401 : i32 to vector<64x128xi32>
      %shift_right_logical3A_1403 = arith.shrui %xor3A_1396, %shift_right_logical3A_1402 : vector<64x128xi32>
      %or3A_1404 = arith.ori %shift_left3A_1400, %shift_right_logical3A_1403 : vector<64x128xi32>
      %xor3A_1405 = arith.xori %or3A_1404, %add3A_1397 : vector<64x128xi32>
      %add3A_1406 = arith.constant -2045582813 : i32
      %add3A_1407 = vector.broadcast %add3A_1406 : i32 to vector<64x128xi32>
      %add3A_1408 = arith.addi %add3A_1397, %add3A_1407 : vector<64x128xi32>
      %add3A_1409 = arith.constant -1829035793 : i32
      %add3A_1410 = vector.broadcast %add3A_1409 : i32 to vector<64x128xi32>
      %add3A_1411 = arith.addi %xor3A_1405, %add3A_1410 : vector<64x128xi32>
      %xor3A_1412 = arith.xori %add3A_1408, %add3A_1411 : vector<64x128xi32>
      %shift_right_logical3A_1413 = arith.constant 9 : i32
      %shift_right_logical3A_1414 = vector.broadcast %shift_right_logical3A_1413 : i32 to vector<64x128xi32>
      %shift_right_logical3A_1415 = arith.shrui %xor3A_1412, %shift_right_logical3A_1414 : vector<64x128xi32>
      %or3A_1416 = arith.constant 1065353216 : i32
      %or3A_1417 = vector.broadcast %or3A_1416 : i32 to vector<64x128xi32>
      %or3A_1418 = arith.ori %shift_right_logical3A_1415, %or3A_1417 : vector<64x128xi32>
      %bitcast_convert_type3A_1419 = tpu.bitcast %or3A_1418 : vector<64x128xi32> -> vector<64x128xf32>
      %sub3A_1420 = arith.constant 1.000000e+00 : f32
      %sub3A_1421 = vector.broadcast %sub3A_1420 : f32 to vector<64x128xf32>
      %sub3A_1422 = arith.subf %bitcast_convert_type3A_1419, %sub3A_1421 : vector<64x128xf32>
      %log3A_1423 = math.log %sub3A_1422 : vector<64x128xf32>
      %slice3A_1424 = vector.extract_strided_slice %get3A_36 {offsets = [5, 0], sizes = [1, 128], strides = [1, 1]} : vector<8x128xf32> to vector<1x128xf32>
      %broadcast_in_dim3A_1425 = vector.shape_cast %slice3A_1424 : vector<1x128xf32> to vector<1x128xf32>
      %broadcast_in_dim3A_1426 = vector.broadcast %broadcast_in_dim3A_1425 : vector<1x128xf32> to vector<64x128xf32>
      %mul3A_1427 = arith.mulf %log3A_1423, %broadcast_in_dim3A_1426 : vector<64x128xf32>
      %lt3A_1428 = arith.cmpf olt, %mul3A_1427, %select_n3A_1195 : vector<64x128xf32>
      %select_n3A_1429 = arith.select %lt3A_1428, %mul3A_1427, %select_n3A_1195 : vector<64x128xi1>, vector<64x128xf32>
      %broadcast_in_dim3A_1430 = vector.broadcast %add3A_1199 : i32 to vector<64x128xi32>
      %select_n3A_1431 = arith.select %lt3A_1428, %broadcast_in_dim3A_1430, %select_n3A_1197 : vector<64x128xi1>, vector<64x128xi32>
      %add3A_1432 = arith.constant 6 : i32
      %add3A_1433 = arith.addi %mul3A_34, %add3A_1432 : i32
      %add3A_1434 = vector.broadcast %add3A_1433 : i32 to vector<64x128xi32>
      %add3A_1435 = arith.addi %add3A_18, %add3A_1434 : vector<64x128xi32>
      %add3A_1436 = arith.addi %add3A_6, %add3A_1435 : vector<64x128xi32>
      %shift_left3A_1437 = arith.constant 13 : i32
      %shift_left3A_1438 = vector.broadcast %shift_left3A_1437 : i32 to vector<64x128xi32>
      %shift_left3A_1439 = arith.shli %add3A_1435, %shift_left3A_1438 : vector<64x128xi32>
      %shift_right_logical3A_1440 = arith.constant 19 : i32
      %shift_right_logical3A_1441 = vector.broadcast %shift_right_logical3A_1440 : i32 to vector<64x128xi32>
      %shift_right_logical3A_1442 = arith.shrui %add3A_1435, %shift_right_logical3A_1441 : vector<64x128xi32>
      %or3A_1443 = arith.ori %shift_left3A_1439, %shift_right_logical3A_1442 : vector<64x128xi32>
      %xor3A_1444 = arith.xori %or3A_1443, %add3A_1436 : vector<64x128xi32>
      %add3A_1445 = arith.addi %add3A_1436, %xor3A_1444 : vector<64x128xi32>
      %shift_left3A_1446 = arith.constant 15 : i32
      %shift_left3A_1447 = vector.broadcast %shift_left3A_1446 : i32 to vector<64x128xi32>
      %shift_left3A_1448 = arith.shli %xor3A_1444, %shift_left3A_1447 : vector<64x128xi32>
      %shift_right_logical3A_1449 = arith.constant 17 : i32
      %shift_right_logical3A_1450 = vector.broadcast %shift_right_logical3A_1449 : i32 to vector<64x128xi32>
      %shift_right_logical3A_1451 = arith.shrui %xor3A_1444, %shift_right_logical3A_1450 : vector<64x128xi32>
      %or3A_1452 = arith.ori %shift_left3A_1448, %shift_right_logical3A_1451 : vector<64x128xi32>
      %xor3A_1453 = arith.xori %or3A_1452, %add3A_1445 : vector<64x128xi32>
      %add3A_1454 = arith.addi %add3A_1445, %xor3A_1453 : vector<64x128xi32>
      %shift_left3A_1455 = arith.constant 26 : i32
      %shift_left3A_1456 = vector.broadcast %shift_left3A_1455 : i32 to vector<64x128xi32>
      %shift_left3A_1457 = arith.shli %xor3A_1453, %shift_left3A_1456 : vector<64x128xi32>
      %shift_right_logical3A_1458 = arith.constant 6 : i32
      %shift_right_logical3A_1459 = vector.broadcast %shift_right_logical3A_1458 : i32 to vector<64x128xi32>
      %shift_right_logical3A_1460 = arith.shrui %xor3A_1453, %shift_right_logical3A_1459 : vector<64x128xi32>
      %or3A_1461 = arith.ori %shift_left3A_1457, %shift_right_logical3A_1460 : vector<64x128xi32>
      %xor3A_1462 = arith.xori %or3A_1461, %add3A_1454 : vector<64x128xi32>
      %add3A_1463 = arith.addi %add3A_1454, %xor3A_1462 : vector<64x128xi32>
      %shift_left3A_1464 = arith.constant 6 : i32
      %shift_left3A_1465 = vector.broadcast %shift_left3A_1464 : i32 to vector<64x128xi32>
      %shift_left3A_1466 = arith.shli %xor3A_1462, %shift_left3A_1465 : vector<64x128xi32>
      %shift_right_logical3A_1467 = arith.constant 26 : i32
      %shift_right_logical3A_1468 = vector.broadcast %shift_right_logical3A_1467 : i32 to vector<64x128xi32>
      %shift_right_logical3A_1469 = arith.shrui %xor3A_1462, %shift_right_logical3A_1468 : vector<64x128xi32>
      %or3A_1470 = arith.ori %shift_left3A_1466, %shift_right_logical3A_1469 : vector<64x128xi32>
      %xor3A_1471 = arith.xori %or3A_1470, %add3A_1463 : vector<64x128xi32>
      %add3A_1472 = arith.constant 255383827 : i32
      %add3A_1473 = vector.broadcast %add3A_1472 : i32 to vector<64x128xi32>
      %add3A_1474 = arith.addi %add3A_1463, %add3A_1473 : vector<64x128xi32>
      %add3A_1475 = arith.constant -2045582812 : i32
      %add3A_1476 = vector.broadcast %add3A_1475 : i32 to vector<64x128xi32>
      %add3A_1477 = arith.addi %xor3A_1471, %add3A_1476 : vector<64x128xi32>
      %add3A_1478 = arith.addi %add3A_1474, %add3A_1477 : vector<64x128xi32>
      %shift_left3A_1479 = arith.constant 17 : i32
      %shift_left3A_1480 = vector.broadcast %shift_left3A_1479 : i32 to vector<64x128xi32>
      %shift_left3A_1481 = arith.shli %add3A_1477, %shift_left3A_1480 : vector<64x128xi32>
      %shift_right_logical3A_1482 = arith.constant 15 : i32
      %shift_right_logical3A_1483 = vector.broadcast %shift_right_logical3A_1482 : i32 to vector<64x128xi32>
      %shift_right_logical3A_1484 = arith.shrui %add3A_1477, %shift_right_logical3A_1483 : vector<64x128xi32>
      %or3A_1485 = arith.ori %shift_left3A_1481, %shift_right_logical3A_1484 : vector<64x128xi32>
      %xor3A_1486 = arith.xori %or3A_1485, %add3A_1478 : vector<64x128xi32>
      %add3A_1487 = arith.addi %add3A_1478, %xor3A_1486 : vector<64x128xi32>
      %shift_left3A_1488 = arith.constant 29 : i32
      %shift_left3A_1489 = vector.broadcast %shift_left3A_1488 : i32 to vector<64x128xi32>
      %shift_left3A_1490 = arith.shli %xor3A_1486, %shift_left3A_1489 : vector<64x128xi32>
      %shift_right_logical3A_1491 = arith.constant 3 : i32
      %shift_right_logical3A_1492 = vector.broadcast %shift_right_logical3A_1491 : i32 to vector<64x128xi32>
      %shift_right_logical3A_1493 = arith.shrui %xor3A_1486, %shift_right_logical3A_1492 : vector<64x128xi32>
      %or3A_1494 = arith.ori %shift_left3A_1490, %shift_right_logical3A_1493 : vector<64x128xi32>
      %xor3A_1495 = arith.xori %or3A_1494, %add3A_1487 : vector<64x128xi32>
      %add3A_1496 = arith.addi %add3A_1487, %xor3A_1495 : vector<64x128xi32>
      %shift_left3A_1497 = arith.constant 16 : i32
      %shift_left3A_1498 = vector.broadcast %shift_left3A_1497 : i32 to vector<64x128xi32>
      %shift_left3A_1499 = arith.shli %xor3A_1495, %shift_left3A_1498 : vector<64x128xi32>
      %shift_right_logical3A_1500 = arith.constant 16 : i32
      %shift_right_logical3A_1501 = vector.broadcast %shift_right_logical3A_1500 : i32 to vector<64x128xi32>
      %shift_right_logical3A_1502 = arith.shrui %xor3A_1495, %shift_right_logical3A_1501 : vector<64x128xi32>
      %or3A_1503 = arith.ori %shift_left3A_1499, %shift_right_logical3A_1502 : vector<64x128xi32>
      %xor3A_1504 = arith.xori %or3A_1503, %add3A_1496 : vector<64x128xi32>
      %add3A_1505 = arith.addi %add3A_1496, %xor3A_1504 : vector<64x128xi32>
      %shift_left3A_1506 = arith.constant 24 : i32
      %shift_left3A_1507 = vector.broadcast %shift_left3A_1506 : i32 to vector<64x128xi32>
      %shift_left3A_1508 = arith.shli %xor3A_1504, %shift_left3A_1507 : vector<64x128xi32>
      %shift_right_logical3A_1509 = arith.constant 8 : i32
      %shift_right_logical3A_1510 = vector.broadcast %shift_right_logical3A_1509 : i32 to vector<64x128xi32>
      %shift_right_logical3A_1511 = arith.shrui %xor3A_1504, %shift_right_logical3A_1510 : vector<64x128xi32>
      %or3A_1512 = arith.ori %shift_left3A_1508, %shift_right_logical3A_1511 : vector<64x128xi32>
      %xor3A_1513 = arith.xori %or3A_1512, %add3A_1505 : vector<64x128xi32>
      %add3A_1514 = arith.constant -2045582813 : i32
      %add3A_1515 = vector.broadcast %add3A_1514 : i32 to vector<64x128xi32>
      %add3A_1516 = arith.addi %add3A_1505, %add3A_1515 : vector<64x128xi32>
      %add3A_1517 = arith.constant -1829035796 : i32
      %add3A_1518 = vector.broadcast %add3A_1517 : i32 to vector<64x128xi32>
      %add3A_1519 = arith.addi %xor3A_1513, %add3A_1518 : vector<64x128xi32>
      %add3A_1520 = arith.addi %add3A_1516, %add3A_1519 : vector<64x128xi32>
      %shift_left3A_1521 = arith.constant 13 : i32
      %shift_left3A_1522 = vector.broadcast %shift_left3A_1521 : i32 to vector<64x128xi32>
      %shift_left3A_1523 = arith.shli %add3A_1519, %shift_left3A_1522 : vector<64x128xi32>
      %shift_right_logical3A_1524 = arith.constant 19 : i32
      %shift_right_logical3A_1525 = vector.broadcast %shift_right_logical3A_1524 : i32 to vector<64x128xi32>
      %shift_right_logical3A_1526 = arith.shrui %add3A_1519, %shift_right_logical3A_1525 : vector<64x128xi32>
      %or3A_1527 = arith.ori %shift_left3A_1523, %shift_right_logical3A_1526 : vector<64x128xi32>
      %xor3A_1528 = arith.xori %or3A_1527, %add3A_1520 : vector<64x128xi32>
      %add3A_1529 = arith.addi %add3A_1520, %xor3A_1528 : vector<64x128xi32>
      %shift_left3A_1530 = arith.constant 15 : i32
      %shift_left3A_1531 = vector.broadcast %shift_left3A_1530 : i32 to vector<64x128xi32>
      %shift_left3A_1532 = arith.shli %xor3A_1528, %shift_left3A_1531 : vector<64x128xi32>
      %shift_right_logical3A_1533 = arith.constant 17 : i32
      %shift_right_logical3A_1534 = vector.broadcast %shift_right_logical3A_1533 : i32 to vector<64x128xi32>
      %shift_right_logical3A_1535 = arith.shrui %xor3A_1528, %shift_right_logical3A_1534 : vector<64x128xi32>
      %or3A_1536 = arith.ori %shift_left3A_1532, %shift_right_logical3A_1535 : vector<64x128xi32>
      %xor3A_1537 = arith.xori %or3A_1536, %add3A_1529 : vector<64x128xi32>
      %add3A_1538 = arith.addi %add3A_1529, %xor3A_1537 : vector<64x128xi32>
      %shift_left3A_1539 = arith.constant 26 : i32
      %shift_left3A_1540 = vector.broadcast %shift_left3A_1539 : i32 to vector<64x128xi32>
      %shift_left3A_1541 = arith.shli %xor3A_1537, %shift_left3A_1540 : vector<64x128xi32>
      %shift_right_logical3A_1542 = arith.constant 6 : i32
      %shift_right_logical3A_1543 = vector.broadcast %shift_right_logical3A_1542 : i32 to vector<64x128xi32>
      %shift_right_logical3A_1544 = arith.shrui %xor3A_1537, %shift_right_logical3A_1543 : vector<64x128xi32>
      %or3A_1545 = arith.ori %shift_left3A_1541, %shift_right_logical3A_1544 : vector<64x128xi32>
      %xor3A_1546 = arith.xori %or3A_1545, %add3A_1538 : vector<64x128xi32>
      %add3A_1547 = arith.addi %add3A_1538, %xor3A_1546 : vector<64x128xi32>
      %shift_left3A_1548 = arith.constant 6 : i32
      %shift_left3A_1549 = vector.broadcast %shift_left3A_1548 : i32 to vector<64x128xi32>
      %shift_left3A_1550 = arith.shli %xor3A_1546, %shift_left3A_1549 : vector<64x128xi32>
      %shift_right_logical3A_1551 = arith.constant 26 : i32
      %shift_right_logical3A_1552 = vector.broadcast %shift_right_logical3A_1551 : i32 to vector<64x128xi32>
      %shift_right_logical3A_1553 = arith.shrui %xor3A_1546, %shift_right_logical3A_1552 : vector<64x128xi32>
      %or3A_1554 = arith.ori %shift_left3A_1550, %shift_right_logical3A_1553 : vector<64x128xi32>
      %xor3A_1555 = arith.xori %or3A_1554, %add3A_1547 : vector<64x128xi32>
      %add3A_1556 = arith.constant -1829035798 : i32
      %add3A_1557 = vector.broadcast %add3A_1556 : i32 to vector<64x128xi32>
      %add3A_1558 = arith.addi %add3A_1547, %add3A_1557 : vector<64x128xi32>
      %add3A_1559 = arith.constant 255383830 : i32
      %add3A_1560 = vector.broadcast %add3A_1559 : i32 to vector<64x128xi32>
      %add3A_1561 = arith.addi %xor3A_1555, %add3A_1560 : vector<64x128xi32>
      %add3A_1562 = arith.addi %add3A_1558, %add3A_1561 : vector<64x128xi32>
      %shift_left3A_1563 = arith.constant 17 : i32
      %shift_left3A_1564 = vector.broadcast %shift_left3A_1563 : i32 to vector<64x128xi32>
      %shift_left3A_1565 = arith.shli %add3A_1561, %shift_left3A_1564 : vector<64x128xi32>
      %shift_right_logical3A_1566 = arith.constant 15 : i32
      %shift_right_logical3A_1567 = vector.broadcast %shift_right_logical3A_1566 : i32 to vector<64x128xi32>
      %shift_right_logical3A_1568 = arith.shrui %add3A_1561, %shift_right_logical3A_1567 : vector<64x128xi32>
      %or3A_1569 = arith.ori %shift_left3A_1565, %shift_right_logical3A_1568 : vector<64x128xi32>
      %xor3A_1570 = arith.xori %or3A_1569, %add3A_1562 : vector<64x128xi32>
      %add3A_1571 = arith.addi %add3A_1562, %xor3A_1570 : vector<64x128xi32>
      %shift_left3A_1572 = arith.constant 29 : i32
      %shift_left3A_1573 = vector.broadcast %shift_left3A_1572 : i32 to vector<64x128xi32>
      %shift_left3A_1574 = arith.shli %xor3A_1570, %shift_left3A_1573 : vector<64x128xi32>
      %shift_right_logical3A_1575 = arith.constant 3 : i32
      %shift_right_logical3A_1576 = vector.broadcast %shift_right_logical3A_1575 : i32 to vector<64x128xi32>
      %shift_right_logical3A_1577 = arith.shrui %xor3A_1570, %shift_right_logical3A_1576 : vector<64x128xi32>
      %or3A_1578 = arith.ori %shift_left3A_1574, %shift_right_logical3A_1577 : vector<64x128xi32>
      %xor3A_1579 = arith.xori %or3A_1578, %add3A_1571 : vector<64x128xi32>
      %add3A_1580 = arith.addi %add3A_1571, %xor3A_1579 : vector<64x128xi32>
      %shift_left3A_1581 = arith.constant 16 : i32
      %shift_left3A_1582 = vector.broadcast %shift_left3A_1581 : i32 to vector<64x128xi32>
      %shift_left3A_1583 = arith.shli %xor3A_1579, %shift_left3A_1582 : vector<64x128xi32>
      %shift_right_logical3A_1584 = arith.constant 16 : i32
      %shift_right_logical3A_1585 = vector.broadcast %shift_right_logical3A_1584 : i32 to vector<64x128xi32>
      %shift_right_logical3A_1586 = arith.shrui %xor3A_1579, %shift_right_logical3A_1585 : vector<64x128xi32>
      %or3A_1587 = arith.ori %shift_left3A_1583, %shift_right_logical3A_1586 : vector<64x128xi32>
      %xor3A_1588 = arith.xori %or3A_1587, %add3A_1580 : vector<64x128xi32>
      %add3A_1589 = arith.addi %add3A_1580, %xor3A_1588 : vector<64x128xi32>
      %shift_left3A_1590 = arith.constant 24 : i32
      %shift_left3A_1591 = vector.broadcast %shift_left3A_1590 : i32 to vector<64x128xi32>
      %shift_left3A_1592 = arith.shli %xor3A_1588, %shift_left3A_1591 : vector<64x128xi32>
      %shift_right_logical3A_1593 = arith.constant 8 : i32
      %shift_right_logical3A_1594 = vector.broadcast %shift_right_logical3A_1593 : i32 to vector<64x128xi32>
      %shift_right_logical3A_1595 = arith.shrui %xor3A_1588, %shift_right_logical3A_1594 : vector<64x128xi32>
      %or3A_1596 = arith.ori %shift_left3A_1592, %shift_right_logical3A_1595 : vector<64x128xi32>
      %xor3A_1597 = arith.xori %or3A_1596, %add3A_1589 : vector<64x128xi32>
      %add3A_1598 = arith.constant 255383827 : i32
      %add3A_1599 = vector.broadcast %add3A_1598 : i32 to vector<64x128xi32>
      %add3A_1600 = arith.addi %add3A_1589, %add3A_1599 : vector<64x128xi32>
      %add3A_1601 = arith.constant -2045582809 : i32
      %add3A_1602 = vector.broadcast %add3A_1601 : i32 to vector<64x128xi32>
      %add3A_1603 = arith.addi %xor3A_1597, %add3A_1602 : vector<64x128xi32>
      %add3A_1604 = arith.addi %add3A_1600, %add3A_1603 : vector<64x128xi32>
      %shift_left3A_1605 = arith.constant 13 : i32
      %shift_left3A_1606 = vector.broadcast %shift_left3A_1605 : i32 to vector<64x128xi32>
      %shift_left3A_1607 = arith.shli %add3A_1603, %shift_left3A_1606 : vector<64x128xi32>
      %shift_right_logical3A_1608 = arith.constant 19 : i32
      %shift_right_logical3A_1609 = vector.broadcast %shift_right_logical3A_1608 : i32 to vector<64x128xi32>
      %shift_right_logical3A_1610 = arith.shrui %add3A_1603, %shift_right_logical3A_1609 : vector<64x128xi32>
      %or3A_1611 = arith.ori %shift_left3A_1607, %shift_right_logical3A_1610 : vector<64x128xi32>
      %xor3A_1612 = arith.xori %or3A_1611, %add3A_1604 : vector<64x128xi32>
      %add3A_1613 = arith.addi %add3A_1604, %xor3A_1612 : vector<64x128xi32>
      %shift_left3A_1614 = arith.constant 15 : i32
      %shift_left3A_1615 = vector.broadcast %shift_left3A_1614 : i32 to vector<64x128xi32>
      %shift_left3A_1616 = arith.shli %xor3A_1612, %shift_left3A_1615 : vector<64x128xi32>
      %shift_right_logical3A_1617 = arith.constant 17 : i32
      %shift_right_logical3A_1618 = vector.broadcast %shift_right_logical3A_1617 : i32 to vector<64x128xi32>
      %shift_right_logical3A_1619 = arith.shrui %xor3A_1612, %shift_right_logical3A_1618 : vector<64x128xi32>
      %or3A_1620 = arith.ori %shift_left3A_1616, %shift_right_logical3A_1619 : vector<64x128xi32>
      %xor3A_1621 = arith.xori %or3A_1620, %add3A_1613 : vector<64x128xi32>
      %add3A_1622 = arith.addi %add3A_1613, %xor3A_1621 : vector<64x128xi32>
      %shift_left3A_1623 = arith.constant 26 : i32
      %shift_left3A_1624 = vector.broadcast %shift_left3A_1623 : i32 to vector<64x128xi32>
      %shift_left3A_1625 = arith.shli %xor3A_1621, %shift_left3A_1624 : vector<64x128xi32>
      %shift_right_logical3A_1626 = arith.constant 6 : i32
      %shift_right_logical3A_1627 = vector.broadcast %shift_right_logical3A_1626 : i32 to vector<64x128xi32>
      %shift_right_logical3A_1628 = arith.shrui %xor3A_1621, %shift_right_logical3A_1627 : vector<64x128xi32>
      %or3A_1629 = arith.ori %shift_left3A_1625, %shift_right_logical3A_1628 : vector<64x128xi32>
      %xor3A_1630 = arith.xori %or3A_1629, %add3A_1622 : vector<64x128xi32>
      %add3A_1631 = arith.addi %add3A_1622, %xor3A_1630 : vector<64x128xi32>
      %shift_left3A_1632 = arith.constant 6 : i32
      %shift_left3A_1633 = vector.broadcast %shift_left3A_1632 : i32 to vector<64x128xi32>
      %shift_left3A_1634 = arith.shli %xor3A_1630, %shift_left3A_1633 : vector<64x128xi32>
      %shift_right_logical3A_1635 = arith.constant 26 : i32
      %shift_right_logical3A_1636 = vector.broadcast %shift_right_logical3A_1635 : i32 to vector<64x128xi32>
      %shift_right_logical3A_1637 = arith.shrui %xor3A_1630, %shift_right_logical3A_1636 : vector<64x128xi32>
      %or3A_1638 = arith.ori %shift_left3A_1634, %shift_right_logical3A_1637 : vector<64x128xi32>
      %xor3A_1639 = arith.xori %or3A_1638, %add3A_1631 : vector<64x128xi32>
      %add3A_1640 = arith.constant -2045582813 : i32
      %add3A_1641 = vector.broadcast %add3A_1640 : i32 to vector<64x128xi32>
      %add3A_1642 = arith.addi %add3A_1631, %add3A_1641 : vector<64x128xi32>
      %add3A_1643 = arith.constant -1829035793 : i32
      %add3A_1644 = vector.broadcast %add3A_1643 : i32 to vector<64x128xi32>
      %add3A_1645 = arith.addi %xor3A_1639, %add3A_1644 : vector<64x128xi32>
      %xor3A_1646 = arith.xori %add3A_1642, %add3A_1645 : vector<64x128xi32>
      %shift_right_logical3A_1647 = arith.constant 9 : i32
      %shift_right_logical3A_1648 = vector.broadcast %shift_right_logical3A_1647 : i32 to vector<64x128xi32>
      %shift_right_logical3A_1649 = arith.shrui %xor3A_1646, %shift_right_logical3A_1648 : vector<64x128xi32>
      %or3A_1650 = arith.constant 1065353216 : i32
      %or3A_1651 = vector.broadcast %or3A_1650 : i32 to vector<64x128xi32>
      %or3A_1652 = arith.ori %shift_right_logical3A_1649, %or3A_1651 : vector<64x128xi32>
      %bitcast_convert_type3A_1653 = tpu.bitcast %or3A_1652 : vector<64x128xi32> -> vector<64x128xf32>
      %sub3A_1654 = arith.constant 1.000000e+00 : f32
      %sub3A_1655 = vector.broadcast %sub3A_1654 : f32 to vector<64x128xf32>
      %sub3A_1656 = arith.subf %bitcast_convert_type3A_1653, %sub3A_1655 : vector<64x128xf32>
      %log3A_1657 = math.log %sub3A_1656 : vector<64x128xf32>
      %slice3A_1658 = vector.extract_strided_slice %get3A_36 {offsets = [6, 0], sizes = [1, 128], strides = [1, 1]} : vector<8x128xf32> to vector<1x128xf32>
      %broadcast_in_dim3A_1659 = vector.shape_cast %slice3A_1658 : vector<1x128xf32> to vector<1x128xf32>
      %broadcast_in_dim3A_1660 = vector.broadcast %broadcast_in_dim3A_1659 : vector<1x128xf32> to vector<64x128xf32>
      %mul3A_1661 = arith.mulf %log3A_1657, %broadcast_in_dim3A_1660 : vector<64x128xf32>
      %lt3A_1662 = arith.cmpf olt, %mul3A_1661, %select_n3A_1429 : vector<64x128xf32>
      %select_n3A_1663 = arith.select %lt3A_1662, %mul3A_1661, %select_n3A_1429 : vector<64x128xi1>, vector<64x128xf32>
      %broadcast_in_dim3A_1664 = vector.broadcast %add3A_1433 : i32 to vector<64x128xi32>
      %select_n3A_1665 = arith.select %lt3A_1662, %broadcast_in_dim3A_1664, %select_n3A_1431 : vector<64x128xi1>, vector<64x128xi32>
      %add3A_1666 = arith.constant 7 : i32
      %add3A_1667 = arith.addi %mul3A_34, %add3A_1666 : i32
      %add3A_1668 = vector.broadcast %add3A_1667 : i32 to vector<64x128xi32>
      %add3A_1669 = arith.addi %add3A_18, %add3A_1668 : vector<64x128xi32>
      %add3A_1670 = arith.addi %add3A_6, %add3A_1669 : vector<64x128xi32>
      %shift_left3A_1671 = arith.constant 13 : i32
      %shift_left3A_1672 = vector.broadcast %shift_left3A_1671 : i32 to vector<64x128xi32>
      %shift_left3A_1673 = arith.shli %add3A_1669, %shift_left3A_1672 : vector<64x128xi32>
      %shift_right_logical3A_1674 = arith.constant 19 : i32
      %shift_right_logical3A_1675 = vector.broadcast %shift_right_logical3A_1674 : i32 to vector<64x128xi32>
      %shift_right_logical3A_1676 = arith.shrui %add3A_1669, %shift_right_logical3A_1675 : vector<64x128xi32>
      %or3A_1677 = arith.ori %shift_left3A_1673, %shift_right_logical3A_1676 : vector<64x128xi32>
      %xor3A_1678 = arith.xori %or3A_1677, %add3A_1670 : vector<64x128xi32>
      %add3A_1679 = arith.addi %add3A_1670, %xor3A_1678 : vector<64x128xi32>
      %shift_left3A_1680 = arith.constant 15 : i32
      %shift_left3A_1681 = vector.broadcast %shift_left3A_1680 : i32 to vector<64x128xi32>
      %shift_left3A_1682 = arith.shli %xor3A_1678, %shift_left3A_1681 : vector<64x128xi32>
      %shift_right_logical3A_1683 = arith.constant 17 : i32
      %shift_right_logical3A_1684 = vector.broadcast %shift_right_logical3A_1683 : i32 to vector<64x128xi32>
      %shift_right_logical3A_1685 = arith.shrui %xor3A_1678, %shift_right_logical3A_1684 : vector<64x128xi32>
      %or3A_1686 = arith.ori %shift_left3A_1682, %shift_right_logical3A_1685 : vector<64x128xi32>
      %xor3A_1687 = arith.xori %or3A_1686, %add3A_1679 : vector<64x128xi32>
      %add3A_1688 = arith.addi %add3A_1679, %xor3A_1687 : vector<64x128xi32>
      %shift_left3A_1689 = arith.constant 26 : i32
      %shift_left3A_1690 = vector.broadcast %shift_left3A_1689 : i32 to vector<64x128xi32>
      %shift_left3A_1691 = arith.shli %xor3A_1687, %shift_left3A_1690 : vector<64x128xi32>
      %shift_right_logical3A_1692 = arith.constant 6 : i32
      %shift_right_logical3A_1693 = vector.broadcast %shift_right_logical3A_1692 : i32 to vector<64x128xi32>
      %shift_right_logical3A_1694 = arith.shrui %xor3A_1687, %shift_right_logical3A_1693 : vector<64x128xi32>
      %or3A_1695 = arith.ori %shift_left3A_1691, %shift_right_logical3A_1694 : vector<64x128xi32>
      %xor3A_1696 = arith.xori %or3A_1695, %add3A_1688 : vector<64x128xi32>
      %add3A_1697 = arith.addi %add3A_1688, %xor3A_1696 : vector<64x128xi32>
      %shift_left3A_1698 = arith.constant 6 : i32
      %shift_left3A_1699 = vector.broadcast %shift_left3A_1698 : i32 to vector<64x128xi32>
      %shift_left3A_1700 = arith.shli %xor3A_1696, %shift_left3A_1699 : vector<64x128xi32>
      %shift_right_logical3A_1701 = arith.constant 26 : i32
      %shift_right_logical3A_1702 = vector.broadcast %shift_right_logical3A_1701 : i32 to vector<64x128xi32>
      %shift_right_logical3A_1703 = arith.shrui %xor3A_1696, %shift_right_logical3A_1702 : vector<64x128xi32>
      %or3A_1704 = arith.ori %shift_left3A_1700, %shift_right_logical3A_1703 : vector<64x128xi32>
      %xor3A_1705 = arith.xori %or3A_1704, %add3A_1697 : vector<64x128xi32>
      %add3A_1706 = arith.constant 255383827 : i32
      %add3A_1707 = vector.broadcast %add3A_1706 : i32 to vector<64x128xi32>
      %add3A_1708 = arith.addi %add3A_1697, %add3A_1707 : vector<64x128xi32>
      %add3A_1709 = arith.constant -2045582812 : i32
      %add3A_1710 = vector.broadcast %add3A_1709 : i32 to vector<64x128xi32>
      %add3A_1711 = arith.addi %xor3A_1705, %add3A_1710 : vector<64x128xi32>
      %add3A_1712 = arith.addi %add3A_1708, %add3A_1711 : vector<64x128xi32>
      %shift_left3A_1713 = arith.constant 17 : i32
      %shift_left3A_1714 = vector.broadcast %shift_left3A_1713 : i32 to vector<64x128xi32>
      %shift_left3A_1715 = arith.shli %add3A_1711, %shift_left3A_1714 : vector<64x128xi32>
      %shift_right_logical3A_1716 = arith.constant 15 : i32
      %shift_right_logical3A_1717 = vector.broadcast %shift_right_logical3A_1716 : i32 to vector<64x128xi32>
      %shift_right_logical3A_1718 = arith.shrui %add3A_1711, %shift_right_logical3A_1717 : vector<64x128xi32>
      %or3A_1719 = arith.ori %shift_left3A_1715, %shift_right_logical3A_1718 : vector<64x128xi32>
      %xor3A_1720 = arith.xori %or3A_1719, %add3A_1712 : vector<64x128xi32>
      %add3A_1721 = arith.addi %add3A_1712, %xor3A_1720 : vector<64x128xi32>
      %shift_left3A_1722 = arith.constant 29 : i32
      %shift_left3A_1723 = vector.broadcast %shift_left3A_1722 : i32 to vector<64x128xi32>
      %shift_left3A_1724 = arith.shli %xor3A_1720, %shift_left3A_1723 : vector<64x128xi32>
      %shift_right_logical3A_1725 = arith.constant 3 : i32
      %shift_right_logical3A_1726 = vector.broadcast %shift_right_logical3A_1725 : i32 to vector<64x128xi32>
      %shift_right_logical3A_1727 = arith.shrui %xor3A_1720, %shift_right_logical3A_1726 : vector<64x128xi32>
      %or3A_1728 = arith.ori %shift_left3A_1724, %shift_right_logical3A_1727 : vector<64x128xi32>
      %xor3A_1729 = arith.xori %or3A_1728, %add3A_1721 : vector<64x128xi32>
      %add3A_1730 = arith.addi %add3A_1721, %xor3A_1729 : vector<64x128xi32>
      %shift_left3A_1731 = arith.constant 16 : i32
      %shift_left3A_1732 = vector.broadcast %shift_left3A_1731 : i32 to vector<64x128xi32>
      %shift_left3A_1733 = arith.shli %xor3A_1729, %shift_left3A_1732 : vector<64x128xi32>
      %shift_right_logical3A_1734 = arith.constant 16 : i32
      %shift_right_logical3A_1735 = vector.broadcast %shift_right_logical3A_1734 : i32 to vector<64x128xi32>
      %shift_right_logical3A_1736 = arith.shrui %xor3A_1729, %shift_right_logical3A_1735 : vector<64x128xi32>
      %or3A_1737 = arith.ori %shift_left3A_1733, %shift_right_logical3A_1736 : vector<64x128xi32>
      %xor3A_1738 = arith.xori %or3A_1737, %add3A_1730 : vector<64x128xi32>
      %add3A_1739 = arith.addi %add3A_1730, %xor3A_1738 : vector<64x128xi32>
      %shift_left3A_1740 = arith.constant 24 : i32
      %shift_left3A_1741 = vector.broadcast %shift_left3A_1740 : i32 to vector<64x128xi32>
      %shift_left3A_1742 = arith.shli %xor3A_1738, %shift_left3A_1741 : vector<64x128xi32>
      %shift_right_logical3A_1743 = arith.constant 8 : i32
      %shift_right_logical3A_1744 = vector.broadcast %shift_right_logical3A_1743 : i32 to vector<64x128xi32>
      %shift_right_logical3A_1745 = arith.shrui %xor3A_1738, %shift_right_logical3A_1744 : vector<64x128xi32>
      %or3A_1746 = arith.ori %shift_left3A_1742, %shift_right_logical3A_1745 : vector<64x128xi32>
      %xor3A_1747 = arith.xori %or3A_1746, %add3A_1739 : vector<64x128xi32>
      %add3A_1748 = arith.constant -2045582813 : i32
      %add3A_1749 = vector.broadcast %add3A_1748 : i32 to vector<64x128xi32>
      %add3A_1750 = arith.addi %add3A_1739, %add3A_1749 : vector<64x128xi32>
      %add3A_1751 = arith.constant -1829035796 : i32
      %add3A_1752 = vector.broadcast %add3A_1751 : i32 to vector<64x128xi32>
      %add3A_1753 = arith.addi %xor3A_1747, %add3A_1752 : vector<64x128xi32>
      %add3A_1754 = arith.addi %add3A_1750, %add3A_1753 : vector<64x128xi32>
      %shift_left3A_1755 = arith.constant 13 : i32
      %shift_left3A_1756 = vector.broadcast %shift_left3A_1755 : i32 to vector<64x128xi32>
      %shift_left3A_1757 = arith.shli %add3A_1753, %shift_left3A_1756 : vector<64x128xi32>
      %shift_right_logical3A_1758 = arith.constant 19 : i32
      %shift_right_logical3A_1759 = vector.broadcast %shift_right_logical3A_1758 : i32 to vector<64x128xi32>
      %shift_right_logical3A_1760 = arith.shrui %add3A_1753, %shift_right_logical3A_1759 : vector<64x128xi32>
      %or3A_1761 = arith.ori %shift_left3A_1757, %shift_right_logical3A_1760 : vector<64x128xi32>
      %xor3A_1762 = arith.xori %or3A_1761, %add3A_1754 : vector<64x128xi32>
      %add3A_1763 = arith.addi %add3A_1754, %xor3A_1762 : vector<64x128xi32>
      %shift_left3A_1764 = arith.constant 15 : i32
      %shift_left3A_1765 = vector.broadcast %shift_left3A_1764 : i32 to vector<64x128xi32>
      %shift_left3A_1766 = arith.shli %xor3A_1762, %shift_left3A_1765 : vector<64x128xi32>
      %shift_right_logical3A_1767 = arith.constant 17 : i32
      %shift_right_logical3A_1768 = vector.broadcast %shift_right_logical3A_1767 : i32 to vector<64x128xi32>
      %shift_right_logical3A_1769 = arith.shrui %xor3A_1762, %shift_right_logical3A_1768 : vector<64x128xi32>
      %or3A_1770 = arith.ori %shift_left3A_1766, %shift_right_logical3A_1769 : vector<64x128xi32>
      %xor3A_1771 = arith.xori %or3A_1770, %add3A_1763 : vector<64x128xi32>
      %add3A_1772 = arith.addi %add3A_1763, %xor3A_1771 : vector<64x128xi32>
      %shift_left3A_1773 = arith.constant 26 : i32
      %shift_left3A_1774 = vector.broadcast %shift_left3A_1773 : i32 to vector<64x128xi32>
      %shift_left3A_1775 = arith.shli %xor3A_1771, %shift_left3A_1774 : vector<64x128xi32>
      %shift_right_logical3A_1776 = arith.constant 6 : i32
      %shift_right_logical3A_1777 = vector.broadcast %shift_right_logical3A_1776 : i32 to vector<64x128xi32>
      %shift_right_logical3A_1778 = arith.shrui %xor3A_1771, %shift_right_logical3A_1777 : vector<64x128xi32>
      %or3A_1779 = arith.ori %shift_left3A_1775, %shift_right_logical3A_1778 : vector<64x128xi32>
      %xor3A_1780 = arith.xori %or3A_1779, %add3A_1772 : vector<64x128xi32>
      %add3A_1781 = arith.addi %add3A_1772, %xor3A_1780 : vector<64x128xi32>
      %shift_left3A_1782 = arith.constant 6 : i32
      %shift_left3A_1783 = vector.broadcast %shift_left3A_1782 : i32 to vector<64x128xi32>
      %shift_left3A_1784 = arith.shli %xor3A_1780, %shift_left3A_1783 : vector<64x128xi32>
      %shift_right_logical3A_1785 = arith.constant 26 : i32
      %shift_right_logical3A_1786 = vector.broadcast %shift_right_logical3A_1785 : i32 to vector<64x128xi32>
      %shift_right_logical3A_1787 = arith.shrui %xor3A_1780, %shift_right_logical3A_1786 : vector<64x128xi32>
      %or3A_1788 = arith.ori %shift_left3A_1784, %shift_right_logical3A_1787 : vector<64x128xi32>
      %xor3A_1789 = arith.xori %or3A_1788, %add3A_1781 : vector<64x128xi32>
      %add3A_1790 = arith.constant -1829035798 : i32
      %add3A_1791 = vector.broadcast %add3A_1790 : i32 to vector<64x128xi32>
      %add3A_1792 = arith.addi %add3A_1781, %add3A_1791 : vector<64x128xi32>
      %add3A_1793 = arith.constant 255383830 : i32
      %add3A_1794 = vector.broadcast %add3A_1793 : i32 to vector<64x128xi32>
      %add3A_1795 = arith.addi %xor3A_1789, %add3A_1794 : vector<64x128xi32>
      %add3A_1796 = arith.addi %add3A_1792, %add3A_1795 : vector<64x128xi32>
      %shift_left3A_1797 = arith.constant 17 : i32
      %shift_left3A_1798 = vector.broadcast %shift_left3A_1797 : i32 to vector<64x128xi32>
      %shift_left3A_1799 = arith.shli %add3A_1795, %shift_left3A_1798 : vector<64x128xi32>
      %shift_right_logical3A_1800 = arith.constant 15 : i32
      %shift_right_logical3A_1801 = vector.broadcast %shift_right_logical3A_1800 : i32 to vector<64x128xi32>
      %shift_right_logical3A_1802 = arith.shrui %add3A_1795, %shift_right_logical3A_1801 : vector<64x128xi32>
      %or3A_1803 = arith.ori %shift_left3A_1799, %shift_right_logical3A_1802 : vector<64x128xi32>
      %xor3A_1804 = arith.xori %or3A_1803, %add3A_1796 : vector<64x128xi32>
      %add3A_1805 = arith.addi %add3A_1796, %xor3A_1804 : vector<64x128xi32>
      %shift_left3A_1806 = arith.constant 29 : i32
      %shift_left3A_1807 = vector.broadcast %shift_left3A_1806 : i32 to vector<64x128xi32>
      %shift_left3A_1808 = arith.shli %xor3A_1804, %shift_left3A_1807 : vector<64x128xi32>
      %shift_right_logical3A_1809 = arith.constant 3 : i32
      %shift_right_logical3A_1810 = vector.broadcast %shift_right_logical3A_1809 : i32 to vector<64x128xi32>
      %shift_right_logical3A_1811 = arith.shrui %xor3A_1804, %shift_right_logical3A_1810 : vector<64x128xi32>
      %or3A_1812 = arith.ori %shift_left3A_1808, %shift_right_logical3A_1811 : vector<64x128xi32>
      %xor3A_1813 = arith.xori %or3A_1812, %add3A_1805 : vector<64x128xi32>
      %add3A_1814 = arith.addi %add3A_1805, %xor3A_1813 : vector<64x128xi32>
      %shift_left3A_1815 = arith.constant 16 : i32
      %shift_left3A_1816 = vector.broadcast %shift_left3A_1815 : i32 to vector<64x128xi32>
      %shift_left3A_1817 = arith.shli %xor3A_1813, %shift_left3A_1816 : vector<64x128xi32>
      %shift_right_logical3A_1818 = arith.constant 16 : i32
      %shift_right_logical3A_1819 = vector.broadcast %shift_right_logical3A_1818 : i32 to vector<64x128xi32>
      %shift_right_logical3A_1820 = arith.shrui %xor3A_1813, %shift_right_logical3A_1819 : vector<64x128xi32>
      %or3A_1821 = arith.ori %shift_left3A_1817, %shift_right_logical3A_1820 : vector<64x128xi32>
      %xor3A_1822 = arith.xori %or3A_1821, %add3A_1814 : vector<64x128xi32>
      %add3A_1823 = arith.addi %add3A_1814, %xor3A_1822 : vector<64x128xi32>
      %shift_left3A_1824 = arith.constant 24 : i32
      %shift_left3A_1825 = vector.broadcast %shift_left3A_1824 : i32 to vector<64x128xi32>
      %shift_left3A_1826 = arith.shli %xor3A_1822, %shift_left3A_1825 : vector<64x128xi32>
      %shift_right_logical3A_1827 = arith.constant 8 : i32
      %shift_right_logical3A_1828 = vector.broadcast %shift_right_logical3A_1827 : i32 to vector<64x128xi32>
      %shift_right_logical3A_1829 = arith.shrui %xor3A_1822, %shift_right_logical3A_1828 : vector<64x128xi32>
      %or3A_1830 = arith.ori %shift_left3A_1826, %shift_right_logical3A_1829 : vector<64x128xi32>
      %xor3A_1831 = arith.xori %or3A_1830, %add3A_1823 : vector<64x128xi32>
      %add3A_1832 = arith.constant 255383827 : i32
      %add3A_1833 = vector.broadcast %add3A_1832 : i32 to vector<64x128xi32>
      %add3A_1834 = arith.addi %add3A_1823, %add3A_1833 : vector<64x128xi32>
      %add3A_1835 = arith.constant -2045582809 : i32
      %add3A_1836 = vector.broadcast %add3A_1835 : i32 to vector<64x128xi32>
      %add3A_1837 = arith.addi %xor3A_1831, %add3A_1836 : vector<64x128xi32>
      %add3A_1838 = arith.addi %add3A_1834, %add3A_1837 : vector<64x128xi32>
      %shift_left3A_1839 = arith.constant 13 : i32
      %shift_left3A_1840 = vector.broadcast %shift_left3A_1839 : i32 to vector<64x128xi32>
      %shift_left3A_1841 = arith.shli %add3A_1837, %shift_left3A_1840 : vector<64x128xi32>
      %shift_right_logical3A_1842 = arith.constant 19 : i32
      %shift_right_logical3A_1843 = vector.broadcast %shift_right_logical3A_1842 : i32 to vector<64x128xi32>
      %shift_right_logical3A_1844 = arith.shrui %add3A_1837, %shift_right_logical3A_1843 : vector<64x128xi32>
      %or3A_1845 = arith.ori %shift_left3A_1841, %shift_right_logical3A_1844 : vector<64x128xi32>
      %xor3A_1846 = arith.xori %or3A_1845, %add3A_1838 : vector<64x128xi32>
      %add3A_1847 = arith.addi %add3A_1838, %xor3A_1846 : vector<64x128xi32>
      %shift_left3A_1848 = arith.constant 15 : i32
      %shift_left3A_1849 = vector.broadcast %shift_left3A_1848 : i32 to vector<64x128xi32>
      %shift_left3A_1850 = arith.shli %xor3A_1846, %shift_left3A_1849 : vector<64x128xi32>
      %shift_right_logical3A_1851 = arith.constant 17 : i32
      %shift_right_logical3A_1852 = vector.broadcast %shift_right_logical3A_1851 : i32 to vector<64x128xi32>
      %shift_right_logical3A_1853 = arith.shrui %xor3A_1846, %shift_right_logical3A_1852 : vector<64x128xi32>
      %or3A_1854 = arith.ori %shift_left3A_1850, %shift_right_logical3A_1853 : vector<64x128xi32>
      %xor3A_1855 = arith.xori %or3A_1854, %add3A_1847 : vector<64x128xi32>
      %add3A_1856 = arith.addi %add3A_1847, %xor3A_1855 : vector<64x128xi32>
      %shift_left3A_1857 = arith.constant 26 : i32
      %shift_left3A_1858 = vector.broadcast %shift_left3A_1857 : i32 to vector<64x128xi32>
      %shift_left3A_1859 = arith.shli %xor3A_1855, %shift_left3A_1858 : vector<64x128xi32>
      %shift_right_logical3A_1860 = arith.constant 6 : i32
      %shift_right_logical3A_1861 = vector.broadcast %shift_right_logical3A_1860 : i32 to vector<64x128xi32>
      %shift_right_logical3A_1862 = arith.shrui %xor3A_1855, %shift_right_logical3A_1861 : vector<64x128xi32>
      %or3A_1863 = arith.ori %shift_left3A_1859, %shift_right_logical3A_1862 : vector<64x128xi32>
      %xor3A_1864 = arith.xori %or3A_1863, %add3A_1856 : vector<64x128xi32>
      %add3A_1865 = arith.addi %add3A_1856, %xor3A_1864 : vector<64x128xi32>
      %shift_left3A_1866 = arith.constant 6 : i32
      %shift_left3A_1867 = vector.broadcast %shift_left3A_1866 : i32 to vector<64x128xi32>
      %shift_left3A_1868 = arith.shli %xor3A_1864, %shift_left3A_1867 : vector<64x128xi32>
      %shift_right_logical3A_1869 = arith.constant 26 : i32
      %shift_right_logical3A_1870 = vector.broadcast %shift_right_logical3A_1869 : i32 to vector<64x128xi32>
      %shift_right_logical3A_1871 = arith.shrui %xor3A_1864, %shift_right_logical3A_1870 : vector<64x128xi32>
      %or3A_1872 = arith.ori %shift_left3A_1868, %shift_right_logical3A_1871 : vector<64x128xi32>
      %xor3A_1873 = arith.xori %or3A_1872, %add3A_1865 : vector<64x128xi32>
      %add3A_1874 = arith.constant -2045582813 : i32
      %add3A_1875 = vector.broadcast %add3A_1874 : i32 to vector<64x128xi32>
      %add3A_1876 = arith.addi %add3A_1865, %add3A_1875 : vector<64x128xi32>
      %add3A_1877 = arith.constant -1829035793 : i32
      %add3A_1878 = vector.broadcast %add3A_1877 : i32 to vector<64x128xi32>
      %add3A_1879 = arith.addi %xor3A_1873, %add3A_1878 : vector<64x128xi32>
      %xor3A_1880 = arith.xori %add3A_1876, %add3A_1879 : vector<64x128xi32>
      %shift_right_logical3A_1881 = arith.constant 9 : i32
      %shift_right_logical3A_1882 = vector.broadcast %shift_right_logical3A_1881 : i32 to vector<64x128xi32>
      %shift_right_logical3A_1883 = arith.shrui %xor3A_1880, %shift_right_logical3A_1882 : vector<64x128xi32>
      %or3A_1884 = arith.constant 1065353216 : i32
      %or3A_1885 = vector.broadcast %or3A_1884 : i32 to vector<64x128xi32>
      %or3A_1886 = arith.ori %shift_right_logical3A_1883, %or3A_1885 : vector<64x128xi32>
      %bitcast_convert_type3A_1887 = tpu.bitcast %or3A_1886 : vector<64x128xi32> -> vector<64x128xf32>
      %sub3A_1888 = arith.constant 1.000000e+00 : f32
      %sub3A_1889 = vector.broadcast %sub3A_1888 : f32 to vector<64x128xf32>
      %sub3A_1890 = arith.subf %bitcast_convert_type3A_1887, %sub3A_1889 : vector<64x128xf32>
      %log3A_1891 = math.log %sub3A_1890 : vector<64x128xf32>
      %slice3A_1892 = vector.extract_strided_slice %get3A_36 {offsets = [7, 0], sizes = [1, 128], strides = [1, 1]} : vector<8x128xf32> to vector<1x128xf32>
      %broadcast_in_dim3A_1893 = vector.shape_cast %slice3A_1892 : vector<1x128xf32> to vector<1x128xf32>
      %broadcast_in_dim3A_1894 = vector.broadcast %broadcast_in_dim3A_1893 : vector<1x128xf32> to vector<64x128xf32>
      %mul3A_1895 = arith.mulf %log3A_1891, %broadcast_in_dim3A_1894 : vector<64x128xf32>
      %lt3A_1896 = arith.cmpf olt, %mul3A_1895, %select_n3A_1663 : vector<64x128xf32>
      %select_n3A_1897 = arith.select %lt3A_1896, %mul3A_1895, %select_n3A_1663 : vector<64x128xi1>, vector<64x128xf32>
      %broadcast_in_dim3A_1898 = vector.broadcast %add3A_1667 : i32 to vector<64x128xi32>
      %select_n3A_1899 = arith.select %lt3A_1896, %broadcast_in_dim3A_1898, %select_n3A_1665 : vector<64x128xi1>, vector<64x128xi32>
      %scan3A_1900 = arith.constant 1 : i32
      %scan3A_1901 = arith.addi %scan3A_30, %scan3A_1900 : i32
      %mul3A_1902 = arith.constant 8 : i32
      %mul3A_1903 = arith.muli %scan3A_1901, %mul3A_1902 : i32
      %multiple_of3A_1904 = tpu.assume_multiple %mul3A_1903, 8 : i32
      %get3A_1905 = arith.index_cast %multiple_of3A_1904 : i32 to index
      %get3A_1906 = arith.constant 0 : index
      %get3A_1907 = vector.load %arg1[%get3A_1905, %get3A_1906] : memref<16384x128xf32, #tpu.memory_space<vmem>>, vector<8x128xf32>
      %add3A_1908 = arith.constant 0 : i32
      %add3A_1909 = arith.addi %mul3A_1903, %add3A_1908 : i32
      %add3A_1910 = vector.broadcast %add3A_1909 : i32 to vector<64x128xi32>
      %add3A_1911 = arith.addi %add3A_18, %add3A_1910 : vector<64x128xi32>
      %add3A_1912 = arith.addi %add3A_6, %add3A_1911 : vector<64x128xi32>
      %shift_left3A_1913 = arith.constant 13 : i32
      %shift_left3A_1914 = vector.broadcast %shift_left3A_1913 : i32 to vector<64x128xi32>
      %shift_left3A_1915 = arith.shli %add3A_1911, %shift_left3A_1914 : vector<64x128xi32>
      %shift_right_logical3A_1916 = arith.constant 19 : i32
      %shift_right_logical3A_1917 = vector.broadcast %shift_right_logical3A_1916 : i32 to vector<64x128xi32>
      %shift_right_logical3A_1918 = arith.shrui %add3A_1911, %shift_right_logical3A_1917 : vector<64x128xi32>
      %or3A_1919 = arith.ori %shift_left3A_1915, %shift_right_logical3A_1918 : vector<64x128xi32>
      %xor3A_1920 = arith.xori %or3A_1919, %add3A_1912 : vector<64x128xi32>
      %add3A_1921 = arith.addi %add3A_1912, %xor3A_1920 : vector<64x128xi32>
      %shift_left3A_1922 = arith.constant 15 : i32
      %shift_left3A_1923 = vector.broadcast %shift_left3A_1922 : i32 to vector<64x128xi32>
      %shift_left3A_1924 = arith.shli %xor3A_1920, %shift_left3A_1923 : vector<64x128xi32>
      %shift_right_logical3A_1925 = arith.constant 17 : i32
      %shift_right_logical3A_1926 = vector.broadcast %shift_right_logical3A_1925 : i32 to vector<64x128xi32>
      %shift_right_logical3A_1927 = arith.shrui %xor3A_1920, %shift_right_logical3A_1926 : vector<64x128xi32>
      %or3A_1928 = arith.ori %shift_left3A_1924, %shift_right_logical3A_1927 : vector<64x128xi32>
      %xor3A_1929 = arith.xori %or3A_1928, %add3A_1921 : vector<64x128xi32>
      %add3A_1930 = arith.addi %add3A_1921, %xor3A_1929 : vector<64x128xi32>
      %shift_left3A_1931 = arith.constant 26 : i32
      %shift_left3A_1932 = vector.broadcast %shift_left3A_1931 : i32 to vector<64x128xi32>
      %shift_left3A_1933 = arith.shli %xor3A_1929, %shift_left3A_1932 : vector<64x128xi32>
      %shift_right_logical3A_1934 = arith.constant 6 : i32
      %shift_right_logical3A_1935 = vector.broadcast %shift_right_logical3A_1934 : i32 to vector<64x128xi32>
      %shift_right_logical3A_1936 = arith.shrui %xor3A_1929, %shift_right_logical3A_1935 : vector<64x128xi32>
      %or3A_1937 = arith.ori %shift_left3A_1933, %shift_right_logical3A_1936 : vector<64x128xi32>
      %xor3A_1938 = arith.xori %or3A_1937, %add3A_1930 : vector<64x128xi32>
      %add3A_1939 = arith.addi %add3A_1930, %xor3A_1938 : vector<64x128xi32>
      %shift_left3A_1940 = arith.constant 6 : i32
      %shift_left3A_1941 = vector.broadcast %shift_left3A_1940 : i32 to vector<64x128xi32>
      %shift_left3A_1942 = arith.shli %xor3A_1938, %shift_left3A_1941 : vector<64x128xi32>
      %shift_right_logical3A_1943 = arith.constant 26 : i32
      %shift_right_logical3A_1944 = vector.broadcast %shift_right_logical3A_1943 : i32 to vector<64x128xi32>
      %shift_right_logical3A_1945 = arith.shrui %xor3A_1938, %shift_right_logical3A_1944 : vector<64x128xi32>
      %or3A_1946 = arith.ori %shift_left3A_1942, %shift_right_logical3A_1945 : vector<64x128xi32>
      %xor3A_1947 = arith.xori %or3A_1946, %add3A_1939 : vector<64x128xi32>
      %add3A_1948 = arith.constant 255383827 : i32
      %add3A_1949 = vector.broadcast %add3A_1948 : i32 to vector<64x128xi32>
      %add3A_1950 = arith.addi %add3A_1939, %add3A_1949 : vector<64x128xi32>
      %add3A_1951 = arith.constant -2045582812 : i32
      %add3A_1952 = vector.broadcast %add3A_1951 : i32 to vector<64x128xi32>
      %add3A_1953 = arith.addi %xor3A_1947, %add3A_1952 : vector<64x128xi32>
      %add3A_1954 = arith.addi %add3A_1950, %add3A_1953 : vector<64x128xi32>
      %shift_left3A_1955 = arith.constant 17 : i32
      %shift_left3A_1956 = vector.broadcast %shift_left3A_1955 : i32 to vector<64x128xi32>
      %shift_left3A_1957 = arith.shli %add3A_1953, %shift_left3A_1956 : vector<64x128xi32>
      %shift_right_logical3A_1958 = arith.constant 15 : i32
      %shift_right_logical3A_1959 = vector.broadcast %shift_right_logical3A_1958 : i32 to vector<64x128xi32>
      %shift_right_logical3A_1960 = arith.shrui %add3A_1953, %shift_right_logical3A_1959 : vector<64x128xi32>
      %or3A_1961 = arith.ori %shift_left3A_1957, %shift_right_logical3A_1960 : vector<64x128xi32>
      %xor3A_1962 = arith.xori %or3A_1961, %add3A_1954 : vector<64x128xi32>
      %add3A_1963 = arith.addi %add3A_1954, %xor3A_1962 : vector<64x128xi32>
      %shift_left3A_1964 = arith.constant 29 : i32
      %shift_left3A_1965 = vector.broadcast %shift_left3A_1964 : i32 to vector<64x128xi32>
      %shift_left3A_1966 = arith.shli %xor3A_1962, %shift_left3A_1965 : vector<64x128xi32>
      %shift_right_logical3A_1967 = arith.constant 3 : i32
      %shift_right_logical3A_1968 = vector.broadcast %shift_right_logical3A_1967 : i32 to vector<64x128xi32>
      %shift_right_logical3A_1969 = arith.shrui %xor3A_1962, %shift_right_logical3A_1968 : vector<64x128xi32>
      %or3A_1970 = arith.ori %shift_left3A_1966, %shift_right_logical3A_1969 : vector<64x128xi32>
      %xor3A_1971 = arith.xori %or3A_1970, %add3A_1963 : vector<64x128xi32>
      %add3A_1972 = arith.addi %add3A_1963, %xor3A_1971 : vector<64x128xi32>
      %shift_left3A_1973 = arith.constant 16 : i32
      %shift_left3A_1974 = vector.broadcast %shift_left3A_1973 : i32 to vector<64x128xi32>
      %shift_left3A_1975 = arith.shli %xor3A_1971, %shift_left3A_1974 : vector<64x128xi32>
      %shift_right_logical3A_1976 = arith.constant 16 : i32
      %shift_right_logical3A_1977 = vector.broadcast %shift_right_logical3A_1976 : i32 to vector<64x128xi32>
      %shift_right_logical3A_1978 = arith.shrui %xor3A_1971, %shift_right_logical3A_1977 : vector<64x128xi32>
      %or3A_1979 = arith.ori %shift_left3A_1975, %shift_right_logical3A_1978 : vector<64x128xi32>
      %xor3A_1980 = arith.xori %or3A_1979, %add3A_1972 : vector<64x128xi32>
      %add3A_1981 = arith.addi %add3A_1972, %xor3A_1980 : vector<64x128xi32>
      %shift_left3A_1982 = arith.constant 24 : i32
      %shift_left3A_1983 = vector.broadcast %shift_left3A_1982 : i32 to vector<64x128xi32>
      %shift_left3A_1984 = arith.shli %xor3A_1980, %shift_left3A_1983 : vector<64x128xi32>
      %shift_right_logical3A_1985 = arith.constant 8 : i32
      %shift_right_logical3A_1986 = vector.broadcast %shift_right_logical3A_1985 : i32 to vector<64x128xi32>
      %shift_right_logical3A_1987 = arith.shrui %xor3A_1980, %shift_right_logical3A_1986 : vector<64x128xi32>
      %or3A_1988 = arith.ori %shift_left3A_1984, %shift_right_logical3A_1987 : vector<64x128xi32>
      %xor3A_1989 = arith.xori %or3A_1988, %add3A_1981 : vector<64x128xi32>
      %add3A_1990 = arith.constant -2045582813 : i32
      %add3A_1991 = vector.broadcast %add3A_1990 : i32 to vector<64x128xi32>
      %add3A_1992 = arith.addi %add3A_1981, %add3A_1991 : vector<64x128xi32>
      %add3A_1993 = arith.constant -1829035796 : i32
      %add3A_1994 = vector.broadcast %add3A_1993 : i32 to vector<64x128xi32>
      %add3A_1995 = arith.addi %xor3A_1989, %add3A_1994 : vector<64x128xi32>
      %add3A_1996 = arith.addi %add3A_1992, %add3A_1995 : vector<64x128xi32>
      %shift_left3A_1997 = arith.constant 13 : i32
      %shift_left3A_1998 = vector.broadcast %shift_left3A_1997 : i32 to vector<64x128xi32>
      %shift_left3A_1999 = arith.shli %add3A_1995, %shift_left3A_1998 : vector<64x128xi32>
      %shift_right_logical3A_2000 = arith.constant 19 : i32
      %shift_right_logical3A_2001 = vector.broadcast %shift_right_logical3A_2000 : i32 to vector<64x128xi32>
      %shift_right_logical3A_2002 = arith.shrui %add3A_1995, %shift_right_logical3A_2001 : vector<64x128xi32>
      %or3A_2003 = arith.ori %shift_left3A_1999, %shift_right_logical3A_2002 : vector<64x128xi32>
      %xor3A_2004 = arith.xori %or3A_2003, %add3A_1996 : vector<64x128xi32>
      %add3A_2005 = arith.addi %add3A_1996, %xor3A_2004 : vector<64x128xi32>
      %shift_left3A_2006 = arith.constant 15 : i32
      %shift_left3A_2007 = vector.broadcast %shift_left3A_2006 : i32 to vector<64x128xi32>
      %shift_left3A_2008 = arith.shli %xor3A_2004, %shift_left3A_2007 : vector<64x128xi32>
      %shift_right_logical3A_2009 = arith.constant 17 : i32
      %shift_right_logical3A_2010 = vector.broadcast %shift_right_logical3A_2009 : i32 to vector<64x128xi32>
      %shift_right_logical3A_2011 = arith.shrui %xor3A_2004, %shift_right_logical3A_2010 : vector<64x128xi32>
      %or3A_2012 = arith.ori %shift_left3A_2008, %shift_right_logical3A_2011 : vector<64x128xi32>
      %xor3A_2013 = arith.xori %or3A_2012, %add3A_2005 : vector<64x128xi32>
      %add3A_2014 = arith.addi %add3A_2005, %xor3A_2013 : vector<64x128xi32>
      %shift_left3A_2015 = arith.constant 26 : i32
      %shift_left3A_2016 = vector.broadcast %shift_left3A_2015 : i32 to vector<64x128xi32>
      %shift_left3A_2017 = arith.shli %xor3A_2013, %shift_left3A_2016 : vector<64x128xi32>
      %shift_right_logical3A_2018 = arith.constant 6 : i32
      %shift_right_logical3A_2019 = vector.broadcast %shift_right_logical3A_2018 : i32 to vector<64x128xi32>
      %shift_right_logical3A_2020 = arith.shrui %xor3A_2013, %shift_right_logical3A_2019 : vector<64x128xi32>
      %or3A_2021 = arith.ori %shift_left3A_2017, %shift_right_logical3A_2020 : vector<64x128xi32>
      %xor3A_2022 = arith.xori %or3A_2021, %add3A_2014 : vector<64x128xi32>
      %add3A_2023 = arith.addi %add3A_2014, %xor3A_2022 : vector<64x128xi32>
      %shift_left3A_2024 = arith.constant 6 : i32
      %shift_left3A_2025 = vector.broadcast %shift_left3A_2024 : i32 to vector<64x128xi32>
      %shift_left3A_2026 = arith.shli %xor3A_2022, %shift_left3A_2025 : vector<64x128xi32>
      %shift_right_logical3A_2027 = arith.constant 26 : i32
      %shift_right_logical3A_2028 = vector.broadcast %shift_right_logical3A_2027 : i32 to vector<64x128xi32>
      %shift_right_logical3A_2029 = arith.shrui %xor3A_2022, %shift_right_logical3A_2028 : vector<64x128xi32>
      %or3A_2030 = arith.ori %shift_left3A_2026, %shift_right_logical3A_2029 : vector<64x128xi32>
      %xor3A_2031 = arith.xori %or3A_2030, %add3A_2023 : vector<64x128xi32>
      %add3A_2032 = arith.constant -1829035798 : i32
      %add3A_2033 = vector.broadcast %add3A_2032 : i32 to vector<64x128xi32>
      %add3A_2034 = arith.addi %add3A_2023, %add3A_2033 : vector<64x128xi32>
      %add3A_2035 = arith.constant 255383830 : i32
      %add3A_2036 = vector.broadcast %add3A_2035 : i32 to vector<64x128xi32>
      %add3A_2037 = arith.addi %xor3A_2031, %add3A_2036 : vector<64x128xi32>
      %add3A_2038 = arith.addi %add3A_2034, %add3A_2037 : vector<64x128xi32>
      %shift_left3A_2039 = arith.constant 17 : i32
      %shift_left3A_2040 = vector.broadcast %shift_left3A_2039 : i32 to vector<64x128xi32>
      %shift_left3A_2041 = arith.shli %add3A_2037, %shift_left3A_2040 : vector<64x128xi32>
      %shift_right_logical3A_2042 = arith.constant 15 : i32
      %shift_right_logical3A_2043 = vector.broadcast %shift_right_logical3A_2042 : i32 to vector<64x128xi32>
      %shift_right_logical3A_2044 = arith.shrui %add3A_2037, %shift_right_logical3A_2043 : vector<64x128xi32>
      %or3A_2045 = arith.ori %shift_left3A_2041, %shift_right_logical3A_2044 : vector<64x128xi32>
      %xor3A_2046 = arith.xori %or3A_2045, %add3A_2038 : vector<64x128xi32>
      %add3A_2047 = arith.addi %add3A_2038, %xor3A_2046 : vector<64x128xi32>
      %shift_left3A_2048 = arith.constant 29 : i32
      %shift_left3A_2049 = vector.broadcast %shift_left3A_2048 : i32 to vector<64x128xi32>
      %shift_left3A_2050 = arith.shli %xor3A_2046, %shift_left3A_2049 : vector<64x128xi32>
      %shift_right_logical3A_2051 = arith.constant 3 : i32
      %shift_right_logical3A_2052 = vector.broadcast %shift_right_logical3A_2051 : i32 to vector<64x128xi32>
      %shift_right_logical3A_2053 = arith.shrui %xor3A_2046, %shift_right_logical3A_2052 : vector<64x128xi32>
      %or3A_2054 = arith.ori %shift_left3A_2050, %shift_right_logical3A_2053 : vector<64x128xi32>
      %xor3A_2055 = arith.xori %or3A_2054, %add3A_2047 : vector<64x128xi32>
      %add3A_2056 = arith.addi %add3A_2047, %xor3A_2055 : vector<64x128xi32>
      %shift_left3A_2057 = arith.constant 16 : i32
      %shift_left3A_2058 = vector.broadcast %shift_left3A_2057 : i32 to vector<64x128xi32>
      %shift_left3A_2059 = arith.shli %xor3A_2055, %shift_left3A_2058 : vector<64x128xi32>
      %shift_right_logical3A_2060 = arith.constant 16 : i32
      %shift_right_logical3A_2061 = vector.broadcast %shift_right_logical3A_2060 : i32 to vector<64x128xi32>
      %shift_right_logical3A_2062 = arith.shrui %xor3A_2055, %shift_right_logical3A_2061 : vector<64x128xi32>
      %or3A_2063 = arith.ori %shift_left3A_2059, %shift_right_logical3A_2062 : vector<64x128xi32>
      %xor3A_2064 = arith.xori %or3A_2063, %add3A_2056 : vector<64x128xi32>
      %add3A_2065 = arith.addi %add3A_2056, %xor3A_2064 : vector<64x128xi32>
      %shift_left3A_2066 = arith.constant 24 : i32
      %shift_left3A_2067 = vector.broadcast %shift_left3A_2066 : i32 to vector<64x128xi32>
      %shift_left3A_2068 = arith.shli %xor3A_2064, %shift_left3A_2067 : vector<64x128xi32>
      %shift_right_logical3A_2069 = arith.constant 8 : i32
      %shift_right_logical3A_2070 = vector.broadcast %shift_right_logical3A_2069 : i32 to vector<64x128xi32>
      %shift_right_logical3A_2071 = arith.shrui %xor3A_2064, %shift_right_logical3A_2070 : vector<64x128xi32>
      %or3A_2072 = arith.ori %shift_left3A_2068, %shift_right_logical3A_2071 : vector<64x128xi32>
      %xor3A_2073 = arith.xori %or3A_2072, %add3A_2065 : vector<64x128xi32>
      %add3A_2074 = arith.constant 255383827 : i32
      %add3A_2075 = vector.broadcast %add3A_2074 : i32 to vector<64x128xi32>
      %add3A_2076 = arith.addi %add3A_2065, %add3A_2075 : vector<64x128xi32>
      %add3A_2077 = arith.constant -2045582809 : i32
      %add3A_2078 = vector.broadcast %add3A_2077 : i32 to vector<64x128xi32>
      %add3A_2079 = arith.addi %xor3A_2073, %add3A_2078 : vector<64x128xi32>
      %add3A_2080 = arith.addi %add3A_2076, %add3A_2079 : vector<64x128xi32>
      %shift_left3A_2081 = arith.constant 13 : i32
      %shift_left3A_2082 = vector.broadcast %shift_left3A_2081 : i32 to vector<64x128xi32>
      %shift_left3A_2083 = arith.shli %add3A_2079, %shift_left3A_2082 : vector<64x128xi32>
      %shift_right_logical3A_2084 = arith.constant 19 : i32
      %shift_right_logical3A_2085 = vector.broadcast %shift_right_logical3A_2084 : i32 to vector<64x128xi32>
      %shift_right_logical3A_2086 = arith.shrui %add3A_2079, %shift_right_logical3A_2085 : vector<64x128xi32>
      %or3A_2087 = arith.ori %shift_left3A_2083, %shift_right_logical3A_2086 : vector<64x128xi32>
      %xor3A_2088 = arith.xori %or3A_2087, %add3A_2080 : vector<64x128xi32>
      %add3A_2089 = arith.addi %add3A_2080, %xor3A_2088 : vector<64x128xi32>
      %shift_left3A_2090 = arith.constant 15 : i32
      %shift_left3A_2091 = vector.broadcast %shift_left3A_2090 : i32 to vector<64x128xi32>
      %shift_left3A_2092 = arith.shli %xor3A_2088, %shift_left3A_2091 : vector<64x128xi32>
      %shift_right_logical3A_2093 = arith.constant 17 : i32
      %shift_right_logical3A_2094 = vector.broadcast %shift_right_logical3A_2093 : i32 to vector<64x128xi32>
      %shift_right_logical3A_2095 = arith.shrui %xor3A_2088, %shift_right_logical3A_2094 : vector<64x128xi32>
      %or3A_2096 = arith.ori %shift_left3A_2092, %shift_right_logical3A_2095 : vector<64x128xi32>
      %xor3A_2097 = arith.xori %or3A_2096, %add3A_2089 : vector<64x128xi32>
      %add3A_2098 = arith.addi %add3A_2089, %xor3A_2097 : vector<64x128xi32>
      %shift_left3A_2099 = arith.constant 26 : i32
      %shift_left3A_2100 = vector.broadcast %shift_left3A_2099 : i32 to vector<64x128xi32>
      %shift_left3A_2101 = arith.shli %xor3A_2097, %shift_left3A_2100 : vector<64x128xi32>
      %shift_right_logical3A_2102 = arith.constant 6 : i32
      %shift_right_logical3A_2103 = vector.broadcast %shift_right_logical3A_2102 : i32 to vector<64x128xi32>
      %shift_right_logical3A_2104 = arith.shrui %xor3A_2097, %shift_right_logical3A_2103 : vector<64x128xi32>
      %or3A_2105 = arith.ori %shift_left3A_2101, %shift_right_logical3A_2104 : vector<64x128xi32>
      %xor3A_2106 = arith.xori %or3A_2105, %add3A_2098 : vector<64x128xi32>
      %add3A_2107 = arith.addi %add3A_2098, %xor3A_2106 : vector<64x128xi32>
      %shift_left3A_2108 = arith.constant 6 : i32
      %shift_left3A_2109 = vector.broadcast %shift_left3A_2108 : i32 to vector<64x128xi32>
      %shift_left3A_2110 = arith.shli %xor3A_2106, %shift_left3A_2109 : vector<64x128xi32>
      %shift_right_logical3A_2111 = arith.constant 26 : i32
      %shift_right_logical3A_2112 = vector.broadcast %shift_right_logical3A_2111 : i32 to vector<64x128xi32>
      %shift_right_logical3A_2113 = arith.shrui %xor3A_2106, %shift_right_logical3A_2112 : vector<64x128xi32>
      %or3A_2114 = arith.ori %shift_left3A_2110, %shift_right_logical3A_2113 : vector<64x128xi32>
      %xor3A_2115 = arith.xori %or3A_2114, %add3A_2107 : vector<64x128xi32>
      %add3A_2116 = arith.constant -2045582813 : i32
      %add3A_2117 = vector.broadcast %add3A_2116 : i32 to vector<64x128xi32>
      %add3A_2118 = arith.addi %add3A_2107, %add3A_2117 : vector<64x128xi32>
      %add3A_2119 = arith.constant -1829035793 : i32
      %add3A_2120 = vector.broadcast %add3A_2119 : i32 to vector<64x128xi32>
      %add3A_2121 = arith.addi %xor3A_2115, %add3A_2120 : vector<64x128xi32>
      %xor3A_2122 = arith.xori %add3A_2118, %add3A_2121 : vector<64x128xi32>
      %shift_right_logical3A_2123 = arith.constant 9 : i32
      %shift_right_logical3A_2124 = vector.broadcast %shift_right_logical3A_2123 : i32 to vector<64x128xi32>
      %shift_right_logical3A_2125 = arith.shrui %xor3A_2122, %shift_right_logical3A_2124 : vector<64x128xi32>
      %or3A_2126 = arith.constant 1065353216 : i32
      %or3A_2127 = vector.broadcast %or3A_2126 : i32 to vector<64x128xi32>
      %or3A_2128 = arith.ori %shift_right_logical3A_2125, %or3A_2127 : vector<64x128xi32>
      %bitcast_convert_type3A_2129 = tpu.bitcast %or3A_2128 : vector<64x128xi32> -> vector<64x128xf32>
      %sub3A_2130 = arith.constant 1.000000e+00 : f32
      %sub3A_2131 = vector.broadcast %sub3A_2130 : f32 to vector<64x128xf32>
      %sub3A_2132 = arith.subf %bitcast_convert_type3A_2129, %sub3A_2131 : vector<64x128xf32>
      %log3A_2133 = math.log %sub3A_2132 : vector<64x128xf32>
      %slice3A_2134 = vector.extract_strided_slice %get3A_1907 {offsets = [0, 0], sizes = [1, 128], strides = [1, 1]} : vector<8x128xf32> to vector<1x128xf32>
      %broadcast_in_dim3A_2135 = vector.shape_cast %slice3A_2134 : vector<1x128xf32> to vector<1x128xf32>
      %broadcast_in_dim3A_2136 = vector.broadcast %broadcast_in_dim3A_2135 : vector<1x128xf32> to vector<64x128xf32>
      %mul3A_2137 = arith.mulf %log3A_2133, %broadcast_in_dim3A_2136 : vector<64x128xf32>
      %lt3A_2138 = arith.cmpf olt, %mul3A_2137, %select_n3A_1897 : vector<64x128xf32>
      %select_n3A_2139 = arith.select %lt3A_2138, %mul3A_2137, %select_n3A_1897 : vector<64x128xi1>, vector<64x128xf32>
      %broadcast_in_dim3A_2140 = vector.broadcast %add3A_1909 : i32 to vector<64x128xi32>
      %select_n3A_2141 = arith.select %lt3A_2138, %broadcast_in_dim3A_2140, %select_n3A_1899 : vector<64x128xi1>, vector<64x128xi32>
      %add3A_2142 = arith.constant 1 : i32
      %add3A_2143 = arith.addi %mul3A_1903, %add3A_2142 : i32
      %add3A_2144 = vector.broadcast %add3A_2143 : i32 to vector<64x128xi32>
      %add3A_2145 = arith.addi %add3A_18, %add3A_2144 : vector<64x128xi32>
      %add3A_2146 = arith.addi %add3A_6, %add3A_2145 : vector<64x128xi32>
      %shift_left3A_2147 = arith.constant 13 : i32
      %shift_left3A_2148 = vector.broadcast %shift_left3A_2147 : i32 to vector<64x128xi32>
      %shift_left3A_2149 = arith.shli %add3A_2145, %shift_left3A_2148 : vector<64x128xi32>
      %shift_right_logical3A_2150 = arith.constant 19 : i32
      %shift_right_logical3A_2151 = vector.broadcast %shift_right_logical3A_2150 : i32 to vector<64x128xi32>
      %shift_right_logical3A_2152 = arith.shrui %add3A_2145, %shift_right_logical3A_2151 : vector<64x128xi32>
      %or3A_2153 = arith.ori %shift_left3A_2149, %shift_right_logical3A_2152 : vector<64x128xi32>
      %xor3A_2154 = arith.xori %or3A_2153, %add3A_2146 : vector<64x128xi32>
      %add3A_2155 = arith.addi %add3A_2146, %xor3A_2154 : vector<64x128xi32>
      %shift_left3A_2156 = arith.constant 15 : i32
      %shift_left3A_2157 = vector.broadcast %shift_left3A_2156 : i32 to vector<64x128xi32>
      %shift_left3A_2158 = arith.shli %xor3A_2154, %shift_left3A_2157 : vector<64x128xi32>
      %shift_right_logical3A_2159 = arith.constant 17 : i32
      %shift_right_logical3A_2160 = vector.broadcast %shift_right_logical3A_2159 : i32 to vector<64x128xi32>
      %shift_right_logical3A_2161 = arith.shrui %xor3A_2154, %shift_right_logical3A_2160 : vector<64x128xi32>
      %or3A_2162 = arith.ori %shift_left3A_2158, %shift_right_logical3A_2161 : vector<64x128xi32>
      %xor3A_2163 = arith.xori %or3A_2162, %add3A_2155 : vector<64x128xi32>
      %add3A_2164 = arith.addi %add3A_2155, %xor3A_2163 : vector<64x128xi32>
      %shift_left3A_2165 = arith.constant 26 : i32
      %shift_left3A_2166 = vector.broadcast %shift_left3A_2165 : i32 to vector<64x128xi32>
      %shift_left3A_2167 = arith.shli %xor3A_2163, %shift_left3A_2166 : vector<64x128xi32>
      %shift_right_logical3A_2168 = arith.constant 6 : i32
      %shift_right_logical3A_2169 = vector.broadcast %shift_right_logical3A_2168 : i32 to vector<64x128xi32>
      %shift_right_logical3A_2170 = arith.shrui %xor3A_2163, %shift_right_logical3A_2169 : vector<64x128xi32>
      %or3A_2171 = arith.ori %shift_left3A_2167, %shift_right_logical3A_2170 : vector<64x128xi32>
      %xor3A_2172 = arith.xori %or3A_2171, %add3A_2164 : vector<64x128xi32>
      %add3A_2173 = arith.addi %add3A_2164, %xor3A_2172 : vector<64x128xi32>
      %shift_left3A_2174 = arith.constant 6 : i32
      %shift_left3A_2175 = vector.broadcast %shift_left3A_2174 : i32 to vector<64x128xi32>
      %shift_left3A_2176 = arith.shli %xor3A_2172, %shift_left3A_2175 : vector<64x128xi32>
      %shift_right_logical3A_2177 = arith.constant 26 : i32
      %shift_right_logical3A_2178 = vector.broadcast %shift_right_logical3A_2177 : i32 to vector<64x128xi32>
      %shift_right_logical3A_2179 = arith.shrui %xor3A_2172, %shift_right_logical3A_2178 : vector<64x128xi32>
      %or3A_2180 = arith.ori %shift_left3A_2176, %shift_right_logical3A_2179 : vector<64x128xi32>
      %xor3A_2181 = arith.xori %or3A_2180, %add3A_2173 : vector<64x128xi32>
      %add3A_2182 = arith.constant 255383827 : i32
      %add3A_2183 = vector.broadcast %add3A_2182 : i32 to vector<64x128xi32>
      %add3A_2184 = arith.addi %add3A_2173, %add3A_2183 : vector<64x128xi32>
      %add3A_2185 = arith.constant -2045582812 : i32
      %add3A_2186 = vector.broadcast %add3A_2185 : i32 to vector<64x128xi32>
      %add3A_2187 = arith.addi %xor3A_2181, %add3A_2186 : vector<64x128xi32>
      %add3A_2188 = arith.addi %add3A_2184, %add3A_2187 : vector<64x128xi32>
      %shift_left3A_2189 = arith.constant 17 : i32
      %shift_left3A_2190 = vector.broadcast %shift_left3A_2189 : i32 to vector<64x128xi32>
      %shift_left3A_2191 = arith.shli %add3A_2187, %shift_left3A_2190 : vector<64x128xi32>
      %shift_right_logical3A_2192 = arith.constant 15 : i32
      %shift_right_logical3A_2193 = vector.broadcast %shift_right_logical3A_2192 : i32 to vector<64x128xi32>
      %shift_right_logical3A_2194 = arith.shrui %add3A_2187, %shift_right_logical3A_2193 : vector<64x128xi32>
      %or3A_2195 = arith.ori %shift_left3A_2191, %shift_right_logical3A_2194 : vector<64x128xi32>
      %xor3A_2196 = arith.xori %or3A_2195, %add3A_2188 : vector<64x128xi32>
      %add3A_2197 = arith.addi %add3A_2188, %xor3A_2196 : vector<64x128xi32>
      %shift_left3A_2198 = arith.constant 29 : i32
      %shift_left3A_2199 = vector.broadcast %shift_left3A_2198 : i32 to vector<64x128xi32>
      %shift_left3A_2200 = arith.shli %xor3A_2196, %shift_left3A_2199 : vector<64x128xi32>
      %shift_right_logical3A_2201 = arith.constant 3 : i32
      %shift_right_logical3A_2202 = vector.broadcast %shift_right_logical3A_2201 : i32 to vector<64x128xi32>
      %shift_right_logical3A_2203 = arith.shrui %xor3A_2196, %shift_right_logical3A_2202 : vector<64x128xi32>
      %or3A_2204 = arith.ori %shift_left3A_2200, %shift_right_logical3A_2203 : vector<64x128xi32>
      %xor3A_2205 = arith.xori %or3A_2204, %add3A_2197 : vector<64x128xi32>
      %add3A_2206 = arith.addi %add3A_2197, %xor3A_2205 : vector<64x128xi32>
      %shift_left3A_2207 = arith.constant 16 : i32
      %shift_left3A_2208 = vector.broadcast %shift_left3A_2207 : i32 to vector<64x128xi32>
      %shift_left3A_2209 = arith.shli %xor3A_2205, %shift_left3A_2208 : vector<64x128xi32>
      %shift_right_logical3A_2210 = arith.constant 16 : i32
      %shift_right_logical3A_2211 = vector.broadcast %shift_right_logical3A_2210 : i32 to vector<64x128xi32>
      %shift_right_logical3A_2212 = arith.shrui %xor3A_2205, %shift_right_logical3A_2211 : vector<64x128xi32>
      %or3A_2213 = arith.ori %shift_left3A_2209, %shift_right_logical3A_2212 : vector<64x128xi32>
      %xor3A_2214 = arith.xori %or3A_2213, %add3A_2206 : vector<64x128xi32>
      %add3A_2215 = arith.addi %add3A_2206, %xor3A_2214 : vector<64x128xi32>
      %shift_left3A_2216 = arith.constant 24 : i32
      %shift_left3A_2217 = vector.broadcast %shift_left3A_2216 : i32 to vector<64x128xi32>
      %shift_left3A_2218 = arith.shli %xor3A_2214, %shift_left3A_2217 : vector<64x128xi32>
      %shift_right_logical3A_2219 = arith.constant 8 : i32
      %shift_right_logical3A_2220 = vector.broadcast %shift_right_logical3A_2219 : i32 to vector<64x128xi32>
      %shift_right_logical3A_2221 = arith.shrui %xor3A_2214, %shift_right_logical3A_2220 : vector<64x128xi32>
      %or3A_2222 = arith.ori %shift_left3A_2218, %shift_right_logical3A_2221 : vector<64x128xi32>
      %xor3A_2223 = arith.xori %or3A_2222, %add3A_2215 : vector<64x128xi32>
      %add3A_2224 = arith.constant -2045582813 : i32
      %add3A_2225 = vector.broadcast %add3A_2224 : i32 to vector<64x128xi32>
      %add3A_2226 = arith.addi %add3A_2215, %add3A_2225 : vector<64x128xi32>
      %add3A_2227 = arith.constant -1829035796 : i32
      %add3A_2228 = vector.broadcast %add3A_2227 : i32 to vector<64x128xi32>
      %add3A_2229 = arith.addi %xor3A_2223, %add3A_2228 : vector<64x128xi32>
      %add3A_2230 = arith.addi %add3A_2226, %add3A_2229 : vector<64x128xi32>
      %shift_left3A_2231 = arith.constant 13 : i32
      %shift_left3A_2232 = vector.broadcast %shift_left3A_2231 : i32 to vector<64x128xi32>
      %shift_left3A_2233 = arith.shli %add3A_2229, %shift_left3A_2232 : vector<64x128xi32>
      %shift_right_logical3A_2234 = arith.constant 19 : i32
      %shift_right_logical3A_2235 = vector.broadcast %shift_right_logical3A_2234 : i32 to vector<64x128xi32>
      %shift_right_logical3A_2236 = arith.shrui %add3A_2229, %shift_right_logical3A_2235 : vector<64x128xi32>
      %or3A_2237 = arith.ori %shift_left3A_2233, %shift_right_logical3A_2236 : vector<64x128xi32>
      %xor3A_2238 = arith.xori %or3A_2237, %add3A_2230 : vector<64x128xi32>
      %add3A_2239 = arith.addi %add3A_2230, %xor3A_2238 : vector<64x128xi32>
      %shift_left3A_2240 = arith.constant 15 : i32
      %shift_left3A_2241 = vector.broadcast %shift_left3A_2240 : i32 to vector<64x128xi32>
      %shift_left3A_2242 = arith.shli %xor3A_2238, %shift_left3A_2241 : vector<64x128xi32>
      %shift_right_logical3A_2243 = arith.constant 17 : i32
      %shift_right_logical3A_2244 = vector.broadcast %shift_right_logical3A_2243 : i32 to vector<64x128xi32>
      %shift_right_logical3A_2245 = arith.shrui %xor3A_2238, %shift_right_logical3A_2244 : vector<64x128xi32>
      %or3A_2246 = arith.ori %shift_left3A_2242, %shift_right_logical3A_2245 : vector<64x128xi32>
      %xor3A_2247 = arith.xori %or3A_2246, %add3A_2239 : vector<64x128xi32>
      %add3A_2248 = arith.addi %add3A_2239, %xor3A_2247 : vector<64x128xi32>
      %shift_left3A_2249 = arith.constant 26 : i32
      %shift_left3A_2250 = vector.broadcast %shift_left3A_2249 : i32 to vector<64x128xi32>
      %shift_left3A_2251 = arith.shli %xor3A_2247, %shift_left3A_2250 : vector<64x128xi32>
      %shift_right_logical3A_2252 = arith.constant 6 : i32
      %shift_right_logical3A_2253 = vector.broadcast %shift_right_logical3A_2252 : i32 to vector<64x128xi32>
      %shift_right_logical3A_2254 = arith.shrui %xor3A_2247, %shift_right_logical3A_2253 : vector<64x128xi32>
      %or3A_2255 = arith.ori %shift_left3A_2251, %shift_right_logical3A_2254 : vector<64x128xi32>
      %xor3A_2256 = arith.xori %or3A_2255, %add3A_2248 : vector<64x128xi32>
      %add3A_2257 = arith.addi %add3A_2248, %xor3A_2256 : vector<64x128xi32>
      %shift_left3A_2258 = arith.constant 6 : i32
      %shift_left3A_2259 = vector.broadcast %shift_left3A_2258 : i32 to vector<64x128xi32>
      %shift_left3A_2260 = arith.shli %xor3A_2256, %shift_left3A_2259 : vector<64x128xi32>
      %shift_right_logical3A_2261 = arith.constant 26 : i32
      %shift_right_logical3A_2262 = vector.broadcast %shift_right_logical3A_2261 : i32 to vector<64x128xi32>
      %shift_right_logical3A_2263 = arith.shrui %xor3A_2256, %shift_right_logical3A_2262 : vector<64x128xi32>
      %or3A_2264 = arith.ori %shift_left3A_2260, %shift_right_logical3A_2263 : vector<64x128xi32>
      %xor3A_2265 = arith.xori %or3A_2264, %add3A_2257 : vector<64x128xi32>
      %add3A_2266 = arith.constant -1829035798 : i32
      %add3A_2267 = vector.broadcast %add3A_2266 : i32 to vector<64x128xi32>
      %add3A_2268 = arith.addi %add3A_2257, %add3A_2267 : vector<64x128xi32>
      %add3A_2269 = arith.constant 255383830 : i32
      %add3A_2270 = vector.broadcast %add3A_2269 : i32 to vector<64x128xi32>
      %add3A_2271 = arith.addi %xor3A_2265, %add3A_2270 : vector<64x128xi32>
      %add3A_2272 = arith.addi %add3A_2268, %add3A_2271 : vector<64x128xi32>
      %shift_left3A_2273 = arith.constant 17 : i32
      %shift_left3A_2274 = vector.broadcast %shift_left3A_2273 : i32 to vector<64x128xi32>
      %shift_left3A_2275 = arith.shli %add3A_2271, %shift_left3A_2274 : vector<64x128xi32>
      %shift_right_logical3A_2276 = arith.constant 15 : i32
      %shift_right_logical3A_2277 = vector.broadcast %shift_right_logical3A_2276 : i32 to vector<64x128xi32>
      %shift_right_logical3A_2278 = arith.shrui %add3A_2271, %shift_right_logical3A_2277 : vector<64x128xi32>
      %or3A_2279 = arith.ori %shift_left3A_2275, %shift_right_logical3A_2278 : vector<64x128xi32>
      %xor3A_2280 = arith.xori %or3A_2279, %add3A_2272 : vector<64x128xi32>
      %add3A_2281 = arith.addi %add3A_2272, %xor3A_2280 : vector<64x128xi32>
      %shift_left3A_2282 = arith.constant 29 : i32
      %shift_left3A_2283 = vector.broadcast %shift_left3A_2282 : i32 to vector<64x128xi32>
      %shift_left3A_2284 = arith.shli %xor3A_2280, %shift_left3A_2283 : vector<64x128xi32>
      %shift_right_logical3A_2285 = arith.constant 3 : i32
      %shift_right_logical3A_2286 = vector.broadcast %shift_right_logical3A_2285 : i32 to vector<64x128xi32>
      %shift_right_logical3A_2287 = arith.shrui %xor3A_2280, %shift_right_logical3A_2286 : vector<64x128xi32>
      %or3A_2288 = arith.ori %shift_left3A_2284, %shift_right_logical3A_2287 : vector<64x128xi32>
      %xor3A_2289 = arith.xori %or3A_2288, %add3A_2281 : vector<64x128xi32>
      %add3A_2290 = arith.addi %add3A_2281, %xor3A_2289 : vector<64x128xi32>
      %shift_left3A_2291 = arith.constant 16 : i32
      %shift_left3A_2292 = vector.broadcast %shift_left3A_2291 : i32 to vector<64x128xi32>
      %shift_left3A_2293 = arith.shli %xor3A_2289, %shift_left3A_2292 : vector<64x128xi32>
      %shift_right_logical3A_2294 = arith.constant 16 : i32
      %shift_right_logical3A_2295 = vector.broadcast %shift_right_logical3A_2294 : i32 to vector<64x128xi32>
      %shift_right_logical3A_2296 = arith.shrui %xor3A_2289, %shift_right_logical3A_2295 : vector<64x128xi32>
      %or3A_2297 = arith.ori %shift_left3A_2293, %shift_right_logical3A_2296 : vector<64x128xi32>
      %xor3A_2298 = arith.xori %or3A_2297, %add3A_2290 : vector<64x128xi32>
      %add3A_2299 = arith.addi %add3A_2290, %xor3A_2298 : vector<64x128xi32>
      %shift_left3A_2300 = arith.constant 24 : i32
      %shift_left3A_2301 = vector.broadcast %shift_left3A_2300 : i32 to vector<64x128xi32>
      %shift_left3A_2302 = arith.shli %xor3A_2298, %shift_left3A_2301 : vector<64x128xi32>
      %shift_right_logical3A_2303 = arith.constant 8 : i32
      %shift_right_logical3A_2304 = vector.broadcast %shift_right_logical3A_2303 : i32 to vector<64x128xi32>
      %shift_right_logical3A_2305 = arith.shrui %xor3A_2298, %shift_right_logical3A_2304 : vector<64x128xi32>
      %or3A_2306 = arith.ori %shift_left3A_2302, %shift_right_logical3A_2305 : vector<64x128xi32>
      %xor3A_2307 = arith.xori %or3A_2306, %add3A_2299 : vector<64x128xi32>
      %add3A_2308 = arith.constant 255383827 : i32
      %add3A_2309 = vector.broadcast %add3A_2308 : i32 to vector<64x128xi32>
      %add3A_2310 = arith.addi %add3A_2299, %add3A_2309 : vector<64x128xi32>
      %add3A_2311 = arith.constant -2045582809 : i32
      %add3A_2312 = vector.broadcast %add3A_2311 : i32 to vector<64x128xi32>
      %add3A_2313 = arith.addi %xor3A_2307, %add3A_2312 : vector<64x128xi32>
      %add3A_2314 = arith.addi %add3A_2310, %add3A_2313 : vector<64x128xi32>
      %shift_left3A_2315 = arith.constant 13 : i32
      %shift_left3A_2316 = vector.broadcast %shift_left3A_2315 : i32 to vector<64x128xi32>
      %shift_left3A_2317 = arith.shli %add3A_2313, %shift_left3A_2316 : vector<64x128xi32>
      %shift_right_logical3A_2318 = arith.constant 19 : i32
      %shift_right_logical3A_2319 = vector.broadcast %shift_right_logical3A_2318 : i32 to vector<64x128xi32>
      %shift_right_logical3A_2320 = arith.shrui %add3A_2313, %shift_right_logical3A_2319 : vector<64x128xi32>
      %or3A_2321 = arith.ori %shift_left3A_2317, %shift_right_logical3A_2320 : vector<64x128xi32>
      %xor3A_2322 = arith.xori %or3A_2321, %add3A_2314 : vector<64x128xi32>
      %add3A_2323 = arith.addi %add3A_2314, %xor3A_2322 : vector<64x128xi32>
      %shift_left3A_2324 = arith.constant 15 : i32
      %shift_left3A_2325 = vector.broadcast %shift_left3A_2324 : i32 to vector<64x128xi32>
      %shift_left3A_2326 = arith.shli %xor3A_2322, %shift_left3A_2325 : vector<64x128xi32>
      %shift_right_logical3A_2327 = arith.constant 17 : i32
      %shift_right_logical3A_2328 = vector.broadcast %shift_right_logical3A_2327 : i32 to vector<64x128xi32>
      %shift_right_logical3A_2329 = arith.shrui %xor3A_2322, %shift_right_logical3A_2328 : vector<64x128xi32>
      %or3A_2330 = arith.ori %shift_left3A_2326, %shift_right_logical3A_2329 : vector<64x128xi32>
      %xor3A_2331 = arith.xori %or3A_2330, %add3A_2323 : vector<64x128xi32>
      %add3A_2332 = arith.addi %add3A_2323, %xor3A_2331 : vector<64x128xi32>
      %shift_left3A_2333 = arith.constant 26 : i32
      %shift_left3A_2334 = vector.broadcast %shift_left3A_2333 : i32 to vector<64x128xi32>
      %shift_left3A_2335 = arith.shli %xor3A_2331, %shift_left3A_2334 : vector<64x128xi32>
      %shift_right_logical3A_2336 = arith.constant 6 : i32
      %shift_right_logical3A_2337 = vector.broadcast %shift_right_logical3A_2336 : i32 to vector<64x128xi32>
      %shift_right_logical3A_2338 = arith.shrui %xor3A_2331, %shift_right_logical3A_2337 : vector<64x128xi32>
      %or3A_2339 = arith.ori %shift_left3A_2335, %shift_right_logical3A_2338 : vector<64x128xi32>
      %xor3A_2340 = arith.xori %or3A_2339, %add3A_2332 : vector<64x128xi32>
      %add3A_2341 = arith.addi %add3A_2332, %xor3A_2340 : vector<64x128xi32>
      %shift_left3A_2342 = arith.constant 6 : i32
      %shift_left3A_2343 = vector.broadcast %shift_left3A_2342 : i32 to vector<64x128xi32>
      %shift_left3A_2344 = arith.shli %xor3A_2340, %shift_left3A_2343 : vector<64x128xi32>
      %shift_right_logical3A_2345 = arith.constant 26 : i32
      %shift_right_logical3A_2346 = vector.broadcast %shift_right_logical3A_2345 : i32 to vector<64x128xi32>
      %shift_right_logical3A_2347 = arith.shrui %xor3A_2340, %shift_right_logical3A_2346 : vector<64x128xi32>
      %or3A_2348 = arith.ori %shift_left3A_2344, %shift_right_logical3A_2347 : vector<64x128xi32>
      %xor3A_2349 = arith.xori %or3A_2348, %add3A_2341 : vector<64x128xi32>
      %add3A_2350 = arith.constant -2045582813 : i32
      %add3A_2351 = vector.broadcast %add3A_2350 : i32 to vector<64x128xi32>
      %add3A_2352 = arith.addi %add3A_2341, %add3A_2351 : vector<64x128xi32>
      %add3A_2353 = arith.constant -1829035793 : i32
      %add3A_2354 = vector.broadcast %add3A_2353 : i32 to vector<64x128xi32>
      %add3A_2355 = arith.addi %xor3A_2349, %add3A_2354 : vector<64x128xi32>
      %xor3A_2356 = arith.xori %add3A_2352, %add3A_2355 : vector<64x128xi32>
      %shift_right_logical3A_2357 = arith.constant 9 : i32
      %shift_right_logical3A_2358 = vector.broadcast %shift_right_logical3A_2357 : i32 to vector<64x128xi32>
      %shift_right_logical3A_2359 = arith.shrui %xor3A_2356, %shift_right_logical3A_2358 : vector<64x128xi32>
      %or3A_2360 = arith.constant 1065353216 : i32
      %or3A_2361 = vector.broadcast %or3A_2360 : i32 to vector<64x128xi32>
      %or3A_2362 = arith.ori %shift_right_logical3A_2359, %or3A_2361 : vector<64x128xi32>
      %bitcast_convert_type3A_2363 = tpu.bitcast %or3A_2362 : vector<64x128xi32> -> vector<64x128xf32>
      %sub3A_2364 = arith.constant 1.000000e+00 : f32
      %sub3A_2365 = vector.broadcast %sub3A_2364 : f32 to vector<64x128xf32>
      %sub3A_2366 = arith.subf %bitcast_convert_type3A_2363, %sub3A_2365 : vector<64x128xf32>
      %log3A_2367 = math.log %sub3A_2366 : vector<64x128xf32>
      %slice3A_2368 = vector.extract_strided_slice %get3A_1907 {offsets = [1, 0], sizes = [1, 128], strides = [1, 1]} : vector<8x128xf32> to vector<1x128xf32>
      %broadcast_in_dim3A_2369 = vector.shape_cast %slice3A_2368 : vector<1x128xf32> to vector<1x128xf32>
      %broadcast_in_dim3A_2370 = vector.broadcast %broadcast_in_dim3A_2369 : vector<1x128xf32> to vector<64x128xf32>
      %mul3A_2371 = arith.mulf %log3A_2367, %broadcast_in_dim3A_2370 : vector<64x128xf32>
      %lt3A_2372 = arith.cmpf olt, %mul3A_2371, %select_n3A_2139 : vector<64x128xf32>
      %select_n3A_2373 = arith.select %lt3A_2372, %mul3A_2371, %select_n3A_2139 : vector<64x128xi1>, vector<64x128xf32>
      %broadcast_in_dim3A_2374 = vector.broadcast %add3A_2143 : i32 to vector<64x128xi32>
      %select_n3A_2375 = arith.select %lt3A_2372, %broadcast_in_dim3A_2374, %select_n3A_2141 : vector<64x128xi1>, vector<64x128xi32>
      %add3A_2376 = arith.constant 2 : i32
      %add3A_2377 = arith.addi %mul3A_1903, %add3A_2376 : i32
      %add3A_2378 = vector.broadcast %add3A_2377 : i32 to vector<64x128xi32>
      %add3A_2379 = arith.addi %add3A_18, %add3A_2378 : vector<64x128xi32>
      %add3A_2380 = arith.addi %add3A_6, %add3A_2379 : vector<64x128xi32>
      %shift_left3A_2381 = arith.constant 13 : i32
      %shift_left3A_2382 = vector.broadcast %shift_left3A_2381 : i32 to vector<64x128xi32>
      %shift_left3A_2383 = arith.shli %add3A_2379, %shift_left3A_2382 : vector<64x128xi32>
      %shift_right_logical3A_2384 = arith.constant 19 : i32
      %shift_right_logical3A_2385 = vector.broadcast %shift_right_logical3A_2384 : i32 to vector<64x128xi32>
      %shift_right_logical3A_2386 = arith.shrui %add3A_2379, %shift_right_logical3A_2385 : vector<64x128xi32>
      %or3A_2387 = arith.ori %shift_left3A_2383, %shift_right_logical3A_2386 : vector<64x128xi32>
      %xor3A_2388 = arith.xori %or3A_2387, %add3A_2380 : vector<64x128xi32>
      %add3A_2389 = arith.addi %add3A_2380, %xor3A_2388 : vector<64x128xi32>
      %shift_left3A_2390 = arith.constant 15 : i32
      %shift_left3A_2391 = vector.broadcast %shift_left3A_2390 : i32 to vector<64x128xi32>
      %shift_left3A_2392 = arith.shli %xor3A_2388, %shift_left3A_2391 : vector<64x128xi32>
      %shift_right_logical3A_2393 = arith.constant 17 : i32
      %shift_right_logical3A_2394 = vector.broadcast %shift_right_logical3A_2393 : i32 to vector<64x128xi32>
      %shift_right_logical3A_2395 = arith.shrui %xor3A_2388, %shift_right_logical3A_2394 : vector<64x128xi32>
      %or3A_2396 = arith.ori %shift_left3A_2392, %shift_right_logical3A_2395 : vector<64x128xi32>
      %xor3A_2397 = arith.xori %or3A_2396, %add3A_2389 : vector<64x128xi32>
      %add3A_2398 = arith.addi %add3A_2389, %xor3A_2397 : vector<64x128xi32>
      %shift_left3A_2399 = arith.constant 26 : i32
      %shift_left3A_2400 = vector.broadcast %shift_left3A_2399 : i32 to vector<64x128xi32>
      %shift_left3A_2401 = arith.shli %xor3A_2397, %shift_left3A_2400 : vector<64x128xi32>
      %shift_right_logical3A_2402 = arith.constant 6 : i32
      %shift_right_logical3A_2403 = vector.broadcast %shift_right_logical3A_2402 : i32 to vector<64x128xi32>
      %shift_right_logical3A_2404 = arith.shrui %xor3A_2397, %shift_right_logical3A_2403 : vector<64x128xi32>
      %or3A_2405 = arith.ori %shift_left3A_2401, %shift_right_logical3A_2404 : vector<64x128xi32>
      %xor3A_2406 = arith.xori %or3A_2405, %add3A_2398 : vector<64x128xi32>
      %add3A_2407 = arith.addi %add3A_2398, %xor3A_2406 : vector<64x128xi32>
      %shift_left3A_2408 = arith.constant 6 : i32
      %shift_left3A_2409 = vector.broadcast %shift_left3A_2408 : i32 to vector<64x128xi32>
      %shift_left3A_2410 = arith.shli %xor3A_2406, %shift_left3A_2409 : vector<64x128xi32>
      %shift_right_logical3A_2411 = arith.constant 26 : i32
      %shift_right_logical3A_2412 = vector.broadcast %shift_right_logical3A_2411 : i32 to vector<64x128xi32>
      %shift_right_logical3A_2413 = arith.shrui %xor3A_2406, %shift_right_logical3A_2412 : vector<64x128xi32>
      %or3A_2414 = arith.ori %shift_left3A_2410, %shift_right_logical3A_2413 : vector<64x128xi32>
      %xor3A_2415 = arith.xori %or3A_2414, %add3A_2407 : vector<64x128xi32>
      %add3A_2416 = arith.constant 255383827 : i32
      %add3A_2417 = vector.broadcast %add3A_2416 : i32 to vector<64x128xi32>
      %add3A_2418 = arith.addi %add3A_2407, %add3A_2417 : vector<64x128xi32>
      %add3A_2419 = arith.constant -2045582812 : i32
      %add3A_2420 = vector.broadcast %add3A_2419 : i32 to vector<64x128xi32>
      %add3A_2421 = arith.addi %xor3A_2415, %add3A_2420 : vector<64x128xi32>
      %add3A_2422 = arith.addi %add3A_2418, %add3A_2421 : vector<64x128xi32>
      %shift_left3A_2423 = arith.constant 17 : i32
      %shift_left3A_2424 = vector.broadcast %shift_left3A_2423 : i32 to vector<64x128xi32>
      %shift_left3A_2425 = arith.shli %add3A_2421, %shift_left3A_2424 : vector<64x128xi32>
      %shift_right_logical3A_2426 = arith.constant 15 : i32
      %shift_right_logical3A_2427 = vector.broadcast %shift_right_logical3A_2426 : i32 to vector<64x128xi32>
      %shift_right_logical3A_2428 = arith.shrui %add3A_2421, %shift_right_logical3A_2427 : vector<64x128xi32>
      %or3A_2429 = arith.ori %shift_left3A_2425, %shift_right_logical3A_2428 : vector<64x128xi32>
      %xor3A_2430 = arith.xori %or3A_2429, %add3A_2422 : vector<64x128xi32>
      %add3A_2431 = arith.addi %add3A_2422, %xor3A_2430 : vector<64x128xi32>
      %shift_left3A_2432 = arith.constant 29 : i32
      %shift_left3A_2433 = vector.broadcast %shift_left3A_2432 : i32 to vector<64x128xi32>
      %shift_left3A_2434 = arith.shli %xor3A_2430, %shift_left3A_2433 : vector<64x128xi32>
      %shift_right_logical3A_2435 = arith.constant 3 : i32
      %shift_right_logical3A_2436 = vector.broadcast %shift_right_logical3A_2435 : i32 to vector<64x128xi32>
      %shift_right_logical3A_2437 = arith.shrui %xor3A_2430, %shift_right_logical3A_2436 : vector<64x128xi32>
      %or3A_2438 = arith.ori %shift_left3A_2434, %shift_right_logical3A_2437 : vector<64x128xi32>
      %xor3A_2439 = arith.xori %or3A_2438, %add3A_2431 : vector<64x128xi32>
      %add3A_2440 = arith.addi %add3A_2431, %xor3A_2439 : vector<64x128xi32>
      %shift_left3A_2441 = arith.constant 16 : i32
      %shift_left3A_2442 = vector.broadcast %shift_left3A_2441 : i32 to vector<64x128xi32>
      %shift_left3A_2443 = arith.shli %xor3A_2439, %shift_left3A_2442 : vector<64x128xi32>
      %shift_right_logical3A_2444 = arith.constant 16 : i32
      %shift_right_logical3A_2445 = vector.broadcast %shift_right_logical3A_2444 : i32 to vector<64x128xi32>
      %shift_right_logical3A_2446 = arith.shrui %xor3A_2439, %shift_right_logical3A_2445 : vector<64x128xi32>
      %or3A_2447 = arith.ori %shift_left3A_2443, %shift_right_logical3A_2446 : vector<64x128xi32>
      %xor3A_2448 = arith.xori %or3A_2447, %add3A_2440 : vector<64x128xi32>
      %add3A_2449 = arith.addi %add3A_2440, %xor3A_2448 : vector<64x128xi32>
      %shift_left3A_2450 = arith.constant 24 : i32
      %shift_left3A_2451 = vector.broadcast %shift_left3A_2450 : i32 to vector<64x128xi32>
      %shift_left3A_2452 = arith.shli %xor3A_2448, %shift_left3A_2451 : vector<64x128xi32>
      %shift_right_logical3A_2453 = arith.constant 8 : i32
      %shift_right_logical3A_2454 = vector.broadcast %shift_right_logical3A_2453 : i32 to vector<64x128xi32>
      %shift_right_logical3A_2455 = arith.shrui %xor3A_2448, %shift_right_logical3A_2454 : vector<64x128xi32>
      %or3A_2456 = arith.ori %shift_left3A_2452, %shift_right_logical3A_2455 : vector<64x128xi32>
      %xor3A_2457 = arith.xori %or3A_2456, %add3A_2449 : vector<64x128xi32>
      %add3A_2458 = arith.constant -2045582813 : i32
      %add3A_2459 = vector.broadcast %add3A_2458 : i32 to vector<64x128xi32>
      %add3A_2460 = arith.addi %add3A_2449, %add3A_2459 : vector<64x128xi32>
      %add3A_2461 = arith.constant -1829035796 : i32
      %add3A_2462 = vector.broadcast %add3A_2461 : i32 to vector<64x128xi32>
      %add3A_2463 = arith.addi %xor3A_2457, %add3A_2462 : vector<64x128xi32>
      %add3A_2464 = arith.addi %add3A_2460, %add3A_2463 : vector<64x128xi32>
      %shift_left3A_2465 = arith.constant 13 : i32
      %shift_left3A_2466 = vector.broadcast %shift_left3A_2465 : i32 to vector<64x128xi32>
      %shift_left3A_2467 = arith.shli %add3A_2463, %shift_left3A_2466 : vector<64x128xi32>
      %shift_right_logical3A_2468 = arith.constant 19 : i32
      %shift_right_logical3A_2469 = vector.broadcast %shift_right_logical3A_2468 : i32 to vector<64x128xi32>
      %shift_right_logical3A_2470 = arith.shrui %add3A_2463, %shift_right_logical3A_2469 : vector<64x128xi32>
      %or3A_2471 = arith.ori %shift_left3A_2467, %shift_right_logical3A_2470 : vector<64x128xi32>
      %xor3A_2472 = arith.xori %or3A_2471, %add3A_2464 : vector<64x128xi32>
      %add3A_2473 = arith.addi %add3A_2464, %xor3A_2472 : vector<64x128xi32>
      %shift_left3A_2474 = arith.constant 15 : i32
      %shift_left3A_2475 = vector.broadcast %shift_left3A_2474 : i32 to vector<64x128xi32>
      %shift_left3A_2476 = arith.shli %xor3A_2472, %shift_left3A_2475 : vector<64x128xi32>
      %shift_right_logical3A_2477 = arith.constant 17 : i32
      %shift_right_logical3A_2478 = vector.broadcast %shift_right_logical3A_2477 : i32 to vector<64x128xi32>
      %shift_right_logical3A_2479 = arith.shrui %xor3A_2472, %shift_right_logical3A_2478 : vector<64x128xi32>
      %or3A_2480 = arith.ori %shift_left3A_2476, %shift_right_logical3A_2479 : vector<64x128xi32>
      %xor3A_2481 = arith.xori %or3A_2480, %add3A_2473 : vector<64x128xi32>
      %add3A_2482 = arith.addi %add3A_2473, %xor3A_2481 : vector<64x128xi32>
      %shift_left3A_2483 = arith.constant 26 : i32
      %shift_left3A_2484 = vector.broadcast %shift_left3A_2483 : i32 to vector<64x128xi32>
      %shift_left3A_2485 = arith.shli %xor3A_2481, %shift_left3A_2484 : vector<64x128xi32>
      %shift_right_logical3A_2486 = arith.constant 6 : i32
      %shift_right_logical3A_2487 = vector.broadcast %shift_right_logical3A_2486 : i32 to vector<64x128xi32>
      %shift_right_logical3A_2488 = arith.shrui %xor3A_2481, %shift_right_logical3A_2487 : vector<64x128xi32>
      %or3A_2489 = arith.ori %shift_left3A_2485, %shift_right_logical3A_2488 : vector<64x128xi32>
      %xor3A_2490 = arith.xori %or3A_2489, %add3A_2482 : vector<64x128xi32>
      %add3A_2491 = arith.addi %add3A_2482, %xor3A_2490 : vector<64x128xi32>
      %shift_left3A_2492 = arith.constant 6 : i32
      %shift_left3A_2493 = vector.broadcast %shift_left3A_2492 : i32 to vector<64x128xi32>
      %shift_left3A_2494 = arith.shli %xor3A_2490, %shift_left3A_2493 : vector<64x128xi32>
      %shift_right_logical3A_2495 = arith.constant 26 : i32
      %shift_right_logical3A_2496 = vector.broadcast %shift_right_logical3A_2495 : i32 to vector<64x128xi32>
      %shift_right_logical3A_2497 = arith.shrui %xor3A_2490, %shift_right_logical3A_2496 : vector<64x128xi32>
      %or3A_2498 = arith.ori %shift_left3A_2494, %shift_right_logical3A_2497 : vector<64x128xi32>
      %xor3A_2499 = arith.xori %or3A_2498, %add3A_2491 : vector<64x128xi32>
      %add3A_2500 = arith.constant -1829035798 : i32
      %add3A_2501 = vector.broadcast %add3A_2500 : i32 to vector<64x128xi32>
      %add3A_2502 = arith.addi %add3A_2491, %add3A_2501 : vector<64x128xi32>
      %add3A_2503 = arith.constant 255383830 : i32
      %add3A_2504 = vector.broadcast %add3A_2503 : i32 to vector<64x128xi32>
      %add3A_2505 = arith.addi %xor3A_2499, %add3A_2504 : vector<64x128xi32>
      %add3A_2506 = arith.addi %add3A_2502, %add3A_2505 : vector<64x128xi32>
      %shift_left3A_2507 = arith.constant 17 : i32
      %shift_left3A_2508 = vector.broadcast %shift_left3A_2507 : i32 to vector<64x128xi32>
      %shift_left3A_2509 = arith.shli %add3A_2505, %shift_left3A_2508 : vector<64x128xi32>
      %shift_right_logical3A_2510 = arith.constant 15 : i32
      %shift_right_logical3A_2511 = vector.broadcast %shift_right_logical3A_2510 : i32 to vector<64x128xi32>
      %shift_right_logical3A_2512 = arith.shrui %add3A_2505, %shift_right_logical3A_2511 : vector<64x128xi32>
      %or3A_2513 = arith.ori %shift_left3A_2509, %shift_right_logical3A_2512 : vector<64x128xi32>
      %xor3A_2514 = arith.xori %or3A_2513, %add3A_2506 : vector<64x128xi32>
      %add3A_2515 = arith.addi %add3A_2506, %xor3A_2514 : vector<64x128xi32>
      %shift_left3A_2516 = arith.constant 29 : i32
      %shift_left3A_2517 = vector.broadcast %shift_left3A_2516 : i32 to vector<64x128xi32>
      %shift_left3A_2518 = arith.shli %xor3A_2514, %shift_left3A_2517 : vector<64x128xi32>
      %shift_right_logical3A_2519 = arith.constant 3 : i32
      %shift_right_logical3A_2520 = vector.broadcast %shift_right_logical3A_2519 : i32 to vector<64x128xi32>
      %shift_right_logical3A_2521 = arith.shrui %xor3A_2514, %shift_right_logical3A_2520 : vector<64x128xi32>
      %or3A_2522 = arith.ori %shift_left3A_2518, %shift_right_logical3A_2521 : vector<64x128xi32>
      %xor3A_2523 = arith.xori %or3A_2522, %add3A_2515 : vector<64x128xi32>
      %add3A_2524 = arith.addi %add3A_2515, %xor3A_2523 : vector<64x128xi32>
      %shift_left3A_2525 = arith.constant 16 : i32
      %shift_left3A_2526 = vector.broadcast %shift_left3A_2525 : i32 to vector<64x128xi32>
      %shift_left3A_2527 = arith.shli %xor3A_2523, %shift_left3A_2526 : vector<64x128xi32>
      %shift_right_logical3A_2528 = arith.constant 16 : i32
      %shift_right_logical3A_2529 = vector.broadcast %shift_right_logical3A_2528 : i32 to vector<64x128xi32>
      %shift_right_logical3A_2530 = arith.shrui %xor3A_2523, %shift_right_logical3A_2529 : vector<64x128xi32>
      %or3A_2531 = arith.ori %shift_left3A_2527, %shift_right_logical3A_2530 : vector<64x128xi32>
      %xor3A_2532 = arith.xori %or3A_2531, %add3A_2524 : vector<64x128xi32>
      %add3A_2533 = arith.addi %add3A_2524, %xor3A_2532 : vector<64x128xi32>
      %shift_left3A_2534 = arith.constant 24 : i32
      %shift_left3A_2535 = vector.broadcast %shift_left3A_2534 : i32 to vector<64x128xi32>
      %shift_left3A_2536 = arith.shli %xor3A_2532, %shift_left3A_2535 : vector<64x128xi32>
      %shift_right_logical3A_2537 = arith.constant 8 : i32
      %shift_right_logical3A_2538 = vector.broadcast %shift_right_logical3A_2537 : i32 to vector<64x128xi32>
      %shift_right_logical3A_2539 = arith.shrui %xor3A_2532, %shift_right_logical3A_2538 : vector<64x128xi32>
      %or3A_2540 = arith.ori %shift_left3A_2536, %shift_right_logical3A_2539 : vector<64x128xi32>
      %xor3A_2541 = arith.xori %or3A_2540, %add3A_2533 : vector<64x128xi32>
      %add3A_2542 = arith.constant 255383827 : i32
      %add3A_2543 = vector.broadcast %add3A_2542 : i32 to vector<64x128xi32>
      %add3A_2544 = arith.addi %add3A_2533, %add3A_2543 : vector<64x128xi32>
      %add3A_2545 = arith.constant -2045582809 : i32
      %add3A_2546 = vector.broadcast %add3A_2545 : i32 to vector<64x128xi32>
      %add3A_2547 = arith.addi %xor3A_2541, %add3A_2546 : vector<64x128xi32>
      %add3A_2548 = arith.addi %add3A_2544, %add3A_2547 : vector<64x128xi32>
      %shift_left3A_2549 = arith.constant 13 : i32
      %shift_left3A_2550 = vector.broadcast %shift_left3A_2549 : i32 to vector<64x128xi32>
      %shift_left3A_2551 = arith.shli %add3A_2547, %shift_left3A_2550 : vector<64x128xi32>
      %shift_right_logical3A_2552 = arith.constant 19 : i32
      %shift_right_logical3A_2553 = vector.broadcast %shift_right_logical3A_2552 : i32 to vector<64x128xi32>
      %shift_right_logical3A_2554 = arith.shrui %add3A_2547, %shift_right_logical3A_2553 : vector<64x128xi32>
      %or3A_2555 = arith.ori %shift_left3A_2551, %shift_right_logical3A_2554 : vector<64x128xi32>
      %xor3A_2556 = arith.xori %or3A_2555, %add3A_2548 : vector<64x128xi32>
      %add3A_2557 = arith.addi %add3A_2548, %xor3A_2556 : vector<64x128xi32>
      %shift_left3A_2558 = arith.constant 15 : i32
      %shift_left3A_2559 = vector.broadcast %shift_left3A_2558 : i32 to vector<64x128xi32>
      %shift_left3A_2560 = arith.shli %xor3A_2556, %shift_left3A_2559 : vector<64x128xi32>
      %shift_right_logical3A_2561 = arith.constant 17 : i32
      %shift_right_logical3A_2562 = vector.broadcast %shift_right_logical3A_2561 : i32 to vector<64x128xi32>
      %shift_right_logical3A_2563 = arith.shrui %xor3A_2556, %shift_right_logical3A_2562 : vector<64x128xi32>
      %or3A_2564 = arith.ori %shift_left3A_2560, %shift_right_logical3A_2563 : vector<64x128xi32>
      %xor3A_2565 = arith.xori %or3A_2564, %add3A_2557 : vector<64x128xi32>
      %add3A_2566 = arith.addi %add3A_2557, %xor3A_2565 : vector<64x128xi32>
      %shift_left3A_2567 = arith.constant 26 : i32
      %shift_left3A_2568 = vector.broadcast %shift_left3A_2567 : i32 to vector<64x128xi32>
      %shift_left3A_2569 = arith.shli %xor3A_2565, %shift_left3A_2568 : vector<64x128xi32>
      %shift_right_logical3A_2570 = arith.constant 6 : i32
      %shift_right_logical3A_2571 = vector.broadcast %shift_right_logical3A_2570 : i32 to vector<64x128xi32>
      %shift_right_logical3A_2572 = arith.shrui %xor3A_2565, %shift_right_logical3A_2571 : vector<64x128xi32>
      %or3A_2573 = arith.ori %shift_left3A_2569, %shift_right_logical3A_2572 : vector<64x128xi32>
      %xor3A_2574 = arith.xori %or3A_2573, %add3A_2566 : vector<64x128xi32>
      %add3A_2575 = arith.addi %add3A_2566, %xor3A_2574 : vector<64x128xi32>
      %shift_left3A_2576 = arith.constant 6 : i32
      %shift_left3A_2577 = vector.broadcast %shift_left3A_2576 : i32 to vector<64x128xi32>
      %shift_left3A_2578 = arith.shli %xor3A_2574, %shift_left3A_2577 : vector<64x128xi32>
      %shift_right_logical3A_2579 = arith.constant 26 : i32
      %shift_right_logical3A_2580 = vector.broadcast %shift_right_logical3A_2579 : i32 to vector<64x128xi32>
      %shift_right_logical3A_2581 = arith.shrui %xor3A_2574, %shift_right_logical3A_2580 : vector<64x128xi32>
      %or3A_2582 = arith.ori %shift_left3A_2578, %shift_right_logical3A_2581 : vector<64x128xi32>
      %xor3A_2583 = arith.xori %or3A_2582, %add3A_2575 : vector<64x128xi32>
      %add3A_2584 = arith.constant -2045582813 : i32
      %add3A_2585 = vector.broadcast %add3A_2584 : i32 to vector<64x128xi32>
      %add3A_2586 = arith.addi %add3A_2575, %add3A_2585 : vector<64x128xi32>
      %add3A_2587 = arith.constant -1829035793 : i32
      %add3A_2588 = vector.broadcast %add3A_2587 : i32 to vector<64x128xi32>
      %add3A_2589 = arith.addi %xor3A_2583, %add3A_2588 : vector<64x128xi32>
      %xor3A_2590 = arith.xori %add3A_2586, %add3A_2589 : vector<64x128xi32>
      %shift_right_logical3A_2591 = arith.constant 9 : i32
      %shift_right_logical3A_2592 = vector.broadcast %shift_right_logical3A_2591 : i32 to vector<64x128xi32>
      %shift_right_logical3A_2593 = arith.shrui %xor3A_2590, %shift_right_logical3A_2592 : vector<64x128xi32>
      %or3A_2594 = arith.constant 1065353216 : i32
      %or3A_2595 = vector.broadcast %or3A_2594 : i32 to vector<64x128xi32>
      %or3A_2596 = arith.ori %shift_right_logical3A_2593, %or3A_2595 : vector<64x128xi32>
      %bitcast_convert_type3A_2597 = tpu.bitcast %or3A_2596 : vector<64x128xi32> -> vector<64x128xf32>
      %sub3A_2598 = arith.constant 1.000000e+00 : f32
      %sub3A_2599 = vector.broadcast %sub3A_2598 : f32 to vector<64x128xf32>
      %sub3A_2600 = arith.subf %bitcast_convert_type3A_2597, %sub3A_2599 : vector<64x128xf32>
      %log3A_2601 = math.log %sub3A_2600 : vector<64x128xf32>
      %slice3A_2602 = vector.extract_strided_slice %get3A_1907 {offsets = [2, 0], sizes = [1, 128], strides = [1, 1]} : vector<8x128xf32> to vector<1x128xf32>
      %broadcast_in_dim3A_2603 = vector.shape_cast %slice3A_2602 : vector<1x128xf32> to vector<1x128xf32>
      %broadcast_in_dim3A_2604 = vector.broadcast %broadcast_in_dim3A_2603 : vector<1x128xf32> to vector<64x128xf32>
      %mul3A_2605 = arith.mulf %log3A_2601, %broadcast_in_dim3A_2604 : vector<64x128xf32>
      %lt3A_2606 = arith.cmpf olt, %mul3A_2605, %select_n3A_2373 : vector<64x128xf32>
      %select_n3A_2607 = arith.select %lt3A_2606, %mul3A_2605, %select_n3A_2373 : vector<64x128xi1>, vector<64x128xf32>
      %broadcast_in_dim3A_2608 = vector.broadcast %add3A_2377 : i32 to vector<64x128xi32>
      %select_n3A_2609 = arith.select %lt3A_2606, %broadcast_in_dim3A_2608, %select_n3A_2375 : vector<64x128xi1>, vector<64x128xi32>
      %add3A_2610 = arith.constant 3 : i32
      %add3A_2611 = arith.addi %mul3A_1903, %add3A_2610 : i32
      %add3A_2612 = vector.broadcast %add3A_2611 : i32 to vector<64x128xi32>
      %add3A_2613 = arith.addi %add3A_18, %add3A_2612 : vector<64x128xi32>
      %add3A_2614 = arith.addi %add3A_6, %add3A_2613 : vector<64x128xi32>
      %shift_left3A_2615 = arith.constant 13 : i32
      %shift_left3A_2616 = vector.broadcast %shift_left3A_2615 : i32 to vector<64x128xi32>
      %shift_left3A_2617 = arith.shli %add3A_2613, %shift_left3A_2616 : vector<64x128xi32>
      %shift_right_logical3A_2618 = arith.constant 19 : i32
      %shift_right_logical3A_2619 = vector.broadcast %shift_right_logical3A_2618 : i32 to vector<64x128xi32>
      %shift_right_logical3A_2620 = arith.shrui %add3A_2613, %shift_right_logical3A_2619 : vector<64x128xi32>
      %or3A_2621 = arith.ori %shift_left3A_2617, %shift_right_logical3A_2620 : vector<64x128xi32>
      %xor3A_2622 = arith.xori %or3A_2621, %add3A_2614 : vector<64x128xi32>
      %add3A_2623 = arith.addi %add3A_2614, %xor3A_2622 : vector<64x128xi32>
      %shift_left3A_2624 = arith.constant 15 : i32
      %shift_left3A_2625 = vector.broadcast %shift_left3A_2624 : i32 to vector<64x128xi32>
      %shift_left3A_2626 = arith.shli %xor3A_2622, %shift_left3A_2625 : vector<64x128xi32>
      %shift_right_logical3A_2627 = arith.constant 17 : i32
      %shift_right_logical3A_2628 = vector.broadcast %shift_right_logical3A_2627 : i32 to vector<64x128xi32>
      %shift_right_logical3A_2629 = arith.shrui %xor3A_2622, %shift_right_logical3A_2628 : vector<64x128xi32>
      %or3A_2630 = arith.ori %shift_left3A_2626, %shift_right_logical3A_2629 : vector<64x128xi32>
      %xor3A_2631 = arith.xori %or3A_2630, %add3A_2623 : vector<64x128xi32>
      %add3A_2632 = arith.addi %add3A_2623, %xor3A_2631 : vector<64x128xi32>
      %shift_left3A_2633 = arith.constant 26 : i32
      %shift_left3A_2634 = vector.broadcast %shift_left3A_2633 : i32 to vector<64x128xi32>
      %shift_left3A_2635 = arith.shli %xor3A_2631, %shift_left3A_2634 : vector<64x128xi32>
      %shift_right_logical3A_2636 = arith.constant 6 : i32
      %shift_right_logical3A_2637 = vector.broadcast %shift_right_logical3A_2636 : i32 to vector<64x128xi32>
      %shift_right_logical3A_2638 = arith.shrui %xor3A_2631, %shift_right_logical3A_2637 : vector<64x128xi32>
      %or3A_2639 = arith.ori %shift_left3A_2635, %shift_right_logical3A_2638 : vector<64x128xi32>
      %xor3A_2640 = arith.xori %or3A_2639, %add3A_2632 : vector<64x128xi32>
      %add3A_2641 = arith.addi %add3A_2632, %xor3A_2640 : vector<64x128xi32>
      %shift_left3A_2642 = arith.constant 6 : i32
      %shift_left3A_2643 = vector.broadcast %shift_left3A_2642 : i32 to vector<64x128xi32>
      %shift_left3A_2644 = arith.shli %xor3A_2640, %shift_left3A_2643 : vector<64x128xi32>
      %shift_right_logical3A_2645 = arith.constant 26 : i32
      %shift_right_logical3A_2646 = vector.broadcast %shift_right_logical3A_2645 : i32 to vector<64x128xi32>
      %shift_right_logical3A_2647 = arith.shrui %xor3A_2640, %shift_right_logical3A_2646 : vector<64x128xi32>
      %or3A_2648 = arith.ori %shift_left3A_2644, %shift_right_logical3A_2647 : vector<64x128xi32>
      %xor3A_2649 = arith.xori %or3A_2648, %add3A_2641 : vector<64x128xi32>
      %add3A_2650 = arith.constant 255383827 : i32
      %add3A_2651 = vector.broadcast %add3A_2650 : i32 to vector<64x128xi32>
      %add3A_2652 = arith.addi %add3A_2641, %add3A_2651 : vector<64x128xi32>
      %add3A_2653 = arith.constant -2045582812 : i32
      %add3A_2654 = vector.broadcast %add3A_2653 : i32 to vector<64x128xi32>
      %add3A_2655 = arith.addi %xor3A_2649, %add3A_2654 : vector<64x128xi32>
      %add3A_2656 = arith.addi %add3A_2652, %add3A_2655 : vector<64x128xi32>
      %shift_left3A_2657 = arith.constant 17 : i32
      %shift_left3A_2658 = vector.broadcast %shift_left3A_2657 : i32 to vector<64x128xi32>
      %shift_left3A_2659 = arith.shli %add3A_2655, %shift_left3A_2658 : vector<64x128xi32>
      %shift_right_logical3A_2660 = arith.constant 15 : i32
      %shift_right_logical3A_2661 = vector.broadcast %shift_right_logical3A_2660 : i32 to vector<64x128xi32>
      %shift_right_logical3A_2662 = arith.shrui %add3A_2655, %shift_right_logical3A_2661 : vector<64x128xi32>
      %or3A_2663 = arith.ori %shift_left3A_2659, %shift_right_logical3A_2662 : vector<64x128xi32>
      %xor3A_2664 = arith.xori %or3A_2663, %add3A_2656 : vector<64x128xi32>
      %add3A_2665 = arith.addi %add3A_2656, %xor3A_2664 : vector<64x128xi32>
      %shift_left3A_2666 = arith.constant 29 : i32
      %shift_left3A_2667 = vector.broadcast %shift_left3A_2666 : i32 to vector<64x128xi32>
      %shift_left3A_2668 = arith.shli %xor3A_2664, %shift_left3A_2667 : vector<64x128xi32>
      %shift_right_logical3A_2669 = arith.constant 3 : i32
      %shift_right_logical3A_2670 = vector.broadcast %shift_right_logical3A_2669 : i32 to vector<64x128xi32>
      %shift_right_logical3A_2671 = arith.shrui %xor3A_2664, %shift_right_logical3A_2670 : vector<64x128xi32>
      %or3A_2672 = arith.ori %shift_left3A_2668, %shift_right_logical3A_2671 : vector<64x128xi32>
      %xor3A_2673 = arith.xori %or3A_2672, %add3A_2665 : vector<64x128xi32>
      %add3A_2674 = arith.addi %add3A_2665, %xor3A_2673 : vector<64x128xi32>
      %shift_left3A_2675 = arith.constant 16 : i32
      %shift_left3A_2676 = vector.broadcast %shift_left3A_2675 : i32 to vector<64x128xi32>
      %shift_left3A_2677 = arith.shli %xor3A_2673, %shift_left3A_2676 : vector<64x128xi32>
      %shift_right_logical3A_2678 = arith.constant 16 : i32
      %shift_right_logical3A_2679 = vector.broadcast %shift_right_logical3A_2678 : i32 to vector<64x128xi32>
      %shift_right_logical3A_2680 = arith.shrui %xor3A_2673, %shift_right_logical3A_2679 : vector<64x128xi32>
      %or3A_2681 = arith.ori %shift_left3A_2677, %shift_right_logical3A_2680 : vector<64x128xi32>
      %xor3A_2682 = arith.xori %or3A_2681, %add3A_2674 : vector<64x128xi32>
      %add3A_2683 = arith.addi %add3A_2674, %xor3A_2682 : vector<64x128xi32>
      %shift_left3A_2684 = arith.constant 24 : i32
      %shift_left3A_2685 = vector.broadcast %shift_left3A_2684 : i32 to vector<64x128xi32>
      %shift_left3A_2686 = arith.shli %xor3A_2682, %shift_left3A_2685 : vector<64x128xi32>
      %shift_right_logical3A_2687 = arith.constant 8 : i32
      %shift_right_logical3A_2688 = vector.broadcast %shift_right_logical3A_2687 : i32 to vector<64x128xi32>
      %shift_right_logical3A_2689 = arith.shrui %xor3A_2682, %shift_right_logical3A_2688 : vector<64x128xi32>
      %or3A_2690 = arith.ori %shift_left3A_2686, %shift_right_logical3A_2689 : vector<64x128xi32>
      %xor3A_2691 = arith.xori %or3A_2690, %add3A_2683 : vector<64x128xi32>
      %add3A_2692 = arith.constant -2045582813 : i32
      %add3A_2693 = vector.broadcast %add3A_2692 : i32 to vector<64x128xi32>
      %add3A_2694 = arith.addi %add3A_2683, %add3A_2693 : vector<64x128xi32>
      %add3A_2695 = arith.constant -1829035796 : i32
      %add3A_2696 = vector.broadcast %add3A_2695 : i32 to vector<64x128xi32>
      %add3A_2697 = arith.addi %xor3A_2691, %add3A_2696 : vector<64x128xi32>
      %add3A_2698 = arith.addi %add3A_2694, %add3A_2697 : vector<64x128xi32>
      %shift_left3A_2699 = arith.constant 13 : i32
      %shift_left3A_2700 = vector.broadcast %shift_left3A_2699 : i32 to vector<64x128xi32>
      %shift_left3A_2701 = arith.shli %add3A_2697, %shift_left3A_2700 : vector<64x128xi32>
      %shift_right_logical3A_2702 = arith.constant 19 : i32
      %shift_right_logical3A_2703 = vector.broadcast %shift_right_logical3A_2702 : i32 to vector<64x128xi32>
      %shift_right_logical3A_2704 = arith.shrui %add3A_2697, %shift_right_logical3A_2703 : vector<64x128xi32>
      %or3A_2705 = arith.ori %shift_left3A_2701, %shift_right_logical3A_2704 : vector<64x128xi32>
      %xor3A_2706 = arith.xori %or3A_2705, %add3A_2698 : vector<64x128xi32>
      %add3A_2707 = arith.addi %add3A_2698, %xor3A_2706 : vector<64x128xi32>
      %shift_left3A_2708 = arith.constant 15 : i32
      %shift_left3A_2709 = vector.broadcast %shift_left3A_2708 : i32 to vector<64x128xi32>
      %shift_left3A_2710 = arith.shli %xor3A_2706, %shift_left3A_2709 : vector<64x128xi32>
      %shift_right_logical3A_2711 = arith.constant 17 : i32
      %shift_right_logical3A_2712 = vector.broadcast %shift_right_logical3A_2711 : i32 to vector<64x128xi32>
      %shift_right_logical3A_2713 = arith.shrui %xor3A_2706, %shift_right_logical3A_2712 : vector<64x128xi32>
      %or3A_2714 = arith.ori %shift_left3A_2710, %shift_right_logical3A_2713 : vector<64x128xi32>
      %xor3A_2715 = arith.xori %or3A_2714, %add3A_2707 : vector<64x128xi32>
      %add3A_2716 = arith.addi %add3A_2707, %xor3A_2715 : vector<64x128xi32>
      %shift_left3A_2717 = arith.constant 26 : i32
      %shift_left3A_2718 = vector.broadcast %shift_left3A_2717 : i32 to vector<64x128xi32>
      %shift_left3A_2719 = arith.shli %xor3A_2715, %shift_left3A_2718 : vector<64x128xi32>
      %shift_right_logical3A_2720 = arith.constant 6 : i32
      %shift_right_logical3A_2721 = vector.broadcast %shift_right_logical3A_2720 : i32 to vector<64x128xi32>
      %shift_right_logical3A_2722 = arith.shrui %xor3A_2715, %shift_right_logical3A_2721 : vector<64x128xi32>
      %or3A_2723 = arith.ori %shift_left3A_2719, %shift_right_logical3A_2722 : vector<64x128xi32>
      %xor3A_2724 = arith.xori %or3A_2723, %add3A_2716 : vector<64x128xi32>
      %add3A_2725 = arith.addi %add3A_2716, %xor3A_2724 : vector<64x128xi32>
      %shift_left3A_2726 = arith.constant 6 : i32
      %shift_left3A_2727 = vector.broadcast %shift_left3A_2726 : i32 to vector<64x128xi32>
      %shift_left3A_2728 = arith.shli %xor3A_2724, %shift_left3A_2727 : vector<64x128xi32>
      %shift_right_logical3A_2729 = arith.constant 26 : i32
      %shift_right_logical3A_2730 = vector.broadcast %shift_right_logical3A_2729 : i32 to vector<64x128xi32>
      %shift_right_logical3A_2731 = arith.shrui %xor3A_2724, %shift_right_logical3A_2730 : vector<64x128xi32>
      %or3A_2732 = arith.ori %shift_left3A_2728, %shift_right_logical3A_2731 : vector<64x128xi32>
      %xor3A_2733 = arith.xori %or3A_2732, %add3A_2725 : vector<64x128xi32>
      %add3A_2734 = arith.constant -1829035798 : i32
      %add3A_2735 = vector.broadcast %add3A_2734 : i32 to vector<64x128xi32>
      %add3A_2736 = arith.addi %add3A_2725, %add3A_2735 : vector<64x128xi32>
      %add3A_2737 = arith.constant 255383830 : i32
      %add3A_2738 = vector.broadcast %add3A_2737 : i32 to vector<64x128xi32>
      %add3A_2739 = arith.addi %xor3A_2733, %add3A_2738 : vector<64x128xi32>
      %add3A_2740 = arith.addi %add3A_2736, %add3A_2739 : vector<64x128xi32>
      %shift_left3A_2741 = arith.constant 17 : i32
      %shift_left3A_2742 = vector.broadcast %shift_left3A_2741 : i32 to vector<64x128xi32>
      %shift_left3A_2743 = arith.shli %add3A_2739, %shift_left3A_2742 : vector<64x128xi32>
      %shift_right_logical3A_2744 = arith.constant 15 : i32
      %shift_right_logical3A_2745 = vector.broadcast %shift_right_logical3A_2744 : i32 to vector<64x128xi32>
      %shift_right_logical3A_2746 = arith.shrui %add3A_2739, %shift_right_logical3A_2745 : vector<64x128xi32>
      %or3A_2747 = arith.ori %shift_left3A_2743, %shift_right_logical3A_2746 : vector<64x128xi32>
      %xor3A_2748 = arith.xori %or3A_2747, %add3A_2740 : vector<64x128xi32>
      %add3A_2749 = arith.addi %add3A_2740, %xor3A_2748 : vector<64x128xi32>
      %shift_left3A_2750 = arith.constant 29 : i32
      %shift_left3A_2751 = vector.broadcast %shift_left3A_2750 : i32 to vector<64x128xi32>
      %shift_left3A_2752 = arith.shli %xor3A_2748, %shift_left3A_2751 : vector<64x128xi32>
      %shift_right_logical3A_2753 = arith.constant 3 : i32
      %shift_right_logical3A_2754 = vector.broadcast %shift_right_logical3A_2753 : i32 to vector<64x128xi32>
      %shift_right_logical3A_2755 = arith.shrui %xor3A_2748, %shift_right_logical3A_2754 : vector<64x128xi32>
      %or3A_2756 = arith.ori %shift_left3A_2752, %shift_right_logical3A_2755 : vector<64x128xi32>
      %xor3A_2757 = arith.xori %or3A_2756, %add3A_2749 : vector<64x128xi32>
      %add3A_2758 = arith.addi %add3A_2749, %xor3A_2757 : vector<64x128xi32>
      %shift_left3A_2759 = arith.constant 16 : i32
      %shift_left3A_2760 = vector.broadcast %shift_left3A_2759 : i32 to vector<64x128xi32>
      %shift_left3A_2761 = arith.shli %xor3A_2757, %shift_left3A_2760 : vector<64x128xi32>
      %shift_right_logical3A_2762 = arith.constant 16 : i32
      %shift_right_logical3A_2763 = vector.broadcast %shift_right_logical3A_2762 : i32 to vector<64x128xi32>
      %shift_right_logical3A_2764 = arith.shrui %xor3A_2757, %shift_right_logical3A_2763 : vector<64x128xi32>
      %or3A_2765 = arith.ori %shift_left3A_2761, %shift_right_logical3A_2764 : vector<64x128xi32>
      %xor3A_2766 = arith.xori %or3A_2765, %add3A_2758 : vector<64x128xi32>
      %add3A_2767 = arith.addi %add3A_2758, %xor3A_2766 : vector<64x128xi32>
      %shift_left3A_2768 = arith.constant 24 : i32
      %shift_left3A_2769 = vector.broadcast %shift_left3A_2768 : i32 to vector<64x128xi32>
      %shift_left3A_2770 = arith.shli %xor3A_2766, %shift_left3A_2769 : vector<64x128xi32>
      %shift_right_logical3A_2771 = arith.constant 8 : i32
      %shift_right_logical3A_2772 = vector.broadcast %shift_right_logical3A_2771 : i32 to vector<64x128xi32>
      %shift_right_logical3A_2773 = arith.shrui %xor3A_2766, %shift_right_logical3A_2772 : vector<64x128xi32>
      %or3A_2774 = arith.ori %shift_left3A_2770, %shift_right_logical3A_2773 : vector<64x128xi32>
      %xor3A_2775 = arith.xori %or3A_2774, %add3A_2767 : vector<64x128xi32>
      %add3A_2776 = arith.constant 255383827 : i32
      %add3A_2777 = vector.broadcast %add3A_2776 : i32 to vector<64x128xi32>
      %add3A_2778 = arith.addi %add3A_2767, %add3A_2777 : vector<64x128xi32>
      %add3A_2779 = arith.constant -2045582809 : i32
      %add3A_2780 = vector.broadcast %add3A_2779 : i32 to vector<64x128xi32>
      %add3A_2781 = arith.addi %xor3A_2775, %add3A_2780 : vector<64x128xi32>
      %add3A_2782 = arith.addi %add3A_2778, %add3A_2781 : vector<64x128xi32>
      %shift_left3A_2783 = arith.constant 13 : i32
      %shift_left3A_2784 = vector.broadcast %shift_left3A_2783 : i32 to vector<64x128xi32>
      %shift_left3A_2785 = arith.shli %add3A_2781, %shift_left3A_2784 : vector<64x128xi32>
      %shift_right_logical3A_2786 = arith.constant 19 : i32
      %shift_right_logical3A_2787 = vector.broadcast %shift_right_logical3A_2786 : i32 to vector<64x128xi32>
      %shift_right_logical3A_2788 = arith.shrui %add3A_2781, %shift_right_logical3A_2787 : vector<64x128xi32>
      %or3A_2789 = arith.ori %shift_left3A_2785, %shift_right_logical3A_2788 : vector<64x128xi32>
      %xor3A_2790 = arith.xori %or3A_2789, %add3A_2782 : vector<64x128xi32>
      %add3A_2791 = arith.addi %add3A_2782, %xor3A_2790 : vector<64x128xi32>
      %shift_left3A_2792 = arith.constant 15 : i32
      %shift_left3A_2793 = vector.broadcast %shift_left3A_2792 : i32 to vector<64x128xi32>
      %shift_left3A_2794 = arith.shli %xor3A_2790, %shift_left3A_2793 : vector<64x128xi32>
      %shift_right_logical3A_2795 = arith.constant 17 : i32
      %shift_right_logical3A_2796 = vector.broadcast %shift_right_logical3A_2795 : i32 to vector<64x128xi32>
      %shift_right_logical3A_2797 = arith.shrui %xor3A_2790, %shift_right_logical3A_2796 : vector<64x128xi32>
      %or3A_2798 = arith.ori %shift_left3A_2794, %shift_right_logical3A_2797 : vector<64x128xi32>
      %xor3A_2799 = arith.xori %or3A_2798, %add3A_2791 : vector<64x128xi32>
      %add3A_2800 = arith.addi %add3A_2791, %xor3A_2799 : vector<64x128xi32>
      %shift_left3A_2801 = arith.constant 26 : i32
      %shift_left3A_2802 = vector.broadcast %shift_left3A_2801 : i32 to vector<64x128xi32>
      %shift_left3A_2803 = arith.shli %xor3A_2799, %shift_left3A_2802 : vector<64x128xi32>
      %shift_right_logical3A_2804 = arith.constant 6 : i32
      %shift_right_logical3A_2805 = vector.broadcast %shift_right_logical3A_2804 : i32 to vector<64x128xi32>
      %shift_right_logical3A_2806 = arith.shrui %xor3A_2799, %shift_right_logical3A_2805 : vector<64x128xi32>
      %or3A_2807 = arith.ori %shift_left3A_2803, %shift_right_logical3A_2806 : vector<64x128xi32>
      %xor3A_2808 = arith.xori %or3A_2807, %add3A_2800 : vector<64x128xi32>
      %add3A_2809 = arith.addi %add3A_2800, %xor3A_2808 : vector<64x128xi32>
      %shift_left3A_2810 = arith.constant 6 : i32
      %shift_left3A_2811 = vector.broadcast %shift_left3A_2810 : i32 to vector<64x128xi32>
      %shift_left3A_2812 = arith.shli %xor3A_2808, %shift_left3A_2811 : vector<64x128xi32>
      %shift_right_logical3A_2813 = arith.constant 26 : i32
      %shift_right_logical3A_2814 = vector.broadcast %shift_right_logical3A_2813 : i32 to vector<64x128xi32>
      %shift_right_logical3A_2815 = arith.shrui %xor3A_2808, %shift_right_logical3A_2814 : vector<64x128xi32>
      %or3A_2816 = arith.ori %shift_left3A_2812, %shift_right_logical3A_2815 : vector<64x128xi32>
      %xor3A_2817 = arith.xori %or3A_2816, %add3A_2809 : vector<64x128xi32>
      %add3A_2818 = arith.constant -2045582813 : i32
      %add3A_2819 = vector.broadcast %add3A_2818 : i32 to vector<64x128xi32>
      %add3A_2820 = arith.addi %add3A_2809, %add3A_2819 : vector<64x128xi32>
      %add3A_2821 = arith.constant -1829035793 : i32
      %add3A_2822 = vector.broadcast %add3A_2821 : i32 to vector<64x128xi32>
      %add3A_2823 = arith.addi %xor3A_2817, %add3A_2822 : vector<64x128xi32>
      %xor3A_2824 = arith.xori %add3A_2820, %add3A_2823 : vector<64x128xi32>
      %shift_right_logical3A_2825 = arith.constant 9 : i32
      %shift_right_logical3A_2826 = vector.broadcast %shift_right_logical3A_2825 : i32 to vector<64x128xi32>
      %shift_right_logical3A_2827 = arith.shrui %xor3A_2824, %shift_right_logical3A_2826 : vector<64x128xi32>
      %or3A_2828 = arith.constant 1065353216 : i32
      %or3A_2829 = vector.broadcast %or3A_2828 : i32 to vector<64x128xi32>
      %or3A_2830 = arith.ori %shift_right_logical3A_2827, %or3A_2829 : vector<64x128xi32>
      %bitcast_convert_type3A_2831 = tpu.bitcast %or3A_2830 : vector<64x128xi32> -> vector<64x128xf32>
      %sub3A_2832 = arith.constant 1.000000e+00 : f32
      %sub3A_2833 = vector.broadcast %sub3A_2832 : f32 to vector<64x128xf32>
      %sub3A_2834 = arith.subf %bitcast_convert_type3A_2831, %sub3A_2833 : vector<64x128xf32>
      %log3A_2835 = math.log %sub3A_2834 : vector<64x128xf32>
      %slice3A_2836 = vector.extract_strided_slice %get3A_1907 {offsets = [3, 0], sizes = [1, 128], strides = [1, 1]} : vector<8x128xf32> to vector<1x128xf32>
      %broadcast_in_dim3A_2837 = vector.shape_cast %slice3A_2836 : vector<1x128xf32> to vector<1x128xf32>
      %broadcast_in_dim3A_2838 = vector.broadcast %broadcast_in_dim3A_2837 : vector<1x128xf32> to vector<64x128xf32>
      %mul3A_2839 = arith.mulf %log3A_2835, %broadcast_in_dim3A_2838 : vector<64x128xf32>
      %lt3A_2840 = arith.cmpf olt, %mul3A_2839, %select_n3A_2607 : vector<64x128xf32>
      %select_n3A_2841 = arith.select %lt3A_2840, %mul3A_2839, %select_n3A_2607 : vector<64x128xi1>, vector<64x128xf32>
      %broadcast_in_dim3A_2842 = vector.broadcast %add3A_2611 : i32 to vector<64x128xi32>
      %select_n3A_2843 = arith.select %lt3A_2840, %broadcast_in_dim3A_2842, %select_n3A_2609 : vector<64x128xi1>, vector<64x128xi32>
      %add3A_2844 = arith.constant 4 : i32
      %add3A_2845 = arith.addi %mul3A_1903, %add3A_2844 : i32
      %add3A_2846 = vector.broadcast %add3A_2845 : i32 to vector<64x128xi32>
      %add3A_2847 = arith.addi %add3A_18, %add3A_2846 : vector<64x128xi32>
      %add3A_2848 = arith.addi %add3A_6, %add3A_2847 : vector<64x128xi32>
      %shift_left3A_2849 = arith.constant 13 : i32
      %shift_left3A_2850 = vector.broadcast %shift_left3A_2849 : i32 to vector<64x128xi32>
      %shift_left3A_2851 = arith.shli %add3A_2847, %shift_left3A_2850 : vector<64x128xi32>
      %shift_right_logical3A_2852 = arith.constant 19 : i32
      %shift_right_logical3A_2853 = vector.broadcast %shift_right_logical3A_2852 : i32 to vector<64x128xi32>
      %shift_right_logical3A_2854 = arith.shrui %add3A_2847, %shift_right_logical3A_2853 : vector<64x128xi32>
      %or3A_2855 = arith.ori %shift_left3A_2851, %shift_right_logical3A_2854 : vector<64x128xi32>
      %xor3A_2856 = arith.xori %or3A_2855, %add3A_2848 : vector<64x128xi32>
      %add3A_2857 = arith.addi %add3A_2848, %xor3A_2856 : vector<64x128xi32>
      %shift_left3A_2858 = arith.constant 15 : i32
      %shift_left3A_2859 = vector.broadcast %shift_left3A_2858 : i32 to vector<64x128xi32>
      %shift_left3A_2860 = arith.shli %xor3A_2856, %shift_left3A_2859 : vector<64x128xi32>
      %shift_right_logical3A_2861 = arith.constant 17 : i32
      %shift_right_logical3A_2862 = vector.broadcast %shift_right_logical3A_2861 : i32 to vector<64x128xi32>
      %shift_right_logical3A_2863 = arith.shrui %xor3A_2856, %shift_right_logical3A_2862 : vector<64x128xi32>
      %or3A_2864 = arith.ori %shift_left3A_2860, %shift_right_logical3A_2863 : vector<64x128xi32>
      %xor3A_2865 = arith.xori %or3A_2864, %add3A_2857 : vector<64x128xi32>
      %add3A_2866 = arith.addi %add3A_2857, %xor3A_2865 : vector<64x128xi32>
      %shift_left3A_2867 = arith.constant 26 : i32
      %shift_left3A_2868 = vector.broadcast %shift_left3A_2867 : i32 to vector<64x128xi32>
      %shift_left3A_2869 = arith.shli %xor3A_2865, %shift_left3A_2868 : vector<64x128xi32>
      %shift_right_logical3A_2870 = arith.constant 6 : i32
      %shift_right_logical3A_2871 = vector.broadcast %shift_right_logical3A_2870 : i32 to vector<64x128xi32>
      %shift_right_logical3A_2872 = arith.shrui %xor3A_2865, %shift_right_logical3A_2871 : vector<64x128xi32>
      %or3A_2873 = arith.ori %shift_left3A_2869, %shift_right_logical3A_2872 : vector<64x128xi32>
      %xor3A_2874 = arith.xori %or3A_2873, %add3A_2866 : vector<64x128xi32>
      %add3A_2875 = arith.addi %add3A_2866, %xor3A_2874 : vector<64x128xi32>
      %shift_left3A_2876 = arith.constant 6 : i32
      %shift_left3A_2877 = vector.broadcast %shift_left3A_2876 : i32 to vector<64x128xi32>
      %shift_left3A_2878 = arith.shli %xor3A_2874, %shift_left3A_2877 : vector<64x128xi32>
      %shift_right_logical3A_2879 = arith.constant 26 : i32
      %shift_right_logical3A_2880 = vector.broadcast %shift_right_logical3A_2879 : i32 to vector<64x128xi32>
      %shift_right_logical3A_2881 = arith.shrui %xor3A_2874, %shift_right_logical3A_2880 : vector<64x128xi32>
      %or3A_2882 = arith.ori %shift_left3A_2878, %shift_right_logical3A_2881 : vector<64x128xi32>
      %xor3A_2883 = arith.xori %or3A_2882, %add3A_2875 : vector<64x128xi32>
      %add3A_2884 = arith.constant 255383827 : i32
      %add3A_2885 = vector.broadcast %add3A_2884 : i32 to vector<64x128xi32>
      %add3A_2886 = arith.addi %add3A_2875, %add3A_2885 : vector<64x128xi32>
      %add3A_2887 = arith.constant -2045582812 : i32
      %add3A_2888 = vector.broadcast %add3A_2887 : i32 to vector<64x128xi32>
      %add3A_2889 = arith.addi %xor3A_2883, %add3A_2888 : vector<64x128xi32>
      %add3A_2890 = arith.addi %add3A_2886, %add3A_2889 : vector<64x128xi32>
      %shift_left3A_2891 = arith.constant 17 : i32
      %shift_left3A_2892 = vector.broadcast %shift_left3A_2891 : i32 to vector<64x128xi32>
      %shift_left3A_2893 = arith.shli %add3A_2889, %shift_left3A_2892 : vector<64x128xi32>
      %shift_right_logical3A_2894 = arith.constant 15 : i32
      %shift_right_logical3A_2895 = vector.broadcast %shift_right_logical3A_2894 : i32 to vector<64x128xi32>
      %shift_right_logical3A_2896 = arith.shrui %add3A_2889, %shift_right_logical3A_2895 : vector<64x128xi32>
      %or3A_2897 = arith.ori %shift_left3A_2893, %shift_right_logical3A_2896 : vector<64x128xi32>
      %xor3A_2898 = arith.xori %or3A_2897, %add3A_2890 : vector<64x128xi32>
      %add3A_2899 = arith.addi %add3A_2890, %xor3A_2898 : vector<64x128xi32>
      %shift_left3A_2900 = arith.constant 29 : i32
      %shift_left3A_2901 = vector.broadcast %shift_left3A_2900 : i32 to vector<64x128xi32>
      %shift_left3A_2902 = arith.shli %xor3A_2898, %shift_left3A_2901 : vector<64x128xi32>
      %shift_right_logical3A_2903 = arith.constant 3 : i32
      %shift_right_logical3A_2904 = vector.broadcast %shift_right_logical3A_2903 : i32 to vector<64x128xi32>
      %shift_right_logical3A_2905 = arith.shrui %xor3A_2898, %shift_right_logical3A_2904 : vector<64x128xi32>
      %or3A_2906 = arith.ori %shift_left3A_2902, %shift_right_logical3A_2905 : vector<64x128xi32>
      %xor3A_2907 = arith.xori %or3A_2906, %add3A_2899 : vector<64x128xi32>
      %add3A_2908 = arith.addi %add3A_2899, %xor3A_2907 : vector<64x128xi32>
      %shift_left3A_2909 = arith.constant 16 : i32
      %shift_left3A_2910 = vector.broadcast %shift_left3A_2909 : i32 to vector<64x128xi32>
      %shift_left3A_2911 = arith.shli %xor3A_2907, %shift_left3A_2910 : vector<64x128xi32>
      %shift_right_logical3A_2912 = arith.constant 16 : i32
      %shift_right_logical3A_2913 = vector.broadcast %shift_right_logical3A_2912 : i32 to vector<64x128xi32>
      %shift_right_logical3A_2914 = arith.shrui %xor3A_2907, %shift_right_logical3A_2913 : vector<64x128xi32>
      %or3A_2915 = arith.ori %shift_left3A_2911, %shift_right_logical3A_2914 : vector<64x128xi32>
      %xor3A_2916 = arith.xori %or3A_2915, %add3A_2908 : vector<64x128xi32>
      %add3A_2917 = arith.addi %add3A_2908, %xor3A_2916 : vector<64x128xi32>
      %shift_left3A_2918 = arith.constant 24 : i32
      %shift_left3A_2919 = vector.broadcast %shift_left3A_2918 : i32 to vector<64x128xi32>
      %shift_left3A_2920 = arith.shli %xor3A_2916, %shift_left3A_2919 : vector<64x128xi32>
      %shift_right_logical3A_2921 = arith.constant 8 : i32
      %shift_right_logical3A_2922 = vector.broadcast %shift_right_logical3A_2921 : i32 to vector<64x128xi32>
      %shift_right_logical3A_2923 = arith.shrui %xor3A_2916, %shift_right_logical3A_2922 : vector<64x128xi32>
      %or3A_2924 = arith.ori %shift_left3A_2920, %shift_right_logical3A_2923 : vector<64x128xi32>
      %xor3A_2925 = arith.xori %or3A_2924, %add3A_2917 : vector<64x128xi32>
      %add3A_2926 = arith.constant -2045582813 : i32
      %add3A_2927 = vector.broadcast %add3A_2926 : i32 to vector<64x128xi32>
      %add3A_2928 = arith.addi %add3A_2917, %add3A_2927 : vector<64x128xi32>
      %add3A_2929 = arith.constant -1829035796 : i32
      %add3A_2930 = vector.broadcast %add3A_2929 : i32 to vector<64x128xi32>
      %add3A_2931 = arith.addi %xor3A_2925, %add3A_2930 : vector<64x128xi32>
      %add3A_2932 = arith.addi %add3A_2928, %add3A_2931 : vector<64x128xi32>
      %shift_left3A_2933 = arith.constant 13 : i32
      %shift_left3A_2934 = vector.broadcast %shift_left3A_2933 : i32 to vector<64x128xi32>
      %shift_left3A_2935 = arith.shli %add3A_2931, %shift_left3A_2934 : vector<64x128xi32>
      %shift_right_logical3A_2936 = arith.constant 19 : i32
      %shift_right_logical3A_2937 = vector.broadcast %shift_right_logical3A_2936 : i32 to vector<64x128xi32>
      %shift_right_logical3A_2938 = arith.shrui %add3A_2931, %shift_right_logical3A_2937 : vector<64x128xi32>
      %or3A_2939 = arith.ori %shift_left3A_2935, %shift_right_logical3A_2938 : vector<64x128xi32>
      %xor3A_2940 = arith.xori %or3A_2939, %add3A_2932 : vector<64x128xi32>
      %add3A_2941 = arith.addi %add3A_2932, %xor3A_2940 : vector<64x128xi32>
      %shift_left3A_2942 = arith.constant 15 : i32
      %shift_left3A_2943 = vector.broadcast %shift_left3A_2942 : i32 to vector<64x128xi32>
      %shift_left3A_2944 = arith.shli %xor3A_2940, %shift_left3A_2943 : vector<64x128xi32>
      %shift_right_logical3A_2945 = arith.constant 17 : i32
      %shift_right_logical3A_2946 = vector.broadcast %shift_right_logical3A_2945 : i32 to vector<64x128xi32>
      %shift_right_logical3A_2947 = arith.shrui %xor3A_2940, %shift_right_logical3A_2946 : vector<64x128xi32>
      %or3A_2948 = arith.ori %shift_left3A_2944, %shift_right_logical3A_2947 : vector<64x128xi32>
      %xor3A_2949 = arith.xori %or3A_2948, %add3A_2941 : vector<64x128xi32>
      %add3A_2950 = arith.addi %add3A_2941, %xor3A_2949 : vector<64x128xi32>
      %shift_left3A_2951 = arith.constant 26 : i32
      %shift_left3A_2952 = vector.broadcast %shift_left3A_2951 : i32 to vector<64x128xi32>
      %shift_left3A_2953 = arith.shli %xor3A_2949, %shift_left3A_2952 : vector<64x128xi32>
      %shift_right_logical3A_2954 = arith.constant 6 : i32
      %shift_right_logical3A_2955 = vector.broadcast %shift_right_logical3A_2954 : i32 to vector<64x128xi32>
      %shift_right_logical3A_2956 = arith.shrui %xor3A_2949, %shift_right_logical3A_2955 : vector<64x128xi32>
      %or3A_2957 = arith.ori %shift_left3A_2953, %shift_right_logical3A_2956 : vector<64x128xi32>
      %xor3A_2958 = arith.xori %or3A_2957, %add3A_2950 : vector<64x128xi32>
      %add3A_2959 = arith.addi %add3A_2950, %xor3A_2958 : vector<64x128xi32>
      %shift_left3A_2960 = arith.constant 6 : i32
      %shift_left3A_2961 = vector.broadcast %shift_left3A_2960 : i32 to vector<64x128xi32>
      %shift_left3A_2962 = arith.shli %xor3A_2958, %shift_left3A_2961 : vector<64x128xi32>
      %shift_right_logical3A_2963 = arith.constant 26 : i32
      %shift_right_logical3A_2964 = vector.broadcast %shift_right_logical3A_2963 : i32 to vector<64x128xi32>
      %shift_right_logical3A_2965 = arith.shrui %xor3A_2958, %shift_right_logical3A_2964 : vector<64x128xi32>
      %or3A_2966 = arith.ori %shift_left3A_2962, %shift_right_logical3A_2965 : vector<64x128xi32>
      %xor3A_2967 = arith.xori %or3A_2966, %add3A_2959 : vector<64x128xi32>
      %add3A_2968 = arith.constant -1829035798 : i32
      %add3A_2969 = vector.broadcast %add3A_2968 : i32 to vector<64x128xi32>
      %add3A_2970 = arith.addi %add3A_2959, %add3A_2969 : vector<64x128xi32>
      %add3A_2971 = arith.constant 255383830 : i32
      %add3A_2972 = vector.broadcast %add3A_2971 : i32 to vector<64x128xi32>
      %add3A_2973 = arith.addi %xor3A_2967, %add3A_2972 : vector<64x128xi32>
      %add3A_2974 = arith.addi %add3A_2970, %add3A_2973 : vector<64x128xi32>
      %shift_left3A_2975 = arith.constant 17 : i32
      %shift_left3A_2976 = vector.broadcast %shift_left3A_2975 : i32 to vector<64x128xi32>
      %shift_left3A_2977 = arith.shli %add3A_2973, %shift_left3A_2976 : vector<64x128xi32>
      %shift_right_logical3A_2978 = arith.constant 15 : i32
      %shift_right_logical3A_2979 = vector.broadcast %shift_right_logical3A_2978 : i32 to vector<64x128xi32>
      %shift_right_logical3A_2980 = arith.shrui %add3A_2973, %shift_right_logical3A_2979 : vector<64x128xi32>
      %or3A_2981 = arith.ori %shift_left3A_2977, %shift_right_logical3A_2980 : vector<64x128xi32>
      %xor3A_2982 = arith.xori %or3A_2981, %add3A_2974 : vector<64x128xi32>
      %add3A_2983 = arith.addi %add3A_2974, %xor3A_2982 : vector<64x128xi32>
      %shift_left3A_2984 = arith.constant 29 : i32
      %shift_left3A_2985 = vector.broadcast %shift_left3A_2984 : i32 to vector<64x128xi32>
      %shift_left3A_2986 = arith.shli %xor3A_2982, %shift_left3A_2985 : vector<64x128xi32>
      %shift_right_logical3A_2987 = arith.constant 3 : i32
      %shift_right_logical3A_2988 = vector.broadcast %shift_right_logical3A_2987 : i32 to vector<64x128xi32>
      %shift_right_logical3A_2989 = arith.shrui %xor3A_2982, %shift_right_logical3A_2988 : vector<64x128xi32>
      %or3A_2990 = arith.ori %shift_left3A_2986, %shift_right_logical3A_2989 : vector<64x128xi32>
      %xor3A_2991 = arith.xori %or3A_2990, %add3A_2983 : vector<64x128xi32>
      %add3A_2992 = arith.addi %add3A_2983, %xor3A_2991 : vector<64x128xi32>
      %shift_left3A_2993 = arith.constant 16 : i32
      %shift_left3A_2994 = vector.broadcast %shift_left3A_2993 : i32 to vector<64x128xi32>
      %shift_left3A_2995 = arith.shli %xor3A_2991, %shift_left3A_2994 : vector<64x128xi32>
      %shift_right_logical3A_2996 = arith.constant 16 : i32
      %shift_right_logical3A_2997 = vector.broadcast %shift_right_logical3A_2996 : i32 to vector<64x128xi32>
      %shift_right_logical3A_2998 = arith.shrui %xor3A_2991, %shift_right_logical3A_2997 : vector<64x128xi32>
      %or3A_2999 = arith.ori %shift_left3A_2995, %shift_right_logical3A_2998 : vector<64x128xi32>
      %xor3A_3000 = arith.xori %or3A_2999, %add3A_2992 : vector<64x128xi32>
      %add3A_3001 = arith.addi %add3A_2992, %xor3A_3000 : vector<64x128xi32>
      %shift_left3A_3002 = arith.constant 24 : i32
      %shift_left3A_3003 = vector.broadcast %shift_left3A_3002 : i32 to vector<64x128xi32>
      %shift_left3A_3004 = arith.shli %xor3A_3000, %shift_left3A_3003 : vector<64x128xi32>
      %shift_right_logical3A_3005 = arith.constant 8 : i32
      %shift_right_logical3A_3006 = vector.broadcast %shift_right_logical3A_3005 : i32 to vector<64x128xi32>
      %shift_right_logical3A_3007 = arith.shrui %xor3A_3000, %shift_right_logical3A_3006 : vector<64x128xi32>
      %or3A_3008 = arith.ori %shift_left3A_3004, %shift_right_logical3A_3007 : vector<64x128xi32>
      %xor3A_3009 = arith.xori %or3A_3008, %add3A_3001 : vector<64x128xi32>
      %add3A_3010 = arith.constant 255383827 : i32
      %add3A_3011 = vector.broadcast %add3A_3010 : i32 to vector<64x128xi32>
      %add3A_3012 = arith.addi %add3A_3001, %add3A_3011 : vector<64x128xi32>
      %add3A_3013 = arith.constant -2045582809 : i32
      %add3A_3014 = vector.broadcast %add3A_3013 : i32 to vector<64x128xi32>
      %add3A_3015 = arith.addi %xor3A_3009, %add3A_3014 : vector<64x128xi32>
      %add3A_3016 = arith.addi %add3A_3012, %add3A_3015 : vector<64x128xi32>
      %shift_left3A_3017 = arith.constant 13 : i32
      %shift_left3A_3018 = vector.broadcast %shift_left3A_3017 : i32 to vector<64x128xi32>
      %shift_left3A_3019 = arith.shli %add3A_3015, %shift_left3A_3018 : vector<64x128xi32>
      %shift_right_logical3A_3020 = arith.constant 19 : i32
      %shift_right_logical3A_3021 = vector.broadcast %shift_right_logical3A_3020 : i32 to vector<64x128xi32>
      %shift_right_logical3A_3022 = arith.shrui %add3A_3015, %shift_right_logical3A_3021 : vector<64x128xi32>
      %or3A_3023 = arith.ori %shift_left3A_3019, %shift_right_logical3A_3022 : vector<64x128xi32>
      %xor3A_3024 = arith.xori %or3A_3023, %add3A_3016 : vector<64x128xi32>
      %add3A_3025 = arith.addi %add3A_3016, %xor3A_3024 : vector<64x128xi32>
      %shift_left3A_3026 = arith.constant 15 : i32
      %shift_left3A_3027 = vector.broadcast %shift_left3A_3026 : i32 to vector<64x128xi32>
      %shift_left3A_3028 = arith.shli %xor3A_3024, %shift_left3A_3027 : vector<64x128xi32>
      %shift_right_logical3A_3029 = arith.constant 17 : i32
      %shift_right_logical3A_3030 = vector.broadcast %shift_right_logical3A_3029 : i32 to vector<64x128xi32>
      %shift_right_logical3A_3031 = arith.shrui %xor3A_3024, %shift_right_logical3A_3030 : vector<64x128xi32>
      %or3A_3032 = arith.ori %shift_left3A_3028, %shift_right_logical3A_3031 : vector<64x128xi32>
      %xor3A_3033 = arith.xori %or3A_3032, %add3A_3025 : vector<64x128xi32>
      %add3A_3034 = arith.addi %add3A_3025, %xor3A_3033 : vector<64x128xi32>
      %shift_left3A_3035 = arith.constant 26 : i32
      %shift_left3A_3036 = vector.broadcast %shift_left3A_3035 : i32 to vector<64x128xi32>
      %shift_left3A_3037 = arith.shli %xor3A_3033, %shift_left3A_3036 : vector<64x128xi32>
      %shift_right_logical3A_3038 = arith.constant 6 : i32
      %shift_right_logical3A_3039 = vector.broadcast %shift_right_logical3A_3038 : i32 to vector<64x128xi32>
      %shift_right_logical3A_3040 = arith.shrui %xor3A_3033, %shift_right_logical3A_3039 : vector<64x128xi32>
      %or3A_3041 = arith.ori %shift_left3A_3037, %shift_right_logical3A_3040 : vector<64x128xi32>
      %xor3A_3042 = arith.xori %or3A_3041, %add3A_3034 : vector<64x128xi32>
      %add3A_3043 = arith.addi %add3A_3034, %xor3A_3042 : vector<64x128xi32>
      %shift_left3A_3044 = arith.constant 6 : i32
      %shift_left3A_3045 = vector.broadcast %shift_left3A_3044 : i32 to vector<64x128xi32>
      %shift_left3A_3046 = arith.shli %xor3A_3042, %shift_left3A_3045 : vector<64x128xi32>
      %shift_right_logical3A_3047 = arith.constant 26 : i32
      %shift_right_logical3A_3048 = vector.broadcast %shift_right_logical3A_3047 : i32 to vector<64x128xi32>
      %shift_right_logical3A_3049 = arith.shrui %xor3A_3042, %shift_right_logical3A_3048 : vector<64x128xi32>
      %or3A_3050 = arith.ori %shift_left3A_3046, %shift_right_logical3A_3049 : vector<64x128xi32>
      %xor3A_3051 = arith.xori %or3A_3050, %add3A_3043 : vector<64x128xi32>
      %add3A_3052 = arith.constant -2045582813 : i32
      %add3A_3053 = vector.broadcast %add3A_3052 : i32 to vector<64x128xi32>
      %add3A_3054 = arith.addi %add3A_3043, %add3A_3053 : vector<64x128xi32>
      %add3A_3055 = arith.constant -1829035793 : i32
      %add3A_3056 = vector.broadcast %add3A_3055 : i32 to vector<64x128xi32>
      %add3A_3057 = arith.addi %xor3A_3051, %add3A_3056 : vector<64x128xi32>
      %xor3A_3058 = arith.xori %add3A_3054, %add3A_3057 : vector<64x128xi32>
      %shift_right_logical3A_3059 = arith.constant 9 : i32
      %shift_right_logical3A_3060 = vector.broadcast %shift_right_logical3A_3059 : i32 to vector<64x128xi32>
      %shift_right_logical3A_3061 = arith.shrui %xor3A_3058, %shift_right_logical3A_3060 : vector<64x128xi32>
      %or3A_3062 = arith.constant 1065353216 : i32
      %or3A_3063 = vector.broadcast %or3A_3062 : i32 to vector<64x128xi32>
      %or3A_3064 = arith.ori %shift_right_logical3A_3061, %or3A_3063 : vector<64x128xi32>
      %bitcast_convert_type3A_3065 = tpu.bitcast %or3A_3064 : vector<64x128xi32> -> vector<64x128xf32>
      %sub3A_3066 = arith.constant 1.000000e+00 : f32
      %sub3A_3067 = vector.broadcast %sub3A_3066 : f32 to vector<64x128xf32>
      %sub3A_3068 = arith.subf %bitcast_convert_type3A_3065, %sub3A_3067 : vector<64x128xf32>
      %log3A_3069 = math.log %sub3A_3068 : vector<64x128xf32>
      %slice3A_3070 = vector.extract_strided_slice %get3A_1907 {offsets = [4, 0], sizes = [1, 128], strides = [1, 1]} : vector<8x128xf32> to vector<1x128xf32>
      %broadcast_in_dim3A_3071 = vector.shape_cast %slice3A_3070 : vector<1x128xf32> to vector<1x128xf32>
      %broadcast_in_dim3A_3072 = vector.broadcast %broadcast_in_dim3A_3071 : vector<1x128xf32> to vector<64x128xf32>
      %mul3A_3073 = arith.mulf %log3A_3069, %broadcast_in_dim3A_3072 : vector<64x128xf32>
      %lt3A_3074 = arith.cmpf olt, %mul3A_3073, %select_n3A_2841 : vector<64x128xf32>
      %select_n3A_3075 = arith.select %lt3A_3074, %mul3A_3073, %select_n3A_2841 : vector<64x128xi1>, vector<64x128xf32>
      %broadcast_in_dim3A_3076 = vector.broadcast %add3A_2845 : i32 to vector<64x128xi32>
      %select_n3A_3077 = arith.select %lt3A_3074, %broadcast_in_dim3A_3076, %select_n3A_2843 : vector<64x128xi1>, vector<64x128xi32>
      %add3A_3078 = arith.constant 5 : i32
      %add3A_3079 = arith.addi %mul3A_1903, %add3A_3078 : i32
      %add3A_3080 = vector.broadcast %add3A_3079 : i32 to vector<64x128xi32>
      %add3A_3081 = arith.addi %add3A_18, %add3A_3080 : vector<64x128xi32>
      %add3A_3082 = arith.addi %add3A_6, %add3A_3081 : vector<64x128xi32>
      %shift_left3A_3083 = arith.constant 13 : i32
      %shift_left3A_3084 = vector.broadcast %shift_left3A_3083 : i32 to vector<64x128xi32>
      %shift_left3A_3085 = arith.shli %add3A_3081, %shift_left3A_3084 : vector<64x128xi32>
      %shift_right_logical3A_3086 = arith.constant 19 : i32
      %shift_right_logical3A_3087 = vector.broadcast %shift_right_logical3A_3086 : i32 to vector<64x128xi32>
      %shift_right_logical3A_3088 = arith.shrui %add3A_3081, %shift_right_logical3A_3087 : vector<64x128xi32>
      %or3A_3089 = arith.ori %shift_left3A_3085, %shift_right_logical3A_3088 : vector<64x128xi32>
      %xor3A_3090 = arith.xori %or3A_3089, %add3A_3082 : vector<64x128xi32>
      %add3A_3091 = arith.addi %add3A_3082, %xor3A_3090 : vector<64x128xi32>
      %shift_left3A_3092 = arith.constant 15 : i32
      %shift_left3A_3093 = vector.broadcast %shift_left3A_3092 : i32 to vector<64x128xi32>
      %shift_left3A_3094 = arith.shli %xor3A_3090, %shift_left3A_3093 : vector<64x128xi32>
      %shift_right_logical3A_3095 = arith.constant 17 : i32
      %shift_right_logical3A_3096 = vector.broadcast %shift_right_logical3A_3095 : i32 to vector<64x128xi32>
      %shift_right_logical3A_3097 = arith.shrui %xor3A_3090, %shift_right_logical3A_3096 : vector<64x128xi32>
      %or3A_3098 = arith.ori %shift_left3A_3094, %shift_right_logical3A_3097 : vector<64x128xi32>
      %xor3A_3099 = arith.xori %or3A_3098, %add3A_3091 : vector<64x128xi32>
      %add3A_3100 = arith.addi %add3A_3091, %xor3A_3099 : vector<64x128xi32>
      %shift_left3A_3101 = arith.constant 26 : i32
      %shift_left3A_3102 = vector.broadcast %shift_left3A_3101 : i32 to vector<64x128xi32>
      %shift_left3A_3103 = arith.shli %xor3A_3099, %shift_left3A_3102 : vector<64x128xi32>
      %shift_right_logical3A_3104 = arith.constant 6 : i32
      %shift_right_logical3A_3105 = vector.broadcast %shift_right_logical3A_3104 : i32 to vector<64x128xi32>
      %shift_right_logical3A_3106 = arith.shrui %xor3A_3099, %shift_right_logical3A_3105 : vector<64x128xi32>
      %or3A_3107 = arith.ori %shift_left3A_3103, %shift_right_logical3A_3106 : vector<64x128xi32>
      %xor3A_3108 = arith.xori %or3A_3107, %add3A_3100 : vector<64x128xi32>
      %add3A_3109 = arith.addi %add3A_3100, %xor3A_3108 : vector<64x128xi32>
      %shift_left3A_3110 = arith.constant 6 : i32
      %shift_left3A_3111 = vector.broadcast %shift_left3A_3110 : i32 to vector<64x128xi32>
      %shift_left3A_3112 = arith.shli %xor3A_3108, %shift_left3A_3111 : vector<64x128xi32>
      %shift_right_logical3A_3113 = arith.constant 26 : i32
      %shift_right_logical3A_3114 = vector.broadcast %shift_right_logical3A_3113 : i32 to vector<64x128xi32>
      %shift_right_logical3A_3115 = arith.shrui %xor3A_3108, %shift_right_logical3A_3114 : vector<64x128xi32>
      %or3A_3116 = arith.ori %shift_left3A_3112, %shift_right_logical3A_3115 : vector<64x128xi32>
      %xor3A_3117 = arith.xori %or3A_3116, %add3A_3109 : vector<64x128xi32>
      %add3A_3118 = arith.constant 255383827 : i32
      %add3A_3119 = vector.broadcast %add3A_3118 : i32 to vector<64x128xi32>
      %add3A_3120 = arith.addi %add3A_3109, %add3A_3119 : vector<64x128xi32>
      %add3A_3121 = arith.constant -2045582812 : i32
      %add3A_3122 = vector.broadcast %add3A_3121 : i32 to vector<64x128xi32>
      %add3A_3123 = arith.addi %xor3A_3117, %add3A_3122 : vector<64x128xi32>
      %add3A_3124 = arith.addi %add3A_3120, %add3A_3123 : vector<64x128xi32>
      %shift_left3A_3125 = arith.constant 17 : i32
      %shift_left3A_3126 = vector.broadcast %shift_left3A_3125 : i32 to vector<64x128xi32>
      %shift_left3A_3127 = arith.shli %add3A_3123, %shift_left3A_3126 : vector<64x128xi32>
      %shift_right_logical3A_3128 = arith.constant 15 : i32
      %shift_right_logical3A_3129 = vector.broadcast %shift_right_logical3A_3128 : i32 to vector<64x128xi32>
      %shift_right_logical3A_3130 = arith.shrui %add3A_3123, %shift_right_logical3A_3129 : vector<64x128xi32>
      %or3A_3131 = arith.ori %shift_left3A_3127, %shift_right_logical3A_3130 : vector<64x128xi32>
      %xor3A_3132 = arith.xori %or3A_3131, %add3A_3124 : vector<64x128xi32>
      %add3A_3133 = arith.addi %add3A_3124, %xor3A_3132 : vector<64x128xi32>
      %shift_left3A_3134 = arith.constant 29 : i32
      %shift_left3A_3135 = vector.broadcast %shift_left3A_3134 : i32 to vector<64x128xi32>
      %shift_left3A_3136 = arith.shli %xor3A_3132, %shift_left3A_3135 : vector<64x128xi32>
      %shift_right_logical3A_3137 = arith.constant 3 : i32
      %shift_right_logical3A_3138 = vector.broadcast %shift_right_logical3A_3137 : i32 to vector<64x128xi32>
      %shift_right_logical3A_3139 = arith.shrui %xor3A_3132, %shift_right_logical3A_3138 : vector<64x128xi32>
      %or3A_3140 = arith.ori %shift_left3A_3136, %shift_right_logical3A_3139 : vector<64x128xi32>
      %xor3A_3141 = arith.xori %or3A_3140, %add3A_3133 : vector<64x128xi32>
      %add3A_3142 = arith.addi %add3A_3133, %xor3A_3141 : vector<64x128xi32>
      %shift_left3A_3143 = arith.constant 16 : i32
      %shift_left3A_3144 = vector.broadcast %shift_left3A_3143 : i32 to vector<64x128xi32>
      %shift_left3A_3145 = arith.shli %xor3A_3141, %shift_left3A_3144 : vector<64x128xi32>
      %shift_right_logical3A_3146 = arith.constant 16 : i32
      %shift_right_logical3A_3147 = vector.broadcast %shift_right_logical3A_3146 : i32 to vector<64x128xi32>
      %shift_right_logical3A_3148 = arith.shrui %xor3A_3141, %shift_right_logical3A_3147 : vector<64x128xi32>
      %or3A_3149 = arith.ori %shift_left3A_3145, %shift_right_logical3A_3148 : vector<64x128xi32>
      %xor3A_3150 = arith.xori %or3A_3149, %add3A_3142 : vector<64x128xi32>
      %add3A_3151 = arith.addi %add3A_3142, %xor3A_3150 : vector<64x128xi32>
      %shift_left3A_3152 = arith.constant 24 : i32
      %shift_left3A_3153 = vector.broadcast %shift_left3A_3152 : i32 to vector<64x128xi32>
      %shift_left3A_3154 = arith.shli %xor3A_3150, %shift_left3A_3153 : vector<64x128xi32>
      %shift_right_logical3A_3155 = arith.constant 8 : i32
      %shift_right_logical3A_3156 = vector.broadcast %shift_right_logical3A_3155 : i32 to vector<64x128xi32>
      %shift_right_logical3A_3157 = arith.shrui %xor3A_3150, %shift_right_logical3A_3156 : vector<64x128xi32>
      %or3A_3158 = arith.ori %shift_left3A_3154, %shift_right_logical3A_3157 : vector<64x128xi32>
      %xor3A_3159 = arith.xori %or3A_3158, %add3A_3151 : vector<64x128xi32>
      %add3A_3160 = arith.constant -2045582813 : i32
      %add3A_3161 = vector.broadcast %add3A_3160 : i32 to vector<64x128xi32>
      %add3A_3162 = arith.addi %add3A_3151, %add3A_3161 : vector<64x128xi32>
      %add3A_3163 = arith.constant -1829035796 : i32
      %add3A_3164 = vector.broadcast %add3A_3163 : i32 to vector<64x128xi32>
      %add3A_3165 = arith.addi %xor3A_3159, %add3A_3164 : vector<64x128xi32>
      %add3A_3166 = arith.addi %add3A_3162, %add3A_3165 : vector<64x128xi32>
      %shift_left3A_3167 = arith.constant 13 : i32
      %shift_left3A_3168 = vector.broadcast %shift_left3A_3167 : i32 to vector<64x128xi32>
      %shift_left3A_3169 = arith.shli %add3A_3165, %shift_left3A_3168 : vector<64x128xi32>
      %shift_right_logical3A_3170 = arith.constant 19 : i32
      %shift_right_logical3A_3171 = vector.broadcast %shift_right_logical3A_3170 : i32 to vector<64x128xi32>
      %shift_right_logical3A_3172 = arith.shrui %add3A_3165, %shift_right_logical3A_3171 : vector<64x128xi32>
      %or3A_3173 = arith.ori %shift_left3A_3169, %shift_right_logical3A_3172 : vector<64x128xi32>
      %xor3A_3174 = arith.xori %or3A_3173, %add3A_3166 : vector<64x128xi32>
      %add3A_3175 = arith.addi %add3A_3166, %xor3A_3174 : vector<64x128xi32>
      %shift_left3A_3176 = arith.constant 15 : i32
      %shift_left3A_3177 = vector.broadcast %shift_left3A_3176 : i32 to vector<64x128xi32>
      %shift_left3A_3178 = arith.shli %xor3A_3174, %shift_left3A_3177 : vector<64x128xi32>
      %shift_right_logical3A_3179 = arith.constant 17 : i32
      %shift_right_logical3A_3180 = vector.broadcast %shift_right_logical3A_3179 : i32 to vector<64x128xi32>
      %shift_right_logical3A_3181 = arith.shrui %xor3A_3174, %shift_right_logical3A_3180 : vector<64x128xi32>
      %or3A_3182 = arith.ori %shift_left3A_3178, %shift_right_logical3A_3181 : vector<64x128xi32>
      %xor3A_3183 = arith.xori %or3A_3182, %add3A_3175 : vector<64x128xi32>
      %add3A_3184 = arith.addi %add3A_3175, %xor3A_3183 : vector<64x128xi32>
      %shift_left3A_3185 = arith.constant 26 : i32
      %shift_left3A_3186 = vector.broadcast %shift_left3A_3185 : i32 to vector<64x128xi32>
      %shift_left3A_3187 = arith.shli %xor3A_3183, %shift_left3A_3186 : vector<64x128xi32>
      %shift_right_logical3A_3188 = arith.constant 6 : i32
      %shift_right_logical3A_3189 = vector.broadcast %shift_right_logical3A_3188 : i32 to vector<64x128xi32>
      %shift_right_logical3A_3190 = arith.shrui %xor3A_3183, %shift_right_logical3A_3189 : vector<64x128xi32>
      %or3A_3191 = arith.ori %shift_left3A_3187, %shift_right_logical3A_3190 : vector<64x128xi32>
      %xor3A_3192 = arith.xori %or3A_3191, %add3A_3184 : vector<64x128xi32>
      %add3A_3193 = arith.addi %add3A_3184, %xor3A_3192 : vector<64x128xi32>
      %shift_left3A_3194 = arith.constant 6 : i32
      %shift_left3A_3195 = vector.broadcast %shift_left3A_3194 : i32 to vector<64x128xi32>
      %shift_left3A_3196 = arith.shli %xor3A_3192, %shift_left3A_3195 : vector<64x128xi32>
      %shift_right_logical3A_3197 = arith.constant 26 : i32
      %shift_right_logical3A_3198 = vector.broadcast %shift_right_logical3A_3197 : i32 to vector<64x128xi32>
      %shift_right_logical3A_3199 = arith.shrui %xor3A_3192, %shift_right_logical3A_3198 : vector<64x128xi32>
      %or3A_3200 = arith.ori %shift_left3A_3196, %shift_right_logical3A_3199 : vector<64x128xi32>
      %xor3A_3201 = arith.xori %or3A_3200, %add3A_3193 : vector<64x128xi32>
      %add3A_3202 = arith.constant -1829035798 : i32
      %add3A_3203 = vector.broadcast %add3A_3202 : i32 to vector<64x128xi32>
      %add3A_3204 = arith.addi %add3A_3193, %add3A_3203 : vector<64x128xi32>
      %add3A_3205 = arith.constant 255383830 : i32
      %add3A_3206 = vector.broadcast %add3A_3205 : i32 to vector<64x128xi32>
      %add3A_3207 = arith.addi %xor3A_3201, %add3A_3206 : vector<64x128xi32>
      %add3A_3208 = arith.addi %add3A_3204, %add3A_3207 : vector<64x128xi32>
      %shift_left3A_3209 = arith.constant 17 : i32
      %shift_left3A_3210 = vector.broadcast %shift_left3A_3209 : i32 to vector<64x128xi32>
      %shift_left3A_3211 = arith.shli %add3A_3207, %shift_left3A_3210 : vector<64x128xi32>
      %shift_right_logical3A_3212 = arith.constant 15 : i32
      %shift_right_logical3A_3213 = vector.broadcast %shift_right_logical3A_3212 : i32 to vector<64x128xi32>
      %shift_right_logical3A_3214 = arith.shrui %add3A_3207, %shift_right_logical3A_3213 : vector<64x128xi32>
      %or3A_3215 = arith.ori %shift_left3A_3211, %shift_right_logical3A_3214 : vector<64x128xi32>
      %xor3A_3216 = arith.xori %or3A_3215, %add3A_3208 : vector<64x128xi32>
      %add3A_3217 = arith.addi %add3A_3208, %xor3A_3216 : vector<64x128xi32>
      %shift_left3A_3218 = arith.constant 29 : i32
      %shift_left3A_3219 = vector.broadcast %shift_left3A_3218 : i32 to vector<64x128xi32>
      %shift_left3A_3220 = arith.shli %xor3A_3216, %shift_left3A_3219 : vector<64x128xi32>
      %shift_right_logical3A_3221 = arith.constant 3 : i32
      %shift_right_logical3A_3222 = vector.broadcast %shift_right_logical3A_3221 : i32 to vector<64x128xi32>
      %shift_right_logical3A_3223 = arith.shrui %xor3A_3216, %shift_right_logical3A_3222 : vector<64x128xi32>
      %or3A_3224 = arith.ori %shift_left3A_3220, %shift_right_logical3A_3223 : vector<64x128xi32>
      %xor3A_3225 = arith.xori %or3A_3224, %add3A_3217 : vector<64x128xi32>
      %add3A_3226 = arith.addi %add3A_3217, %xor3A_3225 : vector<64x128xi32>
      %shift_left3A_3227 = arith.constant 16 : i32
      %shift_left3A_3228 = vector.broadcast %shift_left3A_3227 : i32 to vector<64x128xi32>
      %shift_left3A_3229 = arith.shli %xor3A_3225, %shift_left3A_3228 : vector<64x128xi32>
      %shift_right_logical3A_3230 = arith.constant 16 : i32
      %shift_right_logical3A_3231 = vector.broadcast %shift_right_logical3A_3230 : i32 to vector<64x128xi32>
      %shift_right_logical3A_3232 = arith.shrui %xor3A_3225, %shift_right_logical3A_3231 : vector<64x128xi32>
      %or3A_3233 = arith.ori %shift_left3A_3229, %shift_right_logical3A_3232 : vector<64x128xi32>
      %xor3A_3234 = arith.xori %or3A_3233, %add3A_3226 : vector<64x128xi32>
      %add3A_3235 = arith.addi %add3A_3226, %xor3A_3234 : vector<64x128xi32>
      %shift_left3A_3236 = arith.constant 24 : i32
      %shift_left3A_3237 = vector.broadcast %shift_left3A_3236 : i32 to vector<64x128xi32>
      %shift_left3A_3238 = arith.shli %xor3A_3234, %shift_left3A_3237 : vector<64x128xi32>
      %shift_right_logical3A_3239 = arith.constant 8 : i32
      %shift_right_logical3A_3240 = vector.broadcast %shift_right_logical3A_3239 : i32 to vector<64x128xi32>
      %shift_right_logical3A_3241 = arith.shrui %xor3A_3234, %shift_right_logical3A_3240 : vector<64x128xi32>
      %or3A_3242 = arith.ori %shift_left3A_3238, %shift_right_logical3A_3241 : vector<64x128xi32>
      %xor3A_3243 = arith.xori %or3A_3242, %add3A_3235 : vector<64x128xi32>
      %add3A_3244 = arith.constant 255383827 : i32
      %add3A_3245 = vector.broadcast %add3A_3244 : i32 to vector<64x128xi32>
      %add3A_3246 = arith.addi %add3A_3235, %add3A_3245 : vector<64x128xi32>
      %add3A_3247 = arith.constant -2045582809 : i32
      %add3A_3248 = vector.broadcast %add3A_3247 : i32 to vector<64x128xi32>
      %add3A_3249 = arith.addi %xor3A_3243, %add3A_3248 : vector<64x128xi32>
      %add3A_3250 = arith.addi %add3A_3246, %add3A_3249 : vector<64x128xi32>
      %shift_left3A_3251 = arith.constant 13 : i32
      %shift_left3A_3252 = vector.broadcast %shift_left3A_3251 : i32 to vector<64x128xi32>
      %shift_left3A_3253 = arith.shli %add3A_3249, %shift_left3A_3252 : vector<64x128xi32>
      %shift_right_logical3A_3254 = arith.constant 19 : i32
      %shift_right_logical3A_3255 = vector.broadcast %shift_right_logical3A_3254 : i32 to vector<64x128xi32>
      %shift_right_logical3A_3256 = arith.shrui %add3A_3249, %shift_right_logical3A_3255 : vector<64x128xi32>
      %or3A_3257 = arith.ori %shift_left3A_3253, %shift_right_logical3A_3256 : vector<64x128xi32>
      %xor3A_3258 = arith.xori %or3A_3257, %add3A_3250 : vector<64x128xi32>
      %add3A_3259 = arith.addi %add3A_3250, %xor3A_3258 : vector<64x128xi32>
      %shift_left3A_3260 = arith.constant 15 : i32
      %shift_left3A_3261 = vector.broadcast %shift_left3A_3260 : i32 to vector<64x128xi32>
      %shift_left3A_3262 = arith.shli %xor3A_3258, %shift_left3A_3261 : vector<64x128xi32>
      %shift_right_logical3A_3263 = arith.constant 17 : i32
      %shift_right_logical3A_3264 = vector.broadcast %shift_right_logical3A_3263 : i32 to vector<64x128xi32>
      %shift_right_logical3A_3265 = arith.shrui %xor3A_3258, %shift_right_logical3A_3264 : vector<64x128xi32>
      %or3A_3266 = arith.ori %shift_left3A_3262, %shift_right_logical3A_3265 : vector<64x128xi32>
      %xor3A_3267 = arith.xori %or3A_3266, %add3A_3259 : vector<64x128xi32>
      %add3A_3268 = arith.addi %add3A_3259, %xor3A_3267 : vector<64x128xi32>
      %shift_left3A_3269 = arith.constant 26 : i32
      %shift_left3A_3270 = vector.broadcast %shift_left3A_3269 : i32 to vector<64x128xi32>
      %shift_left3A_3271 = arith.shli %xor3A_3267, %shift_left3A_3270 : vector<64x128xi32>
      %shift_right_logical3A_3272 = arith.constant 6 : i32
      %shift_right_logical3A_3273 = vector.broadcast %shift_right_logical3A_3272 : i32 to vector<64x128xi32>
      %shift_right_logical3A_3274 = arith.shrui %xor3A_3267, %shift_right_logical3A_3273 : vector<64x128xi32>
      %or3A_3275 = arith.ori %shift_left3A_3271, %shift_right_logical3A_3274 : vector<64x128xi32>
      %xor3A_3276 = arith.xori %or3A_3275, %add3A_3268 : vector<64x128xi32>
      %add3A_3277 = arith.addi %add3A_3268, %xor3A_3276 : vector<64x128xi32>
      %shift_left3A_3278 = arith.constant 6 : i32
      %shift_left3A_3279 = vector.broadcast %shift_left3A_3278 : i32 to vector<64x128xi32>
      %shift_left3A_3280 = arith.shli %xor3A_3276, %shift_left3A_3279 : vector<64x128xi32>
      %shift_right_logical3A_3281 = arith.constant 26 : i32
      %shift_right_logical3A_3282 = vector.broadcast %shift_right_logical3A_3281 : i32 to vector<64x128xi32>
      %shift_right_logical3A_3283 = arith.shrui %xor3A_3276, %shift_right_logical3A_3282 : vector<64x128xi32>
      %or3A_3284 = arith.ori %shift_left3A_3280, %shift_right_logical3A_3283 : vector<64x128xi32>
      %xor3A_3285 = arith.xori %or3A_3284, %add3A_3277 : vector<64x128xi32>
      %add3A_3286 = arith.constant -2045582813 : i32
      %add3A_3287 = vector.broadcast %add3A_3286 : i32 to vector<64x128xi32>
      %add3A_3288 = arith.addi %add3A_3277, %add3A_3287 : vector<64x128xi32>
      %add3A_3289 = arith.constant -1829035793 : i32
      %add3A_3290 = vector.broadcast %add3A_3289 : i32 to vector<64x128xi32>
      %add3A_3291 = arith.addi %xor3A_3285, %add3A_3290 : vector<64x128xi32>
      %xor3A_3292 = arith.xori %add3A_3288, %add3A_3291 : vector<64x128xi32>
      %shift_right_logical3A_3293 = arith.constant 9 : i32
      %shift_right_logical3A_3294 = vector.broadcast %shift_right_logical3A_3293 : i32 to vector<64x128xi32>
      %shift_right_logical3A_3295 = arith.shrui %xor3A_3292, %shift_right_logical3A_3294 : vector<64x128xi32>
      %or3A_3296 = arith.constant 1065353216 : i32
      %or3A_3297 = vector.broadcast %or3A_3296 : i32 to vector<64x128xi32>
      %or3A_3298 = arith.ori %shift_right_logical3A_3295, %or3A_3297 : vector<64x128xi32>
      %bitcast_convert_type3A_3299 = tpu.bitcast %or3A_3298 : vector<64x128xi32> -> vector<64x128xf32>
      %sub3A_3300 = arith.constant 1.000000e+00 : f32
      %sub3A_3301 = vector.broadcast %sub3A_3300 : f32 to vector<64x128xf32>
      %sub3A_3302 = arith.subf %bitcast_convert_type3A_3299, %sub3A_3301 : vector<64x128xf32>
      %log3A_3303 = math.log %sub3A_3302 : vector<64x128xf32>
      %slice3A_3304 = vector.extract_strided_slice %get3A_1907 {offsets = [5, 0], sizes = [1, 128], strides = [1, 1]} : vector<8x128xf32> to vector<1x128xf32>
      %broadcast_in_dim3A_3305 = vector.shape_cast %slice3A_3304 : vector<1x128xf32> to vector<1x128xf32>
      %broadcast_in_dim3A_3306 = vector.broadcast %broadcast_in_dim3A_3305 : vector<1x128xf32> to vector<64x128xf32>
      %mul3A_3307 = arith.mulf %log3A_3303, %broadcast_in_dim3A_3306 : vector<64x128xf32>
      %lt3A_3308 = arith.cmpf olt, %mul3A_3307, %select_n3A_3075 : vector<64x128xf32>
      %select_n3A_3309 = arith.select %lt3A_3308, %mul3A_3307, %select_n3A_3075 : vector<64x128xi1>, vector<64x128xf32>
      %broadcast_in_dim3A_3310 = vector.broadcast %add3A_3079 : i32 to vector<64x128xi32>
      %select_n3A_3311 = arith.select %lt3A_3308, %broadcast_in_dim3A_3310, %select_n3A_3077 : vector<64x128xi1>, vector<64x128xi32>
      %add3A_3312 = arith.constant 6 : i32
      %add3A_3313 = arith.addi %mul3A_1903, %add3A_3312 : i32
      %add3A_3314 = vector.broadcast %add3A_3313 : i32 to vector<64x128xi32>
      %add3A_3315 = arith.addi %add3A_18, %add3A_3314 : vector<64x128xi32>
      %add3A_3316 = arith.addi %add3A_6, %add3A_3315 : vector<64x128xi32>
      %shift_left3A_3317 = arith.constant 13 : i32
      %shift_left3A_3318 = vector.broadcast %shift_left3A_3317 : i32 to vector<64x128xi32>
      %shift_left3A_3319 = arith.shli %add3A_3315, %shift_left3A_3318 : vector<64x128xi32>
      %shift_right_logical3A_3320 = arith.constant 19 : i32
      %shift_right_logical3A_3321 = vector.broadcast %shift_right_logical3A_3320 : i32 to vector<64x128xi32>
      %shift_right_logical3A_3322 = arith.shrui %add3A_3315, %shift_right_logical3A_3321 : vector<64x128xi32>
      %or3A_3323 = arith.ori %shift_left3A_3319, %shift_right_logical3A_3322 : vector<64x128xi32>
      %xor3A_3324 = arith.xori %or3A_3323, %add3A_3316 : vector<64x128xi32>
      %add3A_3325 = arith.addi %add3A_3316, %xor3A_3324 : vector<64x128xi32>
      %shift_left3A_3326 = arith.constant 15 : i32
      %shift_left3A_3327 = vector.broadcast %shift_left3A_3326 : i32 to vector<64x128xi32>
      %shift_left3A_3328 = arith.shli %xor3A_3324, %shift_left3A_3327 : vector<64x128xi32>
      %shift_right_logical3A_3329 = arith.constant 17 : i32
      %shift_right_logical3A_3330 = vector.broadcast %shift_right_logical3A_3329 : i32 to vector<64x128xi32>
      %shift_right_logical3A_3331 = arith.shrui %xor3A_3324, %shift_right_logical3A_3330 : vector<64x128xi32>
      %or3A_3332 = arith.ori %shift_left3A_3328, %shift_right_logical3A_3331 : vector<64x128xi32>
      %xor3A_3333 = arith.xori %or3A_3332, %add3A_3325 : vector<64x128xi32>
      %add3A_3334 = arith.addi %add3A_3325, %xor3A_3333 : vector<64x128xi32>
      %shift_left3A_3335 = arith.constant 26 : i32
      %shift_left3A_3336 = vector.broadcast %shift_left3A_3335 : i32 to vector<64x128xi32>
      %shift_left3A_3337 = arith.shli %xor3A_3333, %shift_left3A_3336 : vector<64x128xi32>
      %shift_right_logical3A_3338 = arith.constant 6 : i32
      %shift_right_logical3A_3339 = vector.broadcast %shift_right_logical3A_3338 : i32 to vector<64x128xi32>
      %shift_right_logical3A_3340 = arith.shrui %xor3A_3333, %shift_right_logical3A_3339 : vector<64x128xi32>
      %or3A_3341 = arith.ori %shift_left3A_3337, %shift_right_logical3A_3340 : vector<64x128xi32>
      %xor3A_3342 = arith.xori %or3A_3341, %add3A_3334 : vector<64x128xi32>
      %add3A_3343 = arith.addi %add3A_3334, %xor3A_3342 : vector<64x128xi32>
      %shift_left3A_3344 = arith.constant 6 : i32
      %shift_left3A_3345 = vector.broadcast %shift_left3A_3344 : i32 to vector<64x128xi32>
      %shift_left3A_3346 = arith.shli %xor3A_3342, %shift_left3A_3345 : vector<64x128xi32>
      %shift_right_logical3A_3347 = arith.constant 26 : i32
      %shift_right_logical3A_3348 = vector.broadcast %shift_right_logical3A_3347 : i32 to vector<64x128xi32>
      %shift_right_logical3A_3349 = arith.shrui %xor3A_3342, %shift_right_logical3A_3348 : vector<64x128xi32>
      %or3A_3350 = arith.ori %shift_left3A_3346, %shift_right_logical3A_3349 : vector<64x128xi32>
      %xor3A_3351 = arith.xori %or3A_3350, %add3A_3343 : vector<64x128xi32>
      %add3A_3352 = arith.constant 255383827 : i32
      %add3A_3353 = vector.broadcast %add3A_3352 : i32 to vector<64x128xi32>
      %add3A_3354 = arith.addi %add3A_3343, %add3A_3353 : vector<64x128xi32>
      %add3A_3355 = arith.constant -2045582812 : i32
      %add3A_3356 = vector.broadcast %add3A_3355 : i32 to vector<64x128xi32>
      %add3A_3357 = arith.addi %xor3A_3351, %add3A_3356 : vector<64x128xi32>
      %add3A_3358 = arith.addi %add3A_3354, %add3A_3357 : vector<64x128xi32>
      %shift_left3A_3359 = arith.constant 17 : i32
      %shift_left3A_3360 = vector.broadcast %shift_left3A_3359 : i32 to vector<64x128xi32>
      %shift_left3A_3361 = arith.shli %add3A_3357, %shift_left3A_3360 : vector<64x128xi32>
      %shift_right_logical3A_3362 = arith.constant 15 : i32
      %shift_right_logical3A_3363 = vector.broadcast %shift_right_logical3A_3362 : i32 to vector<64x128xi32>
      %shift_right_logical3A_3364 = arith.shrui %add3A_3357, %shift_right_logical3A_3363 : vector<64x128xi32>
      %or3A_3365 = arith.ori %shift_left3A_3361, %shift_right_logical3A_3364 : vector<64x128xi32>
      %xor3A_3366 = arith.xori %or3A_3365, %add3A_3358 : vector<64x128xi32>
      %add3A_3367 = arith.addi %add3A_3358, %xor3A_3366 : vector<64x128xi32>
      %shift_left3A_3368 = arith.constant 29 : i32
      %shift_left3A_3369 = vector.broadcast %shift_left3A_3368 : i32 to vector<64x128xi32>
      %shift_left3A_3370 = arith.shli %xor3A_3366, %shift_left3A_3369 : vector<64x128xi32>
      %shift_right_logical3A_3371 = arith.constant 3 : i32
      %shift_right_logical3A_3372 = vector.broadcast %shift_right_logical3A_3371 : i32 to vector<64x128xi32>
      %shift_right_logical3A_3373 = arith.shrui %xor3A_3366, %shift_right_logical3A_3372 : vector<64x128xi32>
      %or3A_3374 = arith.ori %shift_left3A_3370, %shift_right_logical3A_3373 : vector<64x128xi32>
      %xor3A_3375 = arith.xori %or3A_3374, %add3A_3367 : vector<64x128xi32>
      %add3A_3376 = arith.addi %add3A_3367, %xor3A_3375 : vector<64x128xi32>
      %shift_left3A_3377 = arith.constant 16 : i32
      %shift_left3A_3378 = vector.broadcast %shift_left3A_3377 : i32 to vector<64x128xi32>
      %shift_left3A_3379 = arith.shli %xor3A_3375, %shift_left3A_3378 : vector<64x128xi32>
      %shift_right_logical3A_3380 = arith.constant 16 : i32
      %shift_right_logical3A_3381 = vector.broadcast %shift_right_logical3A_3380 : i32 to vector<64x128xi32>
      %shift_right_logical3A_3382 = arith.shrui %xor3A_3375, %shift_right_logical3A_3381 : vector<64x128xi32>
      %or3A_3383 = arith.ori %shift_left3A_3379, %shift_right_logical3A_3382 : vector<64x128xi32>
      %xor3A_3384 = arith.xori %or3A_3383, %add3A_3376 : vector<64x128xi32>
      %add3A_3385 = arith.addi %add3A_3376, %xor3A_3384 : vector<64x128xi32>
      %shift_left3A_3386 = arith.constant 24 : i32
      %shift_left3A_3387 = vector.broadcast %shift_left3A_3386 : i32 to vector<64x128xi32>
      %shift_left3A_3388 = arith.shli %xor3A_3384, %shift_left3A_3387 : vector<64x128xi32>
      %shift_right_logical3A_3389 = arith.constant 8 : i32
      %shift_right_logical3A_3390 = vector.broadcast %shift_right_logical3A_3389 : i32 to vector<64x128xi32>
      %shift_right_logical3A_3391 = arith.shrui %xor3A_3384, %shift_right_logical3A_3390 : vector<64x128xi32>
      %or3A_3392 = arith.ori %shift_left3A_3388, %shift_right_logical3A_3391 : vector<64x128xi32>
      %xor3A_3393 = arith.xori %or3A_3392, %add3A_3385 : vector<64x128xi32>
      %add3A_3394 = arith.constant -2045582813 : i32
      %add3A_3395 = vector.broadcast %add3A_3394 : i32 to vector<64x128xi32>
      %add3A_3396 = arith.addi %add3A_3385, %add3A_3395 : vector<64x128xi32>
      %add3A_3397 = arith.constant -1829035796 : i32
      %add3A_3398 = vector.broadcast %add3A_3397 : i32 to vector<64x128xi32>
      %add3A_3399 = arith.addi %xor3A_3393, %add3A_3398 : vector<64x128xi32>
      %add3A_3400 = arith.addi %add3A_3396, %add3A_3399 : vector<64x128xi32>
      %shift_left3A_3401 = arith.constant 13 : i32
      %shift_left3A_3402 = vector.broadcast %shift_left3A_3401 : i32 to vector<64x128xi32>
      %shift_left3A_3403 = arith.shli %add3A_3399, %shift_left3A_3402 : vector<64x128xi32>
      %shift_right_logical3A_3404 = arith.constant 19 : i32
      %shift_right_logical3A_3405 = vector.broadcast %shift_right_logical3A_3404 : i32 to vector<64x128xi32>
      %shift_right_logical3A_3406 = arith.shrui %add3A_3399, %shift_right_logical3A_3405 : vector<64x128xi32>
      %or3A_3407 = arith.ori %shift_left3A_3403, %shift_right_logical3A_3406 : vector<64x128xi32>
      %xor3A_3408 = arith.xori %or3A_3407, %add3A_3400 : vector<64x128xi32>
      %add3A_3409 = arith.addi %add3A_3400, %xor3A_3408 : vector<64x128xi32>
      %shift_left3A_3410 = arith.constant 15 : i32
      %shift_left3A_3411 = vector.broadcast %shift_left3A_3410 : i32 to vector<64x128xi32>
      %shift_left3A_3412 = arith.shli %xor3A_3408, %shift_left3A_3411 : vector<64x128xi32>
      %shift_right_logical3A_3413 = arith.constant 17 : i32
      %shift_right_logical3A_3414 = vector.broadcast %shift_right_logical3A_3413 : i32 to vector<64x128xi32>
      %shift_right_logical3A_3415 = arith.shrui %xor3A_3408, %shift_right_logical3A_3414 : vector<64x128xi32>
      %or3A_3416 = arith.ori %shift_left3A_3412, %shift_right_logical3A_3415 : vector<64x128xi32>
      %xor3A_3417 = arith.xori %or3A_3416, %add3A_3409 : vector<64x128xi32>
      %add3A_3418 = arith.addi %add3A_3409, %xor3A_3417 : vector<64x128xi32>
      %shift_left3A_3419 = arith.constant 26 : i32
      %shift_left3A_3420 = vector.broadcast %shift_left3A_3419 : i32 to vector<64x128xi32>
      %shift_left3A_3421 = arith.shli %xor3A_3417, %shift_left3A_3420 : vector<64x128xi32>
      %shift_right_logical3A_3422 = arith.constant 6 : i32
      %shift_right_logical3A_3423 = vector.broadcast %shift_right_logical3A_3422 : i32 to vector<64x128xi32>
      %shift_right_logical3A_3424 = arith.shrui %xor3A_3417, %shift_right_logical3A_3423 : vector<64x128xi32>
      %or3A_3425 = arith.ori %shift_left3A_3421, %shift_right_logical3A_3424 : vector<64x128xi32>
      %xor3A_3426 = arith.xori %or3A_3425, %add3A_3418 : vector<64x128xi32>
      %add3A_3427 = arith.addi %add3A_3418, %xor3A_3426 : vector<64x128xi32>
      %shift_left3A_3428 = arith.constant 6 : i32
      %shift_left3A_3429 = vector.broadcast %shift_left3A_3428 : i32 to vector<64x128xi32>
      %shift_left3A_3430 = arith.shli %xor3A_3426, %shift_left3A_3429 : vector<64x128xi32>
      %shift_right_logical3A_3431 = arith.constant 26 : i32
      %shift_right_logical3A_3432 = vector.broadcast %shift_right_logical3A_3431 : i32 to vector<64x128xi32>
      %shift_right_logical3A_3433 = arith.shrui %xor3A_3426, %shift_right_logical3A_3432 : vector<64x128xi32>
      %or3A_3434 = arith.ori %shift_left3A_3430, %shift_right_logical3A_3433 : vector<64x128xi32>
      %xor3A_3435 = arith.xori %or3A_3434, %add3A_3427 : vector<64x128xi32>
      %add3A_3436 = arith.constant -1829035798 : i32
      %add3A_3437 = vector.broadcast %add3A_3436 : i32 to vector<64x128xi32>
      %add3A_3438 = arith.addi %add3A_3427, %add3A_3437 : vector<64x128xi32>
      %add3A_3439 = arith.constant 255383830 : i32
      %add3A_3440 = vector.broadcast %add3A_3439 : i32 to vector<64x128xi32>
      %add3A_3441 = arith.addi %xor3A_3435, %add3A_3440 : vector<64x128xi32>
      %add3A_3442 = arith.addi %add3A_3438, %add3A_3441 : vector<64x128xi32>
      %shift_left3A_3443 = arith.constant 17 : i32
      %shift_left3A_3444 = vector.broadcast %shift_left3A_3443 : i32 to vector<64x128xi32>
      %shift_left3A_3445 = arith.shli %add3A_3441, %shift_left3A_3444 : vector<64x128xi32>
      %shift_right_logical3A_3446 = arith.constant 15 : i32
      %shift_right_logical3A_3447 = vector.broadcast %shift_right_logical3A_3446 : i32 to vector<64x128xi32>
      %shift_right_logical3A_3448 = arith.shrui %add3A_3441, %shift_right_logical3A_3447 : vector<64x128xi32>
      %or3A_3449 = arith.ori %shift_left3A_3445, %shift_right_logical3A_3448 : vector<64x128xi32>
      %xor3A_3450 = arith.xori %or3A_3449, %add3A_3442 : vector<64x128xi32>
      %add3A_3451 = arith.addi %add3A_3442, %xor3A_3450 : vector<64x128xi32>
      %shift_left3A_3452 = arith.constant 29 : i32
      %shift_left3A_3453 = vector.broadcast %shift_left3A_3452 : i32 to vector<64x128xi32>
      %shift_left3A_3454 = arith.shli %xor3A_3450, %shift_left3A_3453 : vector<64x128xi32>
      %shift_right_logical3A_3455 = arith.constant 3 : i32
      %shift_right_logical3A_3456 = vector.broadcast %shift_right_logical3A_3455 : i32 to vector<64x128xi32>
      %shift_right_logical3A_3457 = arith.shrui %xor3A_3450, %shift_right_logical3A_3456 : vector<64x128xi32>
      %or3A_3458 = arith.ori %shift_left3A_3454, %shift_right_logical3A_3457 : vector<64x128xi32>
      %xor3A_3459 = arith.xori %or3A_3458, %add3A_3451 : vector<64x128xi32>
      %add3A_3460 = arith.addi %add3A_3451, %xor3A_3459 : vector<64x128xi32>
      %shift_left3A_3461 = arith.constant 16 : i32
      %shift_left3A_3462 = vector.broadcast %shift_left3A_3461 : i32 to vector<64x128xi32>
      %shift_left3A_3463 = arith.shli %xor3A_3459, %shift_left3A_3462 : vector<64x128xi32>
      %shift_right_logical3A_3464 = arith.constant 16 : i32
      %shift_right_logical3A_3465 = vector.broadcast %shift_right_logical3A_3464 : i32 to vector<64x128xi32>
      %shift_right_logical3A_3466 = arith.shrui %xor3A_3459, %shift_right_logical3A_3465 : vector<64x128xi32>
      %or3A_3467 = arith.ori %shift_left3A_3463, %shift_right_logical3A_3466 : vector<64x128xi32>
      %xor3A_3468 = arith.xori %or3A_3467, %add3A_3460 : vector<64x128xi32>
      %add3A_3469 = arith.addi %add3A_3460, %xor3A_3468 : vector<64x128xi32>
      %shift_left3A_3470 = arith.constant 24 : i32
      %shift_left3A_3471 = vector.broadcast %shift_left3A_3470 : i32 to vector<64x128xi32>
      %shift_left3A_3472 = arith.shli %xor3A_3468, %shift_left3A_3471 : vector<64x128xi32>
      %shift_right_logical3A_3473 = arith.constant 8 : i32
      %shift_right_logical3A_3474 = vector.broadcast %shift_right_logical3A_3473 : i32 to vector<64x128xi32>
      %shift_right_logical3A_3475 = arith.shrui %xor3A_3468, %shift_right_logical3A_3474 : vector<64x128xi32>
      %or3A_3476 = arith.ori %shift_left3A_3472, %shift_right_logical3A_3475 : vector<64x128xi32>
      %xor3A_3477 = arith.xori %or3A_3476, %add3A_3469 : vector<64x128xi32>
      %add3A_3478 = arith.constant 255383827 : i32
      %add3A_3479 = vector.broadcast %add3A_3478 : i32 to vector<64x128xi32>
      %add3A_3480 = arith.addi %add3A_3469, %add3A_3479 : vector<64x128xi32>
      %add3A_3481 = arith.constant -2045582809 : i32
      %add3A_3482 = vector.broadcast %add3A_3481 : i32 to vector<64x128xi32>
      %add3A_3483 = arith.addi %xor3A_3477, %add3A_3482 : vector<64x128xi32>
      %add3A_3484 = arith.addi %add3A_3480, %add3A_3483 : vector<64x128xi32>
      %shift_left3A_3485 = arith.constant 13 : i32
      %shift_left3A_3486 = vector.broadcast %shift_left3A_3485 : i32 to vector<64x128xi32>
      %shift_left3A_3487 = arith.shli %add3A_3483, %shift_left3A_3486 : vector<64x128xi32>
      %shift_right_logical3A_3488 = arith.constant 19 : i32
      %shift_right_logical3A_3489 = vector.broadcast %shift_right_logical3A_3488 : i32 to vector<64x128xi32>
      %shift_right_logical3A_3490 = arith.shrui %add3A_3483, %shift_right_logical3A_3489 : vector<64x128xi32>
      %or3A_3491 = arith.ori %shift_left3A_3487, %shift_right_logical3A_3490 : vector<64x128xi32>
      %xor3A_3492 = arith.xori %or3A_3491, %add3A_3484 : vector<64x128xi32>
      %add3A_3493 = arith.addi %add3A_3484, %xor3A_3492 : vector<64x128xi32>
      %shift_left3A_3494 = arith.constant 15 : i32
      %shift_left3A_3495 = vector.broadcast %shift_left3A_3494 : i32 to vector<64x128xi32>
      %shift_left3A_3496 = arith.shli %xor3A_3492, %shift_left3A_3495 : vector<64x128xi32>
      %shift_right_logical3A_3497 = arith.constant 17 : i32
      %shift_right_logical3A_3498 = vector.broadcast %shift_right_logical3A_3497 : i32 to vector<64x128xi32>
      %shift_right_logical3A_3499 = arith.shrui %xor3A_3492, %shift_right_logical3A_3498 : vector<64x128xi32>
      %or3A_3500 = arith.ori %shift_left3A_3496, %shift_right_logical3A_3499 : vector<64x128xi32>
      %xor3A_3501 = arith.xori %or3A_3500, %add3A_3493 : vector<64x128xi32>
      %add3A_3502 = arith.addi %add3A_3493, %xor3A_3501 : vector<64x128xi32>
      %shift_left3A_3503 = arith.constant 26 : i32
      %shift_left3A_3504 = vector.broadcast %shift_left3A_3503 : i32 to vector<64x128xi32>
      %shift_left3A_3505 = arith.shli %xor3A_3501, %shift_left3A_3504 : vector<64x128xi32>
      %shift_right_logical3A_3506 = arith.constant 6 : i32
      %shift_right_logical3A_3507 = vector.broadcast %shift_right_logical3A_3506 : i32 to vector<64x128xi32>
      %shift_right_logical3A_3508 = arith.shrui %xor3A_3501, %shift_right_logical3A_3507 : vector<64x128xi32>
      %or3A_3509 = arith.ori %shift_left3A_3505, %shift_right_logical3A_3508 : vector<64x128xi32>
      %xor3A_3510 = arith.xori %or3A_3509, %add3A_3502 : vector<64x128xi32>
      %add3A_3511 = arith.addi %add3A_3502, %xor3A_3510 : vector<64x128xi32>
      %shift_left3A_3512 = arith.constant 6 : i32
      %shift_left3A_3513 = vector.broadcast %shift_left3A_3512 : i32 to vector<64x128xi32>
      %shift_left3A_3514 = arith.shli %xor3A_3510, %shift_left3A_3513 : vector<64x128xi32>
      %shift_right_logical3A_3515 = arith.constant 26 : i32
      %shift_right_logical3A_3516 = vector.broadcast %shift_right_logical3A_3515 : i32 to vector<64x128xi32>
      %shift_right_logical3A_3517 = arith.shrui %xor3A_3510, %shift_right_logical3A_3516 : vector<64x128xi32>
      %or3A_3518 = arith.ori %shift_left3A_3514, %shift_right_logical3A_3517 : vector<64x128xi32>
      %xor3A_3519 = arith.xori %or3A_3518, %add3A_3511 : vector<64x128xi32>
      %add3A_3520 = arith.constant -2045582813 : i32
      %add3A_3521 = vector.broadcast %add3A_3520 : i32 to vector<64x128xi32>
      %add3A_3522 = arith.addi %add3A_3511, %add3A_3521 : vector<64x128xi32>
      %add3A_3523 = arith.constant -1829035793 : i32
      %add3A_3524 = vector.broadcast %add3A_3523 : i32 to vector<64x128xi32>
      %add3A_3525 = arith.addi %xor3A_3519, %add3A_3524 : vector<64x128xi32>
      %xor3A_3526 = arith.xori %add3A_3522, %add3A_3525 : vector<64x128xi32>
      %shift_right_logical3A_3527 = arith.constant 9 : i32
      %shift_right_logical3A_3528 = vector.broadcast %shift_right_logical3A_3527 : i32 to vector<64x128xi32>
      %shift_right_logical3A_3529 = arith.shrui %xor3A_3526, %shift_right_logical3A_3528 : vector<64x128xi32>
      %or3A_3530 = arith.constant 1065353216 : i32
      %or3A_3531 = vector.broadcast %or3A_3530 : i32 to vector<64x128xi32>
      %or3A_3532 = arith.ori %shift_right_logical3A_3529, %or3A_3531 : vector<64x128xi32>
      %bitcast_convert_type3A_3533 = tpu.bitcast %or3A_3532 : vector<64x128xi32> -> vector<64x128xf32>
      %sub3A_3534 = arith.constant 1.000000e+00 : f32
      %sub3A_3535 = vector.broadcast %sub3A_3534 : f32 to vector<64x128xf32>
      %sub3A_3536 = arith.subf %bitcast_convert_type3A_3533, %sub3A_3535 : vector<64x128xf32>
      %log3A_3537 = math.log %sub3A_3536 : vector<64x128xf32>
      %slice3A_3538 = vector.extract_strided_slice %get3A_1907 {offsets = [6, 0], sizes = [1, 128], strides = [1, 1]} : vector<8x128xf32> to vector<1x128xf32>
      %broadcast_in_dim3A_3539 = vector.shape_cast %slice3A_3538 : vector<1x128xf32> to vector<1x128xf32>
      %broadcast_in_dim3A_3540 = vector.broadcast %broadcast_in_dim3A_3539 : vector<1x128xf32> to vector<64x128xf32>
      %mul3A_3541 = arith.mulf %log3A_3537, %broadcast_in_dim3A_3540 : vector<64x128xf32>
      %lt3A_3542 = arith.cmpf olt, %mul3A_3541, %select_n3A_3309 : vector<64x128xf32>
      %select_n3A_3543 = arith.select %lt3A_3542, %mul3A_3541, %select_n3A_3309 : vector<64x128xi1>, vector<64x128xf32>
      %broadcast_in_dim3A_3544 = vector.broadcast %add3A_3313 : i32 to vector<64x128xi32>
      %select_n3A_3545 = arith.select %lt3A_3542, %broadcast_in_dim3A_3544, %select_n3A_3311 : vector<64x128xi1>, vector<64x128xi32>
      %add3A_3546 = arith.constant 7 : i32
      %add3A_3547 = arith.addi %mul3A_1903, %add3A_3546 : i32
      %add3A_3548 = vector.broadcast %add3A_3547 : i32 to vector<64x128xi32>
      %add3A_3549 = arith.addi %add3A_18, %add3A_3548 : vector<64x128xi32>
      %add3A_3550 = arith.addi %add3A_6, %add3A_3549 : vector<64x128xi32>
      %shift_left3A_3551 = arith.constant 13 : i32
      %shift_left3A_3552 = vector.broadcast %shift_left3A_3551 : i32 to vector<64x128xi32>
      %shift_left3A_3553 = arith.shli %add3A_3549, %shift_left3A_3552 : vector<64x128xi32>
      %shift_right_logical3A_3554 = arith.constant 19 : i32
      %shift_right_logical3A_3555 = vector.broadcast %shift_right_logical3A_3554 : i32 to vector<64x128xi32>
      %shift_right_logical3A_3556 = arith.shrui %add3A_3549, %shift_right_logical3A_3555 : vector<64x128xi32>
      %or3A_3557 = arith.ori %shift_left3A_3553, %shift_right_logical3A_3556 : vector<64x128xi32>
      %xor3A_3558 = arith.xori %or3A_3557, %add3A_3550 : vector<64x128xi32>
      %add3A_3559 = arith.addi %add3A_3550, %xor3A_3558 : vector<64x128xi32>
      %shift_left3A_3560 = arith.constant 15 : i32
      %shift_left3A_3561 = vector.broadcast %shift_left3A_3560 : i32 to vector<64x128xi32>
      %shift_left3A_3562 = arith.shli %xor3A_3558, %shift_left3A_3561 : vector<64x128xi32>
      %shift_right_logical3A_3563 = arith.constant 17 : i32
      %shift_right_logical3A_3564 = vector.broadcast %shift_right_logical3A_3563 : i32 to vector<64x128xi32>
      %shift_right_logical3A_3565 = arith.shrui %xor3A_3558, %shift_right_logical3A_3564 : vector<64x128xi32>
      %or3A_3566 = arith.ori %shift_left3A_3562, %shift_right_logical3A_3565 : vector<64x128xi32>
      %xor3A_3567 = arith.xori %or3A_3566, %add3A_3559 : vector<64x128xi32>
      %add3A_3568 = arith.addi %add3A_3559, %xor3A_3567 : vector<64x128xi32>
      %shift_left3A_3569 = arith.constant 26 : i32
      %shift_left3A_3570 = vector.broadcast %shift_left3A_3569 : i32 to vector<64x128xi32>
      %shift_left3A_3571 = arith.shli %xor3A_3567, %shift_left3A_3570 : vector<64x128xi32>
      %shift_right_logical3A_3572 = arith.constant 6 : i32
      %shift_right_logical3A_3573 = vector.broadcast %shift_right_logical3A_3572 : i32 to vector<64x128xi32>
      %shift_right_logical3A_3574 = arith.shrui %xor3A_3567, %shift_right_logical3A_3573 : vector<64x128xi32>
      %or3A_3575 = arith.ori %shift_left3A_3571, %shift_right_logical3A_3574 : vector<64x128xi32>
      %xor3A_3576 = arith.xori %or3A_3575, %add3A_3568 : vector<64x128xi32>
      %add3A_3577 = arith.addi %add3A_3568, %xor3A_3576 : vector<64x128xi32>
      %shift_left3A_3578 = arith.constant 6 : i32
      %shift_left3A_3579 = vector.broadcast %shift_left3A_3578 : i32 to vector<64x128xi32>
      %shift_left3A_3580 = arith.shli %xor3A_3576, %shift_left3A_3579 : vector<64x128xi32>
      %shift_right_logical3A_3581 = arith.constant 26 : i32
      %shift_right_logical3A_3582 = vector.broadcast %shift_right_logical3A_3581 : i32 to vector<64x128xi32>
      %shift_right_logical3A_3583 = arith.shrui %xor3A_3576, %shift_right_logical3A_3582 : vector<64x128xi32>
      %or3A_3584 = arith.ori %shift_left3A_3580, %shift_right_logical3A_3583 : vector<64x128xi32>
      %xor3A_3585 = arith.xori %or3A_3584, %add3A_3577 : vector<64x128xi32>
      %add3A_3586 = arith.constant 255383827 : i32
      %add3A_3587 = vector.broadcast %add3A_3586 : i32 to vector<64x128xi32>
      %add3A_3588 = arith.addi %add3A_3577, %add3A_3587 : vector<64x128xi32>
      %add3A_3589 = arith.constant -2045582812 : i32
      %add3A_3590 = vector.broadcast %add3A_3589 : i32 to vector<64x128xi32>
      %add3A_3591 = arith.addi %xor3A_3585, %add3A_3590 : vector<64x128xi32>
      %add3A_3592 = arith.addi %add3A_3588, %add3A_3591 : vector<64x128xi32>
      %shift_left3A_3593 = arith.constant 17 : i32
      %shift_left3A_3594 = vector.broadcast %shift_left3A_3593 : i32 to vector<64x128xi32>
      %shift_left3A_3595 = arith.shli %add3A_3591, %shift_left3A_3594 : vector<64x128xi32>
      %shift_right_logical3A_3596 = arith.constant 15 : i32
      %shift_right_logical3A_3597 = vector.broadcast %shift_right_logical3A_3596 : i32 to vector<64x128xi32>
      %shift_right_logical3A_3598 = arith.shrui %add3A_3591, %shift_right_logical3A_3597 : vector<64x128xi32>
      %or3A_3599 = arith.ori %shift_left3A_3595, %shift_right_logical3A_3598 : vector<64x128xi32>
      %xor3A_3600 = arith.xori %or3A_3599, %add3A_3592 : vector<64x128xi32>
      %add3A_3601 = arith.addi %add3A_3592, %xor3A_3600 : vector<64x128xi32>
      %shift_left3A_3602 = arith.constant 29 : i32
      %shift_left3A_3603 = vector.broadcast %shift_left3A_3602 : i32 to vector<64x128xi32>
      %shift_left3A_3604 = arith.shli %xor3A_3600, %shift_left3A_3603 : vector<64x128xi32>
      %shift_right_logical3A_3605 = arith.constant 3 : i32
      %shift_right_logical3A_3606 = vector.broadcast %shift_right_logical3A_3605 : i32 to vector<64x128xi32>
      %shift_right_logical3A_3607 = arith.shrui %xor3A_3600, %shift_right_logical3A_3606 : vector<64x128xi32>
      %or3A_3608 = arith.ori %shift_left3A_3604, %shift_right_logical3A_3607 : vector<64x128xi32>
      %xor3A_3609 = arith.xori %or3A_3608, %add3A_3601 : vector<64x128xi32>
      %add3A_3610 = arith.addi %add3A_3601, %xor3A_3609 : vector<64x128xi32>
      %shift_left3A_3611 = arith.constant 16 : i32
      %shift_left3A_3612 = vector.broadcast %shift_left3A_3611 : i32 to vector<64x128xi32>
      %shift_left3A_3613 = arith.shli %xor3A_3609, %shift_left3A_3612 : vector<64x128xi32>
      %shift_right_logical3A_3614 = arith.constant 16 : i32
      %shift_right_logical3A_3615 = vector.broadcast %shift_right_logical3A_3614 : i32 to vector<64x128xi32>
      %shift_right_logical3A_3616 = arith.shrui %xor3A_3609, %shift_right_logical3A_3615 : vector<64x128xi32>
      %or3A_3617 = arith.ori %shift_left3A_3613, %shift_right_logical3A_3616 : vector<64x128xi32>
      %xor3A_3618 = arith.xori %or3A_3617, %add3A_3610 : vector<64x128xi32>
      %add3A_3619 = arith.addi %add3A_3610, %xor3A_3618 : vector<64x128xi32>
      %shift_left3A_3620 = arith.constant 24 : i32
      %shift_left3A_3621 = vector.broadcast %shift_left3A_3620 : i32 to vector<64x128xi32>
      %shift_left3A_3622 = arith.shli %xor3A_3618, %shift_left3A_3621 : vector<64x128xi32>
      %shift_right_logical3A_3623 = arith.constant 8 : i32
      %shift_right_logical3A_3624 = vector.broadcast %shift_right_logical3A_3623 : i32 to vector<64x128xi32>
      %shift_right_logical3A_3625 = arith.shrui %xor3A_3618, %shift_right_logical3A_3624 : vector<64x128xi32>
      %or3A_3626 = arith.ori %shift_left3A_3622, %shift_right_logical3A_3625 : vector<64x128xi32>
      %xor3A_3627 = arith.xori %or3A_3626, %add3A_3619 : vector<64x128xi32>
      %add3A_3628 = arith.constant -2045582813 : i32
      %add3A_3629 = vector.broadcast %add3A_3628 : i32 to vector<64x128xi32>
      %add3A_3630 = arith.addi %add3A_3619, %add3A_3629 : vector<64x128xi32>
      %add3A_3631 = arith.constant -1829035796 : i32
      %add3A_3632 = vector.broadcast %add3A_3631 : i32 to vector<64x128xi32>
      %add3A_3633 = arith.addi %xor3A_3627, %add3A_3632 : vector<64x128xi32>
      %add3A_3634 = arith.addi %add3A_3630, %add3A_3633 : vector<64x128xi32>
      %shift_left3A_3635 = arith.constant 13 : i32
      %shift_left3A_3636 = vector.broadcast %shift_left3A_3635 : i32 to vector<64x128xi32>
      %shift_left3A_3637 = arith.shli %add3A_3633, %shift_left3A_3636 : vector<64x128xi32>
      %shift_right_logical3A_3638 = arith.constant 19 : i32
      %shift_right_logical3A_3639 = vector.broadcast %shift_right_logical3A_3638 : i32 to vector<64x128xi32>
      %shift_right_logical3A_3640 = arith.shrui %add3A_3633, %shift_right_logical3A_3639 : vector<64x128xi32>
      %or3A_3641 = arith.ori %shift_left3A_3637, %shift_right_logical3A_3640 : vector<64x128xi32>
      %xor3A_3642 = arith.xori %or3A_3641, %add3A_3634 : vector<64x128xi32>
      %add3A_3643 = arith.addi %add3A_3634, %xor3A_3642 : vector<64x128xi32>
      %shift_left3A_3644 = arith.constant 15 : i32
      %shift_left3A_3645 = vector.broadcast %shift_left3A_3644 : i32 to vector<64x128xi32>
      %shift_left3A_3646 = arith.shli %xor3A_3642, %shift_left3A_3645 : vector<64x128xi32>
      %shift_right_logical3A_3647 = arith.constant 17 : i32
      %shift_right_logical3A_3648 = vector.broadcast %shift_right_logical3A_3647 : i32 to vector<64x128xi32>
      %shift_right_logical3A_3649 = arith.shrui %xor3A_3642, %shift_right_logical3A_3648 : vector<64x128xi32>
      %or3A_3650 = arith.ori %shift_left3A_3646, %shift_right_logical3A_3649 : vector<64x128xi32>
      %xor3A_3651 = arith.xori %or3A_3650, %add3A_3643 : vector<64x128xi32>
      %add3A_3652 = arith.addi %add3A_3643, %xor3A_3651 : vector<64x128xi32>
      %shift_left3A_3653 = arith.constant 26 : i32
      %shift_left3A_3654 = vector.broadcast %shift_left3A_3653 : i32 to vector<64x128xi32>
      %shift_left3A_3655 = arith.shli %xor3A_3651, %shift_left3A_3654 : vector<64x128xi32>
      %shift_right_logical3A_3656 = arith.constant 6 : i32
      %shift_right_logical3A_3657 = vector.broadcast %shift_right_logical3A_3656 : i32 to vector<64x128xi32>
      %shift_right_logical3A_3658 = arith.shrui %xor3A_3651, %shift_right_logical3A_3657 : vector<64x128xi32>
      %or3A_3659 = arith.ori %shift_left3A_3655, %shift_right_logical3A_3658 : vector<64x128xi32>
      %xor3A_3660 = arith.xori %or3A_3659, %add3A_3652 : vector<64x128xi32>
      %add3A_3661 = arith.addi %add3A_3652, %xor3A_3660 : vector<64x128xi32>
      %shift_left3A_3662 = arith.constant 6 : i32
      %shift_left3A_3663 = vector.broadcast %shift_left3A_3662 : i32 to vector<64x128xi32>
      %shift_left3A_3664 = arith.shli %xor3A_3660, %shift_left3A_3663 : vector<64x128xi32>
      %shift_right_logical3A_3665 = arith.constant 26 : i32
      %shift_right_logical3A_3666 = vector.broadcast %shift_right_logical3A_3665 : i32 to vector<64x128xi32>
      %shift_right_logical3A_3667 = arith.shrui %xor3A_3660, %shift_right_logical3A_3666 : vector<64x128xi32>
      %or3A_3668 = arith.ori %shift_left3A_3664, %shift_right_logical3A_3667 : vector<64x128xi32>
      %xor3A_3669 = arith.xori %or3A_3668, %add3A_3661 : vector<64x128xi32>
      %add3A_3670 = arith.constant -1829035798 : i32
      %add3A_3671 = vector.broadcast %add3A_3670 : i32 to vector<64x128xi32>
      %add3A_3672 = arith.addi %add3A_3661, %add3A_3671 : vector<64x128xi32>
      %add3A_3673 = arith.constant 255383830 : i32
      %add3A_3674 = vector.broadcast %add3A_3673 : i32 to vector<64x128xi32>
      %add3A_3675 = arith.addi %xor3A_3669, %add3A_3674 : vector<64x128xi32>
      %add3A_3676 = arith.addi %add3A_3672, %add3A_3675 : vector<64x128xi32>
      %shift_left3A_3677 = arith.constant 17 : i32
      %shift_left3A_3678 = vector.broadcast %shift_left3A_3677 : i32 to vector<64x128xi32>
      %shift_left3A_3679 = arith.shli %add3A_3675, %shift_left3A_3678 : vector<64x128xi32>
      %shift_right_logical3A_3680 = arith.constant 15 : i32
      %shift_right_logical3A_3681 = vector.broadcast %shift_right_logical3A_3680 : i32 to vector<64x128xi32>
      %shift_right_logical3A_3682 = arith.shrui %add3A_3675, %shift_right_logical3A_3681 : vector<64x128xi32>
      %or3A_3683 = arith.ori %shift_left3A_3679, %shift_right_logical3A_3682 : vector<64x128xi32>
      %xor3A_3684 = arith.xori %or3A_3683, %add3A_3676 : vector<64x128xi32>
      %add3A_3685 = arith.addi %add3A_3676, %xor3A_3684 : vector<64x128xi32>
      %shift_left3A_3686 = arith.constant 29 : i32
      %shift_left3A_3687 = vector.broadcast %shift_left3A_3686 : i32 to vector<64x128xi32>
      %shift_left3A_3688 = arith.shli %xor3A_3684, %shift_left3A_3687 : vector<64x128xi32>
      %shift_right_logical3A_3689 = arith.constant 3 : i32
      %shift_right_logical3A_3690 = vector.broadcast %shift_right_logical3A_3689 : i32 to vector<64x128xi32>
      %shift_right_logical3A_3691 = arith.shrui %xor3A_3684, %shift_right_logical3A_3690 : vector<64x128xi32>
      %or3A_3692 = arith.ori %shift_left3A_3688, %shift_right_logical3A_3691 : vector<64x128xi32>
      %xor3A_3693 = arith.xori %or3A_3692, %add3A_3685 : vector<64x128xi32>
      %add3A_3694 = arith.addi %add3A_3685, %xor3A_3693 : vector<64x128xi32>
      %shift_left3A_3695 = arith.constant 16 : i32
      %shift_left3A_3696 = vector.broadcast %shift_left3A_3695 : i32 to vector<64x128xi32>
      %shift_left3A_3697 = arith.shli %xor3A_3693, %shift_left3A_3696 : vector<64x128xi32>
      %shift_right_logical3A_3698 = arith.constant 16 : i32
      %shift_right_logical3A_3699 = vector.broadcast %shift_right_logical3A_3698 : i32 to vector<64x128xi32>
      %shift_right_logical3A_3700 = arith.shrui %xor3A_3693, %shift_right_logical3A_3699 : vector<64x128xi32>
      %or3A_3701 = arith.ori %shift_left3A_3697, %shift_right_logical3A_3700 : vector<64x128xi32>
      %xor3A_3702 = arith.xori %or3A_3701, %add3A_3694 : vector<64x128xi32>
      %add3A_3703 = arith.addi %add3A_3694, %xor3A_3702 : vector<64x128xi32>
      %shift_left3A_3704 = arith.constant 24 : i32
      %shift_left3A_3705 = vector.broadcast %shift_left3A_3704 : i32 to vector<64x128xi32>
      %shift_left3A_3706 = arith.shli %xor3A_3702, %shift_left3A_3705 : vector<64x128xi32>
      %shift_right_logical3A_3707 = arith.constant 8 : i32
      %shift_right_logical3A_3708 = vector.broadcast %shift_right_logical3A_3707 : i32 to vector<64x128xi32>
      %shift_right_logical3A_3709 = arith.shrui %xor3A_3702, %shift_right_logical3A_3708 : vector<64x128xi32>
      %or3A_3710 = arith.ori %shift_left3A_3706, %shift_right_logical3A_3709 : vector<64x128xi32>
      %xor3A_3711 = arith.xori %or3A_3710, %add3A_3703 : vector<64x128xi32>
      %add3A_3712 = arith.constant 255383827 : i32
      %add3A_3713 = vector.broadcast %add3A_3712 : i32 to vector<64x128xi32>
      %add3A_3714 = arith.addi %add3A_3703, %add3A_3713 : vector<64x128xi32>
      %add3A_3715 = arith.constant -2045582809 : i32
      %add3A_3716 = vector.broadcast %add3A_3715 : i32 to vector<64x128xi32>
      %add3A_3717 = arith.addi %xor3A_3711, %add3A_3716 : vector<64x128xi32>
      %add3A_3718 = arith.addi %add3A_3714, %add3A_3717 : vector<64x128xi32>
      %shift_left3A_3719 = arith.constant 13 : i32
      %shift_left3A_3720 = vector.broadcast %shift_left3A_3719 : i32 to vector<64x128xi32>
      %shift_left3A_3721 = arith.shli %add3A_3717, %shift_left3A_3720 : vector<64x128xi32>
      %shift_right_logical3A_3722 = arith.constant 19 : i32
      %shift_right_logical3A_3723 = vector.broadcast %shift_right_logical3A_3722 : i32 to vector<64x128xi32>
      %shift_right_logical3A_3724 = arith.shrui %add3A_3717, %shift_right_logical3A_3723 : vector<64x128xi32>
      %or3A_3725 = arith.ori %shift_left3A_3721, %shift_right_logical3A_3724 : vector<64x128xi32>
      %xor3A_3726 = arith.xori %or3A_3725, %add3A_3718 : vector<64x128xi32>
      %add3A_3727 = arith.addi %add3A_3718, %xor3A_3726 : vector<64x128xi32>
      %shift_left3A_3728 = arith.constant 15 : i32
      %shift_left3A_3729 = vector.broadcast %shift_left3A_3728 : i32 to vector<64x128xi32>
      %shift_left3A_3730 = arith.shli %xor3A_3726, %shift_left3A_3729 : vector<64x128xi32>
      %shift_right_logical3A_3731 = arith.constant 17 : i32
      %shift_right_logical3A_3732 = vector.broadcast %shift_right_logical3A_3731 : i32 to vector<64x128xi32>
      %shift_right_logical3A_3733 = arith.shrui %xor3A_3726, %shift_right_logical3A_3732 : vector<64x128xi32>
      %or3A_3734 = arith.ori %shift_left3A_3730, %shift_right_logical3A_3733 : vector<64x128xi32>
      %xor3A_3735 = arith.xori %or3A_3734, %add3A_3727 : vector<64x128xi32>
      %add3A_3736 = arith.addi %add3A_3727, %xor3A_3735 : vector<64x128xi32>
      %shift_left3A_3737 = arith.constant 26 : i32
      %shift_left3A_3738 = vector.broadcast %shift_left3A_3737 : i32 to vector<64x128xi32>
      %shift_left3A_3739 = arith.shli %xor3A_3735, %shift_left3A_3738 : vector<64x128xi32>
      %shift_right_logical3A_3740 = arith.constant 6 : i32
      %shift_right_logical3A_3741 = vector.broadcast %shift_right_logical3A_3740 : i32 to vector<64x128xi32>
      %shift_right_logical3A_3742 = arith.shrui %xor3A_3735, %shift_right_logical3A_3741 : vector<64x128xi32>
      %or3A_3743 = arith.ori %shift_left3A_3739, %shift_right_logical3A_3742 : vector<64x128xi32>
      %xor3A_3744 = arith.xori %or3A_3743, %add3A_3736 : vector<64x128xi32>
      %add3A_3745 = arith.addi %add3A_3736, %xor3A_3744 : vector<64x128xi32>
      %shift_left3A_3746 = arith.constant 6 : i32
      %shift_left3A_3747 = vector.broadcast %shift_left3A_3746 : i32 to vector<64x128xi32>
      %shift_left3A_3748 = arith.shli %xor3A_3744, %shift_left3A_3747 : vector<64x128xi32>
      %shift_right_logical3A_3749 = arith.constant 26 : i32
      %shift_right_logical3A_3750 = vector.broadcast %shift_right_logical3A_3749 : i32 to vector<64x128xi32>
      %shift_right_logical3A_3751 = arith.shrui %xor3A_3744, %shift_right_logical3A_3750 : vector<64x128xi32>
      %or3A_3752 = arith.ori %shift_left3A_3748, %shift_right_logical3A_3751 : vector<64x128xi32>
      %xor3A_3753 = arith.xori %or3A_3752, %add3A_3745 : vector<64x128xi32>
      %add3A_3754 = arith.constant -2045582813 : i32
      %add3A_3755 = vector.broadcast %add3A_3754 : i32 to vector<64x128xi32>
      %add3A_3756 = arith.addi %add3A_3745, %add3A_3755 : vector<64x128xi32>
      %add3A_3757 = arith.constant -1829035793 : i32
      %add3A_3758 = vector.broadcast %add3A_3757 : i32 to vector<64x128xi32>
      %add3A_3759 = arith.addi %xor3A_3753, %add3A_3758 : vector<64x128xi32>
      %xor3A_3760 = arith.xori %add3A_3756, %add3A_3759 : vector<64x128xi32>
      %shift_right_logical3A_3761 = arith.constant 9 : i32
      %shift_right_logical3A_3762 = vector.broadcast %shift_right_logical3A_3761 : i32 to vector<64x128xi32>
      %shift_right_logical3A_3763 = arith.shrui %xor3A_3760, %shift_right_logical3A_3762 : vector<64x128xi32>
      %or3A_3764 = arith.constant 1065353216 : i32
      %or3A_3765 = vector.broadcast %or3A_3764 : i32 to vector<64x128xi32>
      %or3A_3766 = arith.ori %shift_right_logical3A_3763, %or3A_3765 : vector<64x128xi32>
      %bitcast_convert_type3A_3767 = tpu.bitcast %or3A_3766 : vector<64x128xi32> -> vector<64x128xf32>
      %sub3A_3768 = arith.constant 1.000000e+00 : f32
      %sub3A_3769 = vector.broadcast %sub3A_3768 : f32 to vector<64x128xf32>
      %sub3A_3770 = arith.subf %bitcast_convert_type3A_3767, %sub3A_3769 : vector<64x128xf32>
      %log3A_3771 = math.log %sub3A_3770 : vector<64x128xf32>
      %slice3A_3772 = vector.extract_strided_slice %get3A_1907 {offsets = [7, 0], sizes = [1, 128], strides = [1, 1]} : vector<8x128xf32> to vector<1x128xf32>
      %broadcast_in_dim3A_3773 = vector.shape_cast %slice3A_3772 : vector<1x128xf32> to vector<1x128xf32>
      %broadcast_in_dim3A_3774 = vector.broadcast %broadcast_in_dim3A_3773 : vector<1x128xf32> to vector<64x128xf32>
      %mul3A_3775 = arith.mulf %log3A_3771, %broadcast_in_dim3A_3774 : vector<64x128xf32>
      %lt3A_3776 = arith.cmpf olt, %mul3A_3775, %select_n3A_3543 : vector<64x128xf32>
      %select_n3A_3777 = arith.select %lt3A_3776, %mul3A_3775, %select_n3A_3543 : vector<64x128xi1>, vector<64x128xf32>
      %broadcast_in_dim3A_3778 = vector.broadcast %add3A_3547 : i32 to vector<64x128xi32>
      %select_n3A_3779 = arith.select %lt3A_3776, %broadcast_in_dim3A_3778, %select_n3A_3545 : vector<64x128xi1>, vector<64x128xi32>
      scf.yield %select_n3A_3777, %select_n3A_3779 : vector<64x128xf32>, vector<64x128xi32>
    }
    %scan3A_27 = arith.constant 2048 : i32
    %swap3A = arith.constant 0 : index
    %swap3A_28 = arith.constant 0 : index
    %swap3A_29 = vector.load %arg2[%swap3A, %swap3A_28] : memref<64x128xi32, #tpu.memory_space<vmem>>, vector<64x128xi32>
    tpu.vector_store %arg2[%swap3A, %swap3A_28], %scan3A_26#1 {strides = array<i32>} : memref<64x128xi32, #tpu.memory_space<vmem>>, vector<64x128xi32>,
    return
  }
  func.func @transform_0(%arg0: i32) -> (i32, i32) {
    %c0_i32 = arith.constant 0 : i32
    %c0_i32_0 = arith.constant 0 : i32
    %c0_i32_1 = arith.constant 0 : i32
    return %c0_i32, %c0_i32_0 : i32, i32
  }
  func.func @transform_1(%arg0: i32) -> (i32, i32) {
    %c0_i32 = arith.constant 0 : i32
    %c0_i32_0 = arith.constant 0 : i32
    return %arg0, %c0_i32 : i32, i32
  }
}

</mosaic_0001>

<sc_bundles>
// kernel: kernel.8.cloned.1.call-start
scs
__scs_entry_jumppad:
0x0: {  	(pc) =	sbr.rel $0x88, $3  }
0x1: {  	(tag) =	ssettag $0x0;
	lr =	simm.s32 $0x1  }
0x2: {  	[smem:$0x3F8B] =	sst lr;
	_ =	strace $0xD0000000  }
0x3: {  	_ = 	snop  }
0x4: {  	_ = 	snop  }
0x5: {  	_ = 	snop  }
0x6: {  	_ = 	snop  }
0x7: {  	_ = 	snop  }
__scs_overlays_trampoline_lowered:
0x8: {  	[smem:$0x3F9A] =	sst s0  }
0x9: {  	[smem:$0x3F9B] =	sst s1  }
0xa: {  	[smem:$0x3F9C] =	sst s2  }
0xb: {  	[smem:$0x3F9D] =	sst s3  }
0xc: {  	[smem:$0x3F9E] =	sst s4  }
0xd: {  	[smem:$0x3F9F] =	sst s5  }
0xe: {  	[smem:$0x3FA0] =	sst s6  }
0xf: {  	[smem:$0x3FA1] =	sst s7  }
0x10: {  	[smem:$0x3FA2] =	sst s8  }
0x11: {  	[smem:$0x3FA3] =	sst s9;
	s0 =	simm.s32 @!p0 $0x0  }
0x12: {  	s1 =	sld [smem:$0x3F89];
	s0 =	simm.s32 @p0 $0x1  }
0x13: {  	[smem:$0x3FA4] =	sst s0;
	s0 =	simm.s32 @!p1 $0x0  }
0x14: {  	s2 =	sld [smem:$0x3F88];
	s0 =	simm.s32 @p1 $0x1  }
0x15: {  	[smem:$0x3FA5] =	sst s0;
	s0 =	simm.s32 @!p2 $0x0  }
0x16: {  	s3 =	sld [smem:$0x3FDB];
	s0 =	simm.s32 @p2 $0x1  }
0x17: {  	s4 =	simm.s32 $0x1BF5;
	[smem:$0x3FA7] =	sst s0  }
0x18: {  	s0 =	sld [smem:$0x3F8A];
	_ =	swait.ge [sflag:s4], $0x0  }
0x19: {  	s7 =	sld [smem:$0x3F8B]  }
0x1a: {  	s8 =	sadd.s32 $0xFFFFE003, lr  }
0x1b: {  	s9 =	sadd.s32 $0xFFFFFEF7, lr;
	s5 =	simm.s32 $0xFFFFFFFF;
	p2 =	slt.u32 s8, $0xFFFFF086  }
0x1c: {  	p1 =	slt.u32 s9, $0xF7A;
	s5 =	simm.s32 @!p2 $0x0  }
0x1d: {  	s5 =	simm.s32 @p1 $0x1;
	p0 =	seq.s32 s7, s2  }
0x1e: {  	s7 =	smul.u32 @!p0 $0xF7A, s2;
	p2 =	seq.s32 @!p0 s5, $0x0  }
0x1f: {  	s9 =	smul.u32 $0xF7A, s1;
	s8 =	simm.s32 @!p0 $0x1BF5;
	p2 =	por !p2, p0  }
0x20: {  	[sflag:s8] =	ssyncset.s32 @!p0 $0xFFFFF086;
	s6 =	sadd.s32 @!p0 s3, s7;
	s7 =	simm.s32 @!p0 $0x108  }
0x21: {  	s3 =	sadd.s32 s3, s9;
	s6 =	sadd.s32 @!p0 $0x88, s6;
	s7 =	simm.s32 @p2 $0x1082  }
0x22: {  	[simem:s7], [sflag:s8] =	dma.local @!p0 [hbm:s6], $0xF7A  }
0x23: {  	s9 =	sor.u32 $0xD0000000, s2;
	s6 =	simm.s32 $0x108;
	_ =	swait.ge @!p0 [sflag:s8], $0x0  }
0x24: {  	s3 =	sadd.s32 $0x88, s3;
	s6 =	simm.s32 @!p1 $0x1082;
	[sflag:s4] =	ssyncset.s32 $0xFFFFF086  }
0x25: {  	[simem:s6], [sflag:s4] =	dma.local [hbm:s3], $0xF7A  }
0x26: {  	[smem:$0x3F8B] =	sst s1;
	(tag) =	ssettag s2;
	_ =	strace s9  }
0x27: {  	s1 =	sld [smem:$0x3F9B]  }
0x28: {  	s2 =	sld [smem:$0x3F9C]  }
0x29: {  	s4 =	sld [smem:$0x3F9E]  }
0x2a: {  	p0 =	seq.s32 s5, $0x0;
	s5 =	sld [smem:$0x3F9F]  }
0x2b: {  	s6 =	sld [smem:$0x3FA0]  }
0x2c: {  	s7 =	sld [smem:$0x3FA1]  }
0x2d: {  	s3 =	simm.s32 $0x108;
	s8 =	sld [smem:$0x3FA2]  }
0x2e: {  	s3 =	simm.s32 @!p0 $0x1082;
	s9 =	sld [smem:$0x3FA3]  }
0x2f: {  	lr =	sadd.s32 s0, s3;
	s0 =	sld [smem:$0x3F9A]  }
0x30: {  	s3 =	sld [smem:$0x3F9D]  }
0x31: {  	[smem:$0x3FA6] =	sst s10  }
0x32: {  	s10 =	sld [smem:$0x3FA4];
	_ =	sdelay $0x3  }
0x33: {  	p0 =	seq.s32 s10, $0x1;
	s10 =	sld [smem:$0x3FA6];
	_ =	sdelay $0x3  }
0x34: {  	[smem:$0x3FA6] =	sst s10  }
0x35: {  	s10 =	sld [smem:$0x3FA5];
	_ =	sdelay $0x3  }
0x36: {  	p1 =	seq.s32 s10, $0x1;
	s10 =	sld [smem:$0x3FA6];
	_ =	sdelay $0x3  }
0x37: {  	[smem:$0x3FA6] =	sst s10  }
0x38: {  	s10 =	sld [smem:$0x3FA7]  }
0x39: {  	_ = 	snop;
	(pc) =	sbr.ind lr, $3  }
0x3a: {  	_ = 	snop  }
0x3b: {  	_ = 	snop  }
0x3c: {  	p2 =	seq.s32 s10, $0x1;
	s10 =	sld [smem:$0x3FA6]  }
0x3d: {  	_ =	shalt  }
0x3e: {  	_ =	shalt  }
0x3f: {  	_ =	shalt  }
0x40: {  	_ =	shalt  }
0x41: {  	_ =	shalt  }
0x42: {  	_ =	shalt  }
0x43: {  	_ =	shalt  }
0x44: {  	_ =	shalt  }
0x45: {  	_ =	shalt  }
0x46: {  	_ =	shalt  }
0x47: {  	_ =	shalt  }
0x48: {  	_ =	shalt  }
0x49: {  	_ =	shalt  }
0x4a: {  	_ =	shalt  }
0x4b: {  	_ =	shalt  }
0x4c: {  	_ =	shalt  }
0x4d: {  	_ =	shalt  }
0x4e: {  	_ =	shalt  }
0x4f: {  	_ =	shalt  }
0x50: {  	_ =	shalt  }
0x51: {  	_ =	shalt  }
0x52: {  	_ =	shalt  }
0x53: {  	_ =	shalt  }
0x54: {  	_ =	shalt  }
0x55: {  	_ =	shalt  }
0x56: {  	_ =	shalt  }
0x57: {  	_ =	shalt  }
0x58: {  	_ =	shalt  }
0x59: {  	_ =	shalt  }
0x5a: {  	_ =	shalt  }
0x5b: {  	_ =	shalt  }
0x5c: {  	_ =	shalt  }
0x5d: {  	_ =	shalt  }
0x5e: {  	_ =	shalt  }
0x5f: {  	_ =	shalt  }
0x60: {  	_ =	shalt  }
0x61: {  	_ =	shalt  }
0x62: {  	_ =	shalt  }
0x63: {  	_ =	shalt  }
0x64: {  	_ =	shalt  }
0x65: {  	_ =	shalt  }
0x66: {  	_ =	shalt  }
0x67: {  	_ =	shalt  }
0x68: {  	_ =	shalt  }
0x69: {  	_ =	shalt  }
0x6a: {  	_ =	shalt  }
0x6b: {  	_ =	shalt  }
0x6c: {  	_ =	shalt  }
0x6d: {  	_ =	shalt  }
0x6e: {  	_ =	shalt  }
0x6f: {  	_ =	shalt  }
0x70: {  	_ =	shalt  }
0x71: {  	_ =	shalt  }
0x72: {  	_ =	shalt  }
0x73: {  	_ =	shalt  }
0x74: {  	_ =	shalt  }
0x75: {  	_ =	shalt  }
0x76: {  	_ =	shalt  }
0x77: {  	_ =	shalt  }
0x78: {  	_ =	shalt  }
0x79: {  	_ =	shalt  }
0x7a: {  	_ =	shalt  }
0x7b: {  	_ =	shalt  }
0x7c: {  	_ =	shalt  }
0x7d: {  	_ =	shalt  }
0x7e: {  	_ =	shalt  }
0x7f: {  	_ =	shalt  }
0x80: {  	_ =	shalt  }
0x81: {  	_ =	shalt  }
0x82: {  	_ =	shalt  }
0x83: {  	_ =	shalt  }
0x84: {  	_ =	shalt  }
0x85: {  	_ =	shalt  }
0x86: {  	_ =	shalt  }
0x87: {  	_ =	shalt  }
.Lfunc_end0:
.L_simem_size_0:
called_computation_lowered:
.L_overlay_start_0:
0x88: {  	s2 =	sld [smem:$0x3FD9]  }
0x89: {  	s3 =	sld [smem:$0x3FFE];
	_ =	sdelay $0x1  }
0x8a: {  	s1 =	srdreg.scid  }
0x8b: {  	s0 =	sand.u32 $0x1, s1  }
0x8c: {  	s14 =	sshll.u32 s0, $0xA;
	s2 =	sadd.s32 s3, s2  }
0x8d: {  	s2 =	sadd.s32 s2, s14  }
0x8e: {  	[smem:$0x3FB2] =	sst s2  }
0x8f: {  	_ = 	snop  }
0x90: {  	s2 =	sld [smem:$0x3FD0];
	_ =	sdelay $0x2  }
0x91: {  	s15 =	simm.s32 $0xA;
	s4 =	simm.s32 $0x10  }
0x92: {  	[smem:s4], [sflag:s15] =	dma.local [hbm:s2], $0x1  }
0x93: {  	_ =	swait.eq [sflag:s15], $0x1  }
0x94: {  	[sflag:s15] =	ssyncset.done $0x0  }
0x95: {  	s16 =	sld [smem:$0x11];
	[sflag:s15] =	ssyncadd.s32 $0xFFFFFFFF  }
0x96: {  	s17 =	sld [smem:$0x12];
	(tm) =	ssettm $0x1  }
0x97: {  	s18 =	sld [smem:$0x3FFB];
	_ =	sdelay $0x3  }
0x98: {  	_ =	strace s18  }
0x99: {  	s4 =	sld [smem:$0x3FFC];
	_ =	sdelay $0x3  }
0x9a: {  	_ =	strace s4  }
0x9b: {  	s4 =	sld [smem:$0x3FFD];
	_ =	sdelay $0x3  }
0x9c: {  	_ =	strace s4  }
0x9d: {  	_ =	strace $0x8FFFFFFF  }
0x9e: {  	s19 =	sld [smem:$0x3FDB];
	_ =	sdelay $0x1  }
0x9f: {  	s5 =	simm.s32 $_scs_section_size  }
0xa0: {  	s6 =	simm.s32 $_size__tile_overlayer_lowered;
	s7 =	simm.s32 $_tile_overlayer_lowered  }
0xa1: {  	s22 =	simm.s32 $0x1BFF;
	s21 =	sshll.u32 s7, $0x1;
	s4 =	sadd.s32 s5, s19  }
0xa2: {  	s8 =	simm.s32 $0x0;
	s20 =	sshll.u32 s6, $0x1;
	s6 =	sadd.s32 s21, s4  }
0xa3: {  	[timem:s8], [sflag:s22] =	dma.local [hbm:s6], s20  }
0xa4: {  	_ =	swait.ge [sflag:s22], s20  }
0xa5: {  	s5 =	ssub.s32 $0x0, s20;
	[sflag:s22] =	ssyncset.done $0x0  }
0xa6: {  	[sflag:s22] =	ssyncadd.s32 s5;
	_ =	sdelay $0x1  }
0xa7: {  	s23 =	simm.s32 $0x1B8B  }
0xa8: {  	_ =	swait.ge [sflag:s23], $0x1  }
0xa9: {  	[sflag:s23] =	ssyncset.done $0x0  }
0xaa: {  	s25 =	simm.s32 $0x1B8E;
	s24 =	sld [smem:$0x3FFE];
	[sflag:s23] =	ssyncadd.s32 $0xFFFFFFFF  }
0xab: {  	s26 =	simm.s32 $execute0_lowered;
	[smem:$0x3FD2] =	sst s25  }
0xac: {  	s6 =	sshll.u32 s26, $0x1;
	_ =	strace $0x80000046;
	[dreg:$0x1] =	wrdreg $0xFFFFFFFF  }
0xad: {  	s28 =	simm.s32 $_size_execute0_lowered;
	s4 =	sadd.s32 s4, s6;
	[dreg:$0x0] =	wrdreg $0x0  }
0xae: {  	s6 =	sshll.u32 s28, $0x1;
	[dreg:$0x2] =	wrdreg s4  }
0xaf: {  	[dreg:$0x3] =	wrdreg s6  }
0xb0: {  	[dreg:$0x4] =	wrdreg $0xC0  }
0xb1: {  	_ =	task [dreg:s8], $0x5FFFF  }
0xb2: {  	[dreg:$0x1] =	wrdreg $0xFFFFFFFF  }
0xb3: {  	[dreg:$0x0] =	wrdreg $0x60  }
0xb4: {  	[dreg:$0x2] =	wrdreg s24  }
0xb5: {  	[dreg:$0x3] =	wrdreg s17  }
0xb6: {  	[dreg:$0x4] =	wrdreg s16  }
0xb7: {  	[dreg:$0x5] =	wrdreg $0x9  }
0xb8: {  	_ =	task.clear_ibuf [dreg:s8], $0x6FFFF;
	_ =	strace $0x90000046  }
0xb9: {  	s29 =	simm.s32 $0x9;
	_ =	strace $0x80000048  }
0xba: {  	_ =	swait.ge [sflag:s29], $0x1  }
0xbb: {  	[sflag:s29] =	ssyncadd.s32 $0xFFFFFFFF  }
0xbc: {  	_ =	strace $0x90000048  }
0xbd: {  	_ =	sfence  }
0xbe: {  	s30 =	sld [smem:$0x0];
	_ =	sdelay $0x2  }
0xbf: {  	s31 =	sshll.u32 s1, $0xD;
	s1 =	sshrl.u32 s1, $0x2  }
0xc0: {  	s3 =	sand.u32 $0x4000, s31;
	s1 =	sadd.s32 s1, s30  }
0xc1: {  	s0 =	sor.u32 s3, s0;
	s1 =	sshll.u32 s1, $0x11  }
0xc2: {  	s0 =	sor.u32 s1, s0  }
0xc3: {  	s0 =	sadd.s32 $0x8F2B, s0  }
0xc4: {  	[sflag:s0] =	ssyncadd.remote.s32 $0x1  }
0xc5: {  	_ =	sfence.sel $0xFFFF  }
0xc6: {  	[dreg:$0x0] =	wrdreg $0xFFFFFFFF;
	(pc) =	sbr.abs _section_cstart, $3  }
0xc7: {  	[dreg:$0x1] =	wrdreg $0xFFFFFFFF  }
0xc8: {  	_ =	task.clear_ibuf [dreg:s8], $0x2FFFF;
	_ =	strace $0x9FFFFFFF  }
0xc9: {  	(tm) =	ssettm $0x7FFFFFFF  }
tec
execute0_lowered:
.L_overlay_start_1:
0x0: {  	(tag) =	ssettag $0x1  }
0x1: {  	s1 =	rddreg [dreg:$0x0]  }
0x2: {  	s0 =	simm.s32 $0x0;
	s2 =	srdreg.scid;
	s31 =	rddreg [dreg:$0x2]  }
0x3: {  	s7 =	stileid.u32;
	[smem:$0x7FF] =	sst s0  }
0x4: {  	s2 =	sand.u32 $0x1, s2;
	s3 =	sadd.s32 $0x63800, s1;
	s5 =	sshll.u32 s7, $0x11  }
0x5: {  	s7 =	sshll.u32 s7, $0x10;
	s23 =	ssub.s32 $0x2, s2;
	s2 =	sshll.u32 s2, $0x9  }
0x6: {  	s6 =	sor.u32 $0x200000, s5;
	s15 =	sor.u32 $0x200000, s7;
	s4 =	sshrl.u32 s23, $0x1  }
0x7: {  	s24 =	sor.u32 s2, s5;
	s8 =	sor.u32 s2, s6;
	s9 =	sor.u32 s2, s7  }
0x8: {  	s14 =	sor.u32 $0x80, s2;
	s17 =	sor.u32 s2, s15;
	s19 =	sor.u32 $0x100, s2  }
0x9: {  	s1 =	ssub.s32 s23, s4;
	s4 =	sshrl.u32 s24, $0x3;
	s25 =	sshrl.u32 s8, $0x3  }
0xa: {  	s8 =	sor.u32 $0x400000, s5;
	s11 =	sor.u32 s5, s14;
	s18 =	sor.u32 s7, s14  }
0xb: {  	s20 =	sor.u32 s5, s19;
	s22 =	sor.u32 s19, s6;
	s9 =	sshrl.u32 s9, $0x3  }
0xc: {  	s4 =	sadd.s32 s3, s4;
	s10 =	sor.u32 s2, s8;
	s26 =	sshrl.u32 s11, $0x3  }
0xd: {  	s11 =	sor.u32 s14, s6;
	s12 =	sor.u32 s14, s8;
	s21 =	sshrl.u32 s20, $0x3  }
0xe: {  	s23 =	sshrl.u32 s22, $0x3;
	s24 =	sor.u32 s19, s8;
	s20 =	sor.u32 s14, s15  }
0xf: {  	[dreg:$0x4] =	wrdreg s4;
	s4 =	sadd.s32 s3, s25;
	s10 =	sshrl.u32 s10, $0x3  }
0x10: {  	s13 =	sshrl.u32 s12, $0x3;
	s25 =	sshrl.u32 s24, $0x3;
	s24 =	sor.u32 s19, s15  }
0x11: {  	[dreg:$0x5] =	wrdreg s4;
	s4 =	sor.u32 $0x100000, s7;
	s10 =	sadd.s32 s3, s10  }
0x12: {  	s16 =	sor.u32 s2, s4;
	[dreg:$0x6] =	wrdreg s10;
	s10 =	sadd.s32 s3, s26  }
0x13: {  	s2 =	sor.u32 $0x180, s2;
	[dreg:$0x7] =	wrdreg s10;
	s10 =	sshrl.u32 s11, $0x3  }
0x14: {  	s5 =	sor.u32 s5, s2;
	s6 =	sor.u32 s2, s6;
	s8 =	sor.u32 s2, s8  }
0x15: {  	s22 =	sshrl.u32 s16, $0x3;
	s10 =	sadd.s32 s3, s10;
	s5 =	sshrl.u32 s5, $0x3  }
0x16: {  	s6 =	sshrl.u32 s6, $0x3;
	s26 =	sshrl.u32 s8, $0x3;
	s8 =	sor.u32 s19, s4  }
0x17: {  	s16 =	sadd.s32 s31, s22;
	[dreg:$0x8] =	wrdreg s10;
	s10 =	sadd.s32 s3, s13  }
0x18: {  	s11 =	sadd.s32 s3, s5;
	s12 =	sadd.s32 s3, s6;
	s13 =	sadd.s32 s3, s26  }
0x19: {  	s6 =	sor.u32 s14, s4;
	s4 =	sor.u32 s2, s4;
	s26 =	rddreg [dreg:$0x1]  }
0x1a: {  	s5 =	sshrl.u32 s20, $0x3;
	[dreg:$0x9] =	wrdreg s10;
	s10 =	sadd.s32 s3, s21  }
0x1b: {  	s21 =	sor.u32 s7, s19;
	s7 =	sor.u32 s7, s2;
	s2 =	sor.u32 s2, s15  }
0x1c: {  	s14 =	sadd.s32 s26, s9;
	s15 =	sadd.s32 s31, s9;
	[dreg:$0xa] =	wrdreg s10  }
0x1d: {  	s10 =	sadd.s32 s3, s23;
	s23 =	sshrl.u32 s17, $0x3;
	s9 =	sshrl.u32 s7, $0x3  }
0x1e: {  	s2 =	sshrl.u32 s2, $0x3;
	[dreg:$0xb] =	wrdreg s10;
	s10 =	sadd.s32 s3, s25  }
0x1f: {  	s25 =	sshrl.u32 s18, $0x3;
	s17 =	sadd.s32 s31, s23;
	s3 =	sshrl.u32 s6, $0x3  }
0x20: {  	s6 =	sshrl.u32 s21, $0x3;
	s21 =	sadd.s32 s31, s5;
	s28 =	sadd.s32 s26, s9  }
0x21: {  	s29 =	sadd.s32 s31, s9;
	s5 =	simm.s32 $0x6000;
	s18 =	sadd.s32 s26, s25  }
0x22: {  	s19 =	sadd.s32 s31, s25;
	s20 =	sadd.s32 s31, s3;
	s22 =	sadd.s32 s26, s6  }
0x23: {  	s23 =	sadd.s32 s31, s6;
	s6 =	sshrl.u32 s8, $0x3;
	s8 =	sshrl.u32 s24, $0x3  }
0x24: {  	s26 =	sshrl.u32 s4, $0x3;
	_ =	strace $0x80000047;
	s3 =	simm.s32 $0x4000  }
0x25: {  	s4 =	simm.s32 $0x1;
	s24 =	sadd.s32 s31, s6;
	s25 =	sadd.s32 s31, s8  }
0x26: {  	s30 =	sadd.s32 s31, s26;
	s31 =	sadd.s32 s31, s2;
	s26 =	smax.u32 s1, $0x1  }
0x27: {  	s1 =	simm.s32 $0x80;
	s2 =	simm.s32 $0x400;
	s6 =	simm.s32 $0x0  }
.LBB2_1:
0x28: {  	[tilespmem:s3], [sflag:$0x1] =	stream.strided.gather [hbm4b:s14+s1], $0x2000, s2, s1, $0x38;
	[tilespmem:$0x8000] =	vst v63  }
0x29: {  	_ =	swait.ge [sflag:s4], $0x2000  }
0x2a: {  	[sflag:s4] =	ssyncset.done $0x0  }
0x2b: {  	s7 =	rddreg [dreg:$0x4];
	[sflag:s4] =	ssyncadd.s32 $0xFFFFE000  }
0x2c: {  	[tilespmem:s0], [sflag:$0x1] =	stream.strided.gather [hbm4b:s7+s1], $0x4000, s2, s1, $0x38;
	[tilespmem:$0x8000] =	vst v63  }
0x2d: {  	_ =	swait.ge [sflag:s4], $0x4000  }
0x2e: {  	[sflag:s4] =	ssyncset.done $0x0  }
0x2f: {  	s7 =	simm.s32 $0x0;
	[sflag:s4] =	ssyncadd.s32 $0xFFFFC000  }
0x30: {  	v0 =	vld [tilespmem:s7+$0x4000];
	_ =	sdelay $0x7  }
0x31: {  	s8 =	simm.s32 $0x10;
	s9 =	simm.s32 $0x80;
	v0 =	vld.idx.msk [tilespmem:v0+s0+$0x0], $0xffff  }
.LBB2_2:
0x32: {  	p0 =	sne.s32 s9, $0x7FC0;
	v1 =	vld [tilespmem:s8+$0x4000];
	_ =	sdelay $0x3  }
.Ltmp0:
0x33: {  	(pc) =	sbr.rel @p0 .LBB2_2-.Ltmp0, $2  }
0x34: {  	[tilespmem:s7+$0x6000] =	vst v0;
	s7 =	smov.u32 s8;
	_ =	sdelay $0x2  }
0x35: {  	s8 =	sshra.s32 s9, $0x2;
	s9 =	sadd.s32 $0x40, s9;
	v0 =	vld.idx.msk [tilespmem:v1+s0+$0x0], $0xffff  }
0x36: {  	v1 =	vld [tilespmem:s8+$0x4000];
	_ =	sdelay $0x6  }
0x37: {  	[tilespmem:s7+$0x6000] =	vst v0  }
0x38: {  	v0 =	vld.idx.msk [tilespmem:v1+s0+$0x0], $0xffff;
	_ =	sdelay $0x4  }
0x39: {  	[tilespmem:s8+$0x6000] =	vst v0  }
0x3a: {  	[hbm4b:s15+s1] =	stream.strided.scatter [tilespmem:s5], [sflag:$0x1], $0x2000, s2, s1, $0x38;
	[tilespmem:$0x8000] =	vst v63  }
0x3b: {  	_ =	swait.ge [sflag:s4], $0x2000  }
0x3c: {  	[sflag:s4] =	ssyncset.done $0x0  }
0x3d: {  	s8 =	simm.s32 $0x0;
	s9 =	rddreg [dreg:$0x5];
	[sflag:s4] =	ssyncadd.s32 $0xFFFFE000  }
0x3e: {  	[tilespmem:s8], [sflag:$0x1] =	stream.strided.gather [hbm4b:s9+s1], $0x4000, s2, s1, $0x38;
	[tilespmem:$0x8000] =	vst v63  }
0x3f: {  	_ =	swait.ge [sflag:s4], $0x4000  }
0x40: {  	[sflag:s4] =	ssyncset.done $0x0  }
0x41: {  	s7 =	simm.s32 $0x0;
	[sflag:s4] =	ssyncadd.s32 $0xFFFFC000  }
0x42: {  	v0 =	vld [tilespmem:s7+$0x4000];
	_ =	sdelay $0x7  }
0x43: {  	s8 =	simm.s32 $0x10;
	s9 =	simm.s32 $0x80;
	v0 =	vld.idx.msk [tilespmem:v0+s0+$0x0], $0xffff  }
.LBB2_4:
0x44: {  	p0 =	sne.s32 s9, $0x7FC0;
	v1 =	vld [tilespmem:s8+$0x4000];
	_ =	sdelay $0x3  }
.Ltmp1:
0x45: {  	(pc) =	sbr.rel @p0 .LBB2_4-.Ltmp1, $2  }
0x46: {  	[tilespmem:s7+$0x6000] =	vst v0;
	s7 =	smov.u32 s8;
	_ =	sdelay $0x2  }
0x47: {  	s8 =	sshra.s32 s9, $0x2;
	s9 =	sadd.s32 $0x40, s9;
	v0 =	vld.idx.msk [tilespmem:v1+s0+$0x0], $0xffff  }
0x48: {  	v1 =	vld [tilespmem:s8+$0x4000];
	_ =	sdelay $0x6  }
0x49: {  	[tilespmem:s7+$0x6000] =	vst v0  }
0x4a: {  	v0 =	vld.idx.msk [tilespmem:v1+s0+$0x0], $0xffff;
	_ =	sdelay $0x4  }
0x4b: {  	[tilespmem:s8+$0x6000] =	vst v0  }
0x4c: {  	[hbm4b:s16+s1] =	stream.strided.scatter [tilespmem:s5], [sflag:$0x1], $0x2000, s2, s1, $0x38;
	[tilespmem:$0x8000] =	vst v63  }
0x4d: {  	_ =	swait.ge [sflag:s4], $0x2000  }
0x4e: {  	[sflag:s4] =	ssyncset.done $0x0  }
0x4f: {  	s8 =	simm.s32 $0x0;
	s9 =	rddreg [dreg:$0x6];
	[sflag:s4] =	ssyncadd.s32 $0xFFFFE000  }
0x50: {  	[tilespmem:s8], [sflag:$0x1] =	stream.strided.gather [hbm4b:s9+s1], $0x4000, s2, s1, $0x38;
	[tilespmem:$0x8000] =	vst v63  }
0x51: {  	_ =	swait.ge [sflag:s4], $0x4000  }
0x52: {  	[sflag:s4] =	ssyncset.done $0x0  }
0x53: {  	s7 =	simm.s32 $0x0;
	[sflag:s4] =	ssyncadd.s32 $0xFFFFC000  }
0x54: {  	v0 =	vld [tilespmem:s7+$0x4000];
	_ =	sdelay $0x7  }
0x55: {  	s8 =	simm.s32 $0x10;
	s9 =	simm.s32 $0x80;
	v0 =	vld.idx.msk [tilespmem:v0+s0+$0x0], $0xffff  }
.LBB2_6:
0x56: {  	p0 =	sne.s32 s9, $0x7FC0;
	v1 =	vld [tilespmem:s8+$0x4000];
	_ =	sdelay $0x3  }
.Ltmp2:
0x57: {  	(pc) =	sbr.rel @p0 .LBB2_6-.Ltmp2, $2  }
0x58: {  	[tilespmem:s7+$0x6000] =	vst v0;
	s7 =	smov.u32 s8;
	_ =	sdelay $0x2  }
0x59: {  	s8 =	sshra.s32 s9, $0x2;
	s9 =	sadd.s32 $0x40, s9;
	v0 =	vld.idx.msk [tilespmem:v1+s0+$0x0], $0xffff  }
0x5a: {  	v1 =	vld [tilespmem:s8+$0x4000];
	_ =	sdelay $0x6  }
0x5b: {  	[tilespmem:s7+$0x6000] =	vst v0  }
0x5c: {  	v0 =	vld.idx.msk [tilespmem:v1+s0+$0x0], $0xffff;
	_ =	sdelay $0x4  }
0x5d: {  	[tilespmem:s8+$0x6000] =	vst v0  }
0x5e: {  	[hbm4b:s17+s1] =	stream.strided.scatter [tilespmem:s5], [sflag:$0x1], $0x2000, s2, s1, $0x38;
	[tilespmem:$0x8000] =	vst v63  }
0x5f: {  	_ =	swait.ge [sflag:s4], $0x2000  }
0x60: {  	[sflag:s4] =	ssyncset.done $0x0  }
0x61: {  	[sflag:s4] =	ssyncadd.s32 $0xFFFFE000  }
0x62: {  	[tilespmem:s3], [sflag:$0x1] =	stream.strided.gather [hbm4b:s18+s1], $0x2000, s2, s1, $0x38;
	[tilespmem:$0x8000] =	vst v63  }
0x63: {  	_ =	swait.ge [sflag:s4], $0x2000  }
0x64: {  	[sflag:s4] =	ssyncset.done $0x0  }
0x65: {  	s8 =	simm.s32 $0x0;
	s9 =	rddreg [dreg:$0x7];
	[sflag:s4] =	ssyncadd.s32 $0xFFFFE000  }
0x66: {  	[tilespmem:s8], [sflag:$0x1] =	stream.strided.gather [hbm4b:s9+s1], $0x4000, s2, s1, $0x38;
	[tilespmem:$0x8000] =	vst v63  }
0x67: {  	_ =	swait.ge [sflag:s4], $0x4000  }
0x68: {  	[sflag:s4] =	ssyncset.done $0x0  }
0x69: {  	s7 =	simm.s32 $0x0;
	[sflag:s4] =	ssyncadd.s32 $0xFFFFC000  }
0x6a: {  	v0 =	vld [tilespmem:s7+$0x4000];
	_ =	sdelay $0x7  }
0x6b: {  	s8 =	simm.s32 $0x10;
	s9 =	simm.s32 $0x80;
	v0 =	vld.idx.msk [tilespmem:v0+s0+$0x0], $0xffff  }
.LBB2_8:
0x6c: {  	p0 =	sne.s32 s9, $0x7FC0;
	v1 =	vld [tilespmem:s8+$0x4000];
	_ =	sdelay $0x3  }
.Ltmp3:
0x6d: {  	(pc) =	sbr.rel @p0 .LBB2_8-.Ltmp3, $2  }
0x6e: {  	[tilespmem:s7+$0x6000] =	vst v0;
	s7 =	smov.u32 s8;
	_ =	sdelay $0x2  }
0x6f: {  	s8 =	sshra.s32 s9, $0x2;
	s9 =	sadd.s32 $0x40, s9;
	v0 =	vld.idx.msk [tilespmem:v1+s0+$0x0], $0xffff  }
0x70: {  	v1 =	vld [tilespmem:s8+$0x4000];
	_ =	sdelay $0x6  }
0x71: {  	[tilespmem:s7+$0x6000] =	vst v0  }
0x72: {  	v0 =	vld.idx.msk [tilespmem:v1+s0+$0x0], $0xffff;
	_ =	sdelay $0x4  }
0x73: {  	[tilespmem:s8+$0x6000] =	vst v0  }
0x74: {  	[hbm4b:s19+s1] =	stream.strided.scatter [tilespmem:s5], [sflag:$0x1], $0x2000, s2, s1, $0x38;
	[tilespmem:$0x8000] =	vst v63  }
0x75: {  	_ =	swait.ge [sflag:s4], $0x2000  }
0x76: {  	[sflag:s4] =	ssyncset.done $0x0  }
0x77: {  	s8 =	simm.s32 $0x0;
	s9 =	rddreg [dreg:$0x8];
	[sflag:s4] =	ssyncadd.s32 $0xFFFFE000  }
0x78: {  	[tilespmem:s8], [sflag:$0x1] =	stream.strided.gather [hbm4b:s9+s1], $0x4000, s2, s1, $0x38;
	[tilespmem:$0x8000] =	vst v63  }
0x79: {  	_ =	swait.ge [sflag:s4], $0x4000  }
0x7a: {  	[sflag:s4] =	ssyncset.done $0x0  }
0x7b: {  	s7 =	simm.s32 $0x0;
	[sflag:s4] =	ssyncadd.s32 $0xFFFFC000  }
0x7c: {  	v0 =	vld [tilespmem:s7+$0x4000];
	_ =	sdelay $0x7  }
0x7d: {  	s8 =	simm.s32 $0x10;
	s9 =	simm.s32 $0x80;
	v0 =	vld.idx.msk [tilespmem:v0+s0+$0x0], $0xffff  }
.LBB2_10:
0x7e: {  	p0 =	sne.s32 s9, $0x7FC0;
	v1 =	vld [tilespmem:s8+$0x4000];
	_ =	sdelay $0x3  }
.Ltmp4:
0x7f: {  	(pc) =	sbr.rel @p0 .LBB2_10-.Ltmp4, $2  }
0x80: {  	[tilespmem:s7+$0x6000] =	vst v0;
	s7 =	smov.u32 s8;
	_ =	sdelay $0x2  }
0x81: {  	s8 =	sshra.s32 s9, $0x2;
	s9 =	sadd.s32 $0x40, s9;
	v0 =	vld.idx.msk [tilespmem:v1+s0+$0x0], $0xffff  }
0x82: {  	v1 =	vld [tilespmem:s8+$0x4000];
	_ =	sdelay $0x6  }
0x83: {  	[tilespmem:s7+$0x6000] =	vst v0  }
0x84: {  	v0 =	vld.idx.msk [tilespmem:v1+s0+$0x0], $0xffff;
	_ =	sdelay $0x4  }
0x85: {  	[tilespmem:s8+$0x6000] =	vst v0  }
0x86: {  	[hbm4b:s20+s1] =	stream.strided.scatter [tilespmem:s5], [sflag:$0x1], $0x2000, s2, s1, $0x38;
	[tilespmem:$0x8000] =	vst v63  }
0x87: {  	_ =	swait.ge [sflag:s4], $0x2000  }
0x88: {  	[sflag:s4] =	ssyncset.done $0x0  }
0x89: {  	s8 =	simm.s32 $0x0;
	s9 =	rddreg [dreg:$0x9];
	[sflag:s4] =	ssyncadd.s32 $0xFFFFE000  }
0x8a: {  	[tilespmem:s8], [sflag:$0x1] =	stream.strided.gather [hbm4b:s9+s1], $0x4000, s2, s1, $0x38;
	[tilespmem:$0x8000] =	vst v63  }
0x8b: {  	_ =	swait.ge [sflag:s4], $0x4000  }
0x8c: {  	[sflag:s4] =	ssyncset.done $0x0  }
0x8d: {  	s7 =	simm.s32 $0x0;
	[sflag:s4] =	ssyncadd.s32 $0xFFFFC000  }
0x8e: {  	v0 =	vld [tilespmem:s7+$0x4000];
	_ =	sdelay $0x7  }
0x8f: {  	s8 =	simm.s32 $0x10;
	s9 =	simm.s32 $0x80;
	v0 =	vld.idx.msk [tilespmem:v0+s0+$0x0], $0xffff  }
.LBB2_12:
0x90: {  	p0 =	sne.s32 s9, $0x7FC0;
	v1 =	vld [tilespmem:s8+$0x4000];
	_ =	sdelay $0x3  }
.Ltmp5:
0x91: {  	(pc) =	sbr.rel @p0 .LBB2_12-.Ltmp5, $2  }
0x92: {  	[tilespmem:s7+$0x6000] =	vst v0;
	s7 =	smov.u32 s8;
	_ =	sdelay $0x2  }
0x93: {  	s8 =	sshra.s32 s9, $0x2;
	s9 =	sadd.s32 $0x40, s9;
	v0 =	vld.idx.msk [tilespmem:v1+s0+$0x0], $0xffff  }
0x94: {  	v1 =	vld [tilespmem:s8+$0x4000];
	_ =	sdelay $0x6  }
0x95: {  	[tilespmem:s7+$0x6000] =	vst v0  }
0x96: {  	v0 =	vld.idx.msk [tilespmem:v1+s0+$0x0], $0xffff;
	_ =	sdelay $0x4  }
0x97: {  	[tilespmem:s8+$0x6000] =	vst v0  }
0x98: {  	[hbm4b:s21+s1] =	stream.strided.scatter [tilespmem:s5], [sflag:$0x1], $0x2000, s2, s1, $0x38;
	[tilespmem:$0x8000] =	vst v63  }
0x99: {  	_ =	swait.ge [sflag:s4], $0x2000  }
0x9a: {  	[sflag:s4] =	ssyncset.done $0x0  }
0x9b: {  	[sflag:s4] =	ssyncadd.s32 $0xFFFFE000  }
0x9c: {  	[tilespmem:s3], [sflag:$0x1] =	stream.strided.gather [hbm4b:s22+s1], $0x2000, s2, s1, $0x38;
	[tilespmem:$0x8000] =	vst v63  }
0x9d: {  	_ =	swait.ge [sflag:s4], $0x2000  }
0x9e: {  	[sflag:s4] =	ssyncset.done $0x0  }
0x9f: {  	s8 =	simm.s32 $0x0;
	s9 =	rddreg [dreg:$0xa];
	[sflag:s4] =	ssyncadd.s32 $0xFFFFE000  }
0xa0: {  	[tilespmem:s8], [sflag:$0x1] =	stream.strided.gather [hbm4b:s9+s1], $0x4000, s2, s1, $0x38;
	[tilespmem:$0x8000] =	vst v63  }
0xa1: {  	_ =	swait.ge [sflag:s4], $0x4000  }
0xa2: {  	[sflag:s4] =	ssyncset.done $0x0  }
0xa3: {  	s7 =	simm.s32 $0x0;
	[sflag:s4] =	ssyncadd.s32 $0xFFFFC000  }
0xa4: {  	v0 =	vld [tilespmem:s7+$0x4000];
	_ =	sdelay $0x7  }
0xa5: {  	s8 =	simm.s32 $0x10;
	s9 =	simm.s32 $0x80;
	v0 =	vld.idx.msk [tilespmem:v0+s0+$0x0], $0xffff  }
.LBB2_14:
0xa6: {  	p0 =	sne.s32 s9, $0x7FC0;
	v1 =	vld [tilespmem:s8+$0x4000];
	_ =	sdelay $0x3  }
.Ltmp6:
0xa7: {  	(pc) =	sbr.rel @p0 .LBB2_14-.Ltmp6, $2  }
0xa8: {  	[tilespmem:s7+$0x6000] =	vst v0;
	s7 =	smov.u32 s8;
	_ =	sdelay $0x2  }
0xa9: {  	s8 =	sshra.s32 s9, $0x2;
	s9 =	sadd.s32 $0x40, s9;
	v0 =	vld.idx.msk [tilespmem:v1+s0+$0x0], $0xffff  }
0xaa: {  	v1 =	vld [tilespmem:s8+$0x4000];
	_ =	sdelay $0x6  }
0xab: {  	[tilespmem:s7+$0x6000] =	vst v0  }
0xac: {  	v0 =	vld.idx.msk [tilespmem:v1+s0+$0x0], $0xffff;
	_ =	sdelay $0x4  }
0xad: {  	[tilespmem:s8+$0x6000] =	vst v0  }
0xae: {  	[hbm4b:s23+s1] =	stream.strided.scatter [tilespmem:s5], [sflag:$0x1], $0x2000, s2, s1, $0x38;
	[tilespmem:$0x8000] =	vst v63  }
0xaf: {  	_ =	swait.ge [sflag:s4], $0x2000  }
0xb0: {  	[sflag:s4] =	ssyncset.done $0x0  }
0xb1: {  	s8 =	simm.s32 $0x0;
	s9 =	rddreg [dreg:$0xb];
	[sflag:s4] =	ssyncadd.s32 $0xFFFFE000  }
0xb2: {  	[tilespmem:s8], [sflag:$0x1] =	stream.strided.gather [hbm4b:s9+s1], $0x4000, s2, s1, $0x38;
	[tilespmem:$0x8000] =	vst v63  }
0xb3: {  	_ =	swait.ge [sflag:s4], $0x4000  }
0xb4: {  	[sflag:s4] =	ssyncset.done $0x0  }
0xb5: {  	s7 =	simm.s32 $0x0;
	[sflag:s4] =	ssyncadd.s32 $0xFFFFC000  }
0xb6: {  	v0 =	vld [tilespmem:s7+$0x4000];
	_ =	sdelay $0x7  }
0xb7: {  	s8 =	simm.s32 $0x10;
	s9 =	simm.s32 $0x80;
	v0 =	vld.idx.msk [tilespmem:v0+s0+$0x0], $0xffff  }
.LBB2_16:
0xb8: {  	p0 =	sne.s32 s9, $0x7FC0;
	v1 =	vld [tilespmem:s8+$0x4000];
	_ =	sdelay $0x3  }
.Ltmp7:
0xb9: {  	(pc) =	sbr.rel @p0 .LBB2_16-.Ltmp7, $2  }
0xba: {  	[tilespmem:s7+$0x6000] =	vst v0;
	s7 =	smov.u32 s8;
	_ =	sdelay $0x2  }
0xbb: {  	s8 =	sshra.s32 s9, $0x2;
	s9 =	sadd.s32 $0x40, s9;
	v0 =	vld.idx.msk [tilespmem:v1+s0+$0x0], $0xffff  }
0xbc: {  	v1 =	vld [tilespmem:s8+$0x4000];
	_ =	sdelay $0x6  }
0xbd: {  	[tilespmem:s7+$0x6000] =	vst v0  }
0xbe: {  	v0 =	vld.idx.msk [tilespmem:v1+s0+$0x0], $0xffff;
	_ =	sdelay $0x4  }
0xbf: {  	[tilespmem:s8+$0x6000] =	vst v0  }
0xc0: {  	[hbm4b:s24+s1] =	stream.strided.scatter [tilespmem:s5], [sflag:$0x1], $0x2000, s2, s1, $0x38;
	[tilespmem:$0x8000] =	vst v63  }
0xc1: {  	_ =	swait.ge [sflag:s4], $0x2000  }
0xc2: {  	[sflag:s4] =	ssyncset.done $0x0  }
0xc3: {  	s9 =	simm.s32 $0x0;
	[sflag:s4] =	ssyncadd.s32 $0xFFFFE000  }
0xc4: {  	[tilespmem:s9], [sflag:$0x1] =	stream.strided.gather [hbm4b:s10+s1], $0x4000, s2, s1, $0x38;
	[tilespmem:$0x8000] =	vst v63  }
0xc5: {  	_ =	swait.ge [sflag:s4], $0x4000  }
0xc6: {  	[sflag:s4] =	ssyncset.done $0x0  }
0xc7: {  	s7 =	simm.s32 $0x0;
	[sflag:s4] =	ssyncadd.s32 $0xFFFFC000  }
0xc8: {  	v0 =	vld [tilespmem:s7+$0x4000];
	_ =	sdelay $0x7  }
0xc9: {  	s8 =	simm.s32 $0x10;
	s9 =	simm.s32 $0x80;
	v0 =	vld.idx.msk [tilespmem:v0+s0+$0x0], $0xffff  }
.LBB2_18:
0xca: {  	p0 =	sne.s32 s9, $0x7FC0;
	v1 =	vld [tilespmem:s8+$0x4000];
	_ =	sdelay $0x3  }
.Ltmp8:
0xcb: {  	(pc) =	sbr.rel @p0 .LBB2_18-.Ltmp8, $2  }
0xcc: {  	[tilespmem:s7+$0x6000] =	vst v0;
	s7 =	smov.u32 s8;
	_ =	sdelay $0x2  }
0xcd: {  	s8 =	sshra.s32 s9, $0x2;
	s9 =	sadd.s32 $0x40, s9;
	v0 =	vld.idx.msk [tilespmem:v1+s0+$0x0], $0xffff  }
0xce: {  	v1 =	vld [tilespmem:s8+$0x4000];
	_ =	sdelay $0x6  }
0xcf: {  	[tilespmem:s7+$0x6000] =	vst v0  }
0xd0: {  	v0 =	vld.idx.msk [tilespmem:v1+s0+$0x0], $0xffff;
	_ =	sdelay $0x4  }
0xd1: {  	[tilespmem:s8+$0x6000] =	vst v0  }
0xd2: {  	[hbm4b:s25+s1] =	stream.strided.scatter [tilespmem:s5], [sflag:$0x1], $0x2000, s2, s1, $0x38;
	[tilespmem:$0x8000] =	vst v63  }
0xd3: {  	_ =	swait.ge [sflag:s4], $0x2000  }
0xd4: {  	[sflag:s4] =	ssyncset.done $0x0  }
0xd5: {  	[sflag:s4] =	ssyncadd.s32 $0xFFFFE000  }
0xd6: {  	[tilespmem:s3], [sflag:$0x1] =	stream.strided.gather [hbm4b:s28+s1], $0x2000, s2, s1, $0x38;
	[tilespmem:$0x8000] =	vst v63  }
0xd7: {  	_ =	swait.ge [sflag:s4], $0x2000  }
0xd8: {  	[sflag:s4] =	ssyncset.done $0x0  }
0xd9: {  	s9 =	simm.s32 $0x0;
	[sflag:s4] =	ssyncadd.s32 $0xFFFFE000  }
0xda: {  	[tilespmem:s9], [sflag:$0x1] =	stream.strided.gather [hbm4b:s11+s1], $0x4000, s2, s1, $0x38;
	[tilespmem:$0x8000] =	vst v63  }
0xdb: {  	_ =	swait.ge [sflag:s4], $0x4000  }
0xdc: {  	[sflag:s4] =	ssyncset.done $0x0  }
0xdd: {  	s7 =	simm.s32 $0x0;
	[sflag:s4] =	ssyncadd.s32 $0xFFFFC000  }
0xde: {  	v0 =	vld [tilespmem:s7+$0x4000];
	_ =	sdelay $0x7  }
0xdf: {  	s8 =	simm.s32 $0x10;
	s9 =	simm.s32 $0x80;
	v0 =	vld.idx.msk [tilespmem:v0+s0+$0x0], $0xffff  }
.LBB2_20:
0xe0: {  	p0 =	sne.s32 s9, $0x7FC0;
	v1 =	vld [tilespmem:s8+$0x4000];
	_ =	sdelay $0x3  }
.Ltmp9:
0xe1: {  	(pc) =	sbr.rel @p0 .LBB2_20-.Ltmp9, $2  }
0xe2: {  	[tilespmem:s7+$0x6000] =	vst v0;
	s7 =	smov.u32 s8;
	_ =	sdelay $0x2  }
0xe3: {  	s8 =	sshra.s32 s9, $0x2;
	s9 =	sadd.s32 $0x40, s9;
	v0 =	vld.idx.msk [tilespmem:v1+s0+$0x0], $0xffff  }
0xe4: {  	v1 =	vld [tilespmem:s8+$0x4000];
	_ =	sdelay $0x6  }
0xe5: {  	[tilespmem:s7+$0x6000] =	vst v0  }
0xe6: {  	v0 =	vld.idx.msk [tilespmem:v1+s0+$0x0], $0xffff;
	_ =	sdelay $0x4  }
0xe7: {  	[tilespmem:s8+$0x6000] =	vst v0  }
0xe8: {  	[hbm4b:s29+s1] =	stream.strided.scatter [tilespmem:s5], [sflag:$0x1], $0x2000, s2, s1, $0x38;
	[tilespmem:$0x8000] =	vst v63  }
0xe9: {  	_ =	swait.ge [sflag:s4], $0x2000  }
0xea: {  	[sflag:s4] =	ssyncset.done $0x0  }
0xeb: {  	s9 =	simm.s32 $0x0;
	[sflag:s4] =	ssyncadd.s32 $0xFFFFE000  }
0xec: {  	[tilespmem:s9], [sflag:$0x1] =	stream.strided.gather [hbm4b:s12+s1], $0x4000, s2, s1, $0x38;
	[tilespmem:$0x8000] =	vst v63  }
0xed: {  	_ =	swait.ge [sflag:s4], $0x4000  }
0xee: {  	[sflag:s4] =	ssyncset.done $0x0  }
0xef: {  	s7 =	simm.s32 $0x0;
	[sflag:s4] =	ssyncadd.s32 $0xFFFFC000  }
0xf0: {  	v0 =	vld [tilespmem:s7+$0x4000];
	_ =	sdelay $0x7  }
0xf1: {  	s8 =	simm.s32 $0x10;
	s9 =	simm.s32 $0x80;
	v0 =	vld.idx.msk [tilespmem:v0+s0+$0x0], $0xffff  }
.LBB2_22:
0xf2: {  	p0 =	sne.s32 s9, $0x7FC0;
	v1 =	vld [tilespmem:s8+$0x4000];
	_ =	sdelay $0x3  }
.Ltmp10:
0xf3: {  	(pc) =	sbr.rel @p0 .LBB2_22-.Ltmp10, $2  }
0xf4: {  	[tilespmem:s7+$0x6000] =	vst v0;
	s7 =	smov.u32 s8;
	_ =	sdelay $0x2  }
0xf5: {  	s8 =	sshra.s32 s9, $0x2;
	s9 =	sadd.s32 $0x40, s9;
	v0 =	vld.idx.msk [tilespmem:v1+s0+$0x0], $0xffff  }
0xf6: {  	v1 =	vld [tilespmem:s8+$0x4000];
	_ =	sdelay $0x6  }
0xf7: {  	[tilespmem:s7+$0x6000] =	vst v0  }
0xf8: {  	v0 =	vld.idx.msk [tilespmem:v1+s0+$0x0], $0xffff;
	_ =	sdelay $0x4  }
0xf9: {  	[tilespmem:s8+$0x6000] =	vst v0  }
0xfa: {  	[hbm4b:s30+s1] =	stream.strided.scatter [tilespmem:s5], [sflag:$0x1], $0x2000, s2, s1, $0x38;
	[tilespmem:$0x8000] =	vst v63  }
0xfb: {  	_ =	swait.ge [sflag:s4], $0x2000  }
0xfc: {  	[sflag:s4] =	ssyncset.done $0x0  }
0xfd: {  	s9 =	simm.s32 $0x0;
	[sflag:s4] =	ssyncadd.s32 $0xFFFFE000  }
0xfe: {  	[tilespmem:s9], [sflag:$0x1] =	stream.strided.gather [hbm4b:s13+s1], $0x4000, s2, s1, $0x38;
	[tilespmem:$0x8000] =	vst v63  }
0xff: {  	_ =	swait.ge [sflag:s4], $0x4000  }
0x100: {  	[sflag:s4] =	ssyncset.done $0x0  }
0x101: {  	s7 =	simm.s32 $0x0;
	[sflag:s4] =	ssyncadd.s32 $0xFFFFC000  }
0x102: {  	v0 =	vld [tilespmem:s7+$0x4000];
	_ =	sdelay $0x7  }
0x103: {  	s8 =	simm.s32 $0x10;
	s9 =	simm.s32 $0x80;
	v0 =	vld.idx.msk [tilespmem:v0+s0+$0x0], $0xffff  }
.LBB2_24:
0x104: {  	p0 =	sne.s32 s9, $0x7FC0;
	v1 =	vld [tilespmem:s8+$0x4000];
	_ =	sdelay $0x3  }
.Ltmp11:
0x105: {  	(pc) =	sbr.rel @p0 .LBB2_24-.Ltmp11, $2  }
0x106: {  	[tilespmem:s7+$0x6000] =	vst v0;
	s7 =	smov.u32 s8;
	_ =	sdelay $0x2  }
0x107: {  	s8 =	sshra.s32 s9, $0x2;
	s9 =	sadd.s32 $0x40, s9;
	v0 =	vld.idx.msk [tilespmem:v1+s0+$0x0], $0xffff  }
0x108: {  	v1 =	vld [tilespmem:s8+$0x4000];
	_ =	sdelay $0x6  }
0x109: {  	[tilespmem:s7+$0x6000] =	vst v0  }
0x10a: {  	v0 =	vld.idx.msk [tilespmem:v1+s0+$0x0], $0xffff;
	_ =	sdelay $0x2  }
0x10b: {  	s6 =	sadd.s32 $0x1, s6  }
0x10c: {  	p0 =	sne.s32 s6, s26  }
.Ltmp12:
0x10d: {  	[tilespmem:s8+$0x6000] =	vst v0;
	(pc) =	sbr.rel @p0 .LBB2_1-.Ltmp12, $4  }
0x10e: {  	[hbm4b:s31+s1] =	stream.strided.scatter [tilespmem:s5], [sflag:$0x1], $0x2000, s2, s1, $0x38;
	[tilespmem:$0x8000] =	vst v63  }
0x10f: {  	_ =	swait.ge [sflag:s4], $0x2000  }
0x110: {  	[sflag:s4] =	ssyncset.done $0x0  }
0x111: {  	[sflag:s4] =	ssyncadd.s32 $0xFFFFE000  }
0x112: {  	_ =	sfence.sel $0x180000  }
0x113: {  	[bflag:$0x0] =	sbarrier.arrive $0xFFFF  }
0x114: {  	_ =	strace $0x90000047  }
0x115: {  	s0 =	stileid.u32;
	[bflag:$0x2] =	sbarrier.arrive $0xFFFF  }
0x116: {  	p0 =	sne.s32 s0, $0x0;
	s0 =	rddreg [dreg:$0x3]  }
0x117: {  	s0 =	sadd.s32 @!p0 $0x100000, s0  }
0x118: {  	[sflag:s0] =	ssyncadd.tile.s32 @!p0 $0x1;
	_ =	shalt  }
.Lfunc_end2:
_tile_overlayer_lowered:
.L_overlay_start_2:
0x119: {  	(tag) =	ssettag $0x2  }
0x11a: {  	s0 =	rddreg [dreg:$0x0];
	s2 =	stileid.u32  }
0x11b: {  	s1 =	rddreg [dreg:$0x1];
	p0 =	sne.s32 s2, $0x0  }
0x11c: {  	s3 =	rddreg [dreg:$0x2];
	[bflag:$0x3] =	sbarrier.arrive $0xFFFF;
	s2 =	simm.s32 @!p0 $0x1C01  }
0x11d: {  	[timem:s3], [sflag:s2] =	dma.local @!p0 [hbm:s0], s1  }
0x11e: {  	s0 =	simm.s32 @!p0 $0x1  }
0x11f: {  	_ =	swait.ge @!p0 [sflag:s0], s1  }
0x120: {  	s1 =	ssub.s32 @!p0 $0x0, s1;
	[sflag:s0] =	ssyncset.done @!p0 $0x0  }
0x121: {  	[sflag:s0] =	ssyncadd.s32 @!p0 s1  }
0x122: {  	[bflag:$0x3] =	sbarrier.arrive $0xFFFF  }
0x123: {  	_ =	shalt  }

</sc_bundles>
